<compile_context>
chip_gen: v7x
topology: tpu7x:2x2x1
jax: 0.10.2.dev20260603
libtpu: 0.0.44.dev20260713+nightly
codegen_flags: <defaults>
</compile_context>

<pallas_src>
import jax
import jax.numpy as jnp
from jax import lax
from jax.experimental import pallas as pl
from jax.experimental.pallas import tpu as pltpu
from jax.experimental.pallas import tpu_sc as plsc

B = 64
L = 1024
D = 768
LANES = 16

_NC = 2
_NS = 16
_NW = _NC * _NS
_P = L // _NW
_VECS = D // LANES
_NBUF = 4


def _add_pos(row_v, pos_v):
    def add_row(r, c2):
        for c in range(_VECS):
            sl = pl.ds(c * LANES, LANES)
            plsc.addupdate(row_v.at[r, sl], pos_v[r, sl])
        return c2

    lax.fori_loop(0, _P, add_row, 0, unroll=2)


def _emb_kernel(x_hbm, tok_hbm, pos_hbm, out_hbm,
                pos_v, idx_v, row_0, row_1, row_2, row_3,
                isem, psem,
                gsem_0, gsem_1, gsem_2, gsem_3,
                wsem_0, wsem_1, wsem_2, wsem_3):
    wid = lax.axis_index("s") * _NC + lax.axis_index("c")
    pbase = wid * _P

    rows = (row_0, row_1, row_2, row_3)
    gsems = (gsem_0, gsem_1, gsem_2, gsem_3)
    wsems = (wsem_0, wsem_1, wsem_2, wsem_3)

    def gather_start(b, slot):
        pltpu.async_copy(tok_hbm.at[idx_v.at[pl.ds(b * _P, _P)]],
                         rows[slot], gsems[slot])

    def gather_wait(b, slot):
        pltpu.make_async_copy(tok_hbm.at[idx_v.at[pl.ds(b * _P, _P)]],
                              rows[slot], gsems[slot]).wait()

    def write_start(b, slot):
        dst = out_hbm.at[pl.ds(b * L + pbase, _P)]
        pltpu.async_copy(rows[slot], dst, wsems[slot])

    def write_wait(b, slot):
        dst = out_hbm.at[pl.ds(b * L + pbase, _P)]
        pltpu.make_async_copy(rows[slot], dst, wsems[slot]).wait()

    idx_cp = pltpu.async_copy(x_hbm.at[pl.ds(wid * B * _P, B * _P)],
                              idx_v, isem)
    idx_cp.wait()
    gather_start(0, 0)
    gather_start(1, 1)
    pos_cp = pltpu.async_copy(pos_hbm.at[pl.ds(pbase, _P)], pos_v, psem)
    pos_cp.wait()

    def body(i, carry):
        for k in range(_NBUF):
            b = 4 * i + k
            s2 = (k + 2) % _NBUF

            if k < 2:
                @pl.when(i > 0)
                def _():
                    write_wait(b - 2, s2)

                gather_start(b + 2, s2)
            else:
                @pl.when(i < B // _NBUF - 1)
                def _():
                    write_wait(b - 2, s2)
                    gather_start(b + 2, s2)

            gather_wait(b, k)
            _add_pos(rows[k], pos_v)
            write_start(b, k)
        return carry

    lax.fori_loop(0, B // _NBUF, body, 0)
    for k in range(_NBUF):
        write_wait(B - _NBUF + k, k)


@jax.jit
def kernel(x, token_table, pos_table):
    xp = x.astype(jnp.int32).reshape(B, _NW, _P).transpose(1, 0, 2).reshape(-1)
    mesh = plsc.VectorSubcoreMesh(core_axis_name="c", subcore_axis_name="s")
    out = pl.kernel(
        _emb_kernel,
        out_type=jax.ShapeDtypeStruct((B * L, D), jnp.float32),
        mesh=mesh,
        scratch_types=[
            pltpu.VMEM((_P, D), jnp.float32),
            pltpu.VMEM((B * _P,), jnp.int32),
            pltpu.VMEM((_P, D), jnp.float32),
            pltpu.VMEM((_P, D), jnp.float32),
            pltpu.VMEM((_P, D), jnp.float32),
            pltpu.VMEM((_P, D), jnp.float32),
            pltpu.SemaphoreType.DMA,
            pltpu.SemaphoreType.DMA,
            pltpu.SemaphoreType.DMA,
            pltpu.SemaphoreType.DMA,
            pltpu.SemaphoreType.DMA,
            pltpu.SemaphoreType.DMA,
            pltpu.SemaphoreType.DMA,
            pltpu.SemaphoreType.DMA,
            pltpu.SemaphoreType.DMA,
            pltpu.SemaphoreType.DMA,
        ],
    )(xp, token_table, pos_table)
    return out.reshape(B, L, D)

# --- scband reference (transcript-rebuilt; emitter-appended) ---
"""Pipeline reference for scband-embedding-layer-15668040696301 (READ-ONLY COPY).

The authoritative reference and input builder live on the scoring server;
editing this copy changes nothing except your own understanding.
"""

import jax, jax.numpy as jnp
import numpy as np

VOCAB = 50257
D_MODEL = 768
MAX_POS = 1024
B = 64
L = 1024

def setup_inputs(seed: int = 0) -> dict:
    key = jax.random.key(seed)
    k1, k2, k3 = jax.random.split(key, 3)
    x = jax.random.randint(k1, (B, L), 0, VOCAB, dtype=jnp.int64)
    token_table = jax.random.normal(k2, (VOCAB, D_MODEL), dtype=jnp.float32) * 0.02
    pos_table = jax.random.normal(k3, (MAX_POS, D_MODEL), dtype=jnp.float32) * 0.02
    return {"x": x, "token_table": token_table, "pos_table": pos_table}

def reference(x, token_table, pos_table):
    # positions = arange(0, L).unsqueeze(0)
    positions = jnp.arange(0, x.shape[1])[None, :]
    tok = jnp.take(token_table, x, axis=0)          # [B, L, D]
    pos = jnp.take(pos_table, positions, axis=0)    # [1, L, D]
    return tok + pos

if __name__ == "__main__":
    import jax
    _d = setup_inputs()
    print(jax.jit(kernel)(*tuple(_d.values())))

</pallas_src>

<mosaic_0001>
#map = affine_map<(d0, d1) -> (0)>
#map1 = affine_map<(d0, d1) -> (0, 0)>
module attributes {stable_mosaic.version = 14 : i64} {
  func.func @_emb_kernel(%arg0: i32, %arg1: i32, %arg2: memref<65536xi32, #tpu.memory_space<hbm>>, %arg3: memref<50257x768xf32, #tpu.memory_space<hbm>>, %arg4: memref<1024x768xf32, #tpu.memory_space<hbm>>, %arg5: memref<65536x768xf32, #tpu.memory_space<hbm>>, %arg6: memref<32x768xf32, #tpu.memory_space<vmem>>, %arg7: memref<2048xi32, #tpu.memory_space<vmem>>, %arg8: memref<32x768xf32, #tpu.memory_space<vmem>>, %arg9: memref<32x768xf32, #tpu.memory_space<vmem>>, %arg10: memref<32x768xf32, #tpu.memory_space<vmem>>, %arg11: memref<32x768xf32, #tpu.memory_space<vmem>>, %arg12: memref<!tpu.dma_semaphore, #tpu.memory_space<semaphore_mem>>, %arg13: memref<!tpu.dma_semaphore, #tpu.memory_space<semaphore_mem>>, %arg14: memref<!tpu.dma_semaphore, #tpu.memory_space<semaphore_mem>>, %arg15: memref<!tpu.dma_semaphore, #tpu.memory_space<semaphore_mem>>, %arg16: memref<!tpu.dma_semaphore, #tpu.memory_space<semaphore_mem>>, %arg17: memref<!tpu.dma_semaphore, #tpu.memory_space<semaphore_mem>>, %arg18: memref<!tpu.dma_semaphore, #tpu.memory_space<semaphore_mem>>, %arg19: memref<!tpu.dma_semaphore, #tpu.memory_space<semaphore_mem>>, %arg20: memref<!tpu.dma_semaphore, #tpu.memory_space<semaphore_mem>>, %arg21: memref<!tpu.dma_semaphore, #tpu.memory_space<semaphore_mem>>) attributes {dimension_semantics = [#tpu.dimension_semantics<core_parallel>, #tpu.dimension_semantics<subcore_parallel>], iteration_bounds = array<i64: 2, 16>, scalar_prefetch = 0 : i64, scratch_operands = 16 : i64, tpu.core_type = #tpu.core_type<sc_vector_subcore>, window_params = [{transform_indices = #map}, {transform_indices = #map1}, {transform_indices = #map1}, {transform_indices = #map1}]} {
    %mul3A = arith.constant 2 : i32
    %mul3A_0 = arith.muli %arg1, %mul3A : i32
    %add3A = arith.addi %mul3A_0, %arg0 : i32
    %mul3A_1 = arith.constant 32 : i32
    %mul3A_2 = arith.muli %add3A, %mul3A_1 : i32
    %mul3A_3 = arith.constant 64 : i32
    %mul3A_4 = arith.muli %add3A, %mul3A_3 : i32
    %mul3A_5 = arith.constant 32 : i32
    %mul3A_6 = arith.muli %mul3A_4, %mul3A_5 : i32
    %dma_start3A = tpu.memref_slice %arg2[%mul3A_6] : memref<65536xi32, #tpu.memory_space<hbm>> -> memref<2048xi32, #tpu.memory_space<hbm>>
    %dma_start3A_7 = tpu.memref_slice %arg2[%mul3A_6] : memref<65536xi32, #tpu.memory_space<hbm>> -> memref<2048xi32, #tpu.memory_space<hbm>>
    tpu.enqueue_dma source(%dma_start3A_7 : memref<2048xi32, #tpu.memory_space<hbm>>) target(%arg7 : memref<2048xi32, #tpu.memory_space<vmem>>) target_semaphore(%arg12 : memref<!tpu.dma_semaphore, #tpu.memory_space<semaphore_mem>>)
    %dma_wait3A = tpu.memref_slice %arg2[%mul3A_6] : memref<65536xi32, #tpu.memory_space<hbm>> -> memref<2048xi32, #tpu.memory_space<hbm>>
    %dma_wait3A_8 = tpu.memref_slice %arg2[%mul3A_6] : memref<65536xi32, #tpu.memory_space<hbm>> -> memref<2048xi32, #tpu.memory_space<hbm>>
    tpu.wait_dma2 semaphore(%arg12 : memref<!tpu.dma_semaphore, #tpu.memory_space<semaphore_mem>>) src(%dma_wait3A_8 : memref<2048xi32, #tpu.memory_space<hbm>>) dst(%arg7 : memref<2048xi32, #tpu.memory_space<vmem>>)
    %dma_start3A_9 = arith.constant 0 : i32
    %dma_start3A_10 = tpu.memref_slice %arg7[%dma_start3A_9] : memref<2048xi32, #tpu.memory_space<vmem>> -> memref<32xi32, #tpu.memory_space<vmem>>
    %dma_start3A_11 = arith.constant 0 : i32
    %dma_start3A_12 = arith.constant 0 : i32
    %dma_start3A_13 = tpu.memref_slice %arg3[%dma_start3A_11, %dma_start3A_12] : memref<50257x768xf32, #tpu.memory_space<hbm>> -> memref<50257x768xf32, #tpu.memory_space<hbm>>
    tpu.enqueue_indirect_dma source(%dma_start3A_13 : memref<50257x768xf32, #tpu.memory_space<hbm>>) target(%arg8 : memref<32x768xf32, #tpu.memory_space<vmem>>) offsets(%dma_start3A_10 : memref<32xi32, #tpu.memory_space<vmem>>) semaphore(%arg14 : memref<!tpu.dma_semaphore, #tpu.memory_space<semaphore_mem>>)
    %dma_start3A_14 = arith.constant 32 : i32
    %dma_start3A_15 = tpu.memref_slice %arg7[%dma_start3A_14] : memref<2048xi32, #tpu.memory_space<vmem>> -> memref<32xi32, #tpu.memory_space<vmem>>
    %dma_start3A_16 = arith.constant 0 : i32
    %dma_start3A_17 = arith.constant 0 : i32
    %dma_start3A_18 = tpu.memref_slice %arg3[%dma_start3A_16, %dma_start3A_17] : memref<50257x768xf32, #tpu.memory_space<hbm>> -> memref<50257x768xf32, #tpu.memory_space<hbm>>
    tpu.enqueue_indirect_dma source(%dma_start3A_18 : memref<50257x768xf32, #tpu.memory_space<hbm>>) target(%arg9 : memref<32x768xf32, #tpu.memory_space<vmem>>) offsets(%dma_start3A_15 : memref<32xi32, #tpu.memory_space<vmem>>) semaphore(%arg15 : memref<!tpu.dma_semaphore, #tpu.memory_space<semaphore_mem>>)
    %dma_start3A_19 = arith.constant 0 : i32
    %dma_start3A_20 = tpu.memref_slice %arg4[%mul3A_2, %dma_start3A_19] : memref<1024x768xf32, #tpu.memory_space<hbm>> -> memref<32x768xf32, #tpu.memory_space<hbm>>
    %dma_start3A_21 = arith.constant 0 : i32
    %dma_start3A_22 = tpu.memref_slice %arg4[%mul3A_2, %dma_start3A_21] : memref<1024x768xf32, #tpu.memory_space<hbm>> -> memref<32x768xf32, #tpu.memory_space<hbm>>
    tpu.enqueue_dma source(%dma_start3A_22 : memref<32x768xf32, #tpu.memory_space<hbm>>) target(%arg6 : memref<32x768xf32, #tpu.memory_space<vmem>>) target_semaphore(%arg13 : memref<!tpu.dma_semaphore, #tpu.memory_space<semaphore_mem>>)
    %dma_wait3A_23 = arith.constant 0 : i32
    %dma_wait3A_24 = tpu.memref_slice %arg4[%mul3A_2, %dma_wait3A_23] : memref<1024x768xf32, #tpu.memory_space<hbm>> -> memref<32x768xf32, #tpu.memory_space<hbm>>
    %dma_wait3A_25 = arith.constant 0 : i32
    %dma_wait3A_26 = tpu.memref_slice %arg4[%mul3A_2, %dma_wait3A_25] : memref<1024x768xf32, #tpu.memory_space<hbm>> -> memref<32x768xf32, #tpu.memory_space<hbm>>
    tpu.wait_dma2 semaphore(%arg13 : memref<!tpu.dma_semaphore, #tpu.memory_space<semaphore_mem>>) src(%dma_wait3A_26 : memref<32x768xf32, #tpu.memory_space<hbm>>) dst(%arg6 : memref<32x768xf32, #tpu.memory_space<vmem>>)
    %scan3A = arith.constant 0 : i32
    %scan3A_27 = arith.constant 0 : i32
    %scan3A_28 = arith.constant 16 : i32
    %scan3A_29 = arith.addi %scan3A_27, %scan3A_28 : i32
    %scan3A_30 = arith.constant 1 : i32
    scf.for %scan3A_56 = %scan3A_27 to %scan3A_29 step %scan3A_30  : i32 {
      %mul3A_57 = arith.constant 4 : i32
      %mul3A_58 = arith.muli %mul3A_57, %scan3A_56 : i32
      %add3A_59 = arith.constant 0 : i32
      %add3A_60 = arith.addi %mul3A_58, %add3A_59 : i32
      %gt3A = arith.constant 0 : i32
      %gt3A_61 = arith.cmpi sgt, %scan3A_56, %gt3A : i32
      %convert_element_type3A = arith.extui %gt3A_61 : i1 to i32
      %cond3A = arith.constant 0 : i32
      %cond3A_62 = arith.cmpi ne, %convert_element_type3A, %cond3A : i32
      scf.if %cond3A_62 {
        %sub3A = arith.constant 2 : i32
        %sub3A_181 = arith.subi %add3A_60, %sub3A : i32
        %mul3A_182 = arith.constant 1024 : i32
        %mul3A_183 = arith.muli %sub3A_181, %mul3A_182 : i32
        %add3A_184 = arith.addi %mul3A_183, %mul3A_2 : i32
        %dma_wait3A_185 = arith.constant 0 : i32
        %dma_wait3A_186 = tpu.memref_slice %arg5[%add3A_184, %dma_wait3A_185] : memref<65536x768xf32, #tpu.memory_space<hbm>> -> memref<32x768xf32, #tpu.memory_space<hbm>>
        %dma_wait3A_187 = arith.constant 0 : i32
        %dma_wait3A_188 = tpu.memref_slice %arg5[%add3A_184, %dma_wait3A_187] : memref<65536x768xf32, #tpu.memory_space<hbm>> -> memref<32x768xf32, #tpu.memory_space<hbm>>
        tpu.wait_dma2 semaphore(%arg20 : memref<!tpu.dma_semaphore, #tpu.memory_space<semaphore_mem>>) src(%arg10 : memref<32x768xf32, #tpu.memory_space<vmem>>) dst(%dma_wait3A_188 : memref<32x768xf32, #tpu.memory_space<hbm>>)
      } else {
      }
      %add3A_63 = arith.constant 2 : i32
      %add3A_64 = arith.addi %add3A_60, %add3A_63 : i32
      %mul3A_65 = arith.constant 32 : i32
      %mul3A_66 = arith.muli %add3A_64, %mul3A_65 : i32
      %dma_start3A_67 = tpu.memref_slice %arg7[%mul3A_66] : memref<2048xi32, #tpu.memory_space<vmem>> -> memref<32xi32, #tpu.memory_space<vmem>>
      %dma_start3A_68 = arith.constant 0 : i32
      %dma_start3A_69 = arith.constant 0 : i32
      %dma_start3A_70 = tpu.memref_slice %arg3[%dma_start3A_68, %dma_start3A_69] : memref<50257x768xf32, #tpu.memory_space<hbm>> -> memref<50257x768xf32, #tpu.memory_space<hbm>>
      tpu.enqueue_indirect_dma source(%dma_start3A_70 : memref<50257x768xf32, #tpu.memory_space<hbm>>) target(%arg10 : memref<32x768xf32, #tpu.memory_space<vmem>>) offsets(%dma_start3A_67 : memref<32xi32, #tpu.memory_space<vmem>>) semaphore(%arg16 : memref<!tpu.dma_semaphore, #tpu.memory_space<semaphore_mem>>)
      %mul3A_71 = arith.constant 32 : i32
      %mul3A_72 = arith.muli %add3A_60, %mul3A_71 : i32
      %dma_wait3A_73 = tpu.memref_slice %arg7[%mul3A_72] : memref<2048xi32, #tpu.memory_space<vmem>> -> memref<32xi32, #tpu.memory_space<vmem>>
      %dma_wait3A_74 = arith.constant 0 : i32
      %dma_wait3A_75 = arith.constant 0 : i32
      %dma_wait3A_76 = tpu.memref_slice %arg3[%dma_wait3A_74, %dma_wait3A_75] : memref<50257x768xf32, #tpu.memory_space<hbm>> -> memref<50257x768xf32, #tpu.memory_space<hbm>>
      tpu.wait_indirect_dma semaphore(%arg14 : memref<!tpu.dma_semaphore, #tpu.memory_space<semaphore_mem>>) src(%dma_wait3A_76 : memref<50257x768xf32, #tpu.memory_space<hbm>>) dst(%arg8 : memref<32x768xf32, #tpu.memory_space<vmem>>)
      %scan3A_77 = arith.constant 0 : i32
      %scan3A_78 = arith.constant 0 : i32
      %scan3A_79 = arith.constant 32 : i32
      %scan3A_80 = arith.addi %scan3A_78, %scan3A_79 : i32
      %scan3A_81 = arith.constant 2 : i32
      scf.for %scan3A_181 = %scan3A_78 to %scan3A_80 step %scan3A_81  : i32 {
        %get3A = arith.index_cast %scan3A_181 : i32 to index
        %get3A_182 = arith.constant 0 : index
        %get3A_183 = tpu.vector_load %arg6[%get3A, %get3A_182] {strides = array<i32>} : memref<32x768xf32, #tpu.memory_space<vmem>>, vector<1x16xf32>,
        %get3A_184 = vector.shape_cast %get3A_183 : vector<1x16xf32> to vector<16xf32>
        %swap3A = arith.index_cast %scan3A_181 : i32 to index
        %swap3A_185 = arith.constant 0 : index
        %swap3A_186 = tpu.vector_load %arg8[%swap3A, %swap3A_185] {strides = array<i32>} : memref<32x768xf32, #tpu.memory_space<vmem>>, vector<1x16xf32>,
        %swap3A_187 = vector.shape_cast %swap3A_186 : vector<1x16xf32> to vector<16xf32>
        %swap3A_188 = vector.shape_cast %get3A_184 : vector<16xf32> to vector<1x16xf32>
        tpu.vector_store %arg8[%swap3A, %swap3A_185], %swap3A_188 {add = true, strides = array<i32>} : memref<32x768xf32, #tpu.memory_space<vmem>>, vector<1x16xf32>,
        %get3A_189 = arith.index_cast %scan3A_181 : i32 to index
        %get3A_190 = arith.constant 16 : index
        %get3A_191 = tpu.vector_load %arg6[%get3A_189, %get3A_190] {strides = array<i32>} : memref<32x768xf32, #tpu.memory_space<vmem>>, vector<1x16xf32>,
        %get3A_192 = vector.shape_cast %get3A_191 : vector<1x16xf32> to vector<16xf32>
        %swap3A_193 = arith.index_cast %scan3A_181 : i32 to index
        %swap3A_194 = arith.constant 16 : index
        %swap3A_195 = tpu.vector_load %arg8[%swap3A_193, %swap3A_194] {strides = array<i32>} : memref<32x768xf32, #tpu.memory_space<vmem>>, vector<1x16xf32>,
        %swap3A_196 = vector.shape_cast %swap3A_195 : vector<1x16xf32> to vector<16xf32>
        %swap3A_197 = vector.shape_cast %get3A_192 : vector<16xf32> to vector<1x16xf32>
        tpu.vector_store %arg8[%swap3A_193, %swap3A_194], %swap3A_197 {add = true, strides = array<i32>} : memref<32x768xf32, #tpu.memory_space<vmem>>, vector<1x16xf32>,
        %get3A_198 = arith.index_cast %scan3A_181 : i32 to index
        %get3A_199 = arith.constant 32 : index
        %get3A_200 = tpu.vector_load %arg6[%get3A_198, %get3A_199] {strides = array<i32>} : memref<32x768xf32, #tpu.memory_space<vmem>>, vector<1x16xf32>,
        %get3A_201 = vector.shape_cast %get3A_200 : vector<1x16xf32> to vector<16xf32>
        %swap3A_202 = arith.index_cast %scan3A_181 : i32 to index
        %swap3A_203 = arith.constant 32 : index
        %swap3A_204 = tpu.vector_load %arg8[%swap3A_202, %swap3A_203] {strides = array<i32>} : memref<32x768xf32, #tpu.memory_space<vmem>>, vector<1x16xf32>,
        %swap3A_205 = vector.shape_cast %swap3A_204 : vector<1x16xf32> to vector<16xf32>
        %swap3A_206 = vector.shape_cast %get3A_201 : vector<16xf32> to vector<1x16xf32>
        tpu.vector_store %arg8[%swap3A_202, %swap3A_203], %swap3A_206 {add = true, strides = array<i32>} : memref<32x768xf32, #tpu.memory_space<vmem>>, vector<1x16xf32>,
        %get3A_207 = arith.index_cast %scan3A_181 : i32 to index
        %get3A_208 = arith.constant 48 : index
        %get3A_209 = tpu.vector_load %arg6[%get3A_207, %get3A_208] {strides = array<i32>} : memref<32x768xf32, #tpu.memory_space<vmem>>, vector<1x16xf32>,
        %get3A_210 = vector.shape_cast %get3A_209 : vector<1x16xf32> to vector<16xf32>
        %swap3A_211 = arith.index_cast %scan3A_181 : i32 to index
        %swap3A_212 = arith.constant 48 : index
        %swap3A_213 = tpu.vector_load %arg8[%swap3A_211, %swap3A_212] {strides = array<i32>} : memref<32x768xf32, #tpu.memory_space<vmem>>, vector<1x16xf32>,
        %swap3A_214 = vector.shape_cast %swap3A_213 : vector<1x16xf32> to vector<16xf32>
        %swap3A_215 = vector.shape_cast %get3A_210 : vector<16xf32> to vector<1x16xf32>
        tpu.vector_store %arg8[%swap3A_211, %swap3A_212], %swap3A_215 {add = true, strides = array<i32>} : memref<32x768xf32, #tpu.memory_space<vmem>>, vector<1x16xf32>,
        %get3A_216 = arith.index_cast %scan3A_181 : i32 to index
        %get3A_217 = arith.constant 64 : index
        %get3A_218 = tpu.vector_load %arg6[%get3A_216, %get3A_217] {strides = array<i32>} : memref<32x768xf32, #tpu.memory_space<vmem>>, vector<1x16xf32>,
        %get3A_219 = vector.shape_cast %get3A_218 : vector<1x16xf32> to vector<16xf32>
        %swap3A_220 = arith.index_cast %scan3A_181 : i32 to index
        %swap3A_221 = arith.constant 64 : index
        %swap3A_222 = tpu.vector_load %arg8[%swap3A_220, %swap3A_221] {strides = array<i32>} : memref<32x768xf32, #tpu.memory_space<vmem>>, vector<1x16xf32>,
        %swap3A_223 = vector.shape_cast %swap3A_222 : vector<1x16xf32> to vector<16xf32>
        %swap3A_224 = vector.shape_cast %get3A_219 : vector<16xf32> to vector<1x16xf32>
        tpu.vector_store %arg8[%swap3A_220, %swap3A_221], %swap3A_224 {add = true, strides = array<i32>} : memref<32x768xf32, #tpu.memory_space<vmem>>, vector<1x16xf32>,
        %get3A_225 = arith.index_cast %scan3A_181 : i32 to index
        %get3A_226 = arith.constant 80 : index
        %get3A_227 = tpu.vector_load %arg6[%get3A_225, %get3A_226] {strides = array<i32>} : memref<32x768xf32, #tpu.memory_space<vmem>>, vector<1x16xf32>,
        %get3A_228 = vector.shape_cast %get3A_227 : vector<1x16xf32> to vector<16xf32>
        %swap3A_229 = arith.index_cast %scan3A_181 : i32 to index
        %swap3A_230 = arith.constant 80 : index
        %swap3A_231 = tpu.vector_load %arg8[%swap3A_229, %swap3A_230] {strides = array<i32>} : memref<32x768xf32, #tpu.memory_space<vmem>>, vector<1x16xf32>,
        %swap3A_232 = vector.shape_cast %swap3A_231 : vector<1x16xf32> to vector<16xf32>
        %swap3A_233 = vector.shape_cast %get3A_228 : vector<16xf32> to vector<1x16xf32>
        tpu.vector_store %arg8[%swap3A_229, %swap3A_230], %swap3A_233 {add = true, strides = array<i32>} : memref<32x768xf32, #tpu.memory_space<vmem>>, vector<1x16xf32>,
        %get3A_234 = arith.index_cast %scan3A_181 : i32 to index
        %get3A_235 = arith.constant 96 : index
        %get3A_236 = tpu.vector_load %arg6[%get3A_234, %get3A_235] {strides = array<i32>} : memref<32x768xf32, #tpu.memory_space<vmem>>, vector<1x16xf32>,
        %get3A_237 = vector.shape_cast %get3A_236 : vector<1x16xf32> to vector<16xf32>
        %swap3A_238 = arith.index_cast %scan3A_181 : i32 to index
        %swap3A_239 = arith.constant 96 : index
        %swap3A_240 = tpu.vector_load %arg8[%swap3A_238, %swap3A_239] {strides = array<i32>} : memref<32x768xf32, #tpu.memory_space<vmem>>, vector<1x16xf32>,
        %swap3A_241 = vector.shape_cast %swap3A_240 : vector<1x16xf32> to vector<16xf32>
        %swap3A_242 = vector.shape_cast %get3A_237 : vector<16xf32> to vector<1x16xf32>
        tpu.vector_store %arg8[%swap3A_238, %swap3A_239], %swap3A_242 {add = true, strides = array<i32>} : memref<32x768xf32, #tpu.memory_space<vmem>>, vector<1x16xf32>,
        %get3A_243 = arith.index_cast %scan3A_181 : i32 to index
        %get3A_244 = arith.constant 112 : index
        %get3A_245 = tpu.vector_load %arg6[%get3A_243, %get3A_244] {strides = array<i32>} : memref<32x768xf32, #tpu.memory_space<vmem>>, vector<1x16xf32>,
        %get3A_246 = vector.shape_cast %get3A_245 : vector<1x16xf32> to vector<16xf32>
        %swap3A_247 = arith.index_cast %scan3A_181 : i32 to index
        %swap3A_248 = arith.constant 112 : index
        %swap3A_249 = tpu.vector_load %arg8[%swap3A_247, %swap3A_248] {strides = array<i32>} : memref<32x768xf32, #tpu.memory_space<vmem>>, vector<1x16xf32>,
        %swap3A_250 = vector.shape_cast %swap3A_249 : vector<1x16xf32> to vector<16xf32>
        %swap3A_251 = vector.shape_cast %get3A_246 : vector<16xf32> to vector<1x16xf32>
        tpu.vector_store %arg8[%swap3A_247, %swap3A_248], %swap3A_251 {add = true, strides = array<i32>} : memref<32x768xf32, #tpu.memory_space<vmem>>, vector<1x16xf32>,
        %get3A_252 = arith.index_cast %scan3A_181 : i32 to index
        %get3A_253 = arith.constant 128 : index
        %get3A_254 = tpu.vector_load %arg6[%get3A_252, %get3A_253] {strides = array<i32>} : memref<32x768xf32, #tpu.memory_space<vmem>>, vector<1x16xf32>,
        %get3A_255 = vector.shape_cast %get3A_254 : vector<1x16xf32> to vector<16xf32>
        %swap3A_256 = arith.index_cast %scan3A_181 : i32 to index
        %swap3A_257 = arith.constant 128 : index
        %swap3A_258 = tpu.vector_load %arg8[%swap3A_256, %swap3A_257] {strides = array<i32>} : memref<32x768xf32, #tpu.memory_space<vmem>>, vector<1x16xf32>,
        %swap3A_259 = vector.shape_cast %swap3A_258 : vector<1x16xf32> to vector<16xf32>
        %swap3A_260 = vector.shape_cast %get3A_255 : vector<16xf32> to vector<1x16xf32>
        tpu.vector_store %arg8[%swap3A_256, %swap3A_257], %swap3A_260 {add = true, strides = array<i32>} : memref<32x768xf32, #tpu.memory_space<vmem>>, vector<1x16xf32>,
        %get3A_261 = arith.index_cast %scan3A_181 : i32 to index
        %get3A_262 = arith.constant 144 : index
        %get3A_263 = tpu.vector_load %arg6[%get3A_261, %get3A_262] {strides = array<i32>} : memref<32x768xf32, #tpu.memory_space<vmem>>, vector<1x16xf32>,
        %get3A_264 = vector.shape_cast %get3A_263 : vector<1x16xf32> to vector<16xf32>
        %swap3A_265 = arith.index_cast %scan3A_181 : i32 to index
        %swap3A_266 = arith.constant 144 : index
        %swap3A_267 = tpu.vector_load %arg8[%swap3A_265, %swap3A_266] {strides = array<i32>} : memref<32x768xf32, #tpu.memory_space<vmem>>, vector<1x16xf32>,
        %swap3A_268 = vector.shape_cast %swap3A_267 : vector<1x16xf32> to vector<16xf32>
        %swap3A_269 = vector.shape_cast %get3A_264 : vector<16xf32> to vector<1x16xf32>
        tpu.vector_store %arg8[%swap3A_265, %swap3A_266], %swap3A_269 {add = true, strides = array<i32>} : memref<32x768xf32, #tpu.memory_space<vmem>>, vector<1x16xf32>,
        %get3A_270 = arith.index_cast %scan3A_181 : i32 to index
        %get3A_271 = arith.constant 160 : index
        %get3A_272 = tpu.vector_load %arg6[%get3A_270, %get3A_271] {strides = array<i32>} : memref<32x768xf32, #tpu.memory_space<vmem>>, vector<1x16xf32>,
        %get3A_273 = vector.shape_cast %get3A_272 : vector<1x16xf32> to vector<16xf32>
        %swap3A_274 = arith.index_cast %scan3A_181 : i32 to index
        %swap3A_275 = arith.constant 160 : index
        %swap3A_276 = tpu.vector_load %arg8[%swap3A_274, %swap3A_275] {strides = array<i32>} : memref<32x768xf32, #tpu.memory_space<vmem>>, vector<1x16xf32>,
        %swap3A_277 = vector.shape_cast %swap3A_276 : vector<1x16xf32> to vector<16xf32>
        %swap3A_278 = vector.shape_cast %get3A_273 : vector<16xf32> to vector<1x16xf32>
        tpu.vector_store %arg8[%swap3A_274, %swap3A_275], %swap3A_278 {add = true, strides = array<i32>} : memref<32x768xf32, #tpu.memory_space<vmem>>, vector<1x16xf32>,
        %get3A_279 = arith.index_cast %scan3A_181 : i32 to index
        %get3A_280 = arith.constant 176 : index
        %get3A_281 = tpu.vector_load %arg6[%get3A_279, %get3A_280] {strides = array<i32>} : memref<32x768xf32, #tpu.memory_space<vmem>>, vector<1x16xf32>,
        %get3A_282 = vector.shape_cast %get3A_281 : vector<1x16xf32> to vector<16xf32>
        %swap3A_283 = arith.index_cast %scan3A_181 : i32 to index
        %swap3A_284 = arith.constant 176 : index
        %swap3A_285 = tpu.vector_load %arg8[%swap3A_283, %swap3A_284] {strides = array<i32>} : memref<32x768xf32, #tpu.memory_space<vmem>>, vector<1x16xf32>,
        %swap3A_286 = vector.shape_cast %swap3A_285 : vector<1x16xf32> to vector<16xf32>
        %swap3A_287 = vector.shape_cast %get3A_282 : vector<16xf32> to vector<1x16xf32>
        tpu.vector_store %arg8[%swap3A_283, %swap3A_284], %swap3A_287 {add = true, strides = array<i32>} : memref<32x768xf32, #tpu.memory_space<vmem>>, vector<1x16xf32>,
        %get3A_288 = arith.index_cast %scan3A_181 : i32 to index
        %get3A_289 = arith.constant 192 : index
        %get3A_290 = tpu.vector_load %arg6[%get3A_288, %get3A_289] {strides = array<i32>} : memref<32x768xf32, #tpu.memory_space<vmem>>, vector<1x16xf32>,
        %get3A_291 = vector.shape_cast %get3A_290 : vector<1x16xf32> to vector<16xf32>
        %swap3A_292 = arith.index_cast %scan3A_181 : i32 to index
        %swap3A_293 = arith.constant 192 : index
        %swap3A_294 = tpu.vector_load %arg8[%swap3A_292, %swap3A_293] {strides = array<i32>} : memref<32x768xf32, #tpu.memory_space<vmem>>, vector<1x16xf32>,
        %swap3A_295 = vector.shape_cast %swap3A_294 : vector<1x16xf32> to vector<16xf32>
        %swap3A_296 = vector.shape_cast %get3A_291 : vector<16xf32> to vector<1x16xf32>
        tpu.vector_store %arg8[%swap3A_292, %swap3A_293], %swap3A_296 {add = true, strides = array<i32>} : memref<32x768xf32, #tpu.memory_space<vmem>>, vector<1x16xf32>,
        %get3A_297 = arith.index_cast %scan3A_181 : i32 to index
        %get3A_298 = arith.constant 208 : index
        %get3A_299 = tpu.vector_load %arg6[%get3A_297, %get3A_298] {strides = array<i32>} : memref<32x768xf32, #tpu.memory_space<vmem>>, vector<1x16xf32>,
        %get3A_300 = vector.shape_cast %get3A_299 : vector<1x16xf32> to vector<16xf32>
        %swap3A_301 = arith.index_cast %scan3A_181 : i32 to index
        %swap3A_302 = arith.constant 208 : index
        %swap3A_303 = tpu.vector_load %arg8[%swap3A_301, %swap3A_302] {strides = array<i32>} : memref<32x768xf32, #tpu.memory_space<vmem>>, vector<1x16xf32>,
        %swap3A_304 = vector.shape_cast %swap3A_303 : vector<1x16xf32> to vector<16xf32>
        %swap3A_305 = vector.shape_cast %get3A_300 : vector<16xf32> to vector<1x16xf32>
        tpu.vector_store %arg8[%swap3A_301, %swap3A_302], %swap3A_305 {add = true, strides = array<i32>} : memref<32x768xf32, #tpu.memory_space<vmem>>, vector<1x16xf32>,
        %get3A_306 = arith.index_cast %scan3A_181 : i32 to index
        %get3A_307 = arith.constant 224 : index
        %get3A_308 = tpu.vector_load %arg6[%get3A_306, %get3A_307] {strides = array<i32>} : memref<32x768xf32, #tpu.memory_space<vmem>>, vector<1x16xf32>,
        %get3A_309 = vector.shape_cast %get3A_308 : vector<1x16xf32> to vector<16xf32>
        %swap3A_310 = arith.index_cast %scan3A_181 : i32 to index
        %swap3A_311 = arith.constant 224 : index
        %swap3A_312 = tpu.vector_load %arg8[%swap3A_310, %swap3A_311] {strides = array<i32>} : memref<32x768xf32, #tpu.memory_space<vmem>>, vector<1x16xf32>,
        %swap3A_313 = vector.shape_cast %swap3A_312 : vector<1x16xf32> to vector<16xf32>
        %swap3A_314 = vector.shape_cast %get3A_309 : vector<16xf32> to vector<1x16xf32>
        tpu.vector_store %arg8[%swap3A_310, %swap3A_311], %swap3A_314 {add = true, strides = array<i32>} : memref<32x768xf32, #tpu.memory_space<vmem>>, vector<1x16xf32>,
        %get3A_315 = arith.index_cast %scan3A_181 : i32 to index
        %get3A_316 = arith.constant 240 : index
        %get3A_317 = tpu.vector_load %arg6[%get3A_315, %get3A_316] {strides = array<i32>} : memref<32x768xf32, #tpu.memory_space<vmem>>, vector<1x16xf32>,
        %get3A_318 = vector.shape_cast %get3A_317 : vector<1x16xf32> to vector<16xf32>
        %swap3A_319 = arith.index_cast %scan3A_181 : i32 to index
        %swap3A_320 = arith.constant 240 : index
        %swap3A_321 = tpu.vector_load %arg8[%swap3A_319, %swap3A_320] {strides = array<i32>} : memref<32x768xf32, #tpu.memory_space<vmem>>, vector<1x16xf32>,
        %swap3A_322 = vector.shape_cast %swap3A_321 : vector<1x16xf32> to vector<16xf32>
        %swap3A_323 = vector.shape_cast %get3A_318 : vector<16xf32> to vector<1x16xf32>
        tpu.vector_store %arg8[%swap3A_319, %swap3A_320], %swap3A_323 {add = true, strides = array<i32>} : memref<32x768xf32, #tpu.memory_space<vmem>>, vector<1x16xf32>,
        %get3A_324 = arith.index_cast %scan3A_181 : i32 to index
        %get3A_325 = arith.constant 256 : index
        %get3A_326 = tpu.vector_load %arg6[%get3A_324, %get3A_325] {strides = array<i32>} : memref<32x768xf32, #tpu.memory_space<vmem>>, vector<1x16xf32>,
        %get3A_327 = vector.shape_cast %get3A_326 : vector<1x16xf32> to vector<16xf32>
        %swap3A_328 = arith.index_cast %scan3A_181 : i32 to index
        %swap3A_329 = arith.constant 256 : index
        %swap3A_330 = tpu.vector_load %arg8[%swap3A_328, %swap3A_329] {strides = array<i32>} : memref<32x768xf32, #tpu.memory_space<vmem>>, vector<1x16xf32>,
        %swap3A_331 = vector.shape_cast %swap3A_330 : vector<1x16xf32> to vector<16xf32>
        %swap3A_332 = vector.shape_cast %get3A_327 : vector<16xf32> to vector<1x16xf32>
        tpu.vector_store %arg8[%swap3A_328, %swap3A_329], %swap3A_332 {add = true, strides = array<i32>} : memref<32x768xf32, #tpu.memory_space<vmem>>, vector<1x16xf32>,
        %get3A_333 = arith.index_cast %scan3A_181 : i32 to index
        %get3A_334 = arith.constant 272 : index
        %get3A_335 = tpu.vector_load %arg6[%get3A_333, %get3A_334] {strides = array<i32>} : memref<32x768xf32, #tpu.memory_space<vmem>>, vector<1x16xf32>,
        %get3A_336 = vector.shape_cast %get3A_335 : vector<1x16xf32> to vector<16xf32>
        %swap3A_337 = arith.index_cast %scan3A_181 : i32 to index
        %swap3A_338 = arith.constant 272 : index
        %swap3A_339 = tpu.vector_load %arg8[%swap3A_337, %swap3A_338] {strides = array<i32>} : memref<32x768xf32, #tpu.memory_space<vmem>>, vector<1x16xf32>,
        %swap3A_340 = vector.shape_cast %swap3A_339 : vector<1x16xf32> to vector<16xf32>
        %swap3A_341 = vector.shape_cast %get3A_336 : vector<16xf32> to vector<1x16xf32>
        tpu.vector_store %arg8[%swap3A_337, %swap3A_338], %swap3A_341 {add = true, strides = array<i32>} : memref<32x768xf32, #tpu.memory_space<vmem>>, vector<1x16xf32>,
        %get3A_342 = arith.index_cast %scan3A_181 : i32 to index
        %get3A_343 = arith.constant 288 : index
        %get3A_344 = tpu.vector_load %arg6[%get3A_342, %get3A_343] {strides = array<i32>} : memref<32x768xf32, #tpu.memory_space<vmem>>, vector<1x16xf32>,
        %get3A_345 = vector.shape_cast %get3A_344 : vector<1x16xf32> to vector<16xf32>
        %swap3A_346 = arith.index_cast %scan3A_181 : i32 to index
        %swap3A_347 = arith.constant 288 : index
        %swap3A_348 = tpu.vector_load %arg8[%swap3A_346, %swap3A_347] {strides = array<i32>} : memref<32x768xf32, #tpu.memory_space<vmem>>, vector<1x16xf32>,
        %swap3A_349 = vector.shape_cast %swap3A_348 : vector<1x16xf32> to vector<16xf32>
        %swap3A_350 = vector.shape_cast %get3A_345 : vector<16xf32> to vector<1x16xf32>
        tpu.vector_store %arg8[%swap3A_346, %swap3A_347], %swap3A_350 {add = true, strides = array<i32>} : memref<32x768xf32, #tpu.memory_space<vmem>>, vector<1x16xf32>,
        %get3A_351 = arith.index_cast %scan3A_181 : i32 to index
        %get3A_352 = arith.constant 304 : index
        %get3A_353 = tpu.vector_load %arg6[%get3A_351, %get3A_352] {strides = array<i32>} : memref<32x768xf32, #tpu.memory_space<vmem>>, vector<1x16xf32>,
        %get3A_354 = vector.shape_cast %get3A_353 : vector<1x16xf32> to vector<16xf32>
        %swap3A_355 = arith.index_cast %scan3A_181 : i32 to index
        %swap3A_356 = arith.constant 304 : index
        %swap3A_357 = tpu.vector_load %arg8[%swap3A_355, %swap3A_356] {strides = array<i32>} : memref<32x768xf32, #tpu.memory_space<vmem>>, vector<1x16xf32>,
        %swap3A_358 = vector.shape_cast %swap3A_357 : vector<1x16xf32> to vector<16xf32>
        %swap3A_359 = vector.shape_cast %get3A_354 : vector<16xf32> to vector<1x16xf32>
        tpu.vector_store %arg8[%swap3A_355, %swap3A_356], %swap3A_359 {add = true, strides = array<i32>} : memref<32x768xf32, #tpu.memory_space<vmem>>, vector<1x16xf32>,
        %get3A_360 = arith.index_cast %scan3A_181 : i32 to index
        %get3A_361 = arith.constant 320 : index
        %get3A_362 = tpu.vector_load %arg6[%get3A_360, %get3A_361] {strides = array<i32>} : memref<32x768xf32, #tpu.memory_space<vmem>>, vector<1x16xf32>,
        %get3A_363 = vector.shape_cast %get3A_362 : vector<1x16xf32> to vector<16xf32>
        %swap3A_364 = arith.index_cast %scan3A_181 : i32 to index
        %swap3A_365 = arith.constant 320 : index
        %swap3A_366 = tpu.vector_load %arg8[%swap3A_364, %swap3A_365] {strides = array<i32>} : memref<32x768xf32, #tpu.memory_space<vmem>>, vector<1x16xf32>,
        %swap3A_367 = vector.shape_cast %swap3A_366 : vector<1x16xf32> to vector<16xf32>
        %swap3A_368 = vector.shape_cast %get3A_363 : vector<16xf32> to vector<1x16xf32>
        tpu.vector_store %arg8[%swap3A_364, %swap3A_365], %swap3A_368 {add = true, strides = array<i32>} : memref<32x768xf32, #tpu.memory_space<vmem>>, vector<1x16xf32>,
        %get3A_369 = arith.index_cast %scan3A_181 : i32 to index
        %get3A_370 = arith.constant 336 : index
        %get3A_371 = tpu.vector_load %arg6[%get3A_369, %get3A_370] {strides = array<i32>} : memref<32x768xf32, #tpu.memory_space<vmem>>, vector<1x16xf32>,
        %get3A_372 = vector.shape_cast %get3A_371 : vector<1x16xf32> to vector<16xf32>
        %swap3A_373 = arith.index_cast %scan3A_181 : i32 to index
        %swap3A_374 = arith.constant 336 : index
        %swap3A_375 = tpu.vector_load %arg8[%swap3A_373, %swap3A_374] {strides = array<i32>} : memref<32x768xf32, #tpu.memory_space<vmem>>, vector<1x16xf32>,
        %swap3A_376 = vector.shape_cast %swap3A_375 : vector<1x16xf32> to vector<16xf32>
        %swap3A_377 = vector.shape_cast %get3A_372 : vector<16xf32> to vector<1x16xf32>
        tpu.vector_store %arg8[%swap3A_373, %swap3A_374], %swap3A_377 {add = true, strides = array<i32>} : memref<32x768xf32, #tpu.memory_space<vmem>>, vector<1x16xf32>,
        %get3A_378 = arith.index_cast %scan3A_181 : i32 to index
        %get3A_379 = arith.constant 352 : index
        %get3A_380 = tpu.vector_load %arg6[%get3A_378, %get3A_379] {strides = array<i32>} : memref<32x768xf32, #tpu.memory_space<vmem>>, vector<1x16xf32>,
        %get3A_381 = vector.shape_cast %get3A_380 : vector<1x16xf32> to vector<16xf32>
        %swap3A_382 = arith.index_cast %scan3A_181 : i32 to index
        %swap3A_383 = arith.constant 352 : index
        %swap3A_384 = tpu.vector_load %arg8[%swap3A_382, %swap3A_383] {strides = array<i32>} : memref<32x768xf32, #tpu.memory_space<vmem>>, vector<1x16xf32>,
        %swap3A_385 = vector.shape_cast %swap3A_384 : vector<1x16xf32> to vector<16xf32>
        %swap3A_386 = vector.shape_cast %get3A_381 : vector<16xf32> to vector<1x16xf32>
        tpu.vector_store %arg8[%swap3A_382, %swap3A_383], %swap3A_386 {add = true, strides = array<i32>} : memref<32x768xf32, #tpu.memory_space<vmem>>, vector<1x16xf32>,
        %get3A_387 = arith.index_cast %scan3A_181 : i32 to index
        %get3A_388 = arith.constant 368 : index
        %get3A_389 = tpu.vector_load %arg6[%get3A_387, %get3A_388] {strides = array<i32>} : memref<32x768xf32, #tpu.memory_space<vmem>>, vector<1x16xf32>,
        %get3A_390 = vector.shape_cast %get3A_389 : vector<1x16xf32> to vector<16xf32>
        %swap3A_391 = arith.index_cast %scan3A_181 : i32 to index
        %swap3A_392 = arith.constant 368 : index
        %swap3A_393 = tpu.vector_load %arg8[%swap3A_391, %swap3A_392] {strides = array<i32>} : memref<32x768xf32, #tpu.memory_space<vmem>>, vector<1x16xf32>,
        %swap3A_394 = vector.shape_cast %swap3A_393 : vector<1x16xf32> to vector<16xf32>
        %swap3A_395 = vector.shape_cast %get3A_390 : vector<16xf32> to vector<1x16xf32>
        tpu.vector_store %arg8[%swap3A_391, %swap3A_392], %swap3A_395 {add = true, strides = array<i32>} : memref<32x768xf32, #tpu.memory_space<vmem>>, vector<1x16xf32>,
        %get3A_396 = arith.index_cast %scan3A_181 : i32 to index
        %get3A_397 = arith.constant 384 : index
        %get3A_398 = tpu.vector_load %arg6[%get3A_396, %get3A_397] {strides = array<i32>} : memref<32x768xf32, #tpu.memory_space<vmem>>, vector<1x16xf32>,
        %get3A_399 = vector.shape_cast %get3A_398 : vector<1x16xf32> to vector<16xf32>
        %swap3A_400 = arith.index_cast %scan3A_181 : i32 to index
        %swap3A_401 = arith.constant 384 : index
        %swap3A_402 = tpu.vector_load %arg8[%swap3A_400, %swap3A_401] {strides = array<i32>} : memref<32x768xf32, #tpu.memory_space<vmem>>, vector<1x16xf32>,
        %swap3A_403 = vector.shape_cast %swap3A_402 : vector<1x16xf32> to vector<16xf32>
        %swap3A_404 = vector.shape_cast %get3A_399 : vector<16xf32> to vector<1x16xf32>
        tpu.vector_store %arg8[%swap3A_400, %swap3A_401], %swap3A_404 {add = true, strides = array<i32>} : memref<32x768xf32, #tpu.memory_space<vmem>>, vector<1x16xf32>,
        %get3A_405 = arith.index_cast %scan3A_181 : i32 to index
        %get3A_406 = arith.constant 400 : index
        %get3A_407 = tpu.vector_load %arg6[%get3A_405, %get3A_406] {strides = array<i32>} : memref<32x768xf32, #tpu.memory_space<vmem>>, vector<1x16xf32>,
        %get3A_408 = vector.shape_cast %get3A_407 : vector<1x16xf32> to vector<16xf32>
        %swap3A_409 = arith.index_cast %scan3A_181 : i32 to index
        %swap3A_410 = arith.constant 400 : index
        %swap3A_411 = tpu.vector_load %arg8[%swap3A_409, %swap3A_410] {strides = array<i32>} : memref<32x768xf32, #tpu.memory_space<vmem>>, vector<1x16xf32>,
        %swap3A_412 = vector.shape_cast %swap3A_411 : vector<1x16xf32> to vector<16xf32>
        %swap3A_413 = vector.shape_cast %get3A_408 : vector<16xf32> to vector<1x16xf32>
        tpu.vector_store %arg8[%swap3A_409, %swap3A_410], %swap3A_413 {add = true, strides = array<i32>} : memref<32x768xf32, #tpu.memory_space<vmem>>, vector<1x16xf32>,
        %get3A_414 = arith.index_cast %scan3A_181 : i32 to index
        %get3A_415 = arith.constant 416 : index
        %get3A_416 = tpu.vector_load %arg6[%get3A_414, %get3A_415] {strides = array<i32>} : memref<32x768xf32, #tpu.memory_space<vmem>>, vector<1x16xf32>,
        %get3A_417 = vector.shape_cast %get3A_416 : vector<1x16xf32> to vector<16xf32>
        %swap3A_418 = arith.index_cast %scan3A_181 : i32 to index
        %swap3A_419 = arith.constant 416 : index
        %swap3A_420 = tpu.vector_load %arg8[%swap3A_418, %swap3A_419] {strides = array<i32>} : memref<32x768xf32, #tpu.memory_space<vmem>>, vector<1x16xf32>,
        %swap3A_421 = vector.shape_cast %swap3A_420 : vector<1x16xf32> to vector<16xf32>
        %swap3A_422 = vector.shape_cast %get3A_417 : vector<16xf32> to vector<1x16xf32>
        tpu.vector_store %arg8[%swap3A_418, %swap3A_419], %swap3A_422 {add = true, strides = array<i32>} : memref<32x768xf32, #tpu.memory_space<vmem>>, vector<1x16xf32>,
        %get3A_423 = arith.index_cast %scan3A_181 : i32 to index
        %get3A_424 = arith.constant 432 : index
        %get3A_425 = tpu.vector_load %arg6[%get3A_423, %get3A_424] {strides = array<i32>} : memref<32x768xf32, #tpu.memory_space<vmem>>, vector<1x16xf32>,
        %get3A_426 = vector.shape_cast %get3A_425 : vector<1x16xf32> to vector<16xf32>
        %swap3A_427 = arith.index_cast %scan3A_181 : i32 to index
        %swap3A_428 = arith.constant 432 : index
        %swap3A_429 = tpu.vector_load %arg8[%swap3A_427, %swap3A_428] {strides = array<i32>} : memref<32x768xf32, #tpu.memory_space<vmem>>, vector<1x16xf32>,
        %swap3A_430 = vector.shape_cast %swap3A_429 : vector<1x16xf32> to vector<16xf32>
        %swap3A_431 = vector.shape_cast %get3A_426 : vector<16xf32> to vector<1x16xf32>
        tpu.vector_store %arg8[%swap3A_427, %swap3A_428], %swap3A_431 {add = true, strides = array<i32>} : memref<32x768xf32, #tpu.memory_space<vmem>>, vector<1x16xf32>,
        %get3A_432 = arith.index_cast %scan3A_181 : i32 to index
        %get3A_433 = arith.constant 448 : index
        %get3A_434 = tpu.vector_load %arg6[%get3A_432, %get3A_433] {strides = array<i32>} : memref<32x768xf32, #tpu.memory_space<vmem>>, vector<1x16xf32>,
        %get3A_435 = vector.shape_cast %get3A_434 : vector<1x16xf32> to vector<16xf32>
        %swap3A_436 = arith.index_cast %scan3A_181 : i32 to index
        %swap3A_437 = arith.constant 448 : index
        %swap3A_438 = tpu.vector_load %arg8[%swap3A_436, %swap3A_437] {strides = array<i32>} : memref<32x768xf32, #tpu.memory_space<vmem>>, vector<1x16xf32>,
        %swap3A_439 = vector.shape_cast %swap3A_438 : vector<1x16xf32> to vector<16xf32>
        %swap3A_440 = vector.shape_cast %get3A_435 : vector<16xf32> to vector<1x16xf32>
        tpu.vector_store %arg8[%swap3A_436, %swap3A_437], %swap3A_440 {add = true, strides = array<i32>} : memref<32x768xf32, #tpu.memory_space<vmem>>, vector<1x16xf32>,
        %get3A_441 = arith.index_cast %scan3A_181 : i32 to index
        %get3A_442 = arith.constant 464 : index
        %get3A_443 = tpu.vector_load %arg6[%get3A_441, %get3A_442] {strides = array<i32>} : memref<32x768xf32, #tpu.memory_space<vmem>>, vector<1x16xf32>,
        %get3A_444 = vector.shape_cast %get3A_443 : vector<1x16xf32> to vector<16xf32>
        %swap3A_445 = arith.index_cast %scan3A_181 : i32 to index
        %swap3A_446 = arith.constant 464 : index
        %swap3A_447 = tpu.vector_load %arg8[%swap3A_445, %swap3A_446] {strides = array<i32>} : memref<32x768xf32, #tpu.memory_space<vmem>>, vector<1x16xf32>,
        %swap3A_448 = vector.shape_cast %swap3A_447 : vector<1x16xf32> to vector<16xf32>
        %swap3A_449 = vector.shape_cast %get3A_444 : vector<16xf32> to vector<1x16xf32>
        tpu.vector_store %arg8[%swap3A_445, %swap3A_446], %swap3A_449 {add = true, strides = array<i32>} : memref<32x768xf32, #tpu.memory_space<vmem>>, vector<1x16xf32>,
        %get3A_450 = arith.index_cast %scan3A_181 : i32 to index
        %get3A_451 = arith.constant 480 : index
        %get3A_452 = tpu.vector_load %arg6[%get3A_450, %get3A_451] {strides = array<i32>} : memref<32x768xf32, #tpu.memory_space<vmem>>, vector<1x16xf32>,
        %get3A_453 = vector.shape_cast %get3A_452 : vector<1x16xf32> to vector<16xf32>
        %swap3A_454 = arith.index_cast %scan3A_181 : i32 to index
        %swap3A_455 = arith.constant 480 : index
        %swap3A_456 = tpu.vector_load %arg8[%swap3A_454, %swap3A_455] {strides = array<i32>} : memref<32x768xf32, #tpu.memory_space<vmem>>, vector<1x16xf32>,
        %swap3A_457 = vector.shape_cast %swap3A_456 : vector<1x16xf32> to vector<16xf32>
        %swap3A_458 = vector.shape_cast %get3A_453 : vector<16xf32> to vector<1x16xf32>
        tpu.vector_store %arg8[%swap3A_454, %swap3A_455], %swap3A_458 {add = true, strides = array<i32>} : memref<32x768xf32, #tpu.memory_space<vmem>>, vector<1x16xf32>,
        %get3A_459 = arith.index_cast %scan3A_181 : i32 to index
        %get3A_460 = arith.constant 496 : index
        %get3A_461 = tpu.vector_load %arg6[%get3A_459, %get3A_460] {strides = array<i32>} : memref<32x768xf32, #tpu.memory_space<vmem>>, vector<1x16xf32>,
        %get3A_462 = vector.shape_cast %get3A_461 : vector<1x16xf32> to vector<16xf32>
        %swap3A_463 = arith.index_cast %scan3A_181 : i32 to index
        %swap3A_464 = arith.constant 496 : index
        %swap3A_465 = tpu.vector_load %arg8[%swap3A_463, %swap3A_464] {strides = array<i32>} : memref<32x768xf32, #tpu.memory_space<vmem>>, vector<1x16xf32>,
        %swap3A_466 = vector.shape_cast %swap3A_465 : vector<1x16xf32> to vector<16xf32>
        %swap3A_467 = vector.shape_cast %get3A_462 : vector<16xf32> to vector<1x16xf32>
        tpu.vector_store %arg8[%swap3A_463, %swap3A_464], %swap3A_467 {add = true, strides = array<i32>} : memref<32x768xf32, #tpu.memory_space<vmem>>, vector<1x16xf32>,
        %get3A_468 = arith.index_cast %scan3A_181 : i32 to index
        %get3A_469 = arith.constant 512 : index
        %get3A_470 = tpu.vector_load %arg6[%get3A_468, %get3A_469] {strides = array<i32>} : memref<32x768xf32, #tpu.memory_space<vmem>>, vector<1x16xf32>,
        %get3A_471 = vector.shape_cast %get3A_470 : vector<1x16xf32> to vector<16xf32>
        %swap3A_472 = arith.index_cast %scan3A_181 : i32 to index
        %swap3A_473 = arith.constant 512 : index
        %swap3A_474 = tpu.vector_load %arg8[%swap3A_472, %swap3A_473] {strides = array<i32>} : memref<32x768xf32, #tpu.memory_space<vmem>>, vector<1x16xf32>,
        %swap3A_475 = vector.shape_cast %swap3A_474 : vector<1x16xf32> to vector<16xf32>
        %swap3A_476 = vector.shape_cast %get3A_471 : vector<16xf32> to vector<1x16xf32>
        tpu.vector_store %arg8[%swap3A_472, %swap3A_473], %swap3A_476 {add = true, strides = array<i32>} : memref<32x768xf32, #tpu.memory_space<vmem>>, vector<1x16xf32>,
        %get3A_477 = arith.index_cast %scan3A_181 : i32 to index
        %get3A_478 = arith.constant 528 : index
        %get3A_479 = tpu.vector_load %arg6[%get3A_477, %get3A_478] {strides = array<i32>} : memref<32x768xf32, #tpu.memory_space<vmem>>, vector<1x16xf32>,
        %get3A_480 = vector.shape_cast %get3A_479 : vector<1x16xf32> to vector<16xf32>
        %swap3A_481 = arith.index_cast %scan3A_181 : i32 to index
        %swap3A_482 = arith.constant 528 : index
        %swap3A_483 = tpu.vector_load %arg8[%swap3A_481, %swap3A_482] {strides = array<i32>} : memref<32x768xf32, #tpu.memory_space<vmem>>, vector<1x16xf32>,
        %swap3A_484 = vector.shape_cast %swap3A_483 : vector<1x16xf32> to vector<16xf32>
        %swap3A_485 = vector.shape_cast %get3A_480 : vector<16xf32> to vector<1x16xf32>
        tpu.vector_store %arg8[%swap3A_481, %swap3A_482], %swap3A_485 {add = true, strides = array<i32>} : memref<32x768xf32, #tpu.memory_space<vmem>>, vector<1x16xf32>,
        %get3A_486 = arith.index_cast %scan3A_181 : i32 to index
        %get3A_487 = arith.constant 544 : index
        %get3A_488 = tpu.vector_load %arg6[%get3A_486, %get3A_487] {strides = array<i32>} : memref<32x768xf32, #tpu.memory_space<vmem>>, vector<1x16xf32>,
        %get3A_489 = vector.shape_cast %get3A_488 : vector<1x16xf32> to vector<16xf32>
        %swap3A_490 = arith.index_cast %scan3A_181 : i32 to index
        %swap3A_491 = arith.constant 544 : index
        %swap3A_492 = tpu.vector_load %arg8[%swap3A_490, %swap3A_491] {strides = array<i32>} : memref<32x768xf32, #tpu.memory_space<vmem>>, vector<1x16xf32>,
        %swap3A_493 = vector.shape_cast %swap3A_492 : vector<1x16xf32> to vector<16xf32>
        %swap3A_494 = vector.shape_cast %get3A_489 : vector<16xf32> to vector<1x16xf32>
        tpu.vector_store %arg8[%swap3A_490, %swap3A_491], %swap3A_494 {add = true, strides = array<i32>} : memref<32x768xf32, #tpu.memory_space<vmem>>, vector<1x16xf32>,
        %get3A_495 = arith.index_cast %scan3A_181 : i32 to index
        %get3A_496 = arith.constant 560 : index
        %get3A_497 = tpu.vector_load %arg6[%get3A_495, %get3A_496] {strides = array<i32>} : memref<32x768xf32, #tpu.memory_space<vmem>>, vector<1x16xf32>,
        %get3A_498 = vector.shape_cast %get3A_497 : vector<1x16xf32> to vector<16xf32>
        %swap3A_499 = arith.index_cast %scan3A_181 : i32 to index
        %swap3A_500 = arith.constant 560 : index
        %swap3A_501 = tpu.vector_load %arg8[%swap3A_499, %swap3A_500] {strides = array<i32>} : memref<32x768xf32, #tpu.memory_space<vmem>>, vector<1x16xf32>,
        %swap3A_502 = vector.shape_cast %swap3A_501 : vector<1x16xf32> to vector<16xf32>
        %swap3A_503 = vector.shape_cast %get3A_498 : vector<16xf32> to vector<1x16xf32>
        tpu.vector_store %arg8[%swap3A_499, %swap3A_500], %swap3A_503 {add = true, strides = array<i32>} : memref<32x768xf32, #tpu.memory_space<vmem>>, vector<1x16xf32>,
        %get3A_504 = arith.index_cast %scan3A_181 : i32 to index
        %get3A_505 = arith.constant 576 : index
        %get3A_506 = tpu.vector_load %arg6[%get3A_504, %get3A_505] {strides = array<i32>} : memref<32x768xf32, #tpu.memory_space<vmem>>, vector<1x16xf32>,
        %get3A_507 = vector.shape_cast %get3A_506 : vector<1x16xf32> to vector<16xf32>
        %swap3A_508 = arith.index_cast %scan3A_181 : i32 to index
        %swap3A_509 = arith.constant 576 : index
        %swap3A_510 = tpu.vector_load %arg8[%swap3A_508, %swap3A_509] {strides = array<i32>} : memref<32x768xf32, #tpu.memory_space<vmem>>, vector<1x16xf32>,
        %swap3A_511 = vector.shape_cast %swap3A_510 : vector<1x16xf32> to vector<16xf32>
        %swap3A_512 = vector.shape_cast %get3A_507 : vector<16xf32> to vector<1x16xf32>
        tpu.vector_store %arg8[%swap3A_508, %swap3A_509], %swap3A_512 {add = true, strides = array<i32>} : memref<32x768xf32, #tpu.memory_space<vmem>>, vector<1x16xf32>,
        %get3A_513 = arith.index_cast %scan3A_181 : i32 to index
        %get3A_514 = arith.constant 592 : index
        %get3A_515 = tpu.vector_load %arg6[%get3A_513, %get3A_514] {strides = array<i32>} : memref<32x768xf32, #tpu.memory_space<vmem>>, vector<1x16xf32>,
        %get3A_516 = vector.shape_cast %get3A_515 : vector<1x16xf32> to vector<16xf32>
        %swap3A_517 = arith.index_cast %scan3A_181 : i32 to index
        %swap3A_518 = arith.constant 592 : index
        %swap3A_519 = tpu.vector_load %arg8[%swap3A_517, %swap3A_518] {strides = array<i32>} : memref<32x768xf32, #tpu.memory_space<vmem>>, vector<1x16xf32>,
        %swap3A_520 = vector.shape_cast %swap3A_519 : vector<1x16xf32> to vector<16xf32>
        %swap3A_521 = vector.shape_cast %get3A_516 : vector<16xf32> to vector<1x16xf32>
        tpu.vector_store %arg8[%swap3A_517, %swap3A_518], %swap3A_521 {add = true, strides = array<i32>} : memref<32x768xf32, #tpu.memory_space<vmem>>, vector<1x16xf32>,
        %get3A_522 = arith.index_cast %scan3A_181 : i32 to index
        %get3A_523 = arith.constant 608 : index
        %get3A_524 = tpu.vector_load %arg6[%get3A_522, %get3A_523] {strides = array<i32>} : memref<32x768xf32, #tpu.memory_space<vmem>>, vector<1x16xf32>,
        %get3A_525 = vector.shape_cast %get3A_524 : vector<1x16xf32> to vector<16xf32>
        %swap3A_526 = arith.index_cast %scan3A_181 : i32 to index
        %swap3A_527 = arith.constant 608 : index
        %swap3A_528 = tpu.vector_load %arg8[%swap3A_526, %swap3A_527] {strides = array<i32>} : memref<32x768xf32, #tpu.memory_space<vmem>>, vector<1x16xf32>,
        %swap3A_529 = vector.shape_cast %swap3A_528 : vector<1x16xf32> to vector<16xf32>
        %swap3A_530 = vector.shape_cast %get3A_525 : vector<16xf32> to vector<1x16xf32>
        tpu.vector_store %arg8[%swap3A_526, %swap3A_527], %swap3A_530 {add = true, strides = array<i32>} : memref<32x768xf32, #tpu.memory_space<vmem>>, vector<1x16xf32>,
        %get3A_531 = arith.index_cast %scan3A_181 : i32 to index
        %get3A_532 = arith.constant 624 : index
        %get3A_533 = tpu.vector_load %arg6[%get3A_531, %get3A_532] {strides = array<i32>} : memref<32x768xf32, #tpu.memory_space<vmem>>, vector<1x16xf32>,
        %get3A_534 = vector.shape_cast %get3A_533 : vector<1x16xf32> to vector<16xf32>
        %swap3A_535 = arith.index_cast %scan3A_181 : i32 to index
        %swap3A_536 = arith.constant 624 : index
        %swap3A_537 = tpu.vector_load %arg8[%swap3A_535, %swap3A_536] {strides = array<i32>} : memref<32x768xf32, #tpu.memory_space<vmem>>, vector<1x16xf32>,
        %swap3A_538 = vector.shape_cast %swap3A_537 : vector<1x16xf32> to vector<16xf32>
        %swap3A_539 = vector.shape_cast %get3A_534 : vector<16xf32> to vector<1x16xf32>
        tpu.vector_store %arg8[%swap3A_535, %swap3A_536], %swap3A_539 {add = true, strides = array<i32>} : memref<32x768xf32, #tpu.memory_space<vmem>>, vector<1x16xf32>,
        %get3A_540 = arith.index_cast %scan3A_181 : i32 to index
        %get3A_541 = arith.constant 640 : index
        %get3A_542 = tpu.vector_load %arg6[%get3A_540, %get3A_541] {strides = array<i32>} : memref<32x768xf32, #tpu.memory_space<vmem>>, vector<1x16xf32>,
        %get3A_543 = vector.shape_cast %get3A_542 : vector<1x16xf32> to vector<16xf32>
        %swap3A_544 = arith.index_cast %scan3A_181 : i32 to index
        %swap3A_545 = arith.constant 640 : index
        %swap3A_546 = tpu.vector_load %arg8[%swap3A_544, %swap3A_545] {strides = array<i32>} : memref<32x768xf32, #tpu.memory_space<vmem>>, vector<1x16xf32>,
        %swap3A_547 = vector.shape_cast %swap3A_546 : vector<1x16xf32> to vector<16xf32>
        %swap3A_548 = vector.shape_cast %get3A_543 : vector<16xf32> to vector<1x16xf32>
        tpu.vector_store %arg8[%swap3A_544, %swap3A_545], %swap3A_548 {add = true, strides = array<i32>} : memref<32x768xf32, #tpu.memory_space<vmem>>, vector<1x16xf32>,
        %get3A_549 = arith.index_cast %scan3A_181 : i32 to index
        %get3A_550 = arith.constant 656 : index
        %get3A_551 = tpu.vector_load %arg6[%get3A_549, %get3A_550] {strides = array<i32>} : memref<32x768xf32, #tpu.memory_space<vmem>>, vector<1x16xf32>,
        %get3A_552 = vector.shape_cast %get3A_551 : vector<1x16xf32> to vector<16xf32>
        %swap3A_553 = arith.index_cast %scan3A_181 : i32 to index
        %swap3A_554 = arith.constant 656 : index
        %swap3A_555 = tpu.vector_load %arg8[%swap3A_553, %swap3A_554] {strides = array<i32>} : memref<32x768xf32, #tpu.memory_space<vmem>>, vector<1x16xf32>,
        %swap3A_556 = vector.shape_cast %swap3A_555 : vector<1x16xf32> to vector<16xf32>
        %swap3A_557 = vector.shape_cast %get3A_552 : vector<16xf32> to vector<1x16xf32>
        tpu.vector_store %arg8[%swap3A_553, %swap3A_554], %swap3A_557 {add = true, strides = array<i32>} : memref<32x768xf32, #tpu.memory_space<vmem>>, vector<1x16xf32>,
        %get3A_558 = arith.index_cast %scan3A_181 : i32 to index
        %get3A_559 = arith.constant 672 : index
        %get3A_560 = tpu.vector_load %arg6[%get3A_558, %get3A_559] {strides = array<i32>} : memref<32x768xf32, #tpu.memory_space<vmem>>, vector<1x16xf32>,
        %get3A_561 = vector.shape_cast %get3A_560 : vector<1x16xf32> to vector<16xf32>
        %swap3A_562 = arith.index_cast %scan3A_181 : i32 to index
        %swap3A_563 = arith.constant 672 : index
        %swap3A_564 = tpu.vector_load %arg8[%swap3A_562, %swap3A_563] {strides = array<i32>} : memref<32x768xf32, #tpu.memory_space<vmem>>, vector<1x16xf32>,
        %swap3A_565 = vector.shape_cast %swap3A_564 : vector<1x16xf32> to vector<16xf32>
        %swap3A_566 = vector.shape_cast %get3A_561 : vector<16xf32> to vector<1x16xf32>
        tpu.vector_store %arg8[%swap3A_562, %swap3A_563], %swap3A_566 {add = true, strides = array<i32>} : memref<32x768xf32, #tpu.memory_space<vmem>>, vector<1x16xf32>,
        %get3A_567 = arith.index_cast %scan3A_181 : i32 to index
        %get3A_568 = arith.constant 688 : index
        %get3A_569 = tpu.vector_load %arg6[%get3A_567, %get3A_568] {strides = array<i32>} : memref<32x768xf32, #tpu.memory_space<vmem>>, vector<1x16xf32>,
        %get3A_570 = vector.shape_cast %get3A_569 : vector<1x16xf32> to vector<16xf32>
        %swap3A_571 = arith.index_cast %scan3A_181 : i32 to index
        %swap3A_572 = arith.constant 688 : index
        %swap3A_573 = tpu.vector_load %arg8[%swap3A_571, %swap3A_572] {strides = array<i32>} : memref<32x768xf32, #tpu.memory_space<vmem>>, vector<1x16xf32>,
        %swap3A_574 = vector.shape_cast %swap3A_573 : vector<1x16xf32> to vector<16xf32>
        %swap3A_575 = vector.shape_cast %get3A_570 : vector<16xf32> to vector<1x16xf32>
        tpu.vector_store %arg8[%swap3A_571, %swap3A_572], %swap3A_575 {add = true, strides = array<i32>} : memref<32x768xf32, #tpu.memory_space<vmem>>, vector<1x16xf32>,
        %get3A_576 = arith.index_cast %scan3A_181 : i32 to index
        %get3A_577 = arith.constant 704 : index
        %get3A_578 = tpu.vector_load %arg6[%get3A_576, %get3A_577] {strides = array<i32>} : memref<32x768xf32, #tpu.memory_space<vmem>>, vector<1x16xf32>,
        %get3A_579 = vector.shape_cast %get3A_578 : vector<1x16xf32> to vector<16xf32>
        %swap3A_580 = arith.index_cast %scan3A_181 : i32 to index
        %swap3A_581 = arith.constant 704 : index
        %swap3A_582 = tpu.vector_load %arg8[%swap3A_580, %swap3A_581] {strides = array<i32>} : memref<32x768xf32, #tpu.memory_space<vmem>>, vector<1x16xf32>,
        %swap3A_583 = vector.shape_cast %swap3A_582 : vector<1x16xf32> to vector<16xf32>
        %swap3A_584 = vector.shape_cast %get3A_579 : vector<16xf32> to vector<1x16xf32>
        tpu.vector_store %arg8[%swap3A_580, %swap3A_581], %swap3A_584 {add = true, strides = array<i32>} : memref<32x768xf32, #tpu.memory_space<vmem>>, vector<1x16xf32>,
        %get3A_585 = arith.index_cast %scan3A_181 : i32 to index
        %get3A_586 = arith.constant 720 : index
        %get3A_587 = tpu.vector_load %arg6[%get3A_585, %get3A_586] {strides = array<i32>} : memref<32x768xf32, #tpu.memory_space<vmem>>, vector<1x16xf32>,
        %get3A_588 = vector.shape_cast %get3A_587 : vector<1x16xf32> to vector<16xf32>
        %swap3A_589 = arith.index_cast %scan3A_181 : i32 to index
        %swap3A_590 = arith.constant 720 : index
        %swap3A_591 = tpu.vector_load %arg8[%swap3A_589, %swap3A_590] {strides = array<i32>} : memref<32x768xf32, #tpu.memory_space<vmem>>, vector<1x16xf32>,
        %swap3A_592 = vector.shape_cast %swap3A_591 : vector<1x16xf32> to vector<16xf32>
        %swap3A_593 = vector.shape_cast %get3A_588 : vector<16xf32> to vector<1x16xf32>
        tpu.vector_store %arg8[%swap3A_589, %swap3A_590], %swap3A_593 {add = true, strides = array<i32>} : memref<32x768xf32, #tpu.memory_space<vmem>>, vector<1x16xf32>,
        %get3A_594 = arith.index_cast %scan3A_181 : i32 to index
        %get3A_595 = arith.constant 736 : index
        %get3A_596 = tpu.vector_load %arg6[%get3A_594, %get3A_595] {strides = array<i32>} : memref<32x768xf32, #tpu.memory_space<vmem>>, vector<1x16xf32>,
        %get3A_597 = vector.shape_cast %get3A_596 : vector<1x16xf32> to vector<16xf32>
        %swap3A_598 = arith.index_cast %scan3A_181 : i32 to index
        %swap3A_599 = arith.constant 736 : index
        %swap3A_600 = tpu.vector_load %arg8[%swap3A_598, %swap3A_599] {strides = array<i32>} : memref<32x768xf32, #tpu.memory_space<vmem>>, vector<1x16xf32>,
        %swap3A_601 = vector.shape_cast %swap3A_600 : vector<1x16xf32> to vector<16xf32>
        %swap3A_602 = vector.shape_cast %get3A_597 : vector<16xf32> to vector<1x16xf32>
        tpu.vector_store %arg8[%swap3A_598, %swap3A_599], %swap3A_602 {add = true, strides = array<i32>} : memref<32x768xf32, #tpu.memory_space<vmem>>, vector<1x16xf32>,
        %get3A_603 = arith.index_cast %scan3A_181 : i32 to index
        %get3A_604 = arith.constant 752 : index
        %get3A_605 = tpu.vector_load %arg6[%get3A_603, %get3A_604] {strides = array<i32>} : memref<32x768xf32, #tpu.memory_space<vmem>>, vector<1x16xf32>,
        %get3A_606 = vector.shape_cast %get3A_605 : vector<1x16xf32> to vector<16xf32>
        %swap3A_607 = arith.index_cast %scan3A_181 : i32 to index
        %swap3A_608 = arith.constant 752 : index
        %swap3A_609 = tpu.vector_load %arg8[%swap3A_607, %swap3A_608] {strides = array<i32>} : memref<32x768xf32, #tpu.memory_space<vmem>>, vector<1x16xf32>,
        %swap3A_610 = vector.shape_cast %swap3A_609 : vector<1x16xf32> to vector<16xf32>
        %swap3A_611 = vector.shape_cast %get3A_606 : vector<16xf32> to vector<1x16xf32>
        tpu.vector_store %arg8[%swap3A_607, %swap3A_608], %swap3A_611 {add = true, strides = array<i32>} : memref<32x768xf32, #tpu.memory_space<vmem>>, vector<1x16xf32>,
        %scan3A_612 = arith.constant 1 : i32
        %scan3A_613 = arith.addi %scan3A_181, %scan3A_612 : i32
        %get3A_614 = arith.index_cast %scan3A_613 : i32 to index
        %get3A_615 = arith.constant 0 : index
        %get3A_616 = tpu.vector_load %arg6[%get3A_614, %get3A_615] {strides = array<i32>} : memref<32x768xf32, #tpu.memory_space<vmem>>, vector<1x16xf32>,
        %get3A_617 = vector.shape_cast %get3A_616 : vector<1x16xf32> to vector<16xf32>
        %swap3A_618 = arith.index_cast %scan3A_613 : i32 to index
        %swap3A_619 = arith.constant 0 : index
        %swap3A_620 = tpu.vector_load %arg8[%swap3A_618, %swap3A_619] {strides = array<i32>} : memref<32x768xf32, #tpu.memory_space<vmem>>, vector<1x16xf32>,
        %swap3A_621 = vector.shape_cast %swap3A_620 : vector<1x16xf32> to vector<16xf32>
        %swap3A_622 = vector.shape_cast %get3A_617 : vector<16xf32> to vector<1x16xf32>
        tpu.vector_store %arg8[%swap3A_618, %swap3A_619], %swap3A_622 {add = true, strides = array<i32>} : memref<32x768xf32, #tpu.memory_space<vmem>>, vector<1x16xf32>,
        %get3A_623 = arith.index_cast %scan3A_613 : i32 to index
        %get3A_624 = arith.constant 16 : index
        %get3A_625 = tpu.vector_load %arg6[%get3A_623, %get3A_624] {strides = array<i32>} : memref<32x768xf32, #tpu.memory_space<vmem>>, vector<1x16xf32>,
        %get3A_626 = vector.shape_cast %get3A_625 : vector<1x16xf32> to vector<16xf32>
        %swap3A_627 = arith.index_cast %scan3A_613 : i32 to index
        %swap3A_628 = arith.constant 16 : index
        %swap3A_629 = tpu.vector_load %arg8[%swap3A_627, %swap3A_628] {strides = array<i32>} : memref<32x768xf32, #tpu.memory_space<vmem>>, vector<1x16xf32>,
        %swap3A_630 = vector.shape_cast %swap3A_629 : vector<1x16xf32> to vector<16xf32>
        %swap3A_631 = vector.shape_cast %get3A_626 : vector<16xf32> to vector<1x16xf32>
        tpu.vector_store %arg8[%swap3A_627, %swap3A_628], %swap3A_631 {add = true, strides = array<i32>} : memref<32x768xf32, #tpu.memory_space<vmem>>, vector<1x16xf32>,
        %get3A_632 = arith.index_cast %scan3A_613 : i32 to index
        %get3A_633 = arith.constant 32 : index
        %get3A_634 = tpu.vector_load %arg6[%get3A_632, %get3A_633] {strides = array<i32>} : memref<32x768xf32, #tpu.memory_space<vmem>>, vector<1x16xf32>,
        %get3A_635 = vector.shape_cast %get3A_634 : vector<1x16xf32> to vector<16xf32>
        %swap3A_636 = arith.index_cast %scan3A_613 : i32 to index
        %swap3A_637 = arith.constant 32 : index
        %swap3A_638 = tpu.vector_load %arg8[%swap3A_636, %swap3A_637] {strides = array<i32>} : memref<32x768xf32, #tpu.memory_space<vmem>>, vector<1x16xf32>,
        %swap3A_639 = vector.shape_cast %swap3A_638 : vector<1x16xf32> to vector<16xf32>
        %swap3A_640 = vector.shape_cast %get3A_635 : vector<16xf32> to vector<1x16xf32>
        tpu.vector_store %arg8[%swap3A_636, %swap3A_637], %swap3A_640 {add = true, strides = array<i32>} : memref<32x768xf32, #tpu.memory_space<vmem>>, vector<1x16xf32>,
        %get3A_641 = arith.index_cast %scan3A_613 : i32 to index
        %get3A_642 = arith.constant 48 : index
        %get3A_643 = tpu.vector_load %arg6[%get3A_641, %get3A_642] {strides = array<i32>} : memref<32x768xf32, #tpu.memory_space<vmem>>, vector<1x16xf32>,
        %get3A_644 = vector.shape_cast %get3A_643 : vector<1x16xf32> to vector<16xf32>
        %swap3A_645 = arith.index_cast %scan3A_613 : i32 to index
        %swap3A_646 = arith.constant 48 : index
        %swap3A_647 = tpu.vector_load %arg8[%swap3A_645, %swap3A_646] {strides = array<i32>} : memref<32x768xf32, #tpu.memory_space<vmem>>, vector<1x16xf32>,
        %swap3A_648 = vector.shape_cast %swap3A_647 : vector<1x16xf32> to vector<16xf32>
        %swap3A_649 = vector.shape_cast %get3A_644 : vector<16xf32> to vector<1x16xf32>
        tpu.vector_store %arg8[%swap3A_645, %swap3A_646], %swap3A_649 {add = true, strides = array<i32>} : memref<32x768xf32, #tpu.memory_space<vmem>>, vector<1x16xf32>,
        %get3A_650 = arith.index_cast %scan3A_613 : i32 to index
        %get3A_651 = arith.constant 64 : index
        %get3A_652 = tpu.vector_load %arg6[%get3A_650, %get3A_651] {strides = array<i32>} : memref<32x768xf32, #tpu.memory_space<vmem>>, vector<1x16xf32>,
        %get3A_653 = vector.shape_cast %get3A_652 : vector<1x16xf32> to vector<16xf32>
        %swap3A_654 = arith.index_cast %scan3A_613 : i32 to index
        %swap3A_655 = arith.constant 64 : index
        %swap3A_656 = tpu.vector_load %arg8[%swap3A_654, %swap3A_655] {strides = array<i32>} : memref<32x768xf32, #tpu.memory_space<vmem>>, vector<1x16xf32>,
        %swap3A_657 = vector.shape_cast %swap3A_656 : vector<1x16xf32> to vector<16xf32>
        %swap3A_658 = vector.shape_cast %get3A_653 : vector<16xf32> to vector<1x16xf32>
        tpu.vector_store %arg8[%swap3A_654, %swap3A_655], %swap3A_658 {add = true, strides = array<i32>} : memref<32x768xf32, #tpu.memory_space<vmem>>, vector<1x16xf32>,
        %get3A_659 = arith.index_cast %scan3A_613 : i32 to index
        %get3A_660 = arith.constant 80 : index
        %get3A_661 = tpu.vector_load %arg6[%get3A_659, %get3A_660] {strides = array<i32>} : memref<32x768xf32, #tpu.memory_space<vmem>>, vector<1x16xf32>,
        %get3A_662 = vector.shape_cast %get3A_661 : vector<1x16xf32> to vector<16xf32>
        %swap3A_663 = arith.index_cast %scan3A_613 : i32 to index
        %swap3A_664 = arith.constant 80 : index
        %swap3A_665 = tpu.vector_load %arg8[%swap3A_663, %swap3A_664] {strides = array<i32>} : memref<32x768xf32, #tpu.memory_space<vmem>>, vector<1x16xf32>,
        %swap3A_666 = vector.shape_cast %swap3A_665 : vector<1x16xf32> to vector<16xf32>
        %swap3A_667 = vector.shape_cast %get3A_662 : vector<16xf32> to vector<1x16xf32>
        tpu.vector_store %arg8[%swap3A_663, %swap3A_664], %swap3A_667 {add = true, strides = array<i32>} : memref<32x768xf32, #tpu.memory_space<vmem>>, vector<1x16xf32>,
        %get3A_668 = arith.index_cast %scan3A_613 : i32 to index
        %get3A_669 = arith.constant 96 : index
        %get3A_670 = tpu.vector_load %arg6[%get3A_668, %get3A_669] {strides = array<i32>} : memref<32x768xf32, #tpu.memory_space<vmem>>, vector<1x16xf32>,
        %get3A_671 = vector.shape_cast %get3A_670 : vector<1x16xf32> to vector<16xf32>
        %swap3A_672 = arith.index_cast %scan3A_613 : i32 to index
        %swap3A_673 = arith.constant 96 : index
        %swap3A_674 = tpu.vector_load %arg8[%swap3A_672, %swap3A_673] {strides = array<i32>} : memref<32x768xf32, #tpu.memory_space<vmem>>, vector<1x16xf32>,
        %swap3A_675 = vector.shape_cast %swap3A_674 : vector<1x16xf32> to vector<16xf32>
        %swap3A_676 = vector.shape_cast %get3A_671 : vector<16xf32> to vector<1x16xf32>
        tpu.vector_store %arg8[%swap3A_672, %swap3A_673], %swap3A_676 {add = true, strides = array<i32>} : memref<32x768xf32, #tpu.memory_space<vmem>>, vector<1x16xf32>,
        %get3A_677 = arith.index_cast %scan3A_613 : i32 to index
        %get3A_678 = arith.constant 112 : index
        %get3A_679 = tpu.vector_load %arg6[%get3A_677, %get3A_678] {strides = array<i32>} : memref<32x768xf32, #tpu.memory_space<vmem>>, vector<1x16xf32>,
        %get3A_680 = vector.shape_cast %get3A_679 : vector<1x16xf32> to vector<16xf32>
        %swap3A_681 = arith.index_cast %scan3A_613 : i32 to index
        %swap3A_682 = arith.constant 112 : index
        %swap3A_683 = tpu.vector_load %arg8[%swap3A_681, %swap3A_682] {strides = array<i32>} : memref<32x768xf32, #tpu.memory_space<vmem>>, vector<1x16xf32>,
        %swap3A_684 = vector.shape_cast %swap3A_683 : vector<1x16xf32> to vector<16xf32>
        %swap3A_685 = vector.shape_cast %get3A_680 : vector<16xf32> to vector<1x16xf32>
        tpu.vector_store %arg8[%swap3A_681, %swap3A_682], %swap3A_685 {add = true, strides = array<i32>} : memref<32x768xf32, #tpu.memory_space<vmem>>, vector<1x16xf32>,
        %get3A_686 = arith.index_cast %scan3A_613 : i32 to index
        %get3A_687 = arith.constant 128 : index
        %get3A_688 = tpu.vector_load %arg6[%get3A_686, %get3A_687] {strides = array<i32>} : memref<32x768xf32, #tpu.memory_space<vmem>>, vector<1x16xf32>,
        %get3A_689 = vector.shape_cast %get3A_688 : vector<1x16xf32> to vector<16xf32>
        %swap3A_690 = arith.index_cast %scan3A_613 : i32 to index
        %swap3A_691 = arith.constant 128 : index
        %swap3A_692 = tpu.vector_load %arg8[%swap3A_690, %swap3A_691] {strides = array<i32>} : memref<32x768xf32, #tpu.memory_space<vmem>>, vector<1x16xf32>,
        %swap3A_693 = vector.shape_cast %swap3A_692 : vector<1x16xf32> to vector<16xf32>
        %swap3A_694 = vector.shape_cast %get3A_689 : vector<16xf32> to vector<1x16xf32>
        tpu.vector_store %arg8[%swap3A_690, %swap3A_691], %swap3A_694 {add = true, strides = array<i32>} : memref<32x768xf32, #tpu.memory_space<vmem>>, vector<1x16xf32>,
        %get3A_695 = arith.index_cast %scan3A_613 : i32 to index
        %get3A_696 = arith.constant 144 : index
        %get3A_697 = tpu.vector_load %arg6[%get3A_695, %get3A_696] {strides = array<i32>} : memref<32x768xf32, #tpu.memory_space<vmem>>, vector<1x16xf32>,
        %get3A_698 = vector.shape_cast %get3A_697 : vector<1x16xf32> to vector<16xf32>
        %swap3A_699 = arith.index_cast %scan3A_613 : i32 to index
        %swap3A_700 = arith.constant 144 : index
        %swap3A_701 = tpu.vector_load %arg8[%swap3A_699, %swap3A_700] {strides = array<i32>} : memref<32x768xf32, #tpu.memory_space<vmem>>, vector<1x16xf32>,
        %swap3A_702 = vector.shape_cast %swap3A_701 : vector<1x16xf32> to vector<16xf32>
        %swap3A_703 = vector.shape_cast %get3A_698 : vector<16xf32> to vector<1x16xf32>
        tpu.vector_store %arg8[%swap3A_699, %swap3A_700], %swap3A_703 {add = true, strides = array<i32>} : memref<32x768xf32, #tpu.memory_space<vmem>>, vector<1x16xf32>,
        %get3A_704 = arith.index_cast %scan3A_613 : i32 to index
        %get3A_705 = arith.constant 160 : index
        %get3A_706 = tpu.vector_load %arg6[%get3A_704, %get3A_705] {strides = array<i32>} : memref<32x768xf32, #tpu.memory_space<vmem>>, vector<1x16xf32>,
        %get3A_707 = vector.shape_cast %get3A_706 : vector<1x16xf32> to vector<16xf32>
        %swap3A_708 = arith.index_cast %scan3A_613 : i32 to index
        %swap3A_709 = arith.constant 160 : index
        %swap3A_710 = tpu.vector_load %arg8[%swap3A_708, %swap3A_709] {strides = array<i32>} : memref<32x768xf32, #tpu.memory_space<vmem>>, vector<1x16xf32>,
        %swap3A_711 = vector.shape_cast %swap3A_710 : vector<1x16xf32> to vector<16xf32>
        %swap3A_712 = vector.shape_cast %get3A_707 : vector<16xf32> to vector<1x16xf32>
        tpu.vector_store %arg8[%swap3A_708, %swap3A_709], %swap3A_712 {add = true, strides = array<i32>} : memref<32x768xf32, #tpu.memory_space<vmem>>, vector<1x16xf32>,
        %get3A_713 = arith.index_cast %scan3A_613 : i32 to index
        %get3A_714 = arith.constant 176 : index
        %get3A_715 = tpu.vector_load %arg6[%get3A_713, %get3A_714] {strides = array<i32>} : memref<32x768xf32, #tpu.memory_space<vmem>>, vector<1x16xf32>,
        %get3A_716 = vector.shape_cast %get3A_715 : vector<1x16xf32> to vector<16xf32>
        %swap3A_717 = arith.index_cast %scan3A_613 : i32 to index
        %swap3A_718 = arith.constant 176 : index
        %swap3A_719 = tpu.vector_load %arg8[%swap3A_717, %swap3A_718] {strides = array<i32>} : memref<32x768xf32, #tpu.memory_space<vmem>>, vector<1x16xf32>,
        %swap3A_720 = vector.shape_cast %swap3A_719 : vector<1x16xf32> to vector<16xf32>
        %swap3A_721 = vector.shape_cast %get3A_716 : vector<16xf32> to vector<1x16xf32>
        tpu.vector_store %arg8[%swap3A_717, %swap3A_718], %swap3A_721 {add = true, strides = array<i32>} : memref<32x768xf32, #tpu.memory_space<vmem>>, vector<1x16xf32>,
        %get3A_722 = arith.index_cast %scan3A_613 : i32 to index
        %get3A_723 = arith.constant 192 : index
        %get3A_724 = tpu.vector_load %arg6[%get3A_722, %get3A_723] {strides = array<i32>} : memref<32x768xf32, #tpu.memory_space<vmem>>, vector<1x16xf32>,
        %get3A_725 = vector.shape_cast %get3A_724 : vector<1x16xf32> to vector<16xf32>
        %swap3A_726 = arith.index_cast %scan3A_613 : i32 to index
        %swap3A_727 = arith.constant 192 : index
        %swap3A_728 = tpu.vector_load %arg8[%swap3A_726, %swap3A_727] {strides = array<i32>} : memref<32x768xf32, #tpu.memory_space<vmem>>, vector<1x16xf32>,
        %swap3A_729 = vector.shape_cast %swap3A_728 : vector<1x16xf32> to vector<16xf32>
        %swap3A_730 = vector.shape_cast %get3A_725 : vector<16xf32> to vector<1x16xf32>
        tpu.vector_store %arg8[%swap3A_726, %swap3A_727], %swap3A_730 {add = true, strides = array<i32>} : memref<32x768xf32, #tpu.memory_space<vmem>>, vector<1x16xf32>,
        %get3A_731 = arith.index_cast %scan3A_613 : i32 to index
        %get3A_732 = arith.constant 208 : index
        %get3A_733 = tpu.vector_load %arg6[%get3A_731, %get3A_732] {strides = array<i32>} : memref<32x768xf32, #tpu.memory_space<vmem>>, vector<1x16xf32>,
        %get3A_734 = vector.shape_cast %get3A_733 : vector<1x16xf32> to vector<16xf32>
        %swap3A_735 = arith.index_cast %scan3A_613 : i32 to index
        %swap3A_736 = arith.constant 208 : index
        %swap3A_737 = tpu.vector_load %arg8[%swap3A_735, %swap3A_736] {strides = array<i32>} : memref<32x768xf32, #tpu.memory_space<vmem>>, vector<1x16xf32>,
        %swap3A_738 = vector.shape_cast %swap3A_737 : vector<1x16xf32> to vector<16xf32>
        %swap3A_739 = vector.shape_cast %get3A_734 : vector<16xf32> to vector<1x16xf32>
        tpu.vector_store %arg8[%swap3A_735, %swap3A_736], %swap3A_739 {add = true, strides = array<i32>} : memref<32x768xf32, #tpu.memory_space<vmem>>, vector<1x16xf32>,
        %get3A_740 = arith.index_cast %scan3A_613 : i32 to index
        %get3A_741 = arith.constant 224 : index
        %get3A_742 = tpu.vector_load %arg6[%get3A_740, %get3A_741] {strides = array<i32>} : memref<32x768xf32, #tpu.memory_space<vmem>>, vector<1x16xf32>,
        %get3A_743 = vector.shape_cast %get3A_742 : vector<1x16xf32> to vector<16xf32>
        %swap3A_744 = arith.index_cast %scan3A_613 : i32 to index
        %swap3A_745 = arith.constant 224 : index
        %swap3A_746 = tpu.vector_load %arg8[%swap3A_744, %swap3A_745] {strides = array<i32>} : memref<32x768xf32, #tpu.memory_space<vmem>>, vector<1x16xf32>,
        %swap3A_747 = vector.shape_cast %swap3A_746 : vector<1x16xf32> to vector<16xf32>
        %swap3A_748 = vector.shape_cast %get3A_743 : vector<16xf32> to vector<1x16xf32>
        tpu.vector_store %arg8[%swap3A_744, %swap3A_745], %swap3A_748 {add = true, strides = array<i32>} : memref<32x768xf32, #tpu.memory_space<vmem>>, vector<1x16xf32>,
        %get3A_749 = arith.index_cast %scan3A_613 : i32 to index
        %get3A_750 = arith.constant 240 : index
        %get3A_751 = tpu.vector_load %arg6[%get3A_749, %get3A_750] {strides = array<i32>} : memref<32x768xf32, #tpu.memory_space<vmem>>, vector<1x16xf32>,
        %get3A_752 = vector.shape_cast %get3A_751 : vector<1x16xf32> to vector<16xf32>
        %swap3A_753 = arith.index_cast %scan3A_613 : i32 to index
        %swap3A_754 = arith.constant 240 : index
        %swap3A_755 = tpu.vector_load %arg8[%swap3A_753, %swap3A_754] {strides = array<i32>} : memref<32x768xf32, #tpu.memory_space<vmem>>, vector<1x16xf32>,
        %swap3A_756 = vector.shape_cast %swap3A_755 : vector<1x16xf32> to vector<16xf32>
        %swap3A_757 = vector.shape_cast %get3A_752 : vector<16xf32> to vector<1x16xf32>
        tpu.vector_store %arg8[%swap3A_753, %swap3A_754], %swap3A_757 {add = true, strides = array<i32>} : memref<32x768xf32, #tpu.memory_space<vmem>>, vector<1x16xf32>,
        %get3A_758 = arith.index_cast %scan3A_613 : i32 to index
        %get3A_759 = arith.constant 256 : index
        %get3A_760 = tpu.vector_load %arg6[%get3A_758, %get3A_759] {strides = array<i32>} : memref<32x768xf32, #tpu.memory_space<vmem>>, vector<1x16xf32>,
        %get3A_761 = vector.shape_cast %get3A_760 : vector<1x16xf32> to vector<16xf32>
        %swap3A_762 = arith.index_cast %scan3A_613 : i32 to index
        %swap3A_763 = arith.constant 256 : index
        %swap3A_764 = tpu.vector_load %arg8[%swap3A_762, %swap3A_763] {strides = array<i32>} : memref<32x768xf32, #tpu.memory_space<vmem>>, vector<1x16xf32>,
        %swap3A_765 = vector.shape_cast %swap3A_764 : vector<1x16xf32> to vector<16xf32>
        %swap3A_766 = vector.shape_cast %get3A_761 : vector<16xf32> to vector<1x16xf32>
        tpu.vector_store %arg8[%swap3A_762, %swap3A_763], %swap3A_766 {add = true, strides = array<i32>} : memref<32x768xf32, #tpu.memory_space<vmem>>, vector<1x16xf32>,
        %get3A_767 = arith.index_cast %scan3A_613 : i32 to index
        %get3A_768 = arith.constant 272 : index
        %get3A_769 = tpu.vector_load %arg6[%get3A_767, %get3A_768] {strides = array<i32>} : memref<32x768xf32, #tpu.memory_space<vmem>>, vector<1x16xf32>,
        %get3A_770 = vector.shape_cast %get3A_769 : vector<1x16xf32> to vector<16xf32>
        %swap3A_771 = arith.index_cast %scan3A_613 : i32 to index
        %swap3A_772 = arith.constant 272 : index
        %swap3A_773 = tpu.vector_load %arg8[%swap3A_771, %swap3A_772] {strides = array<i32>} : memref<32x768xf32, #tpu.memory_space<vmem>>, vector<1x16xf32>,
        %swap3A_774 = vector.shape_cast %swap3A_773 : vector<1x16xf32> to vector<16xf32>
        %swap3A_775 = vector.shape_cast %get3A_770 : vector<16xf32> to vector<1x16xf32>
        tpu.vector_store %arg8[%swap3A_771, %swap3A_772], %swap3A_775 {add = true, strides = array<i32>} : memref<32x768xf32, #tpu.memory_space<vmem>>, vector<1x16xf32>,
        %get3A_776 = arith.index_cast %scan3A_613 : i32 to index
        %get3A_777 = arith.constant 288 : index
        %get3A_778 = tpu.vector_load %arg6[%get3A_776, %get3A_777] {strides = array<i32>} : memref<32x768xf32, #tpu.memory_space<vmem>>, vector<1x16xf32>,
        %get3A_779 = vector.shape_cast %get3A_778 : vector<1x16xf32> to vector<16xf32>
        %swap3A_780 = arith.index_cast %scan3A_613 : i32 to index
        %swap3A_781 = arith.constant 288 : index
        %swap3A_782 = tpu.vector_load %arg8[%swap3A_780, %swap3A_781] {strides = array<i32>} : memref<32x768xf32, #tpu.memory_space<vmem>>, vector<1x16xf32>,
        %swap3A_783 = vector.shape_cast %swap3A_782 : vector<1x16xf32> to vector<16xf32>
        %swap3A_784 = vector.shape_cast %get3A_779 : vector<16xf32> to vector<1x16xf32>
        tpu.vector_store %arg8[%swap3A_780, %swap3A_781], %swap3A_784 {add = true, strides = array<i32>} : memref<32x768xf32, #tpu.memory_space<vmem>>, vector<1x16xf32>,
        %get3A_785 = arith.index_cast %scan3A_613 : i32 to index
        %get3A_786 = arith.constant 304 : index
        %get3A_787 = tpu.vector_load %arg6[%get3A_785, %get3A_786] {strides = array<i32>} : memref<32x768xf32, #tpu.memory_space<vmem>>, vector<1x16xf32>,
        %get3A_788 = vector.shape_cast %get3A_787 : vector<1x16xf32> to vector<16xf32>
        %swap3A_789 = arith.index_cast %scan3A_613 : i32 to index
        %swap3A_790 = arith.constant 304 : index
        %swap3A_791 = tpu.vector_load %arg8[%swap3A_789, %swap3A_790] {strides = array<i32>} : memref<32x768xf32, #tpu.memory_space<vmem>>, vector<1x16xf32>,
        %swap3A_792 = vector.shape_cast %swap3A_791 : vector<1x16xf32> to vector<16xf32>
        %swap3A_793 = vector.shape_cast %get3A_788 : vector<16xf32> to vector<1x16xf32>
        tpu.vector_store %arg8[%swap3A_789, %swap3A_790], %swap3A_793 {add = true, strides = array<i32>} : memref<32x768xf32, #tpu.memory_space<vmem>>, vector<1x16xf32>,
        %get3A_794 = arith.index_cast %scan3A_613 : i32 to index
        %get3A_795 = arith.constant 320 : index
        %get3A_796 = tpu.vector_load %arg6[%get3A_794, %get3A_795] {strides = array<i32>} : memref<32x768xf32, #tpu.memory_space<vmem>>, vector<1x16xf32>,
        %get3A_797 = vector.shape_cast %get3A_796 : vector<1x16xf32> to vector<16xf32>
        %swap3A_798 = arith.index_cast %scan3A_613 : i32 to index
        %swap3A_799 = arith.constant 320 : index
        %swap3A_800 = tpu.vector_load %arg8[%swap3A_798, %swap3A_799] {strides = array<i32>} : memref<32x768xf32, #tpu.memory_space<vmem>>, vector<1x16xf32>,
        %swap3A_801 = vector.shape_cast %swap3A_800 : vector<1x16xf32> to vector<16xf32>
        %swap3A_802 = vector.shape_cast %get3A_797 : vector<16xf32> to vector<1x16xf32>
        tpu.vector_store %arg8[%swap3A_798, %swap3A_799], %swap3A_802 {add = true, strides = array<i32>} : memref<32x768xf32, #tpu.memory_space<vmem>>, vector<1x16xf32>,
        %get3A_803 = arith.index_cast %scan3A_613 : i32 to index
        %get3A_804 = arith.constant 336 : index
        %get3A_805 = tpu.vector_load %arg6[%get3A_803, %get3A_804] {strides = array<i32>} : memref<32x768xf32, #tpu.memory_space<vmem>>, vector<1x16xf32>,
        %get3A_806 = vector.shape_cast %get3A_805 : vector<1x16xf32> to vector<16xf32>
        %swap3A_807 = arith.index_cast %scan3A_613 : i32 to index
        %swap3A_808 = arith.constant 336 : index
        %swap3A_809 = tpu.vector_load %arg8[%swap3A_807, %swap3A_808] {strides = array<i32>} : memref<32x768xf32, #tpu.memory_space<vmem>>, vector<1x16xf32>,
        %swap3A_810 = vector.shape_cast %swap3A_809 : vector<1x16xf32> to vector<16xf32>
        %swap3A_811 = vector.shape_cast %get3A_806 : vector<16xf32> to vector<1x16xf32>
        tpu.vector_store %arg8[%swap3A_807, %swap3A_808], %swap3A_811 {add = true, strides = array<i32>} : memref<32x768xf32, #tpu.memory_space<vmem>>, vector<1x16xf32>,
        %get3A_812 = arith.index_cast %scan3A_613 : i32 to index
        %get3A_813 = arith.constant 352 : index
        %get3A_814 = tpu.vector_load %arg6[%get3A_812, %get3A_813] {strides = array<i32>} : memref<32x768xf32, #tpu.memory_space<vmem>>, vector<1x16xf32>,
        %get3A_815 = vector.shape_cast %get3A_814 : vector<1x16xf32> to vector<16xf32>
        %swap3A_816 = arith.index_cast %scan3A_613 : i32 to index
        %swap3A_817 = arith.constant 352 : index
        %swap3A_818 = tpu.vector_load %arg8[%swap3A_816, %swap3A_817] {strides = array<i32>} : memref<32x768xf32, #tpu.memory_space<vmem>>, vector<1x16xf32>,
        %swap3A_819 = vector.shape_cast %swap3A_818 : vector<1x16xf32> to vector<16xf32>
        %swap3A_820 = vector.shape_cast %get3A_815 : vector<16xf32> to vector<1x16xf32>
        tpu.vector_store %arg8[%swap3A_816, %swap3A_817], %swap3A_820 {add = true, strides = array<i32>} : memref<32x768xf32, #tpu.memory_space<vmem>>, vector<1x16xf32>,
        %get3A_821 = arith.index_cast %scan3A_613 : i32 to index
        %get3A_822 = arith.constant 368 : index
        %get3A_823 = tpu.vector_load %arg6[%get3A_821, %get3A_822] {strides = array<i32>} : memref<32x768xf32, #tpu.memory_space<vmem>>, vector<1x16xf32>,
        %get3A_824 = vector.shape_cast %get3A_823 : vector<1x16xf32> to vector<16xf32>
        %swap3A_825 = arith.index_cast %scan3A_613 : i32 to index
        %swap3A_826 = arith.constant 368 : index
        %swap3A_827 = tpu.vector_load %arg8[%swap3A_825, %swap3A_826] {strides = array<i32>} : memref<32x768xf32, #tpu.memory_space<vmem>>, vector<1x16xf32>,
        %swap3A_828 = vector.shape_cast %swap3A_827 : vector<1x16xf32> to vector<16xf32>
        %swap3A_829 = vector.shape_cast %get3A_824 : vector<16xf32> to vector<1x16xf32>
        tpu.vector_store %arg8[%swap3A_825, %swap3A_826], %swap3A_829 {add = true, strides = array<i32>} : memref<32x768xf32, #tpu.memory_space<vmem>>, vector<1x16xf32>,
        %get3A_830 = arith.index_cast %scan3A_613 : i32 to index
        %get3A_831 = arith.constant 384 : index
        %get3A_832 = tpu.vector_load %arg6[%get3A_830, %get3A_831] {strides = array<i32>} : memref<32x768xf32, #tpu.memory_space<vmem>>, vector<1x16xf32>,
        %get3A_833 = vector.shape_cast %get3A_832 : vector<1x16xf32> to vector<16xf32>
        %swap3A_834 = arith.index_cast %scan3A_613 : i32 to index
        %swap3A_835 = arith.constant 384 : index
        %swap3A_836 = tpu.vector_load %arg8[%swap3A_834, %swap3A_835] {strides = array<i32>} : memref<32x768xf32, #tpu.memory_space<vmem>>, vector<1x16xf32>,
        %swap3A_837 = vector.shape_cast %swap3A_836 : vector<1x16xf32> to vector<16xf32>
        %swap3A_838 = vector.shape_cast %get3A_833 : vector<16xf32> to vector<1x16xf32>
        tpu.vector_store %arg8[%swap3A_834, %swap3A_835], %swap3A_838 {add = true, strides = array<i32>} : memref<32x768xf32, #tpu.memory_space<vmem>>, vector<1x16xf32>,
        %get3A_839 = arith.index_cast %scan3A_613 : i32 to index
        %get3A_840 = arith.constant 400 : index
        %get3A_841 = tpu.vector_load %arg6[%get3A_839, %get3A_840] {strides = array<i32>} : memref<32x768xf32, #tpu.memory_space<vmem>>, vector<1x16xf32>,
        %get3A_842 = vector.shape_cast %get3A_841 : vector<1x16xf32> to vector<16xf32>
        %swap3A_843 = arith.index_cast %scan3A_613 : i32 to index
        %swap3A_844 = arith.constant 400 : index
        %swap3A_845 = tpu.vector_load %arg8[%swap3A_843, %swap3A_844] {strides = array<i32>} : memref<32x768xf32, #tpu.memory_space<vmem>>, vector<1x16xf32>,
        %swap3A_846 = vector.shape_cast %swap3A_845 : vector<1x16xf32> to vector<16xf32>
        %swap3A_847 = vector.shape_cast %get3A_842 : vector<16xf32> to vector<1x16xf32>
        tpu.vector_store %arg8[%swap3A_843, %swap3A_844], %swap3A_847 {add = true, strides = array<i32>} : memref<32x768xf32, #tpu.memory_space<vmem>>, vector<1x16xf32>,
        %get3A_848 = arith.index_cast %scan3A_613 : i32 to index
        %get3A_849 = arith.constant 416 : index
        %get3A_850 = tpu.vector_load %arg6[%get3A_848, %get3A_849] {strides = array<i32>} : memref<32x768xf32, #tpu.memory_space<vmem>>, vector<1x16xf32>,
        %get3A_851 = vector.shape_cast %get3A_850 : vector<1x16xf32> to vector<16xf32>
        %swap3A_852 = arith.index_cast %scan3A_613 : i32 to index
        %swap3A_853 = arith.constant 416 : index
        %swap3A_854 = tpu.vector_load %arg8[%swap3A_852, %swap3A_853] {strides = array<i32>} : memref<32x768xf32, #tpu.memory_space<vmem>>, vector<1x16xf32>,
        %swap3A_855 = vector.shape_cast %swap3A_854 : vector<1x16xf32> to vector<16xf32>
        %swap3A_856 = vector.shape_cast %get3A_851 : vector<16xf32> to vector<1x16xf32>
        tpu.vector_store %arg8[%swap3A_852, %swap3A_853], %swap3A_856 {add = true, strides = array<i32>} : memref<32x768xf32, #tpu.memory_space<vmem>>, vector<1x16xf32>,
        %get3A_857 = arith.index_cast %scan3A_613 : i32 to index
        %get3A_858 = arith.constant 432 : index
        %get3A_859 = tpu.vector_load %arg6[%get3A_857, %get3A_858] {strides = array<i32>} : memref<32x768xf32, #tpu.memory_space<vmem>>, vector<1x16xf32>,
        %get3A_860 = vector.shape_cast %get3A_859 : vector<1x16xf32> to vector<16xf32>
        %swap3A_861 = arith.index_cast %scan3A_613 : i32 to index
        %swap3A_862 = arith.constant 432 : index
        %swap3A_863 = tpu.vector_load %arg8[%swap3A_861, %swap3A_862] {strides = array<i32>} : memref<32x768xf32, #tpu.memory_space<vmem>>, vector<1x16xf32>,
        %swap3A_864 = vector.shape_cast %swap3A_863 : vector<1x16xf32> to vector<16xf32>
        %swap3A_865 = vector.shape_cast %get3A_860 : vector<16xf32> to vector<1x16xf32>
        tpu.vector_store %arg8[%swap3A_861, %swap3A_862], %swap3A_865 {add = true, strides = array<i32>} : memref<32x768xf32, #tpu.memory_space<vmem>>, vector<1x16xf32>,
        %get3A_866 = arith.index_cast %scan3A_613 : i32 to index
        %get3A_867 = arith.constant 448 : index
        %get3A_868 = tpu.vector_load %arg6[%get3A_866, %get3A_867] {strides = array<i32>} : memref<32x768xf32, #tpu.memory_space<vmem>>, vector<1x16xf32>,
        %get3A_869 = vector.shape_cast %get3A_868 : vector<1x16xf32> to vector<16xf32>
        %swap3A_870 = arith.index_cast %scan3A_613 : i32 to index
        %swap3A_871 = arith.constant 448 : index
        %swap3A_872 = tpu.vector_load %arg8[%swap3A_870, %swap3A_871] {strides = array<i32>} : memref<32x768xf32, #tpu.memory_space<vmem>>, vector<1x16xf32>,
        %swap3A_873 = vector.shape_cast %swap3A_872 : vector<1x16xf32> to vector<16xf32>
        %swap3A_874 = vector.shape_cast %get3A_869 : vector<16xf32> to vector<1x16xf32>
        tpu.vector_store %arg8[%swap3A_870, %swap3A_871], %swap3A_874 {add = true, strides = array<i32>} : memref<32x768xf32, #tpu.memory_space<vmem>>, vector<1x16xf32>,
        %get3A_875 = arith.index_cast %scan3A_613 : i32 to index
        %get3A_876 = arith.constant 464 : index
        %get3A_877 = tpu.vector_load %arg6[%get3A_875, %get3A_876] {strides = array<i32>} : memref<32x768xf32, #tpu.memory_space<vmem>>, vector<1x16xf32>,
        %get3A_878 = vector.shape_cast %get3A_877 : vector<1x16xf32> to vector<16xf32>
        %swap3A_879 = arith.index_cast %scan3A_613 : i32 to index
        %swap3A_880 = arith.constant 464 : index
        %swap3A_881 = tpu.vector_load %arg8[%swap3A_879, %swap3A_880] {strides = array<i32>} : memref<32x768xf32, #tpu.memory_space<vmem>>, vector<1x16xf32>,
        %swap3A_882 = vector.shape_cast %swap3A_881 : vector<1x16xf32> to vector<16xf32>
        %swap3A_883 = vector.shape_cast %get3A_878 : vector<16xf32> to vector<1x16xf32>
        tpu.vector_store %arg8[%swap3A_879, %swap3A_880], %swap3A_883 {add = true, strides = array<i32>} : memref<32x768xf32, #tpu.memory_space<vmem>>, vector<1x16xf32>,
        %get3A_884 = arith.index_cast %scan3A_613 : i32 to index
        %get3A_885 = arith.constant 480 : index
        %get3A_886 = tpu.vector_load %arg6[%get3A_884, %get3A_885] {strides = array<i32>} : memref<32x768xf32, #tpu.memory_space<vmem>>, vector<1x16xf32>,
        %get3A_887 = vector.shape_cast %get3A_886 : vector<1x16xf32> to vector<16xf32>
        %swap3A_888 = arith.index_cast %scan3A_613 : i32 to index
        %swap3A_889 = arith.constant 480 : index
        %swap3A_890 = tpu.vector_load %arg8[%swap3A_888, %swap3A_889] {strides = array<i32>} : memref<32x768xf32, #tpu.memory_space<vmem>>, vector<1x16xf32>,
        %swap3A_891 = vector.shape_cast %swap3A_890 : vector<1x16xf32> to vector<16xf32>
        %swap3A_892 = vector.shape_cast %get3A_887 : vector<16xf32> to vector<1x16xf32>
        tpu.vector_store %arg8[%swap3A_888, %swap3A_889], %swap3A_892 {add = true, strides = array<i32>} : memref<32x768xf32, #tpu.memory_space<vmem>>, vector<1x16xf32>,
        %get3A_893 = arith.index_cast %scan3A_613 : i32 to index
        %get3A_894 = arith.constant 496 : index
        %get3A_895 = tpu.vector_load %arg6[%get3A_893, %get3A_894] {strides = array<i32>} : memref<32x768xf32, #tpu.memory_space<vmem>>, vector<1x16xf32>,
        %get3A_896 = vector.shape_cast %get3A_895 : vector<1x16xf32> to vector<16xf32>
        %swap3A_897 = arith.index_cast %scan3A_613 : i32 to index
        %swap3A_898 = arith.constant 496 : index
        %swap3A_899 = tpu.vector_load %arg8[%swap3A_897, %swap3A_898] {strides = array<i32>} : memref<32x768xf32, #tpu.memory_space<vmem>>, vector<1x16xf32>,
        %swap3A_900 = vector.shape_cast %swap3A_899 : vector<1x16xf32> to vector<16xf32>
        %swap3A_901 = vector.shape_cast %get3A_896 : vector<16xf32> to vector<1x16xf32>
        tpu.vector_store %arg8[%swap3A_897, %swap3A_898], %swap3A_901 {add = true, strides = array<i32>} : memref<32x768xf32, #tpu.memory_space<vmem>>, vector<1x16xf32>,
        %get3A_902 = arith.index_cast %scan3A_613 : i32 to index
        %get3A_903 = arith.constant 512 : index
        %get3A_904 = tpu.vector_load %arg6[%get3A_902, %get3A_903] {strides = array<i32>} : memref<32x768xf32, #tpu.memory_space<vmem>>, vector<1x16xf32>,
        %get3A_905 = vector.shape_cast %get3A_904 : vector<1x16xf32> to vector<16xf32>
        %swap3A_906 = arith.index_cast %scan3A_613 : i32 to index
        %swap3A_907 = arith.constant 512 : index
        %swap3A_908 = tpu.vector_load %arg8[%swap3A_906, %swap3A_907] {strides = array<i32>} : memref<32x768xf32, #tpu.memory_space<vmem>>, vector<1x16xf32>,
        %swap3A_909 = vector.shape_cast %swap3A_908 : vector<1x16xf32> to vector<16xf32>
        %swap3A_910 = vector.shape_cast %get3A_905 : vector<16xf32> to vector<1x16xf32>
        tpu.vector_store %arg8[%swap3A_906, %swap3A_907], %swap3A_910 {add = true, strides = array<i32>} : memref<32x768xf32, #tpu.memory_space<vmem>>, vector<1x16xf32>,
        %get3A_911 = arith.index_cast %scan3A_613 : i32 to index
        %get3A_912 = arith.constant 528 : index
        %get3A_913 = tpu.vector_load %arg6[%get3A_911, %get3A_912] {strides = array<i32>} : memref<32x768xf32, #tpu.memory_space<vmem>>, vector<1x16xf32>,
        %get3A_914 = vector.shape_cast %get3A_913 : vector<1x16xf32> to vector<16xf32>
        %swap3A_915 = arith.index_cast %scan3A_613 : i32 to index
        %swap3A_916 = arith.constant 528 : index
        %swap3A_917 = tpu.vector_load %arg8[%swap3A_915, %swap3A_916] {strides = array<i32>} : memref<32x768xf32, #tpu.memory_space<vmem>>, vector<1x16xf32>,
        %swap3A_918 = vector.shape_cast %swap3A_917 : vector<1x16xf32> to vector<16xf32>
        %swap3A_919 = vector.shape_cast %get3A_914 : vector<16xf32> to vector<1x16xf32>
        tpu.vector_store %arg8[%swap3A_915, %swap3A_916], %swap3A_919 {add = true, strides = array<i32>} : memref<32x768xf32, #tpu.memory_space<vmem>>, vector<1x16xf32>,
        %get3A_920 = arith.index_cast %scan3A_613 : i32 to index
        %get3A_921 = arith.constant 544 : index
        %get3A_922 = tpu.vector_load %arg6[%get3A_920, %get3A_921] {strides = array<i32>} : memref<32x768xf32, #tpu.memory_space<vmem>>, vector<1x16xf32>,
        %get3A_923 = vector.shape_cast %get3A_922 : vector<1x16xf32> to vector<16xf32>
        %swap3A_924 = arith.index_cast %scan3A_613 : i32 to index
        %swap3A_925 = arith.constant 544 : index
        %swap3A_926 = tpu.vector_load %arg8[%swap3A_924, %swap3A_925] {strides = array<i32>} : memref<32x768xf32, #tpu.memory_space<vmem>>, vector<1x16xf32>,
        %swap3A_927 = vector.shape_cast %swap3A_926 : vector<1x16xf32> to vector<16xf32>
        %swap3A_928 = vector.shape_cast %get3A_923 : vector<16xf32> to vector<1x16xf32>
        tpu.vector_store %arg8[%swap3A_924, %swap3A_925], %swap3A_928 {add = true, strides = array<i32>} : memref<32x768xf32, #tpu.memory_space<vmem>>, vector<1x16xf32>,
        %get3A_929 = arith.index_cast %scan3A_613 : i32 to index
        %get3A_930 = arith.constant 560 : index
        %get3A_931 = tpu.vector_load %arg6[%get3A_929, %get3A_930] {strides = array<i32>} : memref<32x768xf32, #tpu.memory_space<vmem>>, vector<1x16xf32>,
        %get3A_932 = vector.shape_cast %get3A_931 : vector<1x16xf32> to vector<16xf32>
        %swap3A_933 = arith.index_cast %scan3A_613 : i32 to index
        %swap3A_934 = arith.constant 560 : index
        %swap3A_935 = tpu.vector_load %arg8[%swap3A_933, %swap3A_934] {strides = array<i32>} : memref<32x768xf32, #tpu.memory_space<vmem>>, vector<1x16xf32>,
        %swap3A_936 = vector.shape_cast %swap3A_935 : vector<1x16xf32> to vector<16xf32>
        %swap3A_937 = vector.shape_cast %get3A_932 : vector<16xf32> to vector<1x16xf32>
        tpu.vector_store %arg8[%swap3A_933, %swap3A_934], %swap3A_937 {add = true, strides = array<i32>} : memref<32x768xf32, #tpu.memory_space<vmem>>, vector<1x16xf32>,
        %get3A_938 = arith.index_cast %scan3A_613 : i32 to index
        %get3A_939 = arith.constant 576 : index
        %get3A_940 = tpu.vector_load %arg6[%get3A_938, %get3A_939] {strides = array<i32>} : memref<32x768xf32, #tpu.memory_space<vmem>>, vector<1x16xf32>,
        %get3A_941 = vector.shape_cast %get3A_940 : vector<1x16xf32> to vector<16xf32>
        %swap3A_942 = arith.index_cast %scan3A_613 : i32 to index
        %swap3A_943 = arith.constant 576 : index
        %swap3A_944 = tpu.vector_load %arg8[%swap3A_942, %swap3A_943] {strides = array<i32>} : memref<32x768xf32, #tpu.memory_space<vmem>>, vector<1x16xf32>,
        %swap3A_945 = vector.shape_cast %swap3A_944 : vector<1x16xf32> to vector<16xf32>
        %swap3A_946 = vector.shape_cast %get3A_941 : vector<16xf32> to vector<1x16xf32>
        tpu.vector_store %arg8[%swap3A_942, %swap3A_943], %swap3A_946 {add = true, strides = array<i32>} : memref<32x768xf32, #tpu.memory_space<vmem>>, vector<1x16xf32>,
        %get3A_947 = arith.index_cast %scan3A_613 : i32 to index
        %get3A_948 = arith.constant 592 : index
        %get3A_949 = tpu.vector_load %arg6[%get3A_947, %get3A_948] {strides = array<i32>} : memref<32x768xf32, #tpu.memory_space<vmem>>, vector<1x16xf32>,
        %get3A_950 = vector.shape_cast %get3A_949 : vector<1x16xf32> to vector<16xf32>
        %swap3A_951 = arith.index_cast %scan3A_613 : i32 to index
        %swap3A_952 = arith.constant 592 : index
        %swap3A_953 = tpu.vector_load %arg8[%swap3A_951, %swap3A_952] {strides = array<i32>} : memref<32x768xf32, #tpu.memory_space<vmem>>, vector<1x16xf32>,
        %swap3A_954 = vector.shape_cast %swap3A_953 : vector<1x16xf32> to vector<16xf32>
        %swap3A_955 = vector.shape_cast %get3A_950 : vector<16xf32> to vector<1x16xf32>
        tpu.vector_store %arg8[%swap3A_951, %swap3A_952], %swap3A_955 {add = true, strides = array<i32>} : memref<32x768xf32, #tpu.memory_space<vmem>>, vector<1x16xf32>,
        %get3A_956 = arith.index_cast %scan3A_613 : i32 to index
        %get3A_957 = arith.constant 608 : index
        %get3A_958 = tpu.vector_load %arg6[%get3A_956, %get3A_957] {strides = array<i32>} : memref<32x768xf32, #tpu.memory_space<vmem>>, vector<1x16xf32>,
        %get3A_959 = vector.shape_cast %get3A_958 : vector<1x16xf32> to vector<16xf32>
        %swap3A_960 = arith.index_cast %scan3A_613 : i32 to index
        %swap3A_961 = arith.constant 608 : index
        %swap3A_962 = tpu.vector_load %arg8[%swap3A_960, %swap3A_961] {strides = array<i32>} : memref<32x768xf32, #tpu.memory_space<vmem>>, vector<1x16xf32>,
        %swap3A_963 = vector.shape_cast %swap3A_962 : vector<1x16xf32> to vector<16xf32>
        %swap3A_964 = vector.shape_cast %get3A_959 : vector<16xf32> to vector<1x16xf32>
        tpu.vector_store %arg8[%swap3A_960, %swap3A_961], %swap3A_964 {add = true, strides = array<i32>} : memref<32x768xf32, #tpu.memory_space<vmem>>, vector<1x16xf32>,
        %get3A_965 = arith.index_cast %scan3A_613 : i32 to index
        %get3A_966 = arith.constant 624 : index
        %get3A_967 = tpu.vector_load %arg6[%get3A_965, %get3A_966] {strides = array<i32>} : memref<32x768xf32, #tpu.memory_space<vmem>>, vector<1x16xf32>,
        %get3A_968 = vector.shape_cast %get3A_967 : vector<1x16xf32> to vector<16xf32>
        %swap3A_969 = arith.index_cast %scan3A_613 : i32 to index
        %swap3A_970 = arith.constant 624 : index
        %swap3A_971 = tpu.vector_load %arg8[%swap3A_969, %swap3A_970] {strides = array<i32>} : memref<32x768xf32, #tpu.memory_space<vmem>>, vector<1x16xf32>,
        %swap3A_972 = vector.shape_cast %swap3A_971 : vector<1x16xf32> to vector<16xf32>
        %swap3A_973 = vector.shape_cast %get3A_968 : vector<16xf32> to vector<1x16xf32>
        tpu.vector_store %arg8[%swap3A_969, %swap3A_970], %swap3A_973 {add = true, strides = array<i32>} : memref<32x768xf32, #tpu.memory_space<vmem>>, vector<1x16xf32>,
        %get3A_974 = arith.index_cast %scan3A_613 : i32 to index
        %get3A_975 = arith.constant 640 : index
        %get3A_976 = tpu.vector_load %arg6[%get3A_974, %get3A_975] {strides = array<i32>} : memref<32x768xf32, #tpu.memory_space<vmem>>, vector<1x16xf32>,
        %get3A_977 = vector.shape_cast %get3A_976 : vector<1x16xf32> to vector<16xf32>
        %swap3A_978 = arith.index_cast %scan3A_613 : i32 to index
        %swap3A_979 = arith.constant 640 : index
        %swap3A_980 = tpu.vector_load %arg8[%swap3A_978, %swap3A_979] {strides = array<i32>} : memref<32x768xf32, #tpu.memory_space<vmem>>, vector<1x16xf32>,
        %swap3A_981 = vector.shape_cast %swap3A_980 : vector<1x16xf32> to vector<16xf32>
        %swap3A_982 = vector.shape_cast %get3A_977 : vector<16xf32> to vector<1x16xf32>
        tpu.vector_store %arg8[%swap3A_978, %swap3A_979], %swap3A_982 {add = true, strides = array<i32>} : memref<32x768xf32, #tpu.memory_space<vmem>>, vector<1x16xf32>,
        %get3A_983 = arith.index_cast %scan3A_613 : i32 to index
        %get3A_984 = arith.constant 656 : index
        %get3A_985 = tpu.vector_load %arg6[%get3A_983, %get3A_984] {strides = array<i32>} : memref<32x768xf32, #tpu.memory_space<vmem>>, vector<1x16xf32>,
        %get3A_986 = vector.shape_cast %get3A_985 : vector<1x16xf32> to vector<16xf32>
        %swap3A_987 = arith.index_cast %scan3A_613 : i32 to index
        %swap3A_988 = arith.constant 656 : index
        %swap3A_989 = tpu.vector_load %arg8[%swap3A_987, %swap3A_988] {strides = array<i32>} : memref<32x768xf32, #tpu.memory_space<vmem>>, vector<1x16xf32>,
        %swap3A_990 = vector.shape_cast %swap3A_989 : vector<1x16xf32> to vector<16xf32>
        %swap3A_991 = vector.shape_cast %get3A_986 : vector<16xf32> to vector<1x16xf32>
        tpu.vector_store %arg8[%swap3A_987, %swap3A_988], %swap3A_991 {add = true, strides = array<i32>} : memref<32x768xf32, #tpu.memory_space<vmem>>, vector<1x16xf32>,
        %get3A_992 = arith.index_cast %scan3A_613 : i32 to index
        %get3A_993 = arith.constant 672 : index
        %get3A_994 = tpu.vector_load %arg6[%get3A_992, %get3A_993] {strides = array<i32>} : memref<32x768xf32, #tpu.memory_space<vmem>>, vector<1x16xf32>,
        %get3A_995 = vector.shape_cast %get3A_994 : vector<1x16xf32> to vector<16xf32>
        %swap3A_996 = arith.index_cast %scan3A_613 : i32 to index
        %swap3A_997 = arith.constant 672 : index
        %swap3A_998 = tpu.vector_load %arg8[%swap3A_996, %swap3A_997] {strides = array<i32>} : memref<32x768xf32, #tpu.memory_space<vmem>>, vector<1x16xf32>,
        %swap3A_999 = vector.shape_cast %swap3A_998 : vector<1x16xf32> to vector<16xf32>
        %swap3A_1000 = vector.shape_cast %get3A_995 : vector<16xf32> to vector<1x16xf32>
        tpu.vector_store %arg8[%swap3A_996, %swap3A_997], %swap3A_1000 {add = true, strides = array<i32>} : memref<32x768xf32, #tpu.memory_space<vmem>>, vector<1x16xf32>,
        %get3A_1001 = arith.index_cast %scan3A_613 : i32 to index
        %get3A_1002 = arith.constant 688 : index
        %get3A_1003 = tpu.vector_load %arg6[%get3A_1001, %get3A_1002] {strides = array<i32>} : memref<32x768xf32, #tpu.memory_space<vmem>>, vector<1x16xf32>,
        %get3A_1004 = vector.shape_cast %get3A_1003 : vector<1x16xf32> to vector<16xf32>
        %swap3A_1005 = arith.index_cast %scan3A_613 : i32 to index
        %swap3A_1006 = arith.constant 688 : index
        %swap3A_1007 = tpu.vector_load %arg8[%swap3A_1005, %swap3A_1006] {strides = array<i32>} : memref<32x768xf32, #tpu.memory_space<vmem>>, vector<1x16xf32>,
        %swap3A_1008 = vector.shape_cast %swap3A_1007 : vector<1x16xf32> to vector<16xf32>
        %swap3A_1009 = vector.shape_cast %get3A_1004 : vector<16xf32> to vector<1x16xf32>
        tpu.vector_store %arg8[%swap3A_1005, %swap3A_1006], %swap3A_1009 {add = true, strides = array<i32>} : memref<32x768xf32, #tpu.memory_space<vmem>>, vector<1x16xf32>,
        %get3A_1010 = arith.index_cast %scan3A_613 : i32 to index
        %get3A_1011 = arith.constant 704 : index
        %get3A_1012 = tpu.vector_load %arg6[%get3A_1010, %get3A_1011] {strides = array<i32>} : memref<32x768xf32, #tpu.memory_space<vmem>>, vector<1x16xf32>,
        %get3A_1013 = vector.shape_cast %get3A_1012 : vector<1x16xf32> to vector<16xf32>
        %swap3A_1014 = arith.index_cast %scan3A_613 : i32 to index
        %swap3A_1015 = arith.constant 704 : index
        %swap3A_1016 = tpu.vector_load %arg8[%swap3A_1014, %swap3A_1015] {strides = array<i32>} : memref<32x768xf32, #tpu.memory_space<vmem>>, vector<1x16xf32>,
        %swap3A_1017 = vector.shape_cast %swap3A_1016 : vector<1x16xf32> to vector<16xf32>
        %swap3A_1018 = vector.shape_cast %get3A_1013 : vector<16xf32> to vector<1x16xf32>
        tpu.vector_store %arg8[%swap3A_1014, %swap3A_1015], %swap3A_1018 {add = true, strides = array<i32>} : memref<32x768xf32, #tpu.memory_space<vmem>>, vector<1x16xf32>,
        %get3A_1019 = arith.index_cast %scan3A_613 : i32 to index
        %get3A_1020 = arith.constant 720 : index
        %get3A_1021 = tpu.vector_load %arg6[%get3A_1019, %get3A_1020] {strides = array<i32>} : memref<32x768xf32, #tpu.memory_space<vmem>>, vector<1x16xf32>,
        %get3A_1022 = vector.shape_cast %get3A_1021 : vector<1x16xf32> to vector<16xf32>
        %swap3A_1023 = arith.index_cast %scan3A_613 : i32 to index
        %swap3A_1024 = arith.constant 720 : index
        %swap3A_1025 = tpu.vector_load %arg8[%swap3A_1023, %swap3A_1024] {strides = array<i32>} : memref<32x768xf32, #tpu.memory_space<vmem>>, vector<1x16xf32>,
        %swap3A_1026 = vector.shape_cast %swap3A_1025 : vector<1x16xf32> to vector<16xf32>
        %swap3A_1027 = vector.shape_cast %get3A_1022 : vector<16xf32> to vector<1x16xf32>
        tpu.vector_store %arg8[%swap3A_1023, %swap3A_1024], %swap3A_1027 {add = true, strides = array<i32>} : memref<32x768xf32, #tpu.memory_space<vmem>>, vector<1x16xf32>,
        %get3A_1028 = arith.index_cast %scan3A_613 : i32 to index
        %get3A_1029 = arith.constant 736 : index
        %get3A_1030 = tpu.vector_load %arg6[%get3A_1028, %get3A_1029] {strides = array<i32>} : memref<32x768xf32, #tpu.memory_space<vmem>>, vector<1x16xf32>,
        %get3A_1031 = vector.shape_cast %get3A_1030 : vector<1x16xf32> to vector<16xf32>
        %swap3A_1032 = arith.index_cast %scan3A_613 : i32 to index
        %swap3A_1033 = arith.constant 736 : index
        %swap3A_1034 = tpu.vector_load %arg8[%swap3A_1032, %swap3A_1033] {strides = array<i32>} : memref<32x768xf32, #tpu.memory_space<vmem>>, vector<1x16xf32>,
        %swap3A_1035 = vector.shape_cast %swap3A_1034 : vector<1x16xf32> to vector<16xf32>
        %swap3A_1036 = vector.shape_cast %get3A_1031 : vector<16xf32> to vector<1x16xf32>
        tpu.vector_store %arg8[%swap3A_1032, %swap3A_1033], %swap3A_1036 {add = true, strides = array<i32>} : memref<32x768xf32, #tpu.memory_space<vmem>>, vector<1x16xf32>,
        %get3A_1037 = arith.index_cast %scan3A_613 : i32 to index
        %get3A_1038 = arith.constant 752 : index
        %get3A_1039 = tpu.vector_load %arg6[%get3A_1037, %get3A_1038] {strides = array<i32>} : memref<32x768xf32, #tpu.memory_space<vmem>>, vector<1x16xf32>,
        %get3A_1040 = vector.shape_cast %get3A_1039 : vector<1x16xf32> to vector<16xf32>
        %swap3A_1041 = arith.index_cast %scan3A_613 : i32 to index
        %swap3A_1042 = arith.constant 752 : index
        %swap3A_1043 = tpu.vector_load %arg8[%swap3A_1041, %swap3A_1042] {strides = array<i32>} : memref<32x768xf32, #tpu.memory_space<vmem>>, vector<1x16xf32>,
        %swap3A_1044 = vector.shape_cast %swap3A_1043 : vector<1x16xf32> to vector<16xf32>
        %swap3A_1045 = vector.shape_cast %get3A_1040 : vector<16xf32> to vector<1x16xf32>
        tpu.vector_store %arg8[%swap3A_1041, %swap3A_1042], %swap3A_1045 {add = true, strides = array<i32>} : memref<32x768xf32, #tpu.memory_space<vmem>>, vector<1x16xf32>,
      }
      %scan3A_82 = arith.constant 32 : i32
      %mul3A_83 = arith.constant 1024 : i32
      %mul3A_84 = arith.muli %add3A_60, %mul3A_83 : i32
      %add3A_85 = arith.addi %mul3A_84, %mul3A_2 : i32
      %dma_start3A_86 = arith.constant 0 : i32
      %dma_start3A_87 = tpu.memref_slice %arg5[%add3A_85, %dma_start3A_86] : memref<65536x768xf32, #tpu.memory_space<hbm>> -> memref<32x768xf32, #tpu.memory_space<hbm>>
      %dma_start3A_88 = arith.constant 0 : i32
      %dma_start3A_89 = tpu.memref_slice %arg5[%add3A_85, %dma_start3A_88] : memref<65536x768xf32, #tpu.memory_space<hbm>> -> memref<32x768xf32, #tpu.memory_space<hbm>>
      tpu.enqueue_dma source(%arg8 : memref<32x768xf32, #tpu.memory_space<vmem>>) target(%dma_start3A_89 : memref<32x768xf32, #tpu.memory_space<hbm>>) target_semaphore(%arg18 : memref<!tpu.dma_semaphore, #tpu.memory_space<semaphore_mem>>)
      %mul3A_90 = arith.constant 4 : i32
      %mul3A_91 = arith.muli %mul3A_90, %scan3A_56 : i32
      %add3A_92 = arith.constant 1 : i32
      %add3A_93 = arith.addi %mul3A_91, %add3A_92 : i32
      %gt3A_94 = arith.constant 0 : i32
      %gt3A_95 = arith.cmpi sgt, %scan3A_56, %gt3A_94 : i32
      %convert_element_type3A_96 = arith.extui %gt3A_95 : i1 to i32
      %cond3A_97 = arith.constant 0 : i32
      %cond3A_98 = arith.cmpi ne, %convert_element_type3A_96, %cond3A_97 : i32
      scf.if %cond3A_98 {
        %sub3A = arith.constant 2 : i32
        %sub3A_181 = arith.subi %add3A_93, %sub3A : i32
        %mul3A_182 = arith.constant 1024 : i32
        %mul3A_183 = arith.muli %sub3A_181, %mul3A_182 : i32
        %add3A_184 = arith.addi %mul3A_183, %mul3A_2 : i32
        %dma_wait3A_185 = arith.constant 0 : i32
        %dma_wait3A_186 = tpu.memref_slice %arg5[%add3A_184, %dma_wait3A_185] : memref<65536x768xf32, #tpu.memory_space<hbm>> -> memref<32x768xf32, #tpu.memory_space<hbm>>
        %dma_wait3A_187 = arith.constant 0 : i32
        %dma_wait3A_188 = tpu.memref_slice %arg5[%add3A_184, %dma_wait3A_187] : memref<65536x768xf32, #tpu.memory_space<hbm>> -> memref<32x768xf32, #tpu.memory_space<hbm>>
        tpu.wait_dma2 semaphore(%arg21 : memref<!tpu.dma_semaphore, #tpu.memory_space<semaphore_mem>>) src(%arg11 : memref<32x768xf32, #tpu.memory_space<vmem>>) dst(%dma_wait3A_188 : memref<32x768xf32, #tpu.memory_space<hbm>>)
      } else {
      }
      %add3A_99 = arith.constant 2 : i32
      %add3A_100 = arith.addi %add3A_93, %add3A_99 : i32
      %mul3A_101 = arith.constant 32 : i32
      %mul3A_102 = arith.muli %add3A_100, %mul3A_101 : i32
      %dma_start3A_103 = tpu.memref_slice %arg7[%mul3A_102] : memref<2048xi32, #tpu.memory_space<vmem>> -> memref<32xi32, #tpu.memory_space<vmem>>
      %dma_start3A_104 = arith.constant 0 : i32
      %dma_start3A_105 = arith.constant 0 : i32
      %dma_start3A_106 = tpu.memref_slice %arg3[%dma_start3A_104, %dma_start3A_105] : memref<50257x768xf32, #tpu.memory_space<hbm>> -> memref<50257x768xf32, #tpu.memory_space<hbm>>
      tpu.enqueue_indirect_dma source(%dma_start3A_106 : memref<50257x768xf32, #tpu.memory_space<hbm>>) target(%arg11 : memref<32x768xf32, #tpu.memory_space<vmem>>) offsets(%dma_start3A_103 : memref<32xi32, #tpu.memory_space<vmem>>) semaphore(%arg17 : memref<!tpu.dma_semaphore, #tpu.memory_space<semaphore_mem>>)
      %mul3A_107 = arith.constant 32 : i32
      %mul3A_108 = arith.muli %add3A_93, %mul3A_107 : i32
      %dma_wait3A_109 = tpu.memref_slice %arg7[%mul3A_108] : memref<2048xi32, #tpu.memory_space<vmem>> -> memref<32xi32, #tpu.memory_space<vmem>>
      %dma_wait3A_110 = arith.constant 0 : i32
      %dma_wait3A_111 = arith.constant 0 : i32
      %dma_wait3A_112 = tpu.memref_slice %arg3[%dma_wait3A_110, %dma_wait3A_111] : memref<50257x768xf32, #tpu.memory_space<hbm>> -> memref<50257x768xf32, #tpu.memory_space<hbm>>
      tpu.wait_indirect_dma semaphore(%arg15 : memref<!tpu.dma_semaphore, #tpu.memory_space<semaphore_mem>>) src(%dma_wait3A_112 : memref<50257x768xf32, #tpu.memory_space<hbm>>) dst(%arg9 : memref<32x768xf32, #tpu.memory_space<vmem>>)
      %scan3A_113 = arith.constant 0 : i32
      %scan3A_114 = arith.constant 0 : i32
      %scan3A_115 = arith.constant 32 : i32
      %scan3A_116 = arith.addi %scan3A_114, %scan3A_115 : i32
      %scan3A_117 = arith.constant 2 : i32
      scf.for %scan3A_181 = %scan3A_114 to %scan3A_116 step %scan3A_117  : i32 {
        %get3A = arith.index_cast %scan3A_181 : i32 to index
        %get3A_182 = arith.constant 0 : index
        %get3A_183 = tpu.vector_load %arg6[%get3A, %get3A_182] {strides = array<i32>} : memref<32x768xf32, #tpu.memory_space<vmem>>, vector<1x16xf32>,
        %get3A_184 = vector.shape_cast %get3A_183 : vector<1x16xf32> to vector<16xf32>
        %swap3A = arith.index_cast %scan3A_181 : i32 to index
        %swap3A_185 = arith.constant 0 : index
        %swap3A_186 = tpu.vector_load %arg9[%swap3A, %swap3A_185] {strides = array<i32>} : memref<32x768xf32, #tpu.memory_space<vmem>>, vector<1x16xf32>,
        %swap3A_187 = vector.shape_cast %swap3A_186 : vector<1x16xf32> to vector<16xf32>
        %swap3A_188 = vector.shape_cast %get3A_184 : vector<16xf32> to vector<1x16xf32>
        tpu.vector_store %arg9[%swap3A, %swap3A_185], %swap3A_188 {add = true, strides = array<i32>} : memref<32x768xf32, #tpu.memory_space<vmem>>, vector<1x16xf32>,
        %get3A_189 = arith.index_cast %scan3A_181 : i32 to index
        %get3A_190 = arith.constant 16 : index
        %get3A_191 = tpu.vector_load %arg6[%get3A_189, %get3A_190] {strides = array<i32>} : memref<32x768xf32, #tpu.memory_space<vmem>>, vector<1x16xf32>,
        %get3A_192 = vector.shape_cast %get3A_191 : vector<1x16xf32> to vector<16xf32>
        %swap3A_193 = arith.index_cast %scan3A_181 : i32 to index
        %swap3A_194 = arith.constant 16 : index
        %swap3A_195 = tpu.vector_load %arg9[%swap3A_193, %swap3A_194] {strides = array<i32>} : memref<32x768xf32, #tpu.memory_space<vmem>>, vector<1x16xf32>,
        %swap3A_196 = vector.shape_cast %swap3A_195 : vector<1x16xf32> to vector<16xf32>
        %swap3A_197 = vector.shape_cast %get3A_192 : vector<16xf32> to vector<1x16xf32>
        tpu.vector_store %arg9[%swap3A_193, %swap3A_194], %swap3A_197 {add = true, strides = array<i32>} : memref<32x768xf32, #tpu.memory_space<vmem>>, vector<1x16xf32>,
        %get3A_198 = arith.index_cast %scan3A_181 : i32 to index
        %get3A_199 = arith.constant 32 : index
        %get3A_200 = tpu.vector_load %arg6[%get3A_198, %get3A_199] {strides = array<i32>} : memref<32x768xf32, #tpu.memory_space<vmem>>, vector<1x16xf32>,
        %get3A_201 = vector.shape_cast %get3A_200 : vector<1x16xf32> to vector<16xf32>
        %swap3A_202 = arith.index_cast %scan3A_181 : i32 to index
        %swap3A_203 = arith.constant 32 : index
        %swap3A_204 = tpu.vector_load %arg9[%swap3A_202, %swap3A_203] {strides = array<i32>} : memref<32x768xf32, #tpu.memory_space<vmem>>, vector<1x16xf32>,
        %swap3A_205 = vector.shape_cast %swap3A_204 : vector<1x16xf32> to vector<16xf32>
        %swap3A_206 = vector.shape_cast %get3A_201 : vector<16xf32> to vector<1x16xf32>
        tpu.vector_store %arg9[%swap3A_202, %swap3A_203], %swap3A_206 {add = true, strides = array<i32>} : memref<32x768xf32, #tpu.memory_space<vmem>>, vector<1x16xf32>,
        %get3A_207 = arith.index_cast %scan3A_181 : i32 to index
        %get3A_208 = arith.constant 48 : index
        %get3A_209 = tpu.vector_load %arg6[%get3A_207, %get3A_208] {strides = array<i32>} : memref<32x768xf32, #tpu.memory_space<vmem>>, vector<1x16xf32>,
        %get3A_210 = vector.shape_cast %get3A_209 : vector<1x16xf32> to vector<16xf32>
        %swap3A_211 = arith.index_cast %scan3A_181 : i32 to index
        %swap3A_212 = arith.constant 48 : index
        %swap3A_213 = tpu.vector_load %arg9[%swap3A_211, %swap3A_212] {strides = array<i32>} : memref<32x768xf32, #tpu.memory_space<vmem>>, vector<1x16xf32>,
        %swap3A_214 = vector.shape_cast %swap3A_213 : vector<1x16xf32> to vector<16xf32>
        %swap3A_215 = vector.shape_cast %get3A_210 : vector<16xf32> to vector<1x16xf32>
        tpu.vector_store %arg9[%swap3A_211, %swap3A_212], %swap3A_215 {add = true, strides = array<i32>} : memref<32x768xf32, #tpu.memory_space<vmem>>, vector<1x16xf32>,
        %get3A_216 = arith.index_cast %scan3A_181 : i32 to index
        %get3A_217 = arith.constant 64 : index
        %get3A_218 = tpu.vector_load %arg6[%get3A_216, %get3A_217] {strides = array<i32>} : memref<32x768xf32, #tpu.memory_space<vmem>>, vector<1x16xf32>,
        %get3A_219 = vector.shape_cast %get3A_218 : vector<1x16xf32> to vector<16xf32>
        %swap3A_220 = arith.index_cast %scan3A_181 : i32 to index
        %swap3A_221 = arith.constant 64 : index
        %swap3A_222 = tpu.vector_load %arg9[%swap3A_220, %swap3A_221] {strides = array<i32>} : memref<32x768xf32, #tpu.memory_space<vmem>>, vector<1x16xf32>,
        %swap3A_223 = vector.shape_cast %swap3A_222 : vector<1x16xf32> to vector<16xf32>
        %swap3A_224 = vector.shape_cast %get3A_219 : vector<16xf32> to vector<1x16xf32>
        tpu.vector_store %arg9[%swap3A_220, %swap3A_221], %swap3A_224 {add = true, strides = array<i32>} : memref<32x768xf32, #tpu.memory_space<vmem>>, vector<1x16xf32>,
        %get3A_225 = arith.index_cast %scan3A_181 : i32 to index
        %get3A_226 = arith.constant 80 : index
        %get3A_227 = tpu.vector_load %arg6[%get3A_225, %get3A_226] {strides = array<i32>} : memref<32x768xf32, #tpu.memory_space<vmem>>, vector<1x16xf32>,
        %get3A_228 = vector.shape_cast %get3A_227 : vector<1x16xf32> to vector<16xf32>
        %swap3A_229 = arith.index_cast %scan3A_181 : i32 to index
        %swap3A_230 = arith.constant 80 : index
        %swap3A_231 = tpu.vector_load %arg9[%swap3A_229, %swap3A_230] {strides = array<i32>} : memref<32x768xf32, #tpu.memory_space<vmem>>, vector<1x16xf32>,
        %swap3A_232 = vector.shape_cast %swap3A_231 : vector<1x16xf32> to vector<16xf32>
        %swap3A_233 = vector.shape_cast %get3A_228 : vector<16xf32> to vector<1x16xf32>
        tpu.vector_store %arg9[%swap3A_229, %swap3A_230], %swap3A_233 {add = true, strides = array<i32>} : memref<32x768xf32, #tpu.memory_space<vmem>>, vector<1x16xf32>,
        %get3A_234 = arith.index_cast %scan3A_181 : i32 to index
        %get3A_235 = arith.constant 96 : index
        %get3A_236 = tpu.vector_load %arg6[%get3A_234, %get3A_235] {strides = array<i32>} : memref<32x768xf32, #tpu.memory_space<vmem>>, vector<1x16xf32>,
        %get3A_237 = vector.shape_cast %get3A_236 : vector<1x16xf32> to vector<16xf32>
        %swap3A_238 = arith.index_cast %scan3A_181 : i32 to index
        %swap3A_239 = arith.constant 96 : index
        %swap3A_240 = tpu.vector_load %arg9[%swap3A_238, %swap3A_239] {strides = array<i32>} : memref<32x768xf32, #tpu.memory_space<vmem>>, vector<1x16xf32>,
        %swap3A_241 = vector.shape_cast %swap3A_240 : vector<1x16xf32> to vector<16xf32>
        %swap3A_242 = vector.shape_cast %get3A_237 : vector<16xf32> to vector<1x16xf32>
        tpu.vector_store %arg9[%swap3A_238, %swap3A_239], %swap3A_242 {add = true, strides = array<i32>} : memref<32x768xf32, #tpu.memory_space<vmem>>, vector<1x16xf32>,
        %get3A_243 = arith.index_cast %scan3A_181 : i32 to index
        %get3A_244 = arith.constant 112 : index
        %get3A_245 = tpu.vector_load %arg6[%get3A_243, %get3A_244] {strides = array<i32>} : memref<32x768xf32, #tpu.memory_space<vmem>>, vector<1x16xf32>,
        %get3A_246 = vector.shape_cast %get3A_245 : vector<1x16xf32> to vector<16xf32>
        %swap3A_247 = arith.index_cast %scan3A_181 : i32 to index
        %swap3A_248 = arith.constant 112 : index
        %swap3A_249 = tpu.vector_load %arg9[%swap3A_247, %swap3A_248] {strides = array<i32>} : memref<32x768xf32, #tpu.memory_space<vmem>>, vector<1x16xf32>,
        %swap3A_250 = vector.shape_cast %swap3A_249 : vector<1x16xf32> to vector<16xf32>
        %swap3A_251 = vector.shape_cast %get3A_246 : vector<16xf32> to vector<1x16xf32>
        tpu.vector_store %arg9[%swap3A_247, %swap3A_248], %swap3A_251 {add = true, strides = array<i32>} : memref<32x768xf32, #tpu.memory_space<vmem>>, vector<1x16xf32>,
        %get3A_252 = arith.index_cast %scan3A_181 : i32 to index
        %get3A_253 = arith.constant 128 : index
        %get3A_254 = tpu.vector_load %arg6[%get3A_252, %get3A_253] {strides = array<i32>} : memref<32x768xf32, #tpu.memory_space<vmem>>, vector<1x16xf32>,
        %get3A_255 = vector.shape_cast %get3A_254 : vector<1x16xf32> to vector<16xf32>
        %swap3A_256 = arith.index_cast %scan3A_181 : i32 to index
        %swap3A_257 = arith.constant 128 : index
        %swap3A_258 = tpu.vector_load %arg9[%swap3A_256, %swap3A_257] {strides = array<i32>} : memref<32x768xf32, #tpu.memory_space<vmem>>, vector<1x16xf32>,
        %swap3A_259 = vector.shape_cast %swap3A_258 : vector<1x16xf32> to vector<16xf32>
        %swap3A_260 = vector.shape_cast %get3A_255 : vector<16xf32> to vector<1x16xf32>
        tpu.vector_store %arg9[%swap3A_256, %swap3A_257], %swap3A_260 {add = true, strides = array<i32>} : memref<32x768xf32, #tpu.memory_space<vmem>>, vector<1x16xf32>,
        %get3A_261 = arith.index_cast %scan3A_181 : i32 to index
        %get3A_262 = arith.constant 144 : index
        %get3A_263 = tpu.vector_load %arg6[%get3A_261, %get3A_262] {strides = array<i32>} : memref<32x768xf32, #tpu.memory_space<vmem>>, vector<1x16xf32>,
        %get3A_264 = vector.shape_cast %get3A_263 : vector<1x16xf32> to vector<16xf32>
        %swap3A_265 = arith.index_cast %scan3A_181 : i32 to index
        %swap3A_266 = arith.constant 144 : index
        %swap3A_267 = tpu.vector_load %arg9[%swap3A_265, %swap3A_266] {strides = array<i32>} : memref<32x768xf32, #tpu.memory_space<vmem>>, vector<1x16xf32>,
        %swap3A_268 = vector.shape_cast %swap3A_267 : vector<1x16xf32> to vector<16xf32>
        %swap3A_269 = vector.shape_cast %get3A_264 : vector<16xf32> to vector<1x16xf32>
        tpu.vector_store %arg9[%swap3A_265, %swap3A_266], %swap3A_269 {add = true, strides = array<i32>} : memref<32x768xf32, #tpu.memory_space<vmem>>, vector<1x16xf32>,
        %get3A_270 = arith.index_cast %scan3A_181 : i32 to index
        %get3A_271 = arith.constant 160 : index
        %get3A_272 = tpu.vector_load %arg6[%get3A_270, %get3A_271] {strides = array<i32>} : memref<32x768xf32, #tpu.memory_space<vmem>>, vector<1x16xf32>,
        %get3A_273 = vector.shape_cast %get3A_272 : vector<1x16xf32> to vector<16xf32>
        %swap3A_274 = arith.index_cast %scan3A_181 : i32 to index
        %swap3A_275 = arith.constant 160 : index
        %swap3A_276 = tpu.vector_load %arg9[%swap3A_274, %swap3A_275] {strides = array<i32>} : memref<32x768xf32, #tpu.memory_space<vmem>>, vector<1x16xf32>,
        %swap3A_277 = vector.shape_cast %swap3A_276 : vector<1x16xf32> to vector<16xf32>
        %swap3A_278 = vector.shape_cast %get3A_273 : vector<16xf32> to vector<1x16xf32>
        tpu.vector_store %arg9[%swap3A_274, %swap3A_275], %swap3A_278 {add = true, strides = array<i32>} : memref<32x768xf32, #tpu.memory_space<vmem>>, vector<1x16xf32>,
        %get3A_279 = arith.index_cast %scan3A_181 : i32 to index
        %get3A_280 = arith.constant 176 : index
        %get3A_281 = tpu.vector_load %arg6[%get3A_279, %get3A_280] {strides = array<i32>} : memref<32x768xf32, #tpu.memory_space<vmem>>, vector<1x16xf32>,
        %get3A_282 = vector.shape_cast %get3A_281 : vector<1x16xf32> to vector<16xf32>
        %swap3A_283 = arith.index_cast %scan3A_181 : i32 to index
        %swap3A_284 = arith.constant 176 : index
        %swap3A_285 = tpu.vector_load %arg9[%swap3A_283, %swap3A_284] {strides = array<i32>} : memref<32x768xf32, #tpu.memory_space<vmem>>, vector<1x16xf32>,
        %swap3A_286 = vector.shape_cast %swap3A_285 : vector<1x16xf32> to vector<16xf32>
        %swap3A_287 = vector.shape_cast %get3A_282 : vector<16xf32> to vector<1x16xf32>
        tpu.vector_store %arg9[%swap3A_283, %swap3A_284], %swap3A_287 {add = true, strides = array<i32>} : memref<32x768xf32, #tpu.memory_space<vmem>>, vector<1x16xf32>,
        %get3A_288 = arith.index_cast %scan3A_181 : i32 to index
        %get3A_289 = arith.constant 192 : index
        %get3A_290 = tpu.vector_load %arg6[%get3A_288, %get3A_289] {strides = array<i32>} : memref<32x768xf32, #tpu.memory_space<vmem>>, vector<1x16xf32>,
        %get3A_291 = vector.shape_cast %get3A_290 : vector<1x16xf32> to vector<16xf32>
        %swap3A_292 = arith.index_cast %scan3A_181 : i32 to index
        %swap3A_293 = arith.constant 192 : index
        %swap3A_294 = tpu.vector_load %arg9[%swap3A_292, %swap3A_293] {strides = array<i32>} : memref<32x768xf32, #tpu.memory_space<vmem>>, vector<1x16xf32>,
        %swap3A_295 = vector.shape_cast %swap3A_294 : vector<1x16xf32> to vector<16xf32>
        %swap3A_296 = vector.shape_cast %get3A_291 : vector<16xf32> to vector<1x16xf32>
        tpu.vector_store %arg9[%swap3A_292, %swap3A_293], %swap3A_296 {add = true, strides = array<i32>} : memref<32x768xf32, #tpu.memory_space<vmem>>, vector<1x16xf32>,
        %get3A_297 = arith.index_cast %scan3A_181 : i32 to index
        %get3A_298 = arith.constant 208 : index
        %get3A_299 = tpu.vector_load %arg6[%get3A_297, %get3A_298] {strides = array<i32>} : memref<32x768xf32, #tpu.memory_space<vmem>>, vector<1x16xf32>,
        %get3A_300 = vector.shape_cast %get3A_299 : vector<1x16xf32> to vector<16xf32>
        %swap3A_301 = arith.index_cast %scan3A_181 : i32 to index
        %swap3A_302 = arith.constant 208 : index
        %swap3A_303 = tpu.vector_load %arg9[%swap3A_301, %swap3A_302] {strides = array<i32>} : memref<32x768xf32, #tpu.memory_space<vmem>>, vector<1x16xf32>,
        %swap3A_304 = vector.shape_cast %swap3A_303 : vector<1x16xf32> to vector<16xf32>
        %swap3A_305 = vector.shape_cast %get3A_300 : vector<16xf32> to vector<1x16xf32>
        tpu.vector_store %arg9[%swap3A_301, %swap3A_302], %swap3A_305 {add = true, strides = array<i32>} : memref<32x768xf32, #tpu.memory_space<vmem>>, vector<1x16xf32>,
        %get3A_306 = arith.index_cast %scan3A_181 : i32 to index
        %get3A_307 = arith.constant 224 : index
        %get3A_308 = tpu.vector_load %arg6[%get3A_306, %get3A_307] {strides = array<i32>} : memref<32x768xf32, #tpu.memory_space<vmem>>, vector<1x16xf32>,
        %get3A_309 = vector.shape_cast %get3A_308 : vector<1x16xf32> to vector<16xf32>
        %swap3A_310 = arith.index_cast %scan3A_181 : i32 to index
        %swap3A_311 = arith.constant 224 : index
        %swap3A_312 = tpu.vector_load %arg9[%swap3A_310, %swap3A_311] {strides = array<i32>} : memref<32x768xf32, #tpu.memory_space<vmem>>, vector<1x16xf32>,
        %swap3A_313 = vector.shape_cast %swap3A_312 : vector<1x16xf32> to vector<16xf32>
        %swap3A_314 = vector.shape_cast %get3A_309 : vector<16xf32> to vector<1x16xf32>
        tpu.vector_store %arg9[%swap3A_310, %swap3A_311], %swap3A_314 {add = true, strides = array<i32>} : memref<32x768xf32, #tpu.memory_space<vmem>>, vector<1x16xf32>,
        %get3A_315 = arith.index_cast %scan3A_181 : i32 to index
        %get3A_316 = arith.constant 240 : index
        %get3A_317 = tpu.vector_load %arg6[%get3A_315, %get3A_316] {strides = array<i32>} : memref<32x768xf32, #tpu.memory_space<vmem>>, vector<1x16xf32>,
        %get3A_318 = vector.shape_cast %get3A_317 : vector<1x16xf32> to vector<16xf32>
        %swap3A_319 = arith.index_cast %scan3A_181 : i32 to index
        %swap3A_320 = arith.constant 240 : index
        %swap3A_321 = tpu.vector_load %arg9[%swap3A_319, %swap3A_320] {strides = array<i32>} : memref<32x768xf32, #tpu.memory_space<vmem>>, vector<1x16xf32>,
        %swap3A_322 = vector.shape_cast %swap3A_321 : vector<1x16xf32> to vector<16xf32>
        %swap3A_323 = vector.shape_cast %get3A_318 : vector<16xf32> to vector<1x16xf32>
        tpu.vector_store %arg9[%swap3A_319, %swap3A_320], %swap3A_323 {add = true, strides = array<i32>} : memref<32x768xf32, #tpu.memory_space<vmem>>, vector<1x16xf32>,
        %get3A_324 = arith.index_cast %scan3A_181 : i32 to index
        %get3A_325 = arith.constant 256 : index
        %get3A_326 = tpu.vector_load %arg6[%get3A_324, %get3A_325] {strides = array<i32>} : memref<32x768xf32, #tpu.memory_space<vmem>>, vector<1x16xf32>,
        %get3A_327 = vector.shape_cast %get3A_326 : vector<1x16xf32> to vector<16xf32>
        %swap3A_328 = arith.index_cast %scan3A_181 : i32 to index
        %swap3A_329 = arith.constant 256 : index
        %swap3A_330 = tpu.vector_load %arg9[%swap3A_328, %swap3A_329] {strides = array<i32>} : memref<32x768xf32, #tpu.memory_space<vmem>>, vector<1x16xf32>,
        %swap3A_331 = vector.shape_cast %swap3A_330 : vector<1x16xf32> to vector<16xf32>
        %swap3A_332 = vector.shape_cast %get3A_327 : vector<16xf32> to vector<1x16xf32>
        tpu.vector_store %arg9[%swap3A_328, %swap3A_329], %swap3A_332 {add = true, strides = array<i32>} : memref<32x768xf32, #tpu.memory_space<vmem>>, vector<1x16xf32>,
        %get3A_333 = arith.index_cast %scan3A_181 : i32 to index
        %get3A_334 = arith.constant 272 : index
        %get3A_335 = tpu.vector_load %arg6[%get3A_333, %get3A_334] {strides = array<i32>} : memref<32x768xf32, #tpu.memory_space<vmem>>, vector<1x16xf32>,
        %get3A_336 = vector.shape_cast %get3A_335 : vector<1x16xf32> to vector<16xf32>
        %swap3A_337 = arith.index_cast %scan3A_181 : i32 to index
        %swap3A_338 = arith.constant 272 : index
        %swap3A_339 = tpu.vector_load %arg9[%swap3A_337, %swap3A_338] {strides = array<i32>} : memref<32x768xf32, #tpu.memory_space<vmem>>, vector<1x16xf32>,
        %swap3A_340 = vector.shape_cast %swap3A_339 : vector<1x16xf32> to vector<16xf32>
        %swap3A_341 = vector.shape_cast %get3A_336 : vector<16xf32> to vector<1x16xf32>
        tpu.vector_store %arg9[%swap3A_337, %swap3A_338], %swap3A_341 {add = true, strides = array<i32>} : memref<32x768xf32, #tpu.memory_space<vmem>>, vector<1x16xf32>,
        %get3A_342 = arith.index_cast %scan3A_181 : i32 to index
        %get3A_343 = arith.constant 288 : index
        %get3A_344 = tpu.vector_load %arg6[%get3A_342, %get3A_343] {strides = array<i32>} : memref<32x768xf32, #tpu.memory_space<vmem>>, vector<1x16xf32>,
        %get3A_345 = vector.shape_cast %get3A_344 : vector<1x16xf32> to vector<16xf32>
        %swap3A_346 = arith.index_cast %scan3A_181 : i32 to index
        %swap3A_347 = arith.constant 288 : index
        %swap3A_348 = tpu.vector_load %arg9[%swap3A_346, %swap3A_347] {strides = array<i32>} : memref<32x768xf32, #tpu.memory_space<vmem>>, vector<1x16xf32>,
        %swap3A_349 = vector.shape_cast %swap3A_348 : vector<1x16xf32> to vector<16xf32>
        %swap3A_350 = vector.shape_cast %get3A_345 : vector<16xf32> to vector<1x16xf32>
        tpu.vector_store %arg9[%swap3A_346, %swap3A_347], %swap3A_350 {add = true, strides = array<i32>} : memref<32x768xf32, #tpu.memory_space<vmem>>, vector<1x16xf32>,
        %get3A_351 = arith.index_cast %scan3A_181 : i32 to index
        %get3A_352 = arith.constant 304 : index
        %get3A_353 = tpu.vector_load %arg6[%get3A_351, %get3A_352] {strides = array<i32>} : memref<32x768xf32, #tpu.memory_space<vmem>>, vector<1x16xf32>,
        %get3A_354 = vector.shape_cast %get3A_353 : vector<1x16xf32> to vector<16xf32>
        %swap3A_355 = arith.index_cast %scan3A_181 : i32 to index
        %swap3A_356 = arith.constant 304 : index
        %swap3A_357 = tpu.vector_load %arg9[%swap3A_355, %swap3A_356] {strides = array<i32>} : memref<32x768xf32, #tpu.memory_space<vmem>>, vector<1x16xf32>,
        %swap3A_358 = vector.shape_cast %swap3A_357 : vector<1x16xf32> to vector<16xf32>
        %swap3A_359 = vector.shape_cast %get3A_354 : vector<16xf32> to vector<1x16xf32>
        tpu.vector_store %arg9[%swap3A_355, %swap3A_356], %swap3A_359 {add = true, strides = array<i32>} : memref<32x768xf32, #tpu.memory_space<vmem>>, vector<1x16xf32>,
        %get3A_360 = arith.index_cast %scan3A_181 : i32 to index
        %get3A_361 = arith.constant 320 : index
        %get3A_362 = tpu.vector_load %arg6[%get3A_360, %get3A_361] {strides = array<i32>} : memref<32x768xf32, #tpu.memory_space<vmem>>, vector<1x16xf32>,
        %get3A_363 = vector.shape_cast %get3A_362 : vector<1x16xf32> to vector<16xf32>
        %swap3A_364 = arith.index_cast %scan3A_181 : i32 to index
        %swap3A_365 = arith.constant 320 : index
        %swap3A_366 = tpu.vector_load %arg9[%swap3A_364, %swap3A_365] {strides = array<i32>} : memref<32x768xf32, #tpu.memory_space<vmem>>, vector<1x16xf32>,
        %swap3A_367 = vector.shape_cast %swap3A_366 : vector<1x16xf32> to vector<16xf32>
        %swap3A_368 = vector.shape_cast %get3A_363 : vector<16xf32> to vector<1x16xf32>
        tpu.vector_store %arg9[%swap3A_364, %swap3A_365], %swap3A_368 {add = true, strides = array<i32>} : memref<32x768xf32, #tpu.memory_space<vmem>>, vector<1x16xf32>,
        %get3A_369 = arith.index_cast %scan3A_181 : i32 to index
        %get3A_370 = arith.constant 336 : index
        %get3A_371 = tpu.vector_load %arg6[%get3A_369, %get3A_370] {strides = array<i32>} : memref<32x768xf32, #tpu.memory_space<vmem>>, vector<1x16xf32>,
        %get3A_372 = vector.shape_cast %get3A_371 : vector<1x16xf32> to vector<16xf32>
        %swap3A_373 = arith.index_cast %scan3A_181 : i32 to index
        %swap3A_374 = arith.constant 336 : index
        %swap3A_375 = tpu.vector_load %arg9[%swap3A_373, %swap3A_374] {strides = array<i32>} : memref<32x768xf32, #tpu.memory_space<vmem>>, vector<1x16xf32>,
        %swap3A_376 = vector.shape_cast %swap3A_375 : vector<1x16xf32> to vector<16xf32>
        %swap3A_377 = vector.shape_cast %get3A_372 : vector<16xf32> to vector<1x16xf32>
        tpu.vector_store %arg9[%swap3A_373, %swap3A_374], %swap3A_377 {add = true, strides = array<i32>} : memref<32x768xf32, #tpu.memory_space<vmem>>, vector<1x16xf32>,
        %get3A_378 = arith.index_cast %scan3A_181 : i32 to index
        %get3A_379 = arith.constant 352 : index
        %get3A_380 = tpu.vector_load %arg6[%get3A_378, %get3A_379] {strides = array<i32>} : memref<32x768xf32, #tpu.memory_space<vmem>>, vector<1x16xf32>,
        %get3A_381 = vector.shape_cast %get3A_380 : vector<1x16xf32> to vector<16xf32>
        %swap3A_382 = arith.index_cast %scan3A_181 : i32 to index
        %swap3A_383 = arith.constant 352 : index
        %swap3A_384 = tpu.vector_load %arg9[%swap3A_382, %swap3A_383] {strides = array<i32>} : memref<32x768xf32, #tpu.memory_space<vmem>>, vector<1x16xf32>,
        %swap3A_385 = vector.shape_cast %swap3A_384 : vector<1x16xf32> to vector<16xf32>
        %swap3A_386 = vector.shape_cast %get3A_381 : vector<16xf32> to vector<1x16xf32>
        tpu.vector_store %arg9[%swap3A_382, %swap3A_383], %swap3A_386 {add = true, strides = array<i32>} : memref<32x768xf32, #tpu.memory_space<vmem>>, vector<1x16xf32>,
        %get3A_387 = arith.index_cast %scan3A_181 : i32 to index
        %get3A_388 = arith.constant 368 : index
        %get3A_389 = tpu.vector_load %arg6[%get3A_387, %get3A_388] {strides = array<i32>} : memref<32x768xf32, #tpu.memory_space<vmem>>, vector<1x16xf32>,
        %get3A_390 = vector.shape_cast %get3A_389 : vector<1x16xf32> to vector<16xf32>
        %swap3A_391 = arith.index_cast %scan3A_181 : i32 to index
        %swap3A_392 = arith.constant 368 : index
        %swap3A_393 = tpu.vector_load %arg9[%swap3A_391, %swap3A_392] {strides = array<i32>} : memref<32x768xf32, #tpu.memory_space<vmem>>, vector<1x16xf32>,
        %swap3A_394 = vector.shape_cast %swap3A_393 : vector<1x16xf32> to vector<16xf32>
        %swap3A_395 = vector.shape_cast %get3A_390 : vector<16xf32> to vector<1x16xf32>
        tpu.vector_store %arg9[%swap3A_391, %swap3A_392], %swap3A_395 {add = true, strides = array<i32>} : memref<32x768xf32, #tpu.memory_space<vmem>>, vector<1x16xf32>,
        %get3A_396 = arith.index_cast %scan3A_181 : i32 to index
        %get3A_397 = arith.constant 384 : index
        %get3A_398 = tpu.vector_load %arg6[%get3A_396, %get3A_397] {strides = array<i32>} : memref<32x768xf32, #tpu.memory_space<vmem>>, vector<1x16xf32>,
        %get3A_399 = vector.shape_cast %get3A_398 : vector<1x16xf32> to vector<16xf32>
        %swap3A_400 = arith.index_cast %scan3A_181 : i32 to index
        %swap3A_401 = arith.constant 384 : index
        %swap3A_402 = tpu.vector_load %arg9[%swap3A_400, %swap3A_401] {strides = array<i32>} : memref<32x768xf32, #tpu.memory_space<vmem>>, vector<1x16xf32>,
        %swap3A_403 = vector.shape_cast %swap3A_402 : vector<1x16xf32> to vector<16xf32>
        %swap3A_404 = vector.shape_cast %get3A_399 : vector<16xf32> to vector<1x16xf32>
        tpu.vector_store %arg9[%swap3A_400, %swap3A_401], %swap3A_404 {add = true, strides = array<i32>} : memref<32x768xf32, #tpu.memory_space<vmem>>, vector<1x16xf32>,
        %get3A_405 = arith.index_cast %scan3A_181 : i32 to index
        %get3A_406 = arith.constant 400 : index
        %get3A_407 = tpu.vector_load %arg6[%get3A_405, %get3A_406] {strides = array<i32>} : memref<32x768xf32, #tpu.memory_space<vmem>>, vector<1x16xf32>,
        %get3A_408 = vector.shape_cast %get3A_407 : vector<1x16xf32> to vector<16xf32>
        %swap3A_409 = arith.index_cast %scan3A_181 : i32 to index
        %swap3A_410 = arith.constant 400 : index
        %swap3A_411 = tpu.vector_load %arg9[%swap3A_409, %swap3A_410] {strides = array<i32>} : memref<32x768xf32, #tpu.memory_space<vmem>>, vector<1x16xf32>,
        %swap3A_412 = vector.shape_cast %swap3A_411 : vector<1x16xf32> to vector<16xf32>
        %swap3A_413 = vector.shape_cast %get3A_408 : vector<16xf32> to vector<1x16xf32>
        tpu.vector_store %arg9[%swap3A_409, %swap3A_410], %swap3A_413 {add = true, strides = array<i32>} : memref<32x768xf32, #tpu.memory_space<vmem>>, vector<1x16xf32>,
        %get3A_414 = arith.index_cast %scan3A_181 : i32 to index
        %get3A_415 = arith.constant 416 : index
        %get3A_416 = tpu.vector_load %arg6[%get3A_414, %get3A_415] {strides = array<i32>} : memref<32x768xf32, #tpu.memory_space<vmem>>, vector<1x16xf32>,
        %get3A_417 = vector.shape_cast %get3A_416 : vector<1x16xf32> to vector<16xf32>
        %swap3A_418 = arith.index_cast %scan3A_181 : i32 to index
        %swap3A_419 = arith.constant 416 : index
        %swap3A_420 = tpu.vector_load %arg9[%swap3A_418, %swap3A_419] {strides = array<i32>} : memref<32x768xf32, #tpu.memory_space<vmem>>, vector<1x16xf32>,
        %swap3A_421 = vector.shape_cast %swap3A_420 : vector<1x16xf32> to vector<16xf32>
        %swap3A_422 = vector.shape_cast %get3A_417 : vector<16xf32> to vector<1x16xf32>
        tpu.vector_store %arg9[%swap3A_418, %swap3A_419], %swap3A_422 {add = true, strides = array<i32>} : memref<32x768xf32, #tpu.memory_space<vmem>>, vector<1x16xf32>,
        %get3A_423 = arith.index_cast %scan3A_181 : i32 to index
        %get3A_424 = arith.constant 432 : index
        %get3A_425 = tpu.vector_load %arg6[%get3A_423, %get3A_424] {strides = array<i32>} : memref<32x768xf32, #tpu.memory_space<vmem>>, vector<1x16xf32>,
        %get3A_426 = vector.shape_cast %get3A_425 : vector<1x16xf32> to vector<16xf32>
        %swap3A_427 = arith.index_cast %scan3A_181 : i32 to index
        %swap3A_428 = arith.constant 432 : index
        %swap3A_429 = tpu.vector_load %arg9[%swap3A_427, %swap3A_428] {strides = array<i32>} : memref<32x768xf32, #tpu.memory_space<vmem>>, vector<1x16xf32>,
        %swap3A_430 = vector.shape_cast %swap3A_429 : vector<1x16xf32> to vector<16xf32>
        %swap3A_431 = vector.shape_cast %get3A_426 : vector<16xf32> to vector<1x16xf32>
        tpu.vector_store %arg9[%swap3A_427, %swap3A_428], %swap3A_431 {add = true, strides = array<i32>} : memref<32x768xf32, #tpu.memory_space<vmem>>, vector<1x16xf32>,
        %get3A_432 = arith.index_cast %scan3A_181 : i32 to index
        %get3A_433 = arith.constant 448 : index
        %get3A_434 = tpu.vector_load %arg6[%get3A_432, %get3A_433] {strides = array<i32>} : memref<32x768xf32, #tpu.memory_space<vmem>>, vector<1x16xf32>,
        %get3A_435 = vector.shape_cast %get3A_434 : vector<1x16xf32> to vector<16xf32>
        %swap3A_436 = arith.index_cast %scan3A_181 : i32 to index
        %swap3A_437 = arith.constant 448 : index
        %swap3A_438 = tpu.vector_load %arg9[%swap3A_436, %swap3A_437] {strides = array<i32>} : memref<32x768xf32, #tpu.memory_space<vmem>>, vector<1x16xf32>,
        %swap3A_439 = vector.shape_cast %swap3A_438 : vector<1x16xf32> to vector<16xf32>
        %swap3A_440 = vector.shape_cast %get3A_435 : vector<16xf32> to vector<1x16xf32>
        tpu.vector_store %arg9[%swap3A_436, %swap3A_437], %swap3A_440 {add = true, strides = array<i32>} : memref<32x768xf32, #tpu.memory_space<vmem>>, vector<1x16xf32>,
        %get3A_441 = arith.index_cast %scan3A_181 : i32 to index
        %get3A_442 = arith.constant 464 : index
        %get3A_443 = tpu.vector_load %arg6[%get3A_441, %get3A_442] {strides = array<i32>} : memref<32x768xf32, #tpu.memory_space<vmem>>, vector<1x16xf32>,
        %get3A_444 = vector.shape_cast %get3A_443 : vector<1x16xf32> to vector<16xf32>
        %swap3A_445 = arith.index_cast %scan3A_181 : i32 to index
        %swap3A_446 = arith.constant 464 : index
        %swap3A_447 = tpu.vector_load %arg9[%swap3A_445, %swap3A_446] {strides = array<i32>} : memref<32x768xf32, #tpu.memory_space<vmem>>, vector<1x16xf32>,
        %swap3A_448 = vector.shape_cast %swap3A_447 : vector<1x16xf32> to vector<16xf32>
        %swap3A_449 = vector.shape_cast %get3A_444 : vector<16xf32> to vector<1x16xf32>
        tpu.vector_store %arg9[%swap3A_445, %swap3A_446], %swap3A_449 {add = true, strides = array<i32>} : memref<32x768xf32, #tpu.memory_space<vmem>>, vector<1x16xf32>,
        %get3A_450 = arith.index_cast %scan3A_181 : i32 to index
        %get3A_451 = arith.constant 480 : index
        %get3A_452 = tpu.vector_load %arg6[%get3A_450, %get3A_451] {strides = array<i32>} : memref<32x768xf32, #tpu.memory_space<vmem>>, vector<1x16xf32>,
        %get3A_453 = vector.shape_cast %get3A_452 : vector<1x16xf32> to vector<16xf32>
        %swap3A_454 = arith.index_cast %scan3A_181 : i32 to index
        %swap3A_455 = arith.constant 480 : index
        %swap3A_456 = tpu.vector_load %arg9[%swap3A_454, %swap3A_455] {strides = array<i32>} : memref<32x768xf32, #tpu.memory_space<vmem>>, vector<1x16xf32>,
        %swap3A_457 = vector.shape_cast %swap3A_456 : vector<1x16xf32> to vector<16xf32>
        %swap3A_458 = vector.shape_cast %get3A_453 : vector<16xf32> to vector<1x16xf32>
        tpu.vector_store %arg9[%swap3A_454, %swap3A_455], %swap3A_458 {add = true, strides = array<i32>} : memref<32x768xf32, #tpu.memory_space<vmem>>, vector<1x16xf32>,
        %get3A_459 = arith.index_cast %scan3A_181 : i32 to index
        %get3A_460 = arith.constant 496 : index
        %get3A_461 = tpu.vector_load %arg6[%get3A_459, %get3A_460] {strides = array<i32>} : memref<32x768xf32, #tpu.memory_space<vmem>>, vector<1x16xf32>,
        %get3A_462 = vector.shape_cast %get3A_461 : vector<1x16xf32> to vector<16xf32>
        %swap3A_463 = arith.index_cast %scan3A_181 : i32 to index
        %swap3A_464 = arith.constant 496 : index
        %swap3A_465 = tpu.vector_load %arg9[%swap3A_463, %swap3A_464] {strides = array<i32>} : memref<32x768xf32, #tpu.memory_space<vmem>>, vector<1x16xf32>,
        %swap3A_466 = vector.shape_cast %swap3A_465 : vector<1x16xf32> to vector<16xf32>
        %swap3A_467 = vector.shape_cast %get3A_462 : vector<16xf32> to vector<1x16xf32>
        tpu.vector_store %arg9[%swap3A_463, %swap3A_464], %swap3A_467 {add = true, strides = array<i32>} : memref<32x768xf32, #tpu.memory_space<vmem>>, vector<1x16xf32>,
        %get3A_468 = arith.index_cast %scan3A_181 : i32 to index
        %get3A_469 = arith.constant 512 : index
        %get3A_470 = tpu.vector_load %arg6[%get3A_468, %get3A_469] {strides = array<i32>} : memref<32x768xf32, #tpu.memory_space<vmem>>, vector<1x16xf32>,
        %get3A_471 = vector.shape_cast %get3A_470 : vector<1x16xf32> to vector<16xf32>
        %swap3A_472 = arith.index_cast %scan3A_181 : i32 to index
        %swap3A_473 = arith.constant 512 : index
        %swap3A_474 = tpu.vector_load %arg9[%swap3A_472, %swap3A_473] {strides = array<i32>} : memref<32x768xf32, #tpu.memory_space<vmem>>, vector<1x16xf32>,
        %swap3A_475 = vector.shape_cast %swap3A_474 : vector<1x16xf32> to vector<16xf32>
        %swap3A_476 = vector.shape_cast %get3A_471 : vector<16xf32> to vector<1x16xf32>
        tpu.vector_store %arg9[%swap3A_472, %swap3A_473], %swap3A_476 {add = true, strides = array<i32>} : memref<32x768xf32, #tpu.memory_space<vmem>>, vector<1x16xf32>,
        %get3A_477 = arith.index_cast %scan3A_181 : i32 to index
        %get3A_478 = arith.constant 528 : index
        %get3A_479 = tpu.vector_load %arg6[%get3A_477, %get3A_478] {strides = array<i32>} : memref<32x768xf32, #tpu.memory_space<vmem>>, vector<1x16xf32>,
        %get3A_480 = vector.shape_cast %get3A_479 : vector<1x16xf32> to vector<16xf32>
        %swap3A_481 = arith.index_cast %scan3A_181 : i32 to index
        %swap3A_482 = arith.constant 528 : index
        %swap3A_483 = tpu.vector_load %arg9[%swap3A_481, %swap3A_482] {strides = array<i32>} : memref<32x768xf32, #tpu.memory_space<vmem>>, vector<1x16xf32>,
        %swap3A_484 = vector.shape_cast %swap3A_483 : vector<1x16xf32> to vector<16xf32>
        %swap3A_485 = vector.shape_cast %get3A_480 : vector<16xf32> to vector<1x16xf32>
        tpu.vector_store %arg9[%swap3A_481, %swap3A_482], %swap3A_485 {add = true, strides = array<i32>} : memref<32x768xf32, #tpu.memory_space<vmem>>, vector<1x16xf32>,
        %get3A_486 = arith.index_cast %scan3A_181 : i32 to index
        %get3A_487 = arith.constant 544 : index
        %get3A_488 = tpu.vector_load %arg6[%get3A_486, %get3A_487] {strides = array<i32>} : memref<32x768xf32, #tpu.memory_space<vmem>>, vector<1x16xf32>,
        %get3A_489 = vector.shape_cast %get3A_488 : vector<1x16xf32> to vector<16xf32>
        %swap3A_490 = arith.index_cast %scan3A_181 : i32 to index
        %swap3A_491 = arith.constant 544 : index
        %swap3A_492 = tpu.vector_load %arg9[%swap3A_490, %swap3A_491] {strides = array<i32>} : memref<32x768xf32, #tpu.memory_space<vmem>>, vector<1x16xf32>,
        %swap3A_493 = vector.shape_cast %swap3A_492 : vector<1x16xf32> to vector<16xf32>
        %swap3A_494 = vector.shape_cast %get3A_489 : vector<16xf32> to vector<1x16xf32>
        tpu.vector_store %arg9[%swap3A_490, %swap3A_491], %swap3A_494 {add = true, strides = array<i32>} : memref<32x768xf32, #tpu.memory_space<vmem>>, vector<1x16xf32>,
        %get3A_495 = arith.index_cast %scan3A_181 : i32 to index
        %get3A_496 = arith.constant 560 : index
        %get3A_497 = tpu.vector_load %arg6[%get3A_495, %get3A_496] {strides = array<i32>} : memref<32x768xf32, #tpu.memory_space<vmem>>, vector<1x16xf32>,
        %get3A_498 = vector.shape_cast %get3A_497 : vector<1x16xf32> to vector<16xf32>
        %swap3A_499 = arith.index_cast %scan3A_181 : i32 to index
        %swap3A_500 = arith.constant 560 : index
        %swap3A_501 = tpu.vector_load %arg9[%swap3A_499, %swap3A_500] {strides = array<i32>} : memref<32x768xf32, #tpu.memory_space<vmem>>, vector<1x16xf32>,
        %swap3A_502 = vector.shape_cast %swap3A_501 : vector<1x16xf32> to vector<16xf32>
        %swap3A_503 = vector.shape_cast %get3A_498 : vector<16xf32> to vector<1x16xf32>
        tpu.vector_store %arg9[%swap3A_499, %swap3A_500], %swap3A_503 {add = true, strides = array<i32>} : memref<32x768xf32, #tpu.memory_space<vmem>>, vector<1x16xf32>,
        %get3A_504 = arith.index_cast %scan3A_181 : i32 to index
        %get3A_505 = arith.constant 576 : index
        %get3A_506 = tpu.vector_load %arg6[%get3A_504, %get3A_505] {strides = array<i32>} : memref<32x768xf32, #tpu.memory_space<vmem>>, vector<1x16xf32>,
        %get3A_507 = vector.shape_cast %get3A_506 : vector<1x16xf32> to vector<16xf32>
        %swap3A_508 = arith.index_cast %scan3A_181 : i32 to index
        %swap3A_509 = arith.constant 576 : index
        %swap3A_510 = tpu.vector_load %arg9[%swap3A_508, %swap3A_509] {strides = array<i32>} : memref<32x768xf32, #tpu.memory_space<vmem>>, vector<1x16xf32>,
        %swap3A_511 = vector.shape_cast %swap3A_510 : vector<1x16xf32> to vector<16xf32>
        %swap3A_512 = vector.shape_cast %get3A_507 : vector<16xf32> to vector<1x16xf32>
        tpu.vector_store %arg9[%swap3A_508, %swap3A_509], %swap3A_512 {add = true, strides = array<i32>} : memref<32x768xf32, #tpu.memory_space<vmem>>, vector<1x16xf32>,
        %get3A_513 = arith.index_cast %scan3A_181 : i32 to index
        %get3A_514 = arith.constant 592 : index
        %get3A_515 = tpu.vector_load %arg6[%get3A_513, %get3A_514] {strides = array<i32>} : memref<32x768xf32, #tpu.memory_space<vmem>>, vector<1x16xf32>,
        %get3A_516 = vector.shape_cast %get3A_515 : vector<1x16xf32> to vector<16xf32>
        %swap3A_517 = arith.index_cast %scan3A_181 : i32 to index
        %swap3A_518 = arith.constant 592 : index
        %swap3A_519 = tpu.vector_load %arg9[%swap3A_517, %swap3A_518] {strides = array<i32>} : memref<32x768xf32, #tpu.memory_space<vmem>>, vector<1x16xf32>,
        %swap3A_520 = vector.shape_cast %swap3A_519 : vector<1x16xf32> to vector<16xf32>
        %swap3A_521 = vector.shape_cast %get3A_516 : vector<16xf32> to vector<1x16xf32>
        tpu.vector_store %arg9[%swap3A_517, %swap3A_518], %swap3A_521 {add = true, strides = array<i32>} : memref<32x768xf32, #tpu.memory_space<vmem>>, vector<1x16xf32>,
        %get3A_522 = arith.index_cast %scan3A_181 : i32 to index
        %get3A_523 = arith.constant 608 : index
        %get3A_524 = tpu.vector_load %arg6[%get3A_522, %get3A_523] {strides = array<i32>} : memref<32x768xf32, #tpu.memory_space<vmem>>, vector<1x16xf32>,
        %get3A_525 = vector.shape_cast %get3A_524 : vector<1x16xf32> to vector<16xf32>
        %swap3A_526 = arith.index_cast %scan3A_181 : i32 to index
        %swap3A_527 = arith.constant 608 : index
        %swap3A_528 = tpu.vector_load %arg9[%swap3A_526, %swap3A_527] {strides = array<i32>} : memref<32x768xf32, #tpu.memory_space<vmem>>, vector<1x16xf32>,
        %swap3A_529 = vector.shape_cast %swap3A_528 : vector<1x16xf32> to vector<16xf32>
        %swap3A_530 = vector.shape_cast %get3A_525 : vector<16xf32> to vector<1x16xf32>
        tpu.vector_store %arg9[%swap3A_526, %swap3A_527], %swap3A_530 {add = true, strides = array<i32>} : memref<32x768xf32, #tpu.memory_space<vmem>>, vector<1x16xf32>,
        %get3A_531 = arith.index_cast %scan3A_181 : i32 to index
        %get3A_532 = arith.constant 624 : index
        %get3A_533 = tpu.vector_load %arg6[%get3A_531, %get3A_532] {strides = array<i32>} : memref<32x768xf32, #tpu.memory_space<vmem>>, vector<1x16xf32>,
        %get3A_534 = vector.shape_cast %get3A_533 : vector<1x16xf32> to vector<16xf32>
        %swap3A_535 = arith.index_cast %scan3A_181 : i32 to index
        %swap3A_536 = arith.constant 624 : index
        %swap3A_537 = tpu.vector_load %arg9[%swap3A_535, %swap3A_536] {strides = array<i32>} : memref<32x768xf32, #tpu.memory_space<vmem>>, vector<1x16xf32>,
        %swap3A_538 = vector.shape_cast %swap3A_537 : vector<1x16xf32> to vector<16xf32>
        %swap3A_539 = vector.shape_cast %get3A_534 : vector<16xf32> to vector<1x16xf32>
        tpu.vector_store %arg9[%swap3A_535, %swap3A_536], %swap3A_539 {add = true, strides = array<i32>} : memref<32x768xf32, #tpu.memory_space<vmem>>, vector<1x16xf32>,
        %get3A_540 = arith.index_cast %scan3A_181 : i32 to index
        %get3A_541 = arith.constant 640 : index
        %get3A_542 = tpu.vector_load %arg6[%get3A_540, %get3A_541] {strides = array<i32>} : memref<32x768xf32, #tpu.memory_space<vmem>>, vector<1x16xf32>,
        %get3A_543 = vector.shape_cast %get3A_542 : vector<1x16xf32> to vector<16xf32>
        %swap3A_544 = arith.index_cast %scan3A_181 : i32 to index
        %swap3A_545 = arith.constant 640 : index
        %swap3A_546 = tpu.vector_load %arg9[%swap3A_544, %swap3A_545] {strides = array<i32>} : memref<32x768xf32, #tpu.memory_space<vmem>>, vector<1x16xf32>,
        %swap3A_547 = vector.shape_cast %swap3A_546 : vector<1x16xf32> to vector<16xf32>
        %swap3A_548 = vector.shape_cast %get3A_543 : vector<16xf32> to vector<1x16xf32>
        tpu.vector_store %arg9[%swap3A_544, %swap3A_545], %swap3A_548 {add = true, strides = array<i32>} : memref<32x768xf32, #tpu.memory_space<vmem>>, vector<1x16xf32>,
        %get3A_549 = arith.index_cast %scan3A_181 : i32 to index
        %get3A_550 = arith.constant 656 : index
        %get3A_551 = tpu.vector_load %arg6[%get3A_549, %get3A_550] {strides = array<i32>} : memref<32x768xf32, #tpu.memory_space<vmem>>, vector<1x16xf32>,
        %get3A_552 = vector.shape_cast %get3A_551 : vector<1x16xf32> to vector<16xf32>
        %swap3A_553 = arith.index_cast %scan3A_181 : i32 to index
        %swap3A_554 = arith.constant 656 : index
        %swap3A_555 = tpu.vector_load %arg9[%swap3A_553, %swap3A_554] {strides = array<i32>} : memref<32x768xf32, #tpu.memory_space<vmem>>, vector<1x16xf32>,
        %swap3A_556 = vector.shape_cast %swap3A_555 : vector<1x16xf32> to vector<16xf32>
        %swap3A_557 = vector.shape_cast %get3A_552 : vector<16xf32> to vector<1x16xf32>
        tpu.vector_store %arg9[%swap3A_553, %swap3A_554], %swap3A_557 {add = true, strides = array<i32>} : memref<32x768xf32, #tpu.memory_space<vmem>>, vector<1x16xf32>,
        %get3A_558 = arith.index_cast %scan3A_181 : i32 to index
        %get3A_559 = arith.constant 672 : index
        %get3A_560 = tpu.vector_load %arg6[%get3A_558, %get3A_559] {strides = array<i32>} : memref<32x768xf32, #tpu.memory_space<vmem>>, vector<1x16xf32>,
        %get3A_561 = vector.shape_cast %get3A_560 : vector<1x16xf32> to vector<16xf32>
        %swap3A_562 = arith.index_cast %scan3A_181 : i32 to index
        %swap3A_563 = arith.constant 672 : index
        %swap3A_564 = tpu.vector_load %arg9[%swap3A_562, %swap3A_563] {strides = array<i32>} : memref<32x768xf32, #tpu.memory_space<vmem>>, vector<1x16xf32>,
        %swap3A_565 = vector.shape_cast %swap3A_564 : vector<1x16xf32> to vector<16xf32>
        %swap3A_566 = vector.shape_cast %get3A_561 : vector<16xf32> to vector<1x16xf32>
        tpu.vector_store %arg9[%swap3A_562, %swap3A_563], %swap3A_566 {add = true, strides = array<i32>} : memref<32x768xf32, #tpu.memory_space<vmem>>, vector<1x16xf32>,
        %get3A_567 = arith.index_cast %scan3A_181 : i32 to index
        %get3A_568 = arith.constant 688 : index
        %get3A_569 = tpu.vector_load %arg6[%get3A_567, %get3A_568] {strides = array<i32>} : memref<32x768xf32, #tpu.memory_space<vmem>>, vector<1x16xf32>,
        %get3A_570 = vector.shape_cast %get3A_569 : vector<1x16xf32> to vector<16xf32>
        %swap3A_571 = arith.index_cast %scan3A_181 : i32 to index
        %swap3A_572 = arith.constant 688 : index
        %swap3A_573 = tpu.vector_load %arg9[%swap3A_571, %swap3A_572] {strides = array<i32>} : memref<32x768xf32, #tpu.memory_space<vmem>>, vector<1x16xf32>,
        %swap3A_574 = vector.shape_cast %swap3A_573 : vector<1x16xf32> to vector<16xf32>
        %swap3A_575 = vector.shape_cast %get3A_570 : vector<16xf32> to vector<1x16xf32>
        tpu.vector_store %arg9[%swap3A_571, %swap3A_572], %swap3A_575 {add = true, strides = array<i32>} : memref<32x768xf32, #tpu.memory_space<vmem>>, vector<1x16xf32>,
        %get3A_576 = arith.index_cast %scan3A_181 : i32 to index
        %get3A_577 = arith.constant 704 : index
        %get3A_578 = tpu.vector_load %arg6[%get3A_576, %get3A_577] {strides = array<i32>} : memref<32x768xf32, #tpu.memory_space<vmem>>, vector<1x16xf32>,
        %get3A_579 = vector.shape_cast %get3A_578 : vector<1x16xf32> to vector<16xf32>
        %swap3A_580 = arith.index_cast %scan3A_181 : i32 to index
        %swap3A_581 = arith.constant 704 : index
        %swap3A_582 = tpu.vector_load %arg9[%swap3A_580, %swap3A_581] {strides = array<i32>} : memref<32x768xf32, #tpu.memory_space<vmem>>, vector<1x16xf32>,
        %swap3A_583 = vector.shape_cast %swap3A_582 : vector<1x16xf32> to vector<16xf32>
        %swap3A_584 = vector.shape_cast %get3A_579 : vector<16xf32> to vector<1x16xf32>
        tpu.vector_store %arg9[%swap3A_580, %swap3A_581], %swap3A_584 {add = true, strides = array<i32>} : memref<32x768xf32, #tpu.memory_space<vmem>>, vector<1x16xf32>,
        %get3A_585 = arith.index_cast %scan3A_181 : i32 to index
        %get3A_586 = arith.constant 720 : index
        %get3A_587 = tpu.vector_load %arg6[%get3A_585, %get3A_586] {strides = array<i32>} : memref<32x768xf32, #tpu.memory_space<vmem>>, vector<1x16xf32>,
        %get3A_588 = vector.shape_cast %get3A_587 : vector<1x16xf32> to vector<16xf32>
        %swap3A_589 = arith.index_cast %scan3A_181 : i32 to index
        %swap3A_590 = arith.constant 720 : index
        %swap3A_591 = tpu.vector_load %arg9[%swap3A_589, %swap3A_590] {strides = array<i32>} : memref<32x768xf32, #tpu.memory_space<vmem>>, vector<1x16xf32>,
        %swap3A_592 = vector.shape_cast %swap3A_591 : vector<1x16xf32> to vector<16xf32>
        %swap3A_593 = vector.shape_cast %get3A_588 : vector<16xf32> to vector<1x16xf32>
        tpu.vector_store %arg9[%swap3A_589, %swap3A_590], %swap3A_593 {add = true, strides = array<i32>} : memref<32x768xf32, #tpu.memory_space<vmem>>, vector<1x16xf32>,
        %get3A_594 = arith.index_cast %scan3A_181 : i32 to index
        %get3A_595 = arith.constant 736 : index
        %get3A_596 = tpu.vector_load %arg6[%get3A_594, %get3A_595] {strides = array<i32>} : memref<32x768xf32, #tpu.memory_space<vmem>>, vector<1x16xf32>,
        %get3A_597 = vector.shape_cast %get3A_596 : vector<1x16xf32> to vector<16xf32>
        %swap3A_598 = arith.index_cast %scan3A_181 : i32 to index
        %swap3A_599 = arith.constant 736 : index
        %swap3A_600 = tpu.vector_load %arg9[%swap3A_598, %swap3A_599] {strides = array<i32>} : memref<32x768xf32, #tpu.memory_space<vmem>>, vector<1x16xf32>,
        %swap3A_601 = vector.shape_cast %swap3A_600 : vector<1x16xf32> to vector<16xf32>
        %swap3A_602 = vector.shape_cast %get3A_597 : vector<16xf32> to vector<1x16xf32>
        tpu.vector_store %arg9[%swap3A_598, %swap3A_599], %swap3A_602 {add = true, strides = array<i32>} : memref<32x768xf32, #tpu.memory_space<vmem>>, vector<1x16xf32>,
        %get3A_603 = arith.index_cast %scan3A_181 : i32 to index
        %get3A_604 = arith.constant 752 : index
        %get3A_605 = tpu.vector_load %arg6[%get3A_603, %get3A_604] {strides = array<i32>} : memref<32x768xf32, #tpu.memory_space<vmem>>, vector<1x16xf32>,
        %get3A_606 = vector.shape_cast %get3A_605 : vector<1x16xf32> to vector<16xf32>
        %swap3A_607 = arith.index_cast %scan3A_181 : i32 to index
        %swap3A_608 = arith.constant 752 : index
        %swap3A_609 = tpu.vector_load %arg9[%swap3A_607, %swap3A_608] {strides = array<i32>} : memref<32x768xf32, #tpu.memory_space<vmem>>, vector<1x16xf32>,
        %swap3A_610 = vector.shape_cast %swap3A_609 : vector<1x16xf32> to vector<16xf32>
        %swap3A_611 = vector.shape_cast %get3A_606 : vector<16xf32> to vector<1x16xf32>
        tpu.vector_store %arg9[%swap3A_607, %swap3A_608], %swap3A_611 {add = true, strides = array<i32>} : memref<32x768xf32, #tpu.memory_space<vmem>>, vector<1x16xf32>,
        %scan3A_612 = arith.constant 1 : i32
        %scan3A_613 = arith.addi %scan3A_181, %scan3A_612 : i32
        %get3A_614 = arith.index_cast %scan3A_613 : i32 to index
        %get3A_615 = arith.constant 0 : index
        %get3A_616 = tpu.vector_load %arg6[%get3A_614, %get3A_615] {strides = array<i32>} : memref<32x768xf32, #tpu.memory_space<vmem>>, vector<1x16xf32>,
        %get3A_617 = vector.shape_cast %get3A_616 : vector<1x16xf32> to vector<16xf32>
        %swap3A_618 = arith.index_cast %scan3A_613 : i32 to index
        %swap3A_619 = arith.constant 0 : index
        %swap3A_620 = tpu.vector_load %arg9[%swap3A_618, %swap3A_619] {strides = array<i32>} : memref<32x768xf32, #tpu.memory_space<vmem>>, vector<1x16xf32>,
        %swap3A_621 = vector.shape_cast %swap3A_620 : vector<1x16xf32> to vector<16xf32>
        %swap3A_622 = vector.shape_cast %get3A_617 : vector<16xf32> to vector<1x16xf32>
        tpu.vector_store %arg9[%swap3A_618, %swap3A_619], %swap3A_622 {add = true, strides = array<i32>} : memref<32x768xf32, #tpu.memory_space<vmem>>, vector<1x16xf32>,
        %get3A_623 = arith.index_cast %scan3A_613 : i32 to index
        %get3A_624 = arith.constant 16 : index
        %get3A_625 = tpu.vector_load %arg6[%get3A_623, %get3A_624] {strides = array<i32>} : memref<32x768xf32, #tpu.memory_space<vmem>>, vector<1x16xf32>,
        %get3A_626 = vector.shape_cast %get3A_625 : vector<1x16xf32> to vector<16xf32>
        %swap3A_627 = arith.index_cast %scan3A_613 : i32 to index
        %swap3A_628 = arith.constant 16 : index
        %swap3A_629 = tpu.vector_load %arg9[%swap3A_627, %swap3A_628] {strides = array<i32>} : memref<32x768xf32, #tpu.memory_space<vmem>>, vector<1x16xf32>,
        %swap3A_630 = vector.shape_cast %swap3A_629 : vector<1x16xf32> to vector<16xf32>
        %swap3A_631 = vector.shape_cast %get3A_626 : vector<16xf32> to vector<1x16xf32>
        tpu.vector_store %arg9[%swap3A_627, %swap3A_628], %swap3A_631 {add = true, strides = array<i32>} : memref<32x768xf32, #tpu.memory_space<vmem>>, vector<1x16xf32>,
        %get3A_632 = arith.index_cast %scan3A_613 : i32 to index
        %get3A_633 = arith.constant 32 : index
        %get3A_634 = tpu.vector_load %arg6[%get3A_632, %get3A_633] {strides = array<i32>} : memref<32x768xf32, #tpu.memory_space<vmem>>, vector<1x16xf32>,
        %get3A_635 = vector.shape_cast %get3A_634 : vector<1x16xf32> to vector<16xf32>
        %swap3A_636 = arith.index_cast %scan3A_613 : i32 to index
        %swap3A_637 = arith.constant 32 : index
        %swap3A_638 = tpu.vector_load %arg9[%swap3A_636, %swap3A_637] {strides = array<i32>} : memref<32x768xf32, #tpu.memory_space<vmem>>, vector<1x16xf32>,
        %swap3A_639 = vector.shape_cast %swap3A_638 : vector<1x16xf32> to vector<16xf32>
        %swap3A_640 = vector.shape_cast %get3A_635 : vector<16xf32> to vector<1x16xf32>
        tpu.vector_store %arg9[%swap3A_636, %swap3A_637], %swap3A_640 {add = true, strides = array<i32>} : memref<32x768xf32, #tpu.memory_space<vmem>>, vector<1x16xf32>,
        %get3A_641 = arith.index_cast %scan3A_613 : i32 to index
        %get3A_642 = arith.constant 48 : index
        %get3A_643 = tpu.vector_load %arg6[%get3A_641, %get3A_642] {strides = array<i32>} : memref<32x768xf32, #tpu.memory_space<vmem>>, vector<1x16xf32>,
        %get3A_644 = vector.shape_cast %get3A_643 : vector<1x16xf32> to vector<16xf32>
        %swap3A_645 = arith.index_cast %scan3A_613 : i32 to index
        %swap3A_646 = arith.constant 48 : index
        %swap3A_647 = tpu.vector_load %arg9[%swap3A_645, %swap3A_646] {strides = array<i32>} : memref<32x768xf32, #tpu.memory_space<vmem>>, vector<1x16xf32>,
        %swap3A_648 = vector.shape_cast %swap3A_647 : vector<1x16xf32> to vector<16xf32>
        %swap3A_649 = vector.shape_cast %get3A_644 : vector<16xf32> to vector<1x16xf32>
        tpu.vector_store %arg9[%swap3A_645, %swap3A_646], %swap3A_649 {add = true, strides = array<i32>} : memref<32x768xf32, #tpu.memory_space<vmem>>, vector<1x16xf32>,
        %get3A_650 = arith.index_cast %scan3A_613 : i32 to index
        %get3A_651 = arith.constant 64 : index
        %get3A_652 = tpu.vector_load %arg6[%get3A_650, %get3A_651] {strides = array<i32>} : memref<32x768xf32, #tpu.memory_space<vmem>>, vector<1x16xf32>,
        %get3A_653 = vector.shape_cast %get3A_652 : vector<1x16xf32> to vector<16xf32>
        %swap3A_654 = arith.index_cast %scan3A_613 : i32 to index
        %swap3A_655 = arith.constant 64 : index
        %swap3A_656 = tpu.vector_load %arg9[%swap3A_654, %swap3A_655] {strides = array<i32>} : memref<32x768xf32, #tpu.memory_space<vmem>>, vector<1x16xf32>,
        %swap3A_657 = vector.shape_cast %swap3A_656 : vector<1x16xf32> to vector<16xf32>
        %swap3A_658 = vector.shape_cast %get3A_653 : vector<16xf32> to vector<1x16xf32>
        tpu.vector_store %arg9[%swap3A_654, %swap3A_655], %swap3A_658 {add = true, strides = array<i32>} : memref<32x768xf32, #tpu.memory_space<vmem>>, vector<1x16xf32>,
        %get3A_659 = arith.index_cast %scan3A_613 : i32 to index
        %get3A_660 = arith.constant 80 : index
        %get3A_661 = tpu.vector_load %arg6[%get3A_659, %get3A_660] {strides = array<i32>} : memref<32x768xf32, #tpu.memory_space<vmem>>, vector<1x16xf32>,
        %get3A_662 = vector.shape_cast %get3A_661 : vector<1x16xf32> to vector<16xf32>
        %swap3A_663 = arith.index_cast %scan3A_613 : i32 to index
        %swap3A_664 = arith.constant 80 : index
        %swap3A_665 = tpu.vector_load %arg9[%swap3A_663, %swap3A_664] {strides = array<i32>} : memref<32x768xf32, #tpu.memory_space<vmem>>, vector<1x16xf32>,
        %swap3A_666 = vector.shape_cast %swap3A_665 : vector<1x16xf32> to vector<16xf32>
        %swap3A_667 = vector.shape_cast %get3A_662 : vector<16xf32> to vector<1x16xf32>
        tpu.vector_store %arg9[%swap3A_663, %swap3A_664], %swap3A_667 {add = true, strides = array<i32>} : memref<32x768xf32, #tpu.memory_space<vmem>>, vector<1x16xf32>,
        %get3A_668 = arith.index_cast %scan3A_613 : i32 to index
        %get3A_669 = arith.constant 96 : index
        %get3A_670 = tpu.vector_load %arg6[%get3A_668, %get3A_669] {strides = array<i32>} : memref<32x768xf32, #tpu.memory_space<vmem>>, vector<1x16xf32>,
        %get3A_671 = vector.shape_cast %get3A_670 : vector<1x16xf32> to vector<16xf32>
        %swap3A_672 = arith.index_cast %scan3A_613 : i32 to index
        %swap3A_673 = arith.constant 96 : index
        %swap3A_674 = tpu.vector_load %arg9[%swap3A_672, %swap3A_673] {strides = array<i32>} : memref<32x768xf32, #tpu.memory_space<vmem>>, vector<1x16xf32>,
        %swap3A_675 = vector.shape_cast %swap3A_674 : vector<1x16xf32> to vector<16xf32>
        %swap3A_676 = vector.shape_cast %get3A_671 : vector<16xf32> to vector<1x16xf32>
        tpu.vector_store %arg9[%swap3A_672, %swap3A_673], %swap3A_676 {add = true, strides = array<i32>} : memref<32x768xf32, #tpu.memory_space<vmem>>, vector<1x16xf32>,
        %get3A_677 = arith.index_cast %scan3A_613 : i32 to index
        %get3A_678 = arith.constant 112 : index
        %get3A_679 = tpu.vector_load %arg6[%get3A_677, %get3A_678] {strides = array<i32>} : memref<32x768xf32, #tpu.memory_space<vmem>>, vector<1x16xf32>,
        %get3A_680 = vector.shape_cast %get3A_679 : vector<1x16xf32> to vector<16xf32>
        %swap3A_681 = arith.index_cast %scan3A_613 : i32 to index
        %swap3A_682 = arith.constant 112 : index
        %swap3A_683 = tpu.vector_load %arg9[%swap3A_681, %swap3A_682] {strides = array<i32>} : memref<32x768xf32, #tpu.memory_space<vmem>>, vector<1x16xf32>,
        %swap3A_684 = vector.shape_cast %swap3A_683 : vector<1x16xf32> to vector<16xf32>
        %swap3A_685 = vector.shape_cast %get3A_680 : vector<16xf32> to vector<1x16xf32>
        tpu.vector_store %arg9[%swap3A_681, %swap3A_682], %swap3A_685 {add = true, strides = array<i32>} : memref<32x768xf32, #tpu.memory_space<vmem>>, vector<1x16xf32>,
        %get3A_686 = arith.index_cast %scan3A_613 : i32 to index
        %get3A_687 = arith.constant 128 : index
        %get3A_688 = tpu.vector_load %arg6[%get3A_686, %get3A_687] {strides = array<i32>} : memref<32x768xf32, #tpu.memory_space<vmem>>, vector<1x16xf32>,
        %get3A_689 = vector.shape_cast %get3A_688 : vector<1x16xf32> to vector<16xf32>
        %swap3A_690 = arith.index_cast %scan3A_613 : i32 to index
        %swap3A_691 = arith.constant 128 : index
        %swap3A_692 = tpu.vector_load %arg9[%swap3A_690, %swap3A_691] {strides = array<i32>} : memref<32x768xf32, #tpu.memory_space<vmem>>, vector<1x16xf32>,
        %swap3A_693 = vector.shape_cast %swap3A_692 : vector<1x16xf32> to vector<16xf32>
        %swap3A_694 = vector.shape_cast %get3A_689 : vector<16xf32> to vector<1x16xf32>
        tpu.vector_store %arg9[%swap3A_690, %swap3A_691], %swap3A_694 {add = true, strides = array<i32>} : memref<32x768xf32, #tpu.memory_space<vmem>>, vector<1x16xf32>,
        %get3A_695 = arith.index_cast %scan3A_613 : i32 to index
        %get3A_696 = arith.constant 144 : index
        %get3A_697 = tpu.vector_load %arg6[%get3A_695, %get3A_696] {strides = array<i32>} : memref<32x768xf32, #tpu.memory_space<vmem>>, vector<1x16xf32>,
        %get3A_698 = vector.shape_cast %get3A_697 : vector<1x16xf32> to vector<16xf32>
        %swap3A_699 = arith.index_cast %scan3A_613 : i32 to index
        %swap3A_700 = arith.constant 144 : index
        %swap3A_701 = tpu.vector_load %arg9[%swap3A_699, %swap3A_700] {strides = array<i32>} : memref<32x768xf32, #tpu.memory_space<vmem>>, vector<1x16xf32>,
        %swap3A_702 = vector.shape_cast %swap3A_701 : vector<1x16xf32> to vector<16xf32>
        %swap3A_703 = vector.shape_cast %get3A_698 : vector<16xf32> to vector<1x16xf32>
        tpu.vector_store %arg9[%swap3A_699, %swap3A_700], %swap3A_703 {add = true, strides = array<i32>} : memref<32x768xf32, #tpu.memory_space<vmem>>, vector<1x16xf32>,
        %get3A_704 = arith.index_cast %scan3A_613 : i32 to index
        %get3A_705 = arith.constant 160 : index
        %get3A_706 = tpu.vector_load %arg6[%get3A_704, %get3A_705] {strides = array<i32>} : memref<32x768xf32, #tpu.memory_space<vmem>>, vector<1x16xf32>,
        %get3A_707 = vector.shape_cast %get3A_706 : vector<1x16xf32> to vector<16xf32>
        %swap3A_708 = arith.index_cast %scan3A_613 : i32 to index
        %swap3A_709 = arith.constant 160 : index
        %swap3A_710 = tpu.vector_load %arg9[%swap3A_708, %swap3A_709] {strides = array<i32>} : memref<32x768xf32, #tpu.memory_space<vmem>>, vector<1x16xf32>,
        %swap3A_711 = vector.shape_cast %swap3A_710 : vector<1x16xf32> to vector<16xf32>
        %swap3A_712 = vector.shape_cast %get3A_707 : vector<16xf32> to vector<1x16xf32>
        tpu.vector_store %arg9[%swap3A_708, %swap3A_709], %swap3A_712 {add = true, strides = array<i32>} : memref<32x768xf32, #tpu.memory_space<vmem>>, vector<1x16xf32>,
        %get3A_713 = arith.index_cast %scan3A_613 : i32 to index
        %get3A_714 = arith.constant 176 : index
        %get3A_715 = tpu.vector_load %arg6[%get3A_713, %get3A_714] {strides = array<i32>} : memref<32x768xf32, #tpu.memory_space<vmem>>, vector<1x16xf32>,
        %get3A_716 = vector.shape_cast %get3A_715 : vector<1x16xf32> to vector<16xf32>
        %swap3A_717 = arith.index_cast %scan3A_613 : i32 to index
        %swap3A_718 = arith.constant 176 : index
        %swap3A_719 = tpu.vector_load %arg9[%swap3A_717, %swap3A_718] {strides = array<i32>} : memref<32x768xf32, #tpu.memory_space<vmem>>, vector<1x16xf32>,
        %swap3A_720 = vector.shape_cast %swap3A_719 : vector<1x16xf32> to vector<16xf32>
        %swap3A_721 = vector.shape_cast %get3A_716 : vector<16xf32> to vector<1x16xf32>
        tpu.vector_store %arg9[%swap3A_717, %swap3A_718], %swap3A_721 {add = true, strides = array<i32>} : memref<32x768xf32, #tpu.memory_space<vmem>>, vector<1x16xf32>,
        %get3A_722 = arith.index_cast %scan3A_613 : i32 to index
        %get3A_723 = arith.constant 192 : index
        %get3A_724 = tpu.vector_load %arg6[%get3A_722, %get3A_723] {strides = array<i32>} : memref<32x768xf32, #tpu.memory_space<vmem>>, vector<1x16xf32>,
        %get3A_725 = vector.shape_cast %get3A_724 : vector<1x16xf32> to vector<16xf32>
        %swap3A_726 = arith.index_cast %scan3A_613 : i32 to index
        %swap3A_727 = arith.constant 192 : index
        %swap3A_728 = tpu.vector_load %arg9[%swap3A_726, %swap3A_727] {strides = array<i32>} : memref<32x768xf32, #tpu.memory_space<vmem>>, vector<1x16xf32>,
        %swap3A_729 = vector.shape_cast %swap3A_728 : vector<1x16xf32> to vector<16xf32>
        %swap3A_730 = vector.shape_cast %get3A_725 : vector<16xf32> to vector<1x16xf32>
        tpu.vector_store %arg9[%swap3A_726, %swap3A_727], %swap3A_730 {add = true, strides = array<i32>} : memref<32x768xf32, #tpu.memory_space<vmem>>, vector<1x16xf32>,
        %get3A_731 = arith.index_cast %scan3A_613 : i32 to index
        %get3A_732 = arith.constant 208 : index
        %get3A_733 = tpu.vector_load %arg6[%get3A_731, %get3A_732] {strides = array<i32>} : memref<32x768xf32, #tpu.memory_space<vmem>>, vector<1x16xf32>,
        %get3A_734 = vector.shape_cast %get3A_733 : vector<1x16xf32> to vector<16xf32>
        %swap3A_735 = arith.index_cast %scan3A_613 : i32 to index
        %swap3A_736 = arith.constant 208 : index
        %swap3A_737 = tpu.vector_load %arg9[%swap3A_735, %swap3A_736] {strides = array<i32>} : memref<32x768xf32, #tpu.memory_space<vmem>>, vector<1x16xf32>,
        %swap3A_738 = vector.shape_cast %swap3A_737 : vector<1x16xf32> to vector<16xf32>
        %swap3A_739 = vector.shape_cast %get3A_734 : vector<16xf32> to vector<1x16xf32>
        tpu.vector_store %arg9[%swap3A_735, %swap3A_736], %swap3A_739 {add = true, strides = array<i32>} : memref<32x768xf32, #tpu.memory_space<vmem>>, vector<1x16xf32>,
        %get3A_740 = arith.index_cast %scan3A_613 : i32 to index
        %get3A_741 = arith.constant 224 : index
        %get3A_742 = tpu.vector_load %arg6[%get3A_740, %get3A_741] {strides = array<i32>} : memref<32x768xf32, #tpu.memory_space<vmem>>, vector<1x16xf32>,
        %get3A_743 = vector.shape_cast %get3A_742 : vector<1x16xf32> to vector<16xf32>
        %swap3A_744 = arith.index_cast %scan3A_613 : i32 to index
        %swap3A_745 = arith.constant 224 : index
        %swap3A_746 = tpu.vector_load %arg9[%swap3A_744, %swap3A_745] {strides = array<i32>} : memref<32x768xf32, #tpu.memory_space<vmem>>, vector<1x16xf32>,
        %swap3A_747 = vector.shape_cast %swap3A_746 : vector<1x16xf32> to vector<16xf32>
        %swap3A_748 = vector.shape_cast %get3A_743 : vector<16xf32> to vector<1x16xf32>
        tpu.vector_store %arg9[%swap3A_744, %swap3A_745], %swap3A_748 {add = true, strides = array<i32>} : memref<32x768xf32, #tpu.memory_space<vmem>>, vector<1x16xf32>,
        %get3A_749 = arith.index_cast %scan3A_613 : i32 to index
        %get3A_750 = arith.constant 240 : index
        %get3A_751 = tpu.vector_load %arg6[%get3A_749, %get3A_750] {strides = array<i32>} : memref<32x768xf32, #tpu.memory_space<vmem>>, vector<1x16xf32>,
        %get3A_752 = vector.shape_cast %get3A_751 : vector<1x16xf32> to vector<16xf32>
        %swap3A_753 = arith.index_cast %scan3A_613 : i32 to index
        %swap3A_754 = arith.constant 240 : index
        %swap3A_755 = tpu.vector_load %arg9[%swap3A_753, %swap3A_754] {strides = array<i32>} : memref<32x768xf32, #tpu.memory_space<vmem>>, vector<1x16xf32>,
        %swap3A_756 = vector.shape_cast %swap3A_755 : vector<1x16xf32> to vector<16xf32>
        %swap3A_757 = vector.shape_cast %get3A_752 : vector<16xf32> to vector<1x16xf32>
        tpu.vector_store %arg9[%swap3A_753, %swap3A_754], %swap3A_757 {add = true, strides = array<i32>} : memref<32x768xf32, #tpu.memory_space<vmem>>, vector<1x16xf32>,
        %get3A_758 = arith.index_cast %scan3A_613 : i32 to index
        %get3A_759 = arith.constant 256 : index
        %get3A_760 = tpu.vector_load %arg6[%get3A_758, %get3A_759] {strides = array<i32>} : memref<32x768xf32, #tpu.memory_space<vmem>>, vector<1x16xf32>,
        %get3A_761 = vector.shape_cast %get3A_760 : vector<1x16xf32> to vector<16xf32>
        %swap3A_762 = arith.index_cast %scan3A_613 : i32 to index
        %swap3A_763 = arith.constant 256 : index
        %swap3A_764 = tpu.vector_load %arg9[%swap3A_762, %swap3A_763] {strides = array<i32>} : memref<32x768xf32, #tpu.memory_space<vmem>>, vector<1x16xf32>,
        %swap3A_765 = vector.shape_cast %swap3A_764 : vector<1x16xf32> to vector<16xf32>
        %swap3A_766 = vector.shape_cast %get3A_761 : vector<16xf32> to vector<1x16xf32>
        tpu.vector_store %arg9[%swap3A_762, %swap3A_763], %swap3A_766 {add = true, strides = array<i32>} : memref<32x768xf32, #tpu.memory_space<vmem>>, vector<1x16xf32>,
        %get3A_767 = arith.index_cast %scan3A_613 : i32 to index
        %get3A_768 = arith.constant 272 : index
        %get3A_769 = tpu.vector_load %arg6[%get3A_767, %get3A_768] {strides = array<i32>} : memref<32x768xf32, #tpu.memory_space<vmem>>, vector<1x16xf32>,
        %get3A_770 = vector.shape_cast %get3A_769 : vector<1x16xf32> to vector<16xf32>
        %swap3A_771 = arith.index_cast %scan3A_613 : i32 to index
        %swap3A_772 = arith.constant 272 : index
        %swap3A_773 = tpu.vector_load %arg9[%swap3A_771, %swap3A_772] {strides = array<i32>} : memref<32x768xf32, #tpu.memory_space<vmem>>, vector<1x16xf32>,
        %swap3A_774 = vector.shape_cast %swap3A_773 : vector<1x16xf32> to vector<16xf32>
        %swap3A_775 = vector.shape_cast %get3A_770 : vector<16xf32> to vector<1x16xf32>
        tpu.vector_store %arg9[%swap3A_771, %swap3A_772], %swap3A_775 {add = true, strides = array<i32>} : memref<32x768xf32, #tpu.memory_space<vmem>>, vector<1x16xf32>,
        %get3A_776 = arith.index_cast %scan3A_613 : i32 to index
        %get3A_777 = arith.constant 288 : index
        %get3A_778 = tpu.vector_load %arg6[%get3A_776, %get3A_777] {strides = array<i32>} : memref<32x768xf32, #tpu.memory_space<vmem>>, vector<1x16xf32>,
        %get3A_779 = vector.shape_cast %get3A_778 : vector<1x16xf32> to vector<16xf32>
        %swap3A_780 = arith.index_cast %scan3A_613 : i32 to index
        %swap3A_781 = arith.constant 288 : index
        %swap3A_782 = tpu.vector_load %arg9[%swap3A_780, %swap3A_781] {strides = array<i32>} : memref<32x768xf32, #tpu.memory_space<vmem>>, vector<1x16xf32>,
        %swap3A_783 = vector.shape_cast %swap3A_782 : vector<1x16xf32> to vector<16xf32>
        %swap3A_784 = vector.shape_cast %get3A_779 : vector<16xf32> to vector<1x16xf32>
        tpu.vector_store %arg9[%swap3A_780, %swap3A_781], %swap3A_784 {add = true, strides = array<i32>} : memref<32x768xf32, #tpu.memory_space<vmem>>, vector<1x16xf32>,
        %get3A_785 = arith.index_cast %scan3A_613 : i32 to index
        %get3A_786 = arith.constant 304 : index
        %get3A_787 = tpu.vector_load %arg6[%get3A_785, %get3A_786] {strides = array<i32>} : memref<32x768xf32, #tpu.memory_space<vmem>>, vector<1x16xf32>,
        %get3A_788 = vector.shape_cast %get3A_787 : vector<1x16xf32> to vector<16xf32>
        %swap3A_789 = arith.index_cast %scan3A_613 : i32 to index
        %swap3A_790 = arith.constant 304 : index
        %swap3A_791 = tpu.vector_load %arg9[%swap3A_789, %swap3A_790] {strides = array<i32>} : memref<32x768xf32, #tpu.memory_space<vmem>>, vector<1x16xf32>,
        %swap3A_792 = vector.shape_cast %swap3A_791 : vector<1x16xf32> to vector<16xf32>
        %swap3A_793 = vector.shape_cast %get3A_788 : vector<16xf32> to vector<1x16xf32>
        tpu.vector_store %arg9[%swap3A_789, %swap3A_790], %swap3A_793 {add = true, strides = array<i32>} : memref<32x768xf32, #tpu.memory_space<vmem>>, vector<1x16xf32>,
        %get3A_794 = arith.index_cast %scan3A_613 : i32 to index
        %get3A_795 = arith.constant 320 : index
        %get3A_796 = tpu.vector_load %arg6[%get3A_794, %get3A_795] {strides = array<i32>} : memref<32x768xf32, #tpu.memory_space<vmem>>, vector<1x16xf32>,
        %get3A_797 = vector.shape_cast %get3A_796 : vector<1x16xf32> to vector<16xf32>
        %swap3A_798 = arith.index_cast %scan3A_613 : i32 to index
        %swap3A_799 = arith.constant 320 : index
        %swap3A_800 = tpu.vector_load %arg9[%swap3A_798, %swap3A_799] {strides = array<i32>} : memref<32x768xf32, #tpu.memory_space<vmem>>, vector<1x16xf32>,
        %swap3A_801 = vector.shape_cast %swap3A_800 : vector<1x16xf32> to vector<16xf32>
        %swap3A_802 = vector.shape_cast %get3A_797 : vector<16xf32> to vector<1x16xf32>
        tpu.vector_store %arg9[%swap3A_798, %swap3A_799], %swap3A_802 {add = true, strides = array<i32>} : memref<32x768xf32, #tpu.memory_space<vmem>>, vector<1x16xf32>,
        %get3A_803 = arith.index_cast %scan3A_613 : i32 to index
        %get3A_804 = arith.constant 336 : index
        %get3A_805 = tpu.vector_load %arg6[%get3A_803, %get3A_804] {strides = array<i32>} : memref<32x768xf32, #tpu.memory_space<vmem>>, vector<1x16xf32>,
        %get3A_806 = vector.shape_cast %get3A_805 : vector<1x16xf32> to vector<16xf32>
        %swap3A_807 = arith.index_cast %scan3A_613 : i32 to index
        %swap3A_808 = arith.constant 336 : index
        %swap3A_809 = tpu.vector_load %arg9[%swap3A_807, %swap3A_808] {strides = array<i32>} : memref<32x768xf32, #tpu.memory_space<vmem>>, vector<1x16xf32>,
        %swap3A_810 = vector.shape_cast %swap3A_809 : vector<1x16xf32> to vector<16xf32>
        %swap3A_811 = vector.shape_cast %get3A_806 : vector<16xf32> to vector<1x16xf32>
        tpu.vector_store %arg9[%swap3A_807, %swap3A_808], %swap3A_811 {add = true, strides = array<i32>} : memref<32x768xf32, #tpu.memory_space<vmem>>, vector<1x16xf32>,
        %get3A_812 = arith.index_cast %scan3A_613 : i32 to index
        %get3A_813 = arith.constant 352 : index
        %get3A_814 = tpu.vector_load %arg6[%get3A_812, %get3A_813] {strides = array<i32>} : memref<32x768xf32, #tpu.memory_space<vmem>>, vector<1x16xf32>,
        %get3A_815 = vector.shape_cast %get3A_814 : vector<1x16xf32> to vector<16xf32>
        %swap3A_816 = arith.index_cast %scan3A_613 : i32 to index
        %swap3A_817 = arith.constant 352 : index
        %swap3A_818 = tpu.vector_load %arg9[%swap3A_816, %swap3A_817] {strides = array<i32>} : memref<32x768xf32, #tpu.memory_space<vmem>>, vector<1x16xf32>,
        %swap3A_819 = vector.shape_cast %swap3A_818 : vector<1x16xf32> to vector<16xf32>
        %swap3A_820 = vector.shape_cast %get3A_815 : vector<16xf32> to vector<1x16xf32>
        tpu.vector_store %arg9[%swap3A_816, %swap3A_817], %swap3A_820 {add = true, strides = array<i32>} : memref<32x768xf32, #tpu.memory_space<vmem>>, vector<1x16xf32>,
        %get3A_821 = arith.index_cast %scan3A_613 : i32 to index
        %get3A_822 = arith.constant 368 : index
        %get3A_823 = tpu.vector_load %arg6[%get3A_821, %get3A_822] {strides = array<i32>} : memref<32x768xf32, #tpu.memory_space<vmem>>, vector<1x16xf32>,
        %get3A_824 = vector.shape_cast %get3A_823 : vector<1x16xf32> to vector<16xf32>
        %swap3A_825 = arith.index_cast %scan3A_613 : i32 to index
        %swap3A_826 = arith.constant 368 : index
        %swap3A_827 = tpu.vector_load %arg9[%swap3A_825, %swap3A_826] {strides = array<i32>} : memref<32x768xf32, #tpu.memory_space<vmem>>, vector<1x16xf32>,
        %swap3A_828 = vector.shape_cast %swap3A_827 : vector<1x16xf32> to vector<16xf32>
        %swap3A_829 = vector.shape_cast %get3A_824 : vector<16xf32> to vector<1x16xf32>
        tpu.vector_store %arg9[%swap3A_825, %swap3A_826], %swap3A_829 {add = true, strides = array<i32>} : memref<32x768xf32, #tpu.memory_space<vmem>>, vector<1x16xf32>,
        %get3A_830 = arith.index_cast %scan3A_613 : i32 to index
        %get3A_831 = arith.constant 384 : index
        %get3A_832 = tpu.vector_load %arg6[%get3A_830, %get3A_831] {strides = array<i32>} : memref<32x768xf32, #tpu.memory_space<vmem>>, vector<1x16xf32>,
        %get3A_833 = vector.shape_cast %get3A_832 : vector<1x16xf32> to vector<16xf32>
        %swap3A_834 = arith.index_cast %scan3A_613 : i32 to index
        %swap3A_835 = arith.constant 384 : index
        %swap3A_836 = tpu.vector_load %arg9[%swap3A_834, %swap3A_835] {strides = array<i32>} : memref<32x768xf32, #tpu.memory_space<vmem>>, vector<1x16xf32>,
        %swap3A_837 = vector.shape_cast %swap3A_836 : vector<1x16xf32> to vector<16xf32>
        %swap3A_838 = vector.shape_cast %get3A_833 : vector<16xf32> to vector<1x16xf32>
        tpu.vector_store %arg9[%swap3A_834, %swap3A_835], %swap3A_838 {add = true, strides = array<i32>} : memref<32x768xf32, #tpu.memory_space<vmem>>, vector<1x16xf32>,
        %get3A_839 = arith.index_cast %scan3A_613 : i32 to index
        %get3A_840 = arith.constant 400 : index
        %get3A_841 = tpu.vector_load %arg6[%get3A_839, %get3A_840] {strides = array<i32>} : memref<32x768xf32, #tpu.memory_space<vmem>>, vector<1x16xf32>,
        %get3A_842 = vector.shape_cast %get3A_841 : vector<1x16xf32> to vector<16xf32>
        %swap3A_843 = arith.index_cast %scan3A_613 : i32 to index
        %swap3A_844 = arith.constant 400 : index
        %swap3A_845 = tpu.vector_load %arg9[%swap3A_843, %swap3A_844] {strides = array<i32>} : memref<32x768xf32, #tpu.memory_space<vmem>>, vector<1x16xf32>,
        %swap3A_846 = vector.shape_cast %swap3A_845 : vector<1x16xf32> to vector<16xf32>
        %swap3A_847 = vector.shape_cast %get3A_842 : vector<16xf32> to vector<1x16xf32>
        tpu.vector_store %arg9[%swap3A_843, %swap3A_844], %swap3A_847 {add = true, strides = array<i32>} : memref<32x768xf32, #tpu.memory_space<vmem>>, vector<1x16xf32>,
        %get3A_848 = arith.index_cast %scan3A_613 : i32 to index
        %get3A_849 = arith.constant 416 : index
        %get3A_850 = tpu.vector_load %arg6[%get3A_848, %get3A_849] {strides = array<i32>} : memref<32x768xf32, #tpu.memory_space<vmem>>, vector<1x16xf32>,
        %get3A_851 = vector.shape_cast %get3A_850 : vector<1x16xf32> to vector<16xf32>
        %swap3A_852 = arith.index_cast %scan3A_613 : i32 to index
        %swap3A_853 = arith.constant 416 : index
        %swap3A_854 = tpu.vector_load %arg9[%swap3A_852, %swap3A_853] {strides = array<i32>} : memref<32x768xf32, #tpu.memory_space<vmem>>, vector<1x16xf32>,
        %swap3A_855 = vector.shape_cast %swap3A_854 : vector<1x16xf32> to vector<16xf32>
        %swap3A_856 = vector.shape_cast %get3A_851 : vector<16xf32> to vector<1x16xf32>
        tpu.vector_store %arg9[%swap3A_852, %swap3A_853], %swap3A_856 {add = true, strides = array<i32>} : memref<32x768xf32, #tpu.memory_space<vmem>>, vector<1x16xf32>,
        %get3A_857 = arith.index_cast %scan3A_613 : i32 to index
        %get3A_858 = arith.constant 432 : index
        %get3A_859 = tpu.vector_load %arg6[%get3A_857, %get3A_858] {strides = array<i32>} : memref<32x768xf32, #tpu.memory_space<vmem>>, vector<1x16xf32>,
        %get3A_860 = vector.shape_cast %get3A_859 : vector<1x16xf32> to vector<16xf32>
        %swap3A_861 = arith.index_cast %scan3A_613 : i32 to index
        %swap3A_862 = arith.constant 432 : index
        %swap3A_863 = tpu.vector_load %arg9[%swap3A_861, %swap3A_862] {strides = array<i32>} : memref<32x768xf32, #tpu.memory_space<vmem>>, vector<1x16xf32>,
        %swap3A_864 = vector.shape_cast %swap3A_863 : vector<1x16xf32> to vector<16xf32>
        %swap3A_865 = vector.shape_cast %get3A_860 : vector<16xf32> to vector<1x16xf32>
        tpu.vector_store %arg9[%swap3A_861, %swap3A_862], %swap3A_865 {add = true, strides = array<i32>} : memref<32x768xf32, #tpu.memory_space<vmem>>, vector<1x16xf32>,
        %get3A_866 = arith.index_cast %scan3A_613 : i32 to index
        %get3A_867 = arith.constant 448 : index
        %get3A_868 = tpu.vector_load %arg6[%get3A_866, %get3A_867] {strides = array<i32>} : memref<32x768xf32, #tpu.memory_space<vmem>>, vector<1x16xf32>,
        %get3A_869 = vector.shape_cast %get3A_868 : vector<1x16xf32> to vector<16xf32>
        %swap3A_870 = arith.index_cast %scan3A_613 : i32 to index
        %swap3A_871 = arith.constant 448 : index
        %swap3A_872 = tpu.vector_load %arg9[%swap3A_870, %swap3A_871] {strides = array<i32>} : memref<32x768xf32, #tpu.memory_space<vmem>>, vector<1x16xf32>,
        %swap3A_873 = vector.shape_cast %swap3A_872 : vector<1x16xf32> to vector<16xf32>
        %swap3A_874 = vector.shape_cast %get3A_869 : vector<16xf32> to vector<1x16xf32>
        tpu.vector_store %arg9[%swap3A_870, %swap3A_871], %swap3A_874 {add = true, strides = array<i32>} : memref<32x768xf32, #tpu.memory_space<vmem>>, vector<1x16xf32>,
        %get3A_875 = arith.index_cast %scan3A_613 : i32 to index
        %get3A_876 = arith.constant 464 : index
        %get3A_877 = tpu.vector_load %arg6[%get3A_875, %get3A_876] {strides = array<i32>} : memref<32x768xf32, #tpu.memory_space<vmem>>, vector<1x16xf32>,
        %get3A_878 = vector.shape_cast %get3A_877 : vector<1x16xf32> to vector<16xf32>
        %swap3A_879 = arith.index_cast %scan3A_613 : i32 to index
        %swap3A_880 = arith.constant 464 : index
        %swap3A_881 = tpu.vector_load %arg9[%swap3A_879, %swap3A_880] {strides = array<i32>} : memref<32x768xf32, #tpu.memory_space<vmem>>, vector<1x16xf32>,
        %swap3A_882 = vector.shape_cast %swap3A_881 : vector<1x16xf32> to vector<16xf32>
        %swap3A_883 = vector.shape_cast %get3A_878 : vector<16xf32> to vector<1x16xf32>
        tpu.vector_store %arg9[%swap3A_879, %swap3A_880], %swap3A_883 {add = true, strides = array<i32>} : memref<32x768xf32, #tpu.memory_space<vmem>>, vector<1x16xf32>,
        %get3A_884 = arith.index_cast %scan3A_613 : i32 to index
        %get3A_885 = arith.constant 480 : index
        %get3A_886 = tpu.vector_load %arg6[%get3A_884, %get3A_885] {strides = array<i32>} : memref<32x768xf32, #tpu.memory_space<vmem>>, vector<1x16xf32>,
        %get3A_887 = vector.shape_cast %get3A_886 : vector<1x16xf32> to vector<16xf32>
        %swap3A_888 = arith.index_cast %scan3A_613 : i32 to index
        %swap3A_889 = arith.constant 480 : index
        %swap3A_890 = tpu.vector_load %arg9[%swap3A_888, %swap3A_889] {strides = array<i32>} : memref<32x768xf32, #tpu.memory_space<vmem>>, vector<1x16xf32>,
        %swap3A_891 = vector.shape_cast %swap3A_890 : vector<1x16xf32> to vector<16xf32>
        %swap3A_892 = vector.shape_cast %get3A_887 : vector<16xf32> to vector<1x16xf32>
        tpu.vector_store %arg9[%swap3A_888, %swap3A_889], %swap3A_892 {add = true, strides = array<i32>} : memref<32x768xf32, #tpu.memory_space<vmem>>, vector<1x16xf32>,
        %get3A_893 = arith.index_cast %scan3A_613 : i32 to index
        %get3A_894 = arith.constant 496 : index
        %get3A_895 = tpu.vector_load %arg6[%get3A_893, %get3A_894] {strides = array<i32>} : memref<32x768xf32, #tpu.memory_space<vmem>>, vector<1x16xf32>,
        %get3A_896 = vector.shape_cast %get3A_895 : vector<1x16xf32> to vector<16xf32>
        %swap3A_897 = arith.index_cast %scan3A_613 : i32 to index
        %swap3A_898 = arith.constant 496 : index
        %swap3A_899 = tpu.vector_load %arg9[%swap3A_897, %swap3A_898] {strides = array<i32>} : memref<32x768xf32, #tpu.memory_space<vmem>>, vector<1x16xf32>,
        %swap3A_900 = vector.shape_cast %swap3A_899 : vector<1x16xf32> to vector<16xf32>
        %swap3A_901 = vector.shape_cast %get3A_896 : vector<16xf32> to vector<1x16xf32>
        tpu.vector_store %arg9[%swap3A_897, %swap3A_898], %swap3A_901 {add = true, strides = array<i32>} : memref<32x768xf32, #tpu.memory_space<vmem>>, vector<1x16xf32>,
        %get3A_902 = arith.index_cast %scan3A_613 : i32 to index
        %get3A_903 = arith.constant 512 : index
        %get3A_904 = tpu.vector_load %arg6[%get3A_902, %get3A_903] {strides = array<i32>} : memref<32x768xf32, #tpu.memory_space<vmem>>, vector<1x16xf32>,
        %get3A_905 = vector.shape_cast %get3A_904 : vector<1x16xf32> to vector<16xf32>
        %swap3A_906 = arith.index_cast %scan3A_613 : i32 to index
        %swap3A_907 = arith.constant 512 : index
        %swap3A_908 = tpu.vector_load %arg9[%swap3A_906, %swap3A_907] {strides = array<i32>} : memref<32x768xf32, #tpu.memory_space<vmem>>, vector<1x16xf32>,
        %swap3A_909 = vector.shape_cast %swap3A_908 : vector<1x16xf32> to vector<16xf32>
        %swap3A_910 = vector.shape_cast %get3A_905 : vector<16xf32> to vector<1x16xf32>
        tpu.vector_store %arg9[%swap3A_906, %swap3A_907], %swap3A_910 {add = true, strides = array<i32>} : memref<32x768xf32, #tpu.memory_space<vmem>>, vector<1x16xf32>,
        %get3A_911 = arith.index_cast %scan3A_613 : i32 to index
        %get3A_912 = arith.constant 528 : index
        %get3A_913 = tpu.vector_load %arg6[%get3A_911, %get3A_912] {strides = array<i32>} : memref<32x768xf32, #tpu.memory_space<vmem>>, vector<1x16xf32>,
        %get3A_914 = vector.shape_cast %get3A_913 : vector<1x16xf32> to vector<16xf32>
        %swap3A_915 = arith.index_cast %scan3A_613 : i32 to index
        %swap3A_916 = arith.constant 528 : index
        %swap3A_917 = tpu.vector_load %arg9[%swap3A_915, %swap3A_916] {strides = array<i32>} : memref<32x768xf32, #tpu.memory_space<vmem>>, vector<1x16xf32>,
        %swap3A_918 = vector.shape_cast %swap3A_917 : vector<1x16xf32> to vector<16xf32>
        %swap3A_919 = vector.shape_cast %get3A_914 : vector<16xf32> to vector<1x16xf32>
        tpu.vector_store %arg9[%swap3A_915, %swap3A_916], %swap3A_919 {add = true, strides = array<i32>} : memref<32x768xf32, #tpu.memory_space<vmem>>, vector<1x16xf32>,
        %get3A_920 = arith.index_cast %scan3A_613 : i32 to index
        %get3A_921 = arith.constant 544 : index
        %get3A_922 = tpu.vector_load %arg6[%get3A_920, %get3A_921] {strides = array<i32>} : memref<32x768xf32, #tpu.memory_space<vmem>>, vector<1x16xf32>,
        %get3A_923 = vector.shape_cast %get3A_922 : vector<1x16xf32> to vector<16xf32>
        %swap3A_924 = arith.index_cast %scan3A_613 : i32 to index
        %swap3A_925 = arith.constant 544 : index
        %swap3A_926 = tpu.vector_load %arg9[%swap3A_924, %swap3A_925] {strides = array<i32>} : memref<32x768xf32, #tpu.memory_space<vmem>>, vector<1x16xf32>,
        %swap3A_927 = vector.shape_cast %swap3A_926 : vector<1x16xf32> to vector<16xf32>
        %swap3A_928 = vector.shape_cast %get3A_923 : vector<16xf32> to vector<1x16xf32>
        tpu.vector_store %arg9[%swap3A_924, %swap3A_925], %swap3A_928 {add = true, strides = array<i32>} : memref<32x768xf32, #tpu.memory_space<vmem>>, vector<1x16xf32>,
        %get3A_929 = arith.index_cast %scan3A_613 : i32 to index
        %get3A_930 = arith.constant 560 : index
        %get3A_931 = tpu.vector_load %arg6[%get3A_929, %get3A_930] {strides = array<i32>} : memref<32x768xf32, #tpu.memory_space<vmem>>, vector<1x16xf32>,
        %get3A_932 = vector.shape_cast %get3A_931 : vector<1x16xf32> to vector<16xf32>
        %swap3A_933 = arith.index_cast %scan3A_613 : i32 to index
        %swap3A_934 = arith.constant 560 : index
        %swap3A_935 = tpu.vector_load %arg9[%swap3A_933, %swap3A_934] {strides = array<i32>} : memref<32x768xf32, #tpu.memory_space<vmem>>, vector<1x16xf32>,
        %swap3A_936 = vector.shape_cast %swap3A_935 : vector<1x16xf32> to vector<16xf32>
        %swap3A_937 = vector.shape_cast %get3A_932 : vector<16xf32> to vector<1x16xf32>
        tpu.vector_store %arg9[%swap3A_933, %swap3A_934], %swap3A_937 {add = true, strides = array<i32>} : memref<32x768xf32, #tpu.memory_space<vmem>>, vector<1x16xf32>,
        %get3A_938 = arith.index_cast %scan3A_613 : i32 to index
        %get3A_939 = arith.constant 576 : index
        %get3A_940 = tpu.vector_load %arg6[%get3A_938, %get3A_939] {strides = array<i32>} : memref<32x768xf32, #tpu.memory_space<vmem>>, vector<1x16xf32>,
        %get3A_941 = vector.shape_cast %get3A_940 : vector<1x16xf32> to vector<16xf32>
        %swap3A_942 = arith.index_cast %scan3A_613 : i32 to index
        %swap3A_943 = arith.constant 576 : index
        %swap3A_944 = tpu.vector_load %arg9[%swap3A_942, %swap3A_943] {strides = array<i32>} : memref<32x768xf32, #tpu.memory_space<vmem>>, vector<1x16xf32>,
        %swap3A_945 = vector.shape_cast %swap3A_944 : vector<1x16xf32> to vector<16xf32>
        %swap3A_946 = vector.shape_cast %get3A_941 : vector<16xf32> to vector<1x16xf32>
        tpu.vector_store %arg9[%swap3A_942, %swap3A_943], %swap3A_946 {add = true, strides = array<i32>} : memref<32x768xf32, #tpu.memory_space<vmem>>, vector<1x16xf32>,
        %get3A_947 = arith.index_cast %scan3A_613 : i32 to index
        %get3A_948 = arith.constant 592 : index
        %get3A_949 = tpu.vector_load %arg6[%get3A_947, %get3A_948] {strides = array<i32>} : memref<32x768xf32, #tpu.memory_space<vmem>>, vector<1x16xf32>,
        %get3A_950 = vector.shape_cast %get3A_949 : vector<1x16xf32> to vector<16xf32>
        %swap3A_951 = arith.index_cast %scan3A_613 : i32 to index
        %swap3A_952 = arith.constant 592 : index
        %swap3A_953 = tpu.vector_load %arg9[%swap3A_951, %swap3A_952] {strides = array<i32>} : memref<32x768xf32, #tpu.memory_space<vmem>>, vector<1x16xf32>,
        %swap3A_954 = vector.shape_cast %swap3A_953 : vector<1x16xf32> to vector<16xf32>
        %swap3A_955 = vector.shape_cast %get3A_950 : vector<16xf32> to vector<1x16xf32>
        tpu.vector_store %arg9[%swap3A_951, %swap3A_952], %swap3A_955 {add = true, strides = array<i32>} : memref<32x768xf32, #tpu.memory_space<vmem>>, vector<1x16xf32>,
        %get3A_956 = arith.index_cast %scan3A_613 : i32 to index
        %get3A_957 = arith.constant 608 : index
        %get3A_958 = tpu.vector_load %arg6[%get3A_956, %get3A_957] {strides = array<i32>} : memref<32x768xf32, #tpu.memory_space<vmem>>, vector<1x16xf32>,
        %get3A_959 = vector.shape_cast %get3A_958 : vector<1x16xf32> to vector<16xf32>
        %swap3A_960 = arith.index_cast %scan3A_613 : i32 to index
        %swap3A_961 = arith.constant 608 : index
        %swap3A_962 = tpu.vector_load %arg9[%swap3A_960, %swap3A_961] {strides = array<i32>} : memref<32x768xf32, #tpu.memory_space<vmem>>, vector<1x16xf32>,
        %swap3A_963 = vector.shape_cast %swap3A_962 : vector<1x16xf32> to vector<16xf32>
        %swap3A_964 = vector.shape_cast %get3A_959 : vector<16xf32> to vector<1x16xf32>
        tpu.vector_store %arg9[%swap3A_960, %swap3A_961], %swap3A_964 {add = true, strides = array<i32>} : memref<32x768xf32, #tpu.memory_space<vmem>>, vector<1x16xf32>,
        %get3A_965 = arith.index_cast %scan3A_613 : i32 to index
        %get3A_966 = arith.constant 624 : index
        %get3A_967 = tpu.vector_load %arg6[%get3A_965, %get3A_966] {strides = array<i32>} : memref<32x768xf32, #tpu.memory_space<vmem>>, vector<1x16xf32>,
        %get3A_968 = vector.shape_cast %get3A_967 : vector<1x16xf32> to vector<16xf32>
        %swap3A_969 = arith.index_cast %scan3A_613 : i32 to index
        %swap3A_970 = arith.constant 624 : index
        %swap3A_971 = tpu.vector_load %arg9[%swap3A_969, %swap3A_970] {strides = array<i32>} : memref<32x768xf32, #tpu.memory_space<vmem>>, vector<1x16xf32>,
        %swap3A_972 = vector.shape_cast %swap3A_971 : vector<1x16xf32> to vector<16xf32>
        %swap3A_973 = vector.shape_cast %get3A_968 : vector<16xf32> to vector<1x16xf32>
        tpu.vector_store %arg9[%swap3A_969, %swap3A_970], %swap3A_973 {add = true, strides = array<i32>} : memref<32x768xf32, #tpu.memory_space<vmem>>, vector<1x16xf32>,
        %get3A_974 = arith.index_cast %scan3A_613 : i32 to index
        %get3A_975 = arith.constant 640 : index
        %get3A_976 = tpu.vector_load %arg6[%get3A_974, %get3A_975] {strides = array<i32>} : memref<32x768xf32, #tpu.memory_space<vmem>>, vector<1x16xf32>,
        %get3A_977 = vector.shape_cast %get3A_976 : vector<1x16xf32> to vector<16xf32>
        %swap3A_978 = arith.index_cast %scan3A_613 : i32 to index
        %swap3A_979 = arith.constant 640 : index
        %swap3A_980 = tpu.vector_load %arg9[%swap3A_978, %swap3A_979] {strides = array<i32>} : memref<32x768xf32, #tpu.memory_space<vmem>>, vector<1x16xf32>,
        %swap3A_981 = vector.shape_cast %swap3A_980 : vector<1x16xf32> to vector<16xf32>
        %swap3A_982 = vector.shape_cast %get3A_977 : vector<16xf32> to vector<1x16xf32>
        tpu.vector_store %arg9[%swap3A_978, %swap3A_979], %swap3A_982 {add = true, strides = array<i32>} : memref<32x768xf32, #tpu.memory_space<vmem>>, vector<1x16xf32>,
        %get3A_983 = arith.index_cast %scan3A_613 : i32 to index
        %get3A_984 = arith.constant 656 : index
        %get3A_985 = tpu.vector_load %arg6[%get3A_983, %get3A_984] {strides = array<i32>} : memref<32x768xf32, #tpu.memory_space<vmem>>, vector<1x16xf32>,
        %get3A_986 = vector.shape_cast %get3A_985 : vector<1x16xf32> to vector<16xf32>
        %swap3A_987 = arith.index_cast %scan3A_613 : i32 to index
        %swap3A_988 = arith.constant 656 : index
        %swap3A_989 = tpu.vector_load %arg9[%swap3A_987, %swap3A_988] {strides = array<i32>} : memref<32x768xf32, #tpu.memory_space<vmem>>, vector<1x16xf32>,
        %swap3A_990 = vector.shape_cast %swap3A_989 : vector<1x16xf32> to vector<16xf32>
        %swap3A_991 = vector.shape_cast %get3A_986 : vector<16xf32> to vector<1x16xf32>
        tpu.vector_store %arg9[%swap3A_987, %swap3A_988], %swap3A_991 {add = true, strides = array<i32>} : memref<32x768xf32, #tpu.memory_space<vmem>>, vector<1x16xf32>,
        %get3A_992 = arith.index_cast %scan3A_613 : i32 to index
        %get3A_993 = arith.constant 672 : index
        %get3A_994 = tpu.vector_load %arg6[%get3A_992, %get3A_993] {strides = array<i32>} : memref<32x768xf32, #tpu.memory_space<vmem>>, vector<1x16xf32>,
        %get3A_995 = vector.shape_cast %get3A_994 : vector<1x16xf32> to vector<16xf32>
        %swap3A_996 = arith.index_cast %scan3A_613 : i32 to index
        %swap3A_997 = arith.constant 672 : index
        %swap3A_998 = tpu.vector_load %arg9[%swap3A_996, %swap3A_997] {strides = array<i32>} : memref<32x768xf32, #tpu.memory_space<vmem>>, vector<1x16xf32>,
        %swap3A_999 = vector.shape_cast %swap3A_998 : vector<1x16xf32> to vector<16xf32>
        %swap3A_1000 = vector.shape_cast %get3A_995 : vector<16xf32> to vector<1x16xf32>
        tpu.vector_store %arg9[%swap3A_996, %swap3A_997], %swap3A_1000 {add = true, strides = array<i32>} : memref<32x768xf32, #tpu.memory_space<vmem>>, vector<1x16xf32>,
        %get3A_1001 = arith.index_cast %scan3A_613 : i32 to index
        %get3A_1002 = arith.constant 688 : index
        %get3A_1003 = tpu.vector_load %arg6[%get3A_1001, %get3A_1002] {strides = array<i32>} : memref<32x768xf32, #tpu.memory_space<vmem>>, vector<1x16xf32>,
        %get3A_1004 = vector.shape_cast %get3A_1003 : vector<1x16xf32> to vector<16xf32>
        %swap3A_1005 = arith.index_cast %scan3A_613 : i32 to index
        %swap3A_1006 = arith.constant 688 : index
        %swap3A_1007 = tpu.vector_load %arg9[%swap3A_1005, %swap3A_1006] {strides = array<i32>} : memref<32x768xf32, #tpu.memory_space<vmem>>, vector<1x16xf32>,
        %swap3A_1008 = vector.shape_cast %swap3A_1007 : vector<1x16xf32> to vector<16xf32>
        %swap3A_1009 = vector.shape_cast %get3A_1004 : vector<16xf32> to vector<1x16xf32>
        tpu.vector_store %arg9[%swap3A_1005, %swap3A_1006], %swap3A_1009 {add = true, strides = array<i32>} : memref<32x768xf32, #tpu.memory_space<vmem>>, vector<1x16xf32>,
        %get3A_1010 = arith.index_cast %scan3A_613 : i32 to index
        %get3A_1011 = arith.constant 704 : index
        %get3A_1012 = tpu.vector_load %arg6[%get3A_1010, %get3A_1011] {strides = array<i32>} : memref<32x768xf32, #tpu.memory_space<vmem>>, vector<1x16xf32>,
        %get3A_1013 = vector.shape_cast %get3A_1012 : vector<1x16xf32> to vector<16xf32>
        %swap3A_1014 = arith.index_cast %scan3A_613 : i32 to index
        %swap3A_1015 = arith.constant 704 : index
        %swap3A_1016 = tpu.vector_load %arg9[%swap3A_1014, %swap3A_1015] {strides = array<i32>} : memref<32x768xf32, #tpu.memory_space<vmem>>, vector<1x16xf32>,
        %swap3A_1017 = vector.shape_cast %swap3A_1016 : vector<1x16xf32> to vector<16xf32>
        %swap3A_1018 = vector.shape_cast %get3A_1013 : vector<16xf32> to vector<1x16xf32>
        tpu.vector_store %arg9[%swap3A_1014, %swap3A_1015], %swap3A_1018 {add = true, strides = array<i32>} : memref<32x768xf32, #tpu.memory_space<vmem>>, vector<1x16xf32>,
        %get3A_1019 = arith.index_cast %scan3A_613 : i32 to index
        %get3A_1020 = arith.constant 720 : index
        %get3A_1021 = tpu.vector_load %arg6[%get3A_1019, %get3A_1020] {strides = array<i32>} : memref<32x768xf32, #tpu.memory_space<vmem>>, vector<1x16xf32>,
        %get3A_1022 = vector.shape_cast %get3A_1021 : vector<1x16xf32> to vector<16xf32>
        %swap3A_1023 = arith.index_cast %scan3A_613 : i32 to index
        %swap3A_1024 = arith.constant 720 : index
        %swap3A_1025 = tpu.vector_load %arg9[%swap3A_1023, %swap3A_1024] {strides = array<i32>} : memref<32x768xf32, #tpu.memory_space<vmem>>, vector<1x16xf32>,
        %swap3A_1026 = vector.shape_cast %swap3A_1025 : vector<1x16xf32> to vector<16xf32>
        %swap3A_1027 = vector.shape_cast %get3A_1022 : vector<16xf32> to vector<1x16xf32>
        tpu.vector_store %arg9[%swap3A_1023, %swap3A_1024], %swap3A_1027 {add = true, strides = array<i32>} : memref<32x768xf32, #tpu.memory_space<vmem>>, vector<1x16xf32>,
        %get3A_1028 = arith.index_cast %scan3A_613 : i32 to index
        %get3A_1029 = arith.constant 736 : index
        %get3A_1030 = tpu.vector_load %arg6[%get3A_1028, %get3A_1029] {strides = array<i32>} : memref<32x768xf32, #tpu.memory_space<vmem>>, vector<1x16xf32>,
        %get3A_1031 = vector.shape_cast %get3A_1030 : vector<1x16xf32> to vector<16xf32>
        %swap3A_1032 = arith.index_cast %scan3A_613 : i32 to index
        %swap3A_1033 = arith.constant 736 : index
        %swap3A_1034 = tpu.vector_load %arg9[%swap3A_1032, %swap3A_1033] {strides = array<i32>} : memref<32x768xf32, #tpu.memory_space<vmem>>, vector<1x16xf32>,
        %swap3A_1035 = vector.shape_cast %swap3A_1034 : vector<1x16xf32> to vector<16xf32>
        %swap3A_1036 = vector.shape_cast %get3A_1031 : vector<16xf32> to vector<1x16xf32>
        tpu.vector_store %arg9[%swap3A_1032, %swap3A_1033], %swap3A_1036 {add = true, strides = array<i32>} : memref<32x768xf32, #tpu.memory_space<vmem>>, vector<1x16xf32>,
        %get3A_1037 = arith.index_cast %scan3A_613 : i32 to index
        %get3A_1038 = arith.constant 752 : index
        %get3A_1039 = tpu.vector_load %arg6[%get3A_1037, %get3A_1038] {strides = array<i32>} : memref<32x768xf32, #tpu.memory_space<vmem>>, vector<1x16xf32>,
        %get3A_1040 = vector.shape_cast %get3A_1039 : vector<1x16xf32> to vector<16xf32>
        %swap3A_1041 = arith.index_cast %scan3A_613 : i32 to index
        %swap3A_1042 = arith.constant 752 : index
        %swap3A_1043 = tpu.vector_load %arg9[%swap3A_1041, %swap3A_1042] {strides = array<i32>} : memref<32x768xf32, #tpu.memory_space<vmem>>, vector<1x16xf32>,
        %swap3A_1044 = vector.shape_cast %swap3A_1043 : vector<1x16xf32> to vector<16xf32>
        %swap3A_1045 = vector.shape_cast %get3A_1040 : vector<16xf32> to vector<1x16xf32>
        tpu.vector_store %arg9[%swap3A_1041, %swap3A_1042], %swap3A_1045 {add = true, strides = array<i32>} : memref<32x768xf32, #tpu.memory_space<vmem>>, vector<1x16xf32>,
      }
      %scan3A_118 = arith.constant 32 : i32
      %mul3A_119 = arith.constant 1024 : i32
      %mul3A_120 = arith.muli %add3A_93, %mul3A_119 : i32
      %add3A_121 = arith.addi %mul3A_120, %mul3A_2 : i32
      %dma_start3A_122 = arith.constant 0 : i32
      %dma_start3A_123 = tpu.memref_slice %arg5[%add3A_121, %dma_start3A_122] : memref<65536x768xf32, #tpu.memory_space<hbm>> -> memref<32x768xf32, #tpu.memory_space<hbm>>
      %dma_start3A_124 = arith.constant 0 : i32
      %dma_start3A_125 = tpu.memref_slice %arg5[%add3A_121, %dma_start3A_124] : memref<65536x768xf32, #tpu.memory_space<hbm>> -> memref<32x768xf32, #tpu.memory_space<hbm>>
      tpu.enqueue_dma source(%arg9 : memref<32x768xf32, #tpu.memory_space<vmem>>) target(%dma_start3A_125 : memref<32x768xf32, #tpu.memory_space<hbm>>) target_semaphore(%arg19 : memref<!tpu.dma_semaphore, #tpu.memory_space<semaphore_mem>>)
      %mul3A_126 = arith.constant 4 : i32
      %mul3A_127 = arith.muli %mul3A_126, %scan3A_56 : i32
      %add3A_128 = arith.constant 2 : i32
      %add3A_129 = arith.addi %mul3A_127, %add3A_128 : i32
      %lt3A = arith.constant 15 : i32
      %lt3A_130 = arith.cmpi slt, %scan3A_56, %lt3A : i32
      %convert_element_type3A_131 = arith.extui %lt3A_130 : i1 to i32
      %cond3A_132 = arith.constant 0 : i32
      %cond3A_133 = arith.cmpi ne, %convert_element_type3A_131, %cond3A_132 : i32
      scf.if %cond3A_133 {
        %sub3A = arith.constant 2 : i32
        %sub3A_181 = arith.subi %add3A_129, %sub3A : i32
        %mul3A_182 = arith.constant 1024 : i32
        %mul3A_183 = arith.muli %sub3A_181, %mul3A_182 : i32
        %add3A_184 = arith.addi %mul3A_183, %mul3A_2 : i32
        %dma_wait3A_185 = arith.constant 0 : i32
        %dma_wait3A_186 = tpu.memref_slice %arg5[%add3A_184, %dma_wait3A_185] : memref<65536x768xf32, #tpu.memory_space<hbm>> -> memref<32x768xf32, #tpu.memory_space<hbm>>
        %dma_wait3A_187 = arith.constant 0 : i32
        %dma_wait3A_188 = tpu.memref_slice %arg5[%add3A_184, %dma_wait3A_187] : memref<65536x768xf32, #tpu.memory_space<hbm>> -> memref<32x768xf32, #tpu.memory_space<hbm>>
        tpu.wait_dma2 semaphore(%arg18 : memref<!tpu.dma_semaphore, #tpu.memory_space<semaphore_mem>>) src(%arg8 : memref<32x768xf32, #tpu.memory_space<vmem>>) dst(%dma_wait3A_188 : memref<32x768xf32, #tpu.memory_space<hbm>>)
        %add3A_189 = arith.constant 2 : i32
        %add3A_190 = arith.addi %add3A_129, %add3A_189 : i32
        %mul3A_191 = arith.constant 32 : i32
        %mul3A_192 = arith.muli %add3A_190, %mul3A_191 : i32
        %dma_start3A_193 = tpu.memref_slice %arg7[%mul3A_192] : memref<2048xi32, #tpu.memory_space<vmem>> -> memref<32xi32, #tpu.memory_space<vmem>>
        %dma_start3A_194 = arith.constant 0 : i32
        %dma_start3A_195 = arith.constant 0 : i32
        %dma_start3A_196 = tpu.memref_slice %arg3[%dma_start3A_194, %dma_start3A_195] : memref<50257x768xf32, #tpu.memory_space<hbm>> -> memref<50257x768xf32, #tpu.memory_space<hbm>>
        tpu.enqueue_indirect_dma source(%dma_start3A_196 : memref<50257x768xf32, #tpu.memory_space<hbm>>) target(%arg8 : memref<32x768xf32, #tpu.memory_space<vmem>>) offsets(%dma_start3A_193 : memref<32xi32, #tpu.memory_space<vmem>>) semaphore(%arg14 : memref<!tpu.dma_semaphore, #tpu.memory_space<semaphore_mem>>)
      } else {
      }
      %mul3A_134 = arith.constant 32 : i32
      %mul3A_135 = arith.muli %add3A_129, %mul3A_134 : i32
      %dma_wait3A_136 = tpu.memref_slice %arg7[%mul3A_135] : memref<2048xi32, #tpu.memory_space<vmem>> -> memref<32xi32, #tpu.memory_space<vmem>>
      %dma_wait3A_137 = arith.constant 0 : i32
      %dma_wait3A_138 = arith.constant 0 : i32
      %dma_wait3A_139 = tpu.memref_slice %arg3[%dma_wait3A_137, %dma_wait3A_138] : memref<50257x768xf32, #tpu.memory_space<hbm>> -> memref<50257x768xf32, #tpu.memory_space<hbm>>
      tpu.wait_indirect_dma semaphore(%arg16 : memref<!tpu.dma_semaphore, #tpu.memory_space<semaphore_mem>>) src(%dma_wait3A_139 : memref<50257x768xf32, #tpu.memory_space<hbm>>) dst(%arg10 : memref<32x768xf32, #tpu.memory_space<vmem>>)
      %scan3A_140 = arith.constant 0 : i32
      %scan3A_141 = arith.constant 0 : i32
      %scan3A_142 = arith.constant 32 : i32
      %scan3A_143 = arith.addi %scan3A_141, %scan3A_142 : i32
      %scan3A_144 = arith.constant 2 : i32
      scf.for %scan3A_181 = %scan3A_141 to %scan3A_143 step %scan3A_144  : i32 {
        %get3A = arith.index_cast %scan3A_181 : i32 to index
        %get3A_182 = arith.constant 0 : index
        %get3A_183 = tpu.vector_load %arg6[%get3A, %get3A_182] {strides = array<i32>} : memref<32x768xf32, #tpu.memory_space<vmem>>, vector<1x16xf32>,
        %get3A_184 = vector.shape_cast %get3A_183 : vector<1x16xf32> to vector<16xf32>
        %swap3A = arith.index_cast %scan3A_181 : i32 to index
        %swap3A_185 = arith.constant 0 : index
        %swap3A_186 = tpu.vector_load %arg10[%swap3A, %swap3A_185] {strides = array<i32>} : memref<32x768xf32, #tpu.memory_space<vmem>>, vector<1x16xf32>,
        %swap3A_187 = vector.shape_cast %swap3A_186 : vector<1x16xf32> to vector<16xf32>
        %swap3A_188 = vector.shape_cast %get3A_184 : vector<16xf32> to vector<1x16xf32>
        tpu.vector_store %arg10[%swap3A, %swap3A_185], %swap3A_188 {add = true, strides = array<i32>} : memref<32x768xf32, #tpu.memory_space<vmem>>, vector<1x16xf32>,
        %get3A_189 = arith.index_cast %scan3A_181 : i32 to index
        %get3A_190 = arith.constant 16 : index
        %get3A_191 = tpu.vector_load %arg6[%get3A_189, %get3A_190] {strides = array<i32>} : memref<32x768xf32, #tpu.memory_space<vmem>>, vector<1x16xf32>,
        %get3A_192 = vector.shape_cast %get3A_191 : vector<1x16xf32> to vector<16xf32>
        %swap3A_193 = arith.index_cast %scan3A_181 : i32 to index
        %swap3A_194 = arith.constant 16 : index
        %swap3A_195 = tpu.vector_load %arg10[%swap3A_193, %swap3A_194] {strides = array<i32>} : memref<32x768xf32, #tpu.memory_space<vmem>>, vector<1x16xf32>,
        %swap3A_196 = vector.shape_cast %swap3A_195 : vector<1x16xf32> to vector<16xf32>
        %swap3A_197 = vector.shape_cast %get3A_192 : vector<16xf32> to vector<1x16xf32>
        tpu.vector_store %arg10[%swap3A_193, %swap3A_194], %swap3A_197 {add = true, strides = array<i32>} : memref<32x768xf32, #tpu.memory_space<vmem>>, vector<1x16xf32>,
        %get3A_198 = arith.index_cast %scan3A_181 : i32 to index
        %get3A_199 = arith.constant 32 : index
        %get3A_200 = tpu.vector_load %arg6[%get3A_198, %get3A_199] {strides = array<i32>} : memref<32x768xf32, #tpu.memory_space<vmem>>, vector<1x16xf32>,
        %get3A_201 = vector.shape_cast %get3A_200 : vector<1x16xf32> to vector<16xf32>
        %swap3A_202 = arith.index_cast %scan3A_181 : i32 to index
        %swap3A_203 = arith.constant 32 : index
        %swap3A_204 = tpu.vector_load %arg10[%swap3A_202, %swap3A_203] {strides = array<i32>} : memref<32x768xf32, #tpu.memory_space<vmem>>, vector<1x16xf32>,
        %swap3A_205 = vector.shape_cast %swap3A_204 : vector<1x16xf32> to vector<16xf32>
        %swap3A_206 = vector.shape_cast %get3A_201 : vector<16xf32> to vector<1x16xf32>
        tpu.vector_store %arg10[%swap3A_202, %swap3A_203], %swap3A_206 {add = true, strides = array<i32>} : memref<32x768xf32, #tpu.memory_space<vmem>>, vector<1x16xf32>,
        %get3A_207 = arith.index_cast %scan3A_181 : i32 to index
        %get3A_208 = arith.constant 48 : index
        %get3A_209 = tpu.vector_load %arg6[%get3A_207, %get3A_208] {strides = array<i32>} : memref<32x768xf32, #tpu.memory_space<vmem>>, vector<1x16xf32>,
        %get3A_210 = vector.shape_cast %get3A_209 : vector<1x16xf32> to vector<16xf32>
        %swap3A_211 = arith.index_cast %scan3A_181 : i32 to index
        %swap3A_212 = arith.constant 48 : index
        %swap3A_213 = tpu.vector_load %arg10[%swap3A_211, %swap3A_212] {strides = array<i32>} : memref<32x768xf32, #tpu.memory_space<vmem>>, vector<1x16xf32>,
        %swap3A_214 = vector.shape_cast %swap3A_213 : vector<1x16xf32> to vector<16xf32>
        %swap3A_215 = vector.shape_cast %get3A_210 : vector<16xf32> to vector<1x16xf32>
        tpu.vector_store %arg10[%swap3A_211, %swap3A_212], %swap3A_215 {add = true, strides = array<i32>} : memref<32x768xf32, #tpu.memory_space<vmem>>, vector<1x16xf32>,
        %get3A_216 = arith.index_cast %scan3A_181 : i32 to index
        %get3A_217 = arith.constant 64 : index
        %get3A_218 = tpu.vector_load %arg6[%get3A_216, %get3A_217] {strides = array<i32>} : memref<32x768xf32, #tpu.memory_space<vmem>>, vector<1x16xf32>,
        %get3A_219 = vector.shape_cast %get3A_218 : vector<1x16xf32> to vector<16xf32>
        %swap3A_220 = arith.index_cast %scan3A_181 : i32 to index
        %swap3A_221 = arith.constant 64 : index
        %swap3A_222 = tpu.vector_load %arg10[%swap3A_220, %swap3A_221] {strides = array<i32>} : memref<32x768xf32, #tpu.memory_space<vmem>>, vector<1x16xf32>,
        %swap3A_223 = vector.shape_cast %swap3A_222 : vector<1x16xf32> to vector<16xf32>
        %swap3A_224 = vector.shape_cast %get3A_219 : vector<16xf32> to vector<1x16xf32>
        tpu.vector_store %arg10[%swap3A_220, %swap3A_221], %swap3A_224 {add = true, strides = array<i32>} : memref<32x768xf32, #tpu.memory_space<vmem>>, vector<1x16xf32>,
        %get3A_225 = arith.index_cast %scan3A_181 : i32 to index
        %get3A_226 = arith.constant 80 : index
        %get3A_227 = tpu.vector_load %arg6[%get3A_225, %get3A_226] {strides = array<i32>} : memref<32x768xf32, #tpu.memory_space<vmem>>, vector<1x16xf32>,
        %get3A_228 = vector.shape_cast %get3A_227 : vector<1x16xf32> to vector<16xf32>
        %swap3A_229 = arith.index_cast %scan3A_181 : i32 to index
        %swap3A_230 = arith.constant 80 : index
        %swap3A_231 = tpu.vector_load %arg10[%swap3A_229, %swap3A_230] {strides = array<i32>} : memref<32x768xf32, #tpu.memory_space<vmem>>, vector<1x16xf32>,
        %swap3A_232 = vector.shape_cast %swap3A_231 : vector<1x16xf32> to vector<16xf32>
        %swap3A_233 = vector.shape_cast %get3A_228 : vector<16xf32> to vector<1x16xf32>
        tpu.vector_store %arg10[%swap3A_229, %swap3A_230], %swap3A_233 {add = true, strides = array<i32>} : memref<32x768xf32, #tpu.memory_space<vmem>>, vector<1x16xf32>,
        %get3A_234 = arith.index_cast %scan3A_181 : i32 to index
        %get3A_235 = arith.constant 96 : index
        %get3A_236 = tpu.vector_load %arg6[%get3A_234, %get3A_235] {strides = array<i32>} : memref<32x768xf32, #tpu.memory_space<vmem>>, vector<1x16xf32>,
        %get3A_237 = vector.shape_cast %get3A_236 : vector<1x16xf32> to vector<16xf32>
        %swap3A_238 = arith.index_cast %scan3A_181 : i32 to index
        %swap3A_239 = arith.constant 96 : index
        %swap3A_240 = tpu.vector_load %arg10[%swap3A_238, %swap3A_239] {strides = array<i32>} : memref<32x768xf32, #tpu.memory_space<vmem>>, vector<1x16xf32>,
        %swap3A_241 = vector.shape_cast %swap3A_240 : vector<1x16xf32> to vector<16xf32>
        %swap3A_242 = vector.shape_cast %get3A_237 : vector<16xf32> to vector<1x16xf32>
        tpu.vector_store %arg10[%swap3A_238, %swap3A_239], %swap3A_242 {add = true, strides = array<i32>} : memref<32x768xf32, #tpu.memory_space<vmem>>, vector<1x16xf32>,
        %get3A_243 = arith.index_cast %scan3A_181 : i32 to index
        %get3A_244 = arith.constant 112 : index
        %get3A_245 = tpu.vector_load %arg6[%get3A_243, %get3A_244] {strides = array<i32>} : memref<32x768xf32, #tpu.memory_space<vmem>>, vector<1x16xf32>,
        %get3A_246 = vector.shape_cast %get3A_245 : vector<1x16xf32> to vector<16xf32>
        %swap3A_247 = arith.index_cast %scan3A_181 : i32 to index
        %swap3A_248 = arith.constant 112 : index
        %swap3A_249 = tpu.vector_load %arg10[%swap3A_247, %swap3A_248] {strides = array<i32>} : memref<32x768xf32, #tpu.memory_space<vmem>>, vector<1x16xf32>,
        %swap3A_250 = vector.shape_cast %swap3A_249 : vector<1x16xf32> to vector<16xf32>
        %swap3A_251 = vector.shape_cast %get3A_246 : vector<16xf32> to vector<1x16xf32>
        tpu.vector_store %arg10[%swap3A_247, %swap3A_248], %swap3A_251 {add = true, strides = array<i32>} : memref<32x768xf32, #tpu.memory_space<vmem>>, vector<1x16xf32>,
        %get3A_252 = arith.index_cast %scan3A_181 : i32 to index
        %get3A_253 = arith.constant 128 : index
        %get3A_254 = tpu.vector_load %arg6[%get3A_252, %get3A_253] {strides = array<i32>} : memref<32x768xf32, #tpu.memory_space<vmem>>, vector<1x16xf32>,
        %get3A_255 = vector.shape_cast %get3A_254 : vector<1x16xf32> to vector<16xf32>
        %swap3A_256 = arith.index_cast %scan3A_181 : i32 to index
        %swap3A_257 = arith.constant 128 : index
        %swap3A_258 = tpu.vector_load %arg10[%swap3A_256, %swap3A_257] {strides = array<i32>} : memref<32x768xf32, #tpu.memory_space<vmem>>, vector<1x16xf32>,
        %swap3A_259 = vector.shape_cast %swap3A_258 : vector<1x16xf32> to vector<16xf32>
        %swap3A_260 = vector.shape_cast %get3A_255 : vector<16xf32> to vector<1x16xf32>
        tpu.vector_store %arg10[%swap3A_256, %swap3A_257], %swap3A_260 {add = true, strides = array<i32>} : memref<32x768xf32, #tpu.memory_space<vmem>>, vector<1x16xf32>,
        %get3A_261 = arith.index_cast %scan3A_181 : i32 to index
        %get3A_262 = arith.constant 144 : index
        %get3A_263 = tpu.vector_load %arg6[%get3A_261, %get3A_262] {strides = array<i32>} : memref<32x768xf32, #tpu.memory_space<vmem>>, vector<1x16xf32>,
        %get3A_264 = vector.shape_cast %get3A_263 : vector<1x16xf32> to vector<16xf32>
        %swap3A_265 = arith.index_cast %scan3A_181 : i32 to index
        %swap3A_266 = arith.constant 144 : index
        %swap3A_267 = tpu.vector_load %arg10[%swap3A_265, %swap3A_266] {strides = array<i32>} : memref<32x768xf32, #tpu.memory_space<vmem>>, vector<1x16xf32>,
        %swap3A_268 = vector.shape_cast %swap3A_267 : vector<1x16xf32> to vector<16xf32>
        %swap3A_269 = vector.shape_cast %get3A_264 : vector<16xf32> to vector<1x16xf32>
        tpu.vector_store %arg10[%swap3A_265, %swap3A_266], %swap3A_269 {add = true, strides = array<i32>} : memref<32x768xf32, #tpu.memory_space<vmem>>, vector<1x16xf32>,
        %get3A_270 = arith.index_cast %scan3A_181 : i32 to index
        %get3A_271 = arith.constant 160 : index
        %get3A_272 = tpu.vector_load %arg6[%get3A_270, %get3A_271] {strides = array<i32>} : memref<32x768xf32, #tpu.memory_space<vmem>>, vector<1x16xf32>,
        %get3A_273 = vector.shape_cast %get3A_272 : vector<1x16xf32> to vector<16xf32>
        %swap3A_274 = arith.index_cast %scan3A_181 : i32 to index
        %swap3A_275 = arith.constant 160 : index
        %swap3A_276 = tpu.vector_load %arg10[%swap3A_274, %swap3A_275] {strides = array<i32>} : memref<32x768xf32, #tpu.memory_space<vmem>>, vector<1x16xf32>,
        %swap3A_277 = vector.shape_cast %swap3A_276 : vector<1x16xf32> to vector<16xf32>
        %swap3A_278 = vector.shape_cast %get3A_273 : vector<16xf32> to vector<1x16xf32>
        tpu.vector_store %arg10[%swap3A_274, %swap3A_275], %swap3A_278 {add = true, strides = array<i32>} : memref<32x768xf32, #tpu.memory_space<vmem>>, vector<1x16xf32>,
        %get3A_279 = arith.index_cast %scan3A_181 : i32 to index
        %get3A_280 = arith.constant 176 : index
        %get3A_281 = tpu.vector_load %arg6[%get3A_279, %get3A_280] {strides = array<i32>} : memref<32x768xf32, #tpu.memory_space<vmem>>, vector<1x16xf32>,
        %get3A_282 = vector.shape_cast %get3A_281 : vector<1x16xf32> to vector<16xf32>
        %swap3A_283 = arith.index_cast %scan3A_181 : i32 to index
        %swap3A_284 = arith.constant 176 : index
        %swap3A_285 = tpu.vector_load %arg10[%swap3A_283, %swap3A_284] {strides = array<i32>} : memref<32x768xf32, #tpu.memory_space<vmem>>, vector<1x16xf32>,
        %swap3A_286 = vector.shape_cast %swap3A_285 : vector<1x16xf32> to vector<16xf32>
        %swap3A_287 = vector.shape_cast %get3A_282 : vector<16xf32> to vector<1x16xf32>
        tpu.vector_store %arg10[%swap3A_283, %swap3A_284], %swap3A_287 {add = true, strides = array<i32>} : memref<32x768xf32, #tpu.memory_space<vmem>>, vector<1x16xf32>,
        %get3A_288 = arith.index_cast %scan3A_181 : i32 to index
        %get3A_289 = arith.constant 192 : index
        %get3A_290 = tpu.vector_load %arg6[%get3A_288, %get3A_289] {strides = array<i32>} : memref<32x768xf32, #tpu.memory_space<vmem>>, vector<1x16xf32>,
        %get3A_291 = vector.shape_cast %get3A_290 : vector<1x16xf32> to vector<16xf32>
        %swap3A_292 = arith.index_cast %scan3A_181 : i32 to index
        %swap3A_293 = arith.constant 192 : index
        %swap3A_294 = tpu.vector_load %arg10[%swap3A_292, %swap3A_293] {strides = array<i32>} : memref<32x768xf32, #tpu.memory_space<vmem>>, vector<1x16xf32>,
        %swap3A_295 = vector.shape_cast %swap3A_294 : vector<1x16xf32> to vector<16xf32>
        %swap3A_296 = vector.shape_cast %get3A_291 : vector<16xf32> to vector<1x16xf32>
        tpu.vector_store %arg10[%swap3A_292, %swap3A_293], %swap3A_296 {add = true, strides = array<i32>} : memref<32x768xf32, #tpu.memory_space<vmem>>, vector<1x16xf32>,
        %get3A_297 = arith.index_cast %scan3A_181 : i32 to index
        %get3A_298 = arith.constant 208 : index
        %get3A_299 = tpu.vector_load %arg6[%get3A_297, %get3A_298] {strides = array<i32>} : memref<32x768xf32, #tpu.memory_space<vmem>>, vector<1x16xf32>,
        %get3A_300 = vector.shape_cast %get3A_299 : vector<1x16xf32> to vector<16xf32>
        %swap3A_301 = arith.index_cast %scan3A_181 : i32 to index
        %swap3A_302 = arith.constant 208 : index
        %swap3A_303 = tpu.vector_load %arg10[%swap3A_301, %swap3A_302] {strides = array<i32>} : memref<32x768xf32, #tpu.memory_space<vmem>>, vector<1x16xf32>,
        %swap3A_304 = vector.shape_cast %swap3A_303 : vector<1x16xf32> to vector<16xf32>
        %swap3A_305 = vector.shape_cast %get3A_300 : vector<16xf32> to vector<1x16xf32>
        tpu.vector_store %arg10[%swap3A_301, %swap3A_302], %swap3A_305 {add = true, strides = array<i32>} : memref<32x768xf32, #tpu.memory_space<vmem>>, vector<1x16xf32>,
        %get3A_306 = arith.index_cast %scan3A_181 : i32 to index
        %get3A_307 = arith.constant 224 : index
        %get3A_308 = tpu.vector_load %arg6[%get3A_306, %get3A_307] {strides = array<i32>} : memref<32x768xf32, #tpu.memory_space<vmem>>, vector<1x16xf32>,
        %get3A_309 = vector.shape_cast %get3A_308 : vector<1x16xf32> to vector<16xf32>
        %swap3A_310 = arith.index_cast %scan3A_181 : i32 to index
        %swap3A_311 = arith.constant 224 : index
        %swap3A_312 = tpu.vector_load %arg10[%swap3A_310, %swap3A_311] {strides = array<i32>} : memref<32x768xf32, #tpu.memory_space<vmem>>, vector<1x16xf32>,
        %swap3A_313 = vector.shape_cast %swap3A_312 : vector<1x16xf32> to vector<16xf32>
        %swap3A_314 = vector.shape_cast %get3A_309 : vector<16xf32> to vector<1x16xf32>
        tpu.vector_store %arg10[%swap3A_310, %swap3A_311], %swap3A_314 {add = true, strides = array<i32>} : memref<32x768xf32, #tpu.memory_space<vmem>>, vector<1x16xf32>,
        %get3A_315 = arith.index_cast %scan3A_181 : i32 to index
        %get3A_316 = arith.constant 240 : index
        %get3A_317 = tpu.vector_load %arg6[%get3A_315, %get3A_316] {strides = array<i32>} : memref<32x768xf32, #tpu.memory_space<vmem>>, vector<1x16xf32>,
        %get3A_318 = vector.shape_cast %get3A_317 : vector<1x16xf32> to vector<16xf32>
        %swap3A_319 = arith.index_cast %scan3A_181 : i32 to index
        %swap3A_320 = arith.constant 240 : index
        %swap3A_321 = tpu.vector_load %arg10[%swap3A_319, %swap3A_320] {strides = array<i32>} : memref<32x768xf32, #tpu.memory_space<vmem>>, vector<1x16xf32>,
        %swap3A_322 = vector.shape_cast %swap3A_321 : vector<1x16xf32> to vector<16xf32>
        %swap3A_323 = vector.shape_cast %get3A_318 : vector<16xf32> to vector<1x16xf32>
        tpu.vector_store %arg10[%swap3A_319, %swap3A_320], %swap3A_323 {add = true, strides = array<i32>} : memref<32x768xf32, #tpu.memory_space<vmem>>, vector<1x16xf32>,
        %get3A_324 = arith.index_cast %scan3A_181 : i32 to index
        %get3A_325 = arith.constant 256 : index
        %get3A_326 = tpu.vector_load %arg6[%get3A_324, %get3A_325] {strides = array<i32>} : memref<32x768xf32, #tpu.memory_space<vmem>>, vector<1x16xf32>,
        %get3A_327 = vector.shape_cast %get3A_326 : vector<1x16xf32> to vector<16xf32>
        %swap3A_328 = arith.index_cast %scan3A_181 : i32 to index
        %swap3A_329 = arith.constant 256 : index
        %swap3A_330 = tpu.vector_load %arg10[%swap3A_328, %swap3A_329] {strides = array<i32>} : memref<32x768xf32, #tpu.memory_space<vmem>>, vector<1x16xf32>,
        %swap3A_331 = vector.shape_cast %swap3A_330 : vector<1x16xf32> to vector<16xf32>
        %swap3A_332 = vector.shape_cast %get3A_327 : vector<16xf32> to vector<1x16xf32>
        tpu.vector_store %arg10[%swap3A_328, %swap3A_329], %swap3A_332 {add = true, strides = array<i32>} : memref<32x768xf32, #tpu.memory_space<vmem>>, vector<1x16xf32>,
        %get3A_333 = arith.index_cast %scan3A_181 : i32 to index
        %get3A_334 = arith.constant 272 : index
        %get3A_335 = tpu.vector_load %arg6[%get3A_333, %get3A_334] {strides = array<i32>} : memref<32x768xf32, #tpu.memory_space<vmem>>, vector<1x16xf32>,
        %get3A_336 = vector.shape_cast %get3A_335 : vector<1x16xf32> to vector<16xf32>
        %swap3A_337 = arith.index_cast %scan3A_181 : i32 to index
        %swap3A_338 = arith.constant 272 : index
        %swap3A_339 = tpu.vector_load %arg10[%swap3A_337, %swap3A_338] {strides = array<i32>} : memref<32x768xf32, #tpu.memory_space<vmem>>, vector<1x16xf32>,
        %swap3A_340 = vector.shape_cast %swap3A_339 : vector<1x16xf32> to vector<16xf32>
        %swap3A_341 = vector.shape_cast %get3A_336 : vector<16xf32> to vector<1x16xf32>
        tpu.vector_store %arg10[%swap3A_337, %swap3A_338], %swap3A_341 {add = true, strides = array<i32>} : memref<32x768xf32, #tpu.memory_space<vmem>>, vector<1x16xf32>,
        %get3A_342 = arith.index_cast %scan3A_181 : i32 to index
        %get3A_343 = arith.constant 288 : index
        %get3A_344 = tpu.vector_load %arg6[%get3A_342, %get3A_343] {strides = array<i32>} : memref<32x768xf32, #tpu.memory_space<vmem>>, vector<1x16xf32>,
        %get3A_345 = vector.shape_cast %get3A_344 : vector<1x16xf32> to vector<16xf32>
        %swap3A_346 = arith.index_cast %scan3A_181 : i32 to index
        %swap3A_347 = arith.constant 288 : index
        %swap3A_348 = tpu.vector_load %arg10[%swap3A_346, %swap3A_347] {strides = array<i32>} : memref<32x768xf32, #tpu.memory_space<vmem>>, vector<1x16xf32>,
        %swap3A_349 = vector.shape_cast %swap3A_348 : vector<1x16xf32> to vector<16xf32>
        %swap3A_350 = vector.shape_cast %get3A_345 : vector<16xf32> to vector<1x16xf32>
        tpu.vector_store %arg10[%swap3A_346, %swap3A_347], %swap3A_350 {add = true, strides = array<i32>} : memref<32x768xf32, #tpu.memory_space<vmem>>, vector<1x16xf32>,
        %get3A_351 = arith.index_cast %scan3A_181 : i32 to index
        %get3A_352 = arith.constant 304 : index
        %get3A_353 = tpu.vector_load %arg6[%get3A_351, %get3A_352] {strides = array<i32>} : memref<32x768xf32, #tpu.memory_space<vmem>>, vector<1x16xf32>,
        %get3A_354 = vector.shape_cast %get3A_353 : vector<1x16xf32> to vector<16xf32>
        %swap3A_355 = arith.index_cast %scan3A_181 : i32 to index
        %swap3A_356 = arith.constant 304 : index
        %swap3A_357 = tpu.vector_load %arg10[%swap3A_355, %swap3A_356] {strides = array<i32>} : memref<32x768xf32, #tpu.memory_space<vmem>>, vector<1x16xf32>,
        %swap3A_358 = vector.shape_cast %swap3A_357 : vector<1x16xf32> to vector<16xf32>
        %swap3A_359 = vector.shape_cast %get3A_354 : vector<16xf32> to vector<1x16xf32>
        tpu.vector_store %arg10[%swap3A_355, %swap3A_356], %swap3A_359 {add = true, strides = array<i32>} : memref<32x768xf32, #tpu.memory_space<vmem>>, vector<1x16xf32>,
        %get3A_360 = arith.index_cast %scan3A_181 : i32 to index
        %get3A_361 = arith.constant 320 : index
        %get3A_362 = tpu.vector_load %arg6[%get3A_360, %get3A_361] {strides = array<i32>} : memref<32x768xf32, #tpu.memory_space<vmem>>, vector<1x16xf32>,
        %get3A_363 = vector.shape_cast %get3A_362 : vector<1x16xf32> to vector<16xf32>
        %swap3A_364 = arith.index_cast %scan3A_181 : i32 to index
        %swap3A_365 = arith.constant 320 : index
        %swap3A_366 = tpu.vector_load %arg10[%swap3A_364, %swap3A_365] {strides = array<i32>} : memref<32x768xf32, #tpu.memory_space<vmem>>, vector<1x16xf32>,
        %swap3A_367 = vector.shape_cast %swap3A_366 : vector<1x16xf32> to vector<16xf32>
        %swap3A_368 = vector.shape_cast %get3A_363 : vector<16xf32> to vector<1x16xf32>
        tpu.vector_store %arg10[%swap3A_364, %swap3A_365], %swap3A_368 {add = true, strides = array<i32>} : memref<32x768xf32, #tpu.memory_space<vmem>>, vector<1x16xf32>,
        %get3A_369 = arith.index_cast %scan3A_181 : i32 to index
        %get3A_370 = arith.constant 336 : index
        %get3A_371 = tpu.vector_load %arg6[%get3A_369, %get3A_370] {strides = array<i32>} : memref<32x768xf32, #tpu.memory_space<vmem>>, vector<1x16xf32>,
        %get3A_372 = vector.shape_cast %get3A_371 : vector<1x16xf32> to vector<16xf32>
        %swap3A_373 = arith.index_cast %scan3A_181 : i32 to index
        %swap3A_374 = arith.constant 336 : index
        %swap3A_375 = tpu.vector_load %arg10[%swap3A_373, %swap3A_374] {strides = array<i32>} : memref<32x768xf32, #tpu.memory_space<vmem>>, vector<1x16xf32>,
        %swap3A_376 = vector.shape_cast %swap3A_375 : vector<1x16xf32> to vector<16xf32>
        %swap3A_377 = vector.shape_cast %get3A_372 : vector<16xf32> to vector<1x16xf32>
        tpu.vector_store %arg10[%swap3A_373, %swap3A_374], %swap3A_377 {add = true, strides = array<i32>} : memref<32x768xf32, #tpu.memory_space<vmem>>, vector<1x16xf32>,
        %get3A_378 = arith.index_cast %scan3A_181 : i32 to index
        %get3A_379 = arith.constant 352 : index
        %get3A_380 = tpu.vector_load %arg6[%get3A_378, %get3A_379] {strides = array<i32>} : memref<32x768xf32, #tpu.memory_space<vmem>>, vector<1x16xf32>,
        %get3A_381 = vector.shape_cast %get3A_380 : vector<1x16xf32> to vector<16xf32>
        %swap3A_382 = arith.index_cast %scan3A_181 : i32 to index
        %swap3A_383 = arith.constant 352 : index
        %swap3A_384 = tpu.vector_load %arg10[%swap3A_382, %swap3A_383] {strides = array<i32>} : memref<32x768xf32, #tpu.memory_space<vmem>>, vector<1x16xf32>,
        %swap3A_385 = vector.shape_cast %swap3A_384 : vector<1x16xf32> to vector<16xf32>
        %swap3A_386 = vector.shape_cast %get3A_381 : vector<16xf32> to vector<1x16xf32>
        tpu.vector_store %arg10[%swap3A_382, %swap3A_383], %swap3A_386 {add = true, strides = array<i32>} : memref<32x768xf32, #tpu.memory_space<vmem>>, vector<1x16xf32>,
        %get3A_387 = arith.index_cast %scan3A_181 : i32 to index
        %get3A_388 = arith.constant 368 : index
        %get3A_389 = tpu.vector_load %arg6[%get3A_387, %get3A_388] {strides = array<i32>} : memref<32x768xf32, #tpu.memory_space<vmem>>, vector<1x16xf32>,
        %get3A_390 = vector.shape_cast %get3A_389 : vector<1x16xf32> to vector<16xf32>
        %swap3A_391 = arith.index_cast %scan3A_181 : i32 to index
        %swap3A_392 = arith.constant 368 : index
        %swap3A_393 = tpu.vector_load %arg10[%swap3A_391, %swap3A_392] {strides = array<i32>} : memref<32x768xf32, #tpu.memory_space<vmem>>, vector<1x16xf32>,
        %swap3A_394 = vector.shape_cast %swap3A_393 : vector<1x16xf32> to vector<16xf32>
        %swap3A_395 = vector.shape_cast %get3A_390 : vector<16xf32> to vector<1x16xf32>
        tpu.vector_store %arg10[%swap3A_391, %swap3A_392], %swap3A_395 {add = true, strides = array<i32>} : memref<32x768xf32, #tpu.memory_space<vmem>>, vector<1x16xf32>,
        %get3A_396 = arith.index_cast %scan3A_181 : i32 to index
        %get3A_397 = arith.constant 384 : index
        %get3A_398 = tpu.vector_load %arg6[%get3A_396, %get3A_397] {strides = array<i32>} : memref<32x768xf32, #tpu.memory_space<vmem>>, vector<1x16xf32>,
        %get3A_399 = vector.shape_cast %get3A_398 : vector<1x16xf32> to vector<16xf32>
        %swap3A_400 = arith.index_cast %scan3A_181 : i32 to index
        %swap3A_401 = arith.constant 384 : index
        %swap3A_402 = tpu.vector_load %arg10[%swap3A_400, %swap3A_401] {strides = array<i32>} : memref<32x768xf32, #tpu.memory_space<vmem>>, vector<1x16xf32>,
        %swap3A_403 = vector.shape_cast %swap3A_402 : vector<1x16xf32> to vector<16xf32>
        %swap3A_404 = vector.shape_cast %get3A_399 : vector<16xf32> to vector<1x16xf32>
        tpu.vector_store %arg10[%swap3A_400, %swap3A_401], %swap3A_404 {add = true, strides = array<i32>} : memref<32x768xf32, #tpu.memory_space<vmem>>, vector<1x16xf32>,
        %get3A_405 = arith.index_cast %scan3A_181 : i32 to index
        %get3A_406 = arith.constant 400 : index
        %get3A_407 = tpu.vector_load %arg6[%get3A_405, %get3A_406] {strides = array<i32>} : memref<32x768xf32, #tpu.memory_space<vmem>>, vector<1x16xf32>,
        %get3A_408 = vector.shape_cast %get3A_407 : vector<1x16xf32> to vector<16xf32>
        %swap3A_409 = arith.index_cast %scan3A_181 : i32 to index
        %swap3A_410 = arith.constant 400 : index
        %swap3A_411 = tpu.vector_load %arg10[%swap3A_409, %swap3A_410] {strides = array<i32>} : memref<32x768xf32, #tpu.memory_space<vmem>>, vector<1x16xf32>,
        %swap3A_412 = vector.shape_cast %swap3A_411 : vector<1x16xf32> to vector<16xf32>
        %swap3A_413 = vector.shape_cast %get3A_408 : vector<16xf32> to vector<1x16xf32>
        tpu.vector_store %arg10[%swap3A_409, %swap3A_410], %swap3A_413 {add = true, strides = array<i32>} : memref<32x768xf32, #tpu.memory_space<vmem>>, vector<1x16xf32>,
        %get3A_414 = arith.index_cast %scan3A_181 : i32 to index
        %get3A_415 = arith.constant 416 : index
        %get3A_416 = tpu.vector_load %arg6[%get3A_414, %get3A_415] {strides = array<i32>} : memref<32x768xf32, #tpu.memory_space<vmem>>, vector<1x16xf32>,
        %get3A_417 = vector.shape_cast %get3A_416 : vector<1x16xf32> to vector<16xf32>
        %swap3A_418 = arith.index_cast %scan3A_181 : i32 to index
        %swap3A_419 = arith.constant 416 : index
        %swap3A_420 = tpu.vector_load %arg10[%swap3A_418, %swap3A_419] {strides = array<i32>} : memref<32x768xf32, #tpu.memory_space<vmem>>, vector<1x16xf32>,
        %swap3A_421 = vector.shape_cast %swap3A_420 : vector<1x16xf32> to vector<16xf32>
        %swap3A_422 = vector.shape_cast %get3A_417 : vector<16xf32> to vector<1x16xf32>
        tpu.vector_store %arg10[%swap3A_418, %swap3A_419], %swap3A_422 {add = true, strides = array<i32>} : memref<32x768xf32, #tpu.memory_space<vmem>>, vector<1x16xf32>,
        %get3A_423 = arith.index_cast %scan3A_181 : i32 to index
        %get3A_424 = arith.constant 432 : index
        %get3A_425 = tpu.vector_load %arg6[%get3A_423, %get3A_424] {strides = array<i32>} : memref<32x768xf32, #tpu.memory_space<vmem>>, vector<1x16xf32>,
        %get3A_426 = vector.shape_cast %get3A_425 : vector<1x16xf32> to vector<16xf32>
        %swap3A_427 = arith.index_cast %scan3A_181 : i32 to index
        %swap3A_428 = arith.constant 432 : index
        %swap3A_429 = tpu.vector_load %arg10[%swap3A_427, %swap3A_428] {strides = array<i32>} : memref<32x768xf32, #tpu.memory_space<vmem>>, vector<1x16xf32>,
        %swap3A_430 = vector.shape_cast %swap3A_429 : vector<1x16xf32> to vector<16xf32>
        %swap3A_431 = vector.shape_cast %get3A_426 : vector<16xf32> to vector<1x16xf32>
        tpu.vector_store %arg10[%swap3A_427, %swap3A_428], %swap3A_431 {add = true, strides = array<i32>} : memref<32x768xf32, #tpu.memory_space<vmem>>, vector<1x16xf32>,
        %get3A_432 = arith.index_cast %scan3A_181 : i32 to index
        %get3A_433 = arith.constant 448 : index
        %get3A_434 = tpu.vector_load %arg6[%get3A_432, %get3A_433] {strides = array<i32>} : memref<32x768xf32, #tpu.memory_space<vmem>>, vector<1x16xf32>,
        %get3A_435 = vector.shape_cast %get3A_434 : vector<1x16xf32> to vector<16xf32>
        %swap3A_436 = arith.index_cast %scan3A_181 : i32 to index
        %swap3A_437 = arith.constant 448 : index
        %swap3A_438 = tpu.vector_load %arg10[%swap3A_436, %swap3A_437] {strides = array<i32>} : memref<32x768xf32, #tpu.memory_space<vmem>>, vector<1x16xf32>,
        %swap3A_439 = vector.shape_cast %swap3A_438 : vector<1x16xf32> to vector<16xf32>
        %swap3A_440 = vector.shape_cast %get3A_435 : vector<16xf32> to vector<1x16xf32>
        tpu.vector_store %arg10[%swap3A_436, %swap3A_437], %swap3A_440 {add = true, strides = array<i32>} : memref<32x768xf32, #tpu.memory_space<vmem>>, vector<1x16xf32>,
        %get3A_441 = arith.index_cast %scan3A_181 : i32 to index
        %get3A_442 = arith.constant 464 : index
        %get3A_443 = tpu.vector_load %arg6[%get3A_441, %get3A_442] {strides = array<i32>} : memref<32x768xf32, #tpu.memory_space<vmem>>, vector<1x16xf32>,
        %get3A_444 = vector.shape_cast %get3A_443 : vector<1x16xf32> to vector<16xf32>
        %swap3A_445 = arith.index_cast %scan3A_181 : i32 to index
        %swap3A_446 = arith.constant 464 : index
        %swap3A_447 = tpu.vector_load %arg10[%swap3A_445, %swap3A_446] {strides = array<i32>} : memref<32x768xf32, #tpu.memory_space<vmem>>, vector<1x16xf32>,
        %swap3A_448 = vector.shape_cast %swap3A_447 : vector<1x16xf32> to vector<16xf32>
        %swap3A_449 = vector.shape_cast %get3A_444 : vector<16xf32> to vector<1x16xf32>
        tpu.vector_store %arg10[%swap3A_445, %swap3A_446], %swap3A_449 {add = true, strides = array<i32>} : memref<32x768xf32, #tpu.memory_space<vmem>>, vector<1x16xf32>,
        %get3A_450 = arith.index_cast %scan3A_181 : i32 to index
        %get3A_451 = arith.constant 480 : index
        %get3A_452 = tpu.vector_load %arg6[%get3A_450, %get3A_451] {strides = array<i32>} : memref<32x768xf32, #tpu.memory_space<vmem>>, vector<1x16xf32>,
        %get3A_453 = vector.shape_cast %get3A_452 : vector<1x16xf32> to vector<16xf32>
        %swap3A_454 = arith.index_cast %scan3A_181 : i32 to index
        %swap3A_455 = arith.constant 480 : index
        %swap3A_456 = tpu.vector_load %arg10[%swap3A_454, %swap3A_455] {strides = array<i32>} : memref<32x768xf32, #tpu.memory_space<vmem>>, vector<1x16xf32>,
        %swap3A_457 = vector.shape_cast %swap3A_456 : vector<1x16xf32> to vector<16xf32>
        %swap3A_458 = vector.shape_cast %get3A_453 : vector<16xf32> to vector<1x16xf32>
        tpu.vector_store %arg10[%swap3A_454, %swap3A_455], %swap3A_458 {add = true, strides = array<i32>} : memref<32x768xf32, #tpu.memory_space<vmem>>, vector<1x16xf32>,
        %get3A_459 = arith.index_cast %scan3A_181 : i32 to index
        %get3A_460 = arith.constant 496 : index
        %get3A_461 = tpu.vector_load %arg6[%get3A_459, %get3A_460] {strides = array<i32>} : memref<32x768xf32, #tpu.memory_space<vmem>>, vector<1x16xf32>,
        %get3A_462 = vector.shape_cast %get3A_461 : vector<1x16xf32> to vector<16xf32>
        %swap3A_463 = arith.index_cast %scan3A_181 : i32 to index
        %swap3A_464 = arith.constant 496 : index
        %swap3A_465 = tpu.vector_load %arg10[%swap3A_463, %swap3A_464] {strides = array<i32>} : memref<32x768xf32, #tpu.memory_space<vmem>>, vector<1x16xf32>,
        %swap3A_466 = vector.shape_cast %swap3A_465 : vector<1x16xf32> to vector<16xf32>
        %swap3A_467 = vector.shape_cast %get3A_462 : vector<16xf32> to vector<1x16xf32>
        tpu.vector_store %arg10[%swap3A_463, %swap3A_464], %swap3A_467 {add = true, strides = array<i32>} : memref<32x768xf32, #tpu.memory_space<vmem>>, vector<1x16xf32>,
        %get3A_468 = arith.index_cast %scan3A_181 : i32 to index
        %get3A_469 = arith.constant 512 : index
        %get3A_470 = tpu.vector_load %arg6[%get3A_468, %get3A_469] {strides = array<i32>} : memref<32x768xf32, #tpu.memory_space<vmem>>, vector<1x16xf32>,
        %get3A_471 = vector.shape_cast %get3A_470 : vector<1x16xf32> to vector<16xf32>
        %swap3A_472 = arith.index_cast %scan3A_181 : i32 to index
        %swap3A_473 = arith.constant 512 : index
        %swap3A_474 = tpu.vector_load %arg10[%swap3A_472, %swap3A_473] {strides = array<i32>} : memref<32x768xf32, #tpu.memory_space<vmem>>, vector<1x16xf32>,
        %swap3A_475 = vector.shape_cast %swap3A_474 : vector<1x16xf32> to vector<16xf32>
        %swap3A_476 = vector.shape_cast %get3A_471 : vector<16xf32> to vector<1x16xf32>
        tpu.vector_store %arg10[%swap3A_472, %swap3A_473], %swap3A_476 {add = true, strides = array<i32>} : memref<32x768xf32, #tpu.memory_space<vmem>>, vector<1x16xf32>,
        %get3A_477 = arith.index_cast %scan3A_181 : i32 to index
        %get3A_478 = arith.constant 528 : index
        %get3A_479 = tpu.vector_load %arg6[%get3A_477, %get3A_478] {strides = array<i32>} : memref<32x768xf32, #tpu.memory_space<vmem>>, vector<1x16xf32>,
        %get3A_480 = vector.shape_cast %get3A_479 : vector<1x16xf32> to vector<16xf32>
        %swap3A_481 = arith.index_cast %scan3A_181 : i32 to index
        %swap3A_482 = arith.constant 528 : index
        %swap3A_483 = tpu.vector_load %arg10[%swap3A_481, %swap3A_482] {strides = array<i32>} : memref<32x768xf32, #tpu.memory_space<vmem>>, vector<1x16xf32>,
        %swap3A_484 = vector.shape_cast %swap3A_483 : vector<1x16xf32> to vector<16xf32>
        %swap3A_485 = vector.shape_cast %get3A_480 : vector<16xf32> to vector<1x16xf32>
        tpu.vector_store %arg10[%swap3A_481, %swap3A_482], %swap3A_485 {add = true, strides = array<i32>} : memref<32x768xf32, #tpu.memory_space<vmem>>, vector<1x16xf32>,
        %get3A_486 = arith.index_cast %scan3A_181 : i32 to index
        %get3A_487 = arith.constant 544 : index
        %get3A_488 = tpu.vector_load %arg6[%get3A_486, %get3A_487] {strides = array<i32>} : memref<32x768xf32, #tpu.memory_space<vmem>>, vector<1x16xf32>,
        %get3A_489 = vector.shape_cast %get3A_488 : vector<1x16xf32> to vector<16xf32>
        %swap3A_490 = arith.index_cast %scan3A_181 : i32 to index
        %swap3A_491 = arith.constant 544 : index
        %swap3A_492 = tpu.vector_load %arg10[%swap3A_490, %swap3A_491] {strides = array<i32>} : memref<32x768xf32, #tpu.memory_space<vmem>>, vector<1x16xf32>,
        %swap3A_493 = vector.shape_cast %swap3A_492 : vector<1x16xf32> to vector<16xf32>
        %swap3A_494 = vector.shape_cast %get3A_489 : vector<16xf32> to vector<1x16xf32>
        tpu.vector_store %arg10[%swap3A_490, %swap3A_491], %swap3A_494 {add = true, strides = array<i32>} : memref<32x768xf32, #tpu.memory_space<vmem>>, vector<1x16xf32>,
        %get3A_495 = arith.index_cast %scan3A_181 : i32 to index
        %get3A_496 = arith.constant 560 : index
        %get3A_497 = tpu.vector_load %arg6[%get3A_495, %get3A_496] {strides = array<i32>} : memref<32x768xf32, #tpu.memory_space<vmem>>, vector<1x16xf32>,
        %get3A_498 = vector.shape_cast %get3A_497 : vector<1x16xf32> to vector<16xf32>
        %swap3A_499 = arith.index_cast %scan3A_181 : i32 to index
        %swap3A_500 = arith.constant 560 : index
        %swap3A_501 = tpu.vector_load %arg10[%swap3A_499, %swap3A_500] {strides = array<i32>} : memref<32x768xf32, #tpu.memory_space<vmem>>, vector<1x16xf32>,
        %swap3A_502 = vector.shape_cast %swap3A_501 : vector<1x16xf32> to vector<16xf32>
        %swap3A_503 = vector.shape_cast %get3A_498 : vector<16xf32> to vector<1x16xf32>
        tpu.vector_store %arg10[%swap3A_499, %swap3A_500], %swap3A_503 {add = true, strides = array<i32>} : memref<32x768xf32, #tpu.memory_space<vmem>>, vector<1x16xf32>,
        %get3A_504 = arith.index_cast %scan3A_181 : i32 to index
        %get3A_505 = arith.constant 576 : index
        %get3A_506 = tpu.vector_load %arg6[%get3A_504, %get3A_505] {strides = array<i32>} : memref<32x768xf32, #tpu.memory_space<vmem>>, vector<1x16xf32>,
        %get3A_507 = vector.shape_cast %get3A_506 : vector<1x16xf32> to vector<16xf32>
        %swap3A_508 = arith.index_cast %scan3A_181 : i32 to index
        %swap3A_509 = arith.constant 576 : index
        %swap3A_510 = tpu.vector_load %arg10[%swap3A_508, %swap3A_509] {strides = array<i32>} : memref<32x768xf32, #tpu.memory_space<vmem>>, vector<1x16xf32>,
        %swap3A_511 = vector.shape_cast %swap3A_510 : vector<1x16xf32> to vector<16xf32>
        %swap3A_512 = vector.shape_cast %get3A_507 : vector<16xf32> to vector<1x16xf32>
        tpu.vector_store %arg10[%swap3A_508, %swap3A_509], %swap3A_512 {add = true, strides = array<i32>} : memref<32x768xf32, #tpu.memory_space<vmem>>, vector<1x16xf32>,
        %get3A_513 = arith.index_cast %scan3A_181 : i32 to index
        %get3A_514 = arith.constant 592 : index
        %get3A_515 = tpu.vector_load %arg6[%get3A_513, %get3A_514] {strides = array<i32>} : memref<32x768xf32, #tpu.memory_space<vmem>>, vector<1x16xf32>,
        %get3A_516 = vector.shape_cast %get3A_515 : vector<1x16xf32> to vector<16xf32>
        %swap3A_517 = arith.index_cast %scan3A_181 : i32 to index
        %swap3A_518 = arith.constant 592 : index
        %swap3A_519 = tpu.vector_load %arg10[%swap3A_517, %swap3A_518] {strides = array<i32>} : memref<32x768xf32, #tpu.memory_space<vmem>>, vector<1x16xf32>,
        %swap3A_520 = vector.shape_cast %swap3A_519 : vector<1x16xf32> to vector<16xf32>
        %swap3A_521 = vector.shape_cast %get3A_516 : vector<16xf32> to vector<1x16xf32>
        tpu.vector_store %arg10[%swap3A_517, %swap3A_518], %swap3A_521 {add = true, strides = array<i32>} : memref<32x768xf32, #tpu.memory_space<vmem>>, vector<1x16xf32>,
        %get3A_522 = arith.index_cast %scan3A_181 : i32 to index
        %get3A_523 = arith.constant 608 : index
        %get3A_524 = tpu.vector_load %arg6[%get3A_522, %get3A_523] {strides = array<i32>} : memref<32x768xf32, #tpu.memory_space<vmem>>, vector<1x16xf32>,
        %get3A_525 = vector.shape_cast %get3A_524 : vector<1x16xf32> to vector<16xf32>
        %swap3A_526 = arith.index_cast %scan3A_181 : i32 to index
        %swap3A_527 = arith.constant 608 : index
        %swap3A_528 = tpu.vector_load %arg10[%swap3A_526, %swap3A_527] {strides = array<i32>} : memref<32x768xf32, #tpu.memory_space<vmem>>, vector<1x16xf32>,
        %swap3A_529 = vector.shape_cast %swap3A_528 : vector<1x16xf32> to vector<16xf32>
        %swap3A_530 = vector.shape_cast %get3A_525 : vector<16xf32> to vector<1x16xf32>
        tpu.vector_store %arg10[%swap3A_526, %swap3A_527], %swap3A_530 {add = true, strides = array<i32>} : memref<32x768xf32, #tpu.memory_space<vmem>>, vector<1x16xf32>,
        %get3A_531 = arith.index_cast %scan3A_181 : i32 to index
        %get3A_532 = arith.constant 624 : index
        %get3A_533 = tpu.vector_load %arg6[%get3A_531, %get3A_532] {strides = array<i32>} : memref<32x768xf32, #tpu.memory_space<vmem>>, vector<1x16xf32>,
        %get3A_534 = vector.shape_cast %get3A_533 : vector<1x16xf32> to vector<16xf32>
        %swap3A_535 = arith.index_cast %scan3A_181 : i32 to index
        %swap3A_536 = arith.constant 624 : index
        %swap3A_537 = tpu.vector_load %arg10[%swap3A_535, %swap3A_536] {strides = array<i32>} : memref<32x768xf32, #tpu.memory_space<vmem>>, vector<1x16xf32>,
        %swap3A_538 = vector.shape_cast %swap3A_537 : vector<1x16xf32> to vector<16xf32>
        %swap3A_539 = vector.shape_cast %get3A_534 : vector<16xf32> to vector<1x16xf32>
        tpu.vector_store %arg10[%swap3A_535, %swap3A_536], %swap3A_539 {add = true, strides = array<i32>} : memref<32x768xf32, #tpu.memory_space<vmem>>, vector<1x16xf32>,
        %get3A_540 = arith.index_cast %scan3A_181 : i32 to index
        %get3A_541 = arith.constant 640 : index
        %get3A_542 = tpu.vector_load %arg6[%get3A_540, %get3A_541] {strides = array<i32>} : memref<32x768xf32, #tpu.memory_space<vmem>>, vector<1x16xf32>,
        %get3A_543 = vector.shape_cast %get3A_542 : vector<1x16xf32> to vector<16xf32>
        %swap3A_544 = arith.index_cast %scan3A_181 : i32 to index
        %swap3A_545 = arith.constant 640 : index
        %swap3A_546 = tpu.vector_load %arg10[%swap3A_544, %swap3A_545] {strides = array<i32>} : memref<32x768xf32, #tpu.memory_space<vmem>>, vector<1x16xf32>,
        %swap3A_547 = vector.shape_cast %swap3A_546 : vector<1x16xf32> to vector<16xf32>
        %swap3A_548 = vector.shape_cast %get3A_543 : vector<16xf32> to vector<1x16xf32>
        tpu.vector_store %arg10[%swap3A_544, %swap3A_545], %swap3A_548 {add = true, strides = array<i32>} : memref<32x768xf32, #tpu.memory_space<vmem>>, vector<1x16xf32>,
        %get3A_549 = arith.index_cast %scan3A_181 : i32 to index
        %get3A_550 = arith.constant 656 : index
        %get3A_551 = tpu.vector_load %arg6[%get3A_549, %get3A_550] {strides = array<i32>} : memref<32x768xf32, #tpu.memory_space<vmem>>, vector<1x16xf32>,
        %get3A_552 = vector.shape_cast %get3A_551 : vector<1x16xf32> to vector<16xf32>
        %swap3A_553 = arith.index_cast %scan3A_181 : i32 to index
        %swap3A_554 = arith.constant 656 : index
        %swap3A_555 = tpu.vector_load %arg10[%swap3A_553, %swap3A_554] {strides = array<i32>} : memref<32x768xf32, #tpu.memory_space<vmem>>, vector<1x16xf32>,
        %swap3A_556 = vector.shape_cast %swap3A_555 : vector<1x16xf32> to vector<16xf32>
        %swap3A_557 = vector.shape_cast %get3A_552 : vector<16xf32> to vector<1x16xf32>
        tpu.vector_store %arg10[%swap3A_553, %swap3A_554], %swap3A_557 {add = true, strides = array<i32>} : memref<32x768xf32, #tpu.memory_space<vmem>>, vector<1x16xf32>,
        %get3A_558 = arith.index_cast %scan3A_181 : i32 to index
        %get3A_559 = arith.constant 672 : index
        %get3A_560 = tpu.vector_load %arg6[%get3A_558, %get3A_559] {strides = array<i32>} : memref<32x768xf32, #tpu.memory_space<vmem>>, vector<1x16xf32>,
        %get3A_561 = vector.shape_cast %get3A_560 : vector<1x16xf32> to vector<16xf32>
        %swap3A_562 = arith.index_cast %scan3A_181 : i32 to index
        %swap3A_563 = arith.constant 672 : index
        %swap3A_564 = tpu.vector_load %arg10[%swap3A_562, %swap3A_563] {strides = array<i32>} : memref<32x768xf32, #tpu.memory_space<vmem>>, vector<1x16xf32>,
        %swap3A_565 = vector.shape_cast %swap3A_564 : vector<1x16xf32> to vector<16xf32>
        %swap3A_566 = vector.shape_cast %get3A_561 : vector<16xf32> to vector<1x16xf32>
        tpu.vector_store %arg10[%swap3A_562, %swap3A_563], %swap3A_566 {add = true, strides = array<i32>} : memref<32x768xf32, #tpu.memory_space<vmem>>, vector<1x16xf32>,
        %get3A_567 = arith.index_cast %scan3A_181 : i32 to index
        %get3A_568 = arith.constant 688 : index
        %get3A_569 = tpu.vector_load %arg6[%get3A_567, %get3A_568] {strides = array<i32>} : memref<32x768xf32, #tpu.memory_space<vmem>>, vector<1x16xf32>,
        %get3A_570 = vector.shape_cast %get3A_569 : vector<1x16xf32> to vector<16xf32>
        %swap3A_571 = arith.index_cast %scan3A_181 : i32 to index
        %swap3A_572 = arith.constant 688 : index
        %swap3A_573 = tpu.vector_load %arg10[%swap3A_571, %swap3A_572] {strides = array<i32>} : memref<32x768xf32, #tpu.memory_space<vmem>>, vector<1x16xf32>,
        %swap3A_574 = vector.shape_cast %swap3A_573 : vector<1x16xf32> to vector<16xf32>
        %swap3A_575 = vector.shape_cast %get3A_570 : vector<16xf32> to vector<1x16xf32>
        tpu.vector_store %arg10[%swap3A_571, %swap3A_572], %swap3A_575 {add = true, strides = array<i32>} : memref<32x768xf32, #tpu.memory_space<vmem>>, vector<1x16xf32>,
        %get3A_576 = arith.index_cast %scan3A_181 : i32 to index
        %get3A_577 = arith.constant 704 : index
        %get3A_578 = tpu.vector_load %arg6[%get3A_576, %get3A_577] {strides = array<i32>} : memref<32x768xf32, #tpu.memory_space<vmem>>, vector<1x16xf32>,
        %get3A_579 = vector.shape_cast %get3A_578 : vector<1x16xf32> to vector<16xf32>
        %swap3A_580 = arith.index_cast %scan3A_181 : i32 to index
        %swap3A_581 = arith.constant 704 : index
        %swap3A_582 = tpu.vector_load %arg10[%swap3A_580, %swap3A_581] {strides = array<i32>} : memref<32x768xf32, #tpu.memory_space<vmem>>, vector<1x16xf32>,
        %swap3A_583 = vector.shape_cast %swap3A_582 : vector<1x16xf32> to vector<16xf32>
        %swap3A_584 = vector.shape_cast %get3A_579 : vector<16xf32> to vector<1x16xf32>
        tpu.vector_store %arg10[%swap3A_580, %swap3A_581], %swap3A_584 {add = true, strides = array<i32>} : memref<32x768xf32, #tpu.memory_space<vmem>>, vector<1x16xf32>,
        %get3A_585 = arith.index_cast %scan3A_181 : i32 to index
        %get3A_586 = arith.constant 720 : index
        %get3A_587 = tpu.vector_load %arg6[%get3A_585, %get3A_586] {strides = array<i32>} : memref<32x768xf32, #tpu.memory_space<vmem>>, vector<1x16xf32>,
        %get3A_588 = vector.shape_cast %get3A_587 : vector<1x16xf32> to vector<16xf32>
        %swap3A_589 = arith.index_cast %scan3A_181 : i32 to index
        %swap3A_590 = arith.constant 720 : index
        %swap3A_591 = tpu.vector_load %arg10[%swap3A_589, %swap3A_590] {strides = array<i32>} : memref<32x768xf32, #tpu.memory_space<vmem>>, vector<1x16xf32>,
        %swap3A_592 = vector.shape_cast %swap3A_591 : vector<1x16xf32> to vector<16xf32>
        %swap3A_593 = vector.shape_cast %get3A_588 : vector<16xf32> to vector<1x16xf32>
        tpu.vector_store %arg10[%swap3A_589, %swap3A_590], %swap3A_593 {add = true, strides = array<i32>} : memref<32x768xf32, #tpu.memory_space<vmem>>, vector<1x16xf32>,
        %get3A_594 = arith.index_cast %scan3A_181 : i32 to index
        %get3A_595 = arith.constant 736 : index
        %get3A_596 = tpu.vector_load %arg6[%get3A_594, %get3A_595] {strides = array<i32>} : memref<32x768xf32, #tpu.memory_space<vmem>>, vector<1x16xf32>,
        %get3A_597 = vector.shape_cast %get3A_596 : vector<1x16xf32> to vector<16xf32>
        %swap3A_598 = arith.index_cast %scan3A_181 : i32 to index
        %swap3A_599 = arith.constant 736 : index
        %swap3A_600 = tpu.vector_load %arg10[%swap3A_598, %swap3A_599] {strides = array<i32>} : memref<32x768xf32, #tpu.memory_space<vmem>>, vector<1x16xf32>,
        %swap3A_601 = vector.shape_cast %swap3A_600 : vector<1x16xf32> to vector<16xf32>
        %swap3A_602 = vector.shape_cast %get3A_597 : vector<16xf32> to vector<1x16xf32>
        tpu.vector_store %arg10[%swap3A_598, %swap3A_599], %swap3A_602 {add = true, strides = array<i32>} : memref<32x768xf32, #tpu.memory_space<vmem>>, vector<1x16xf32>,
        %get3A_603 = arith.index_cast %scan3A_181 : i32 to index
        %get3A_604 = arith.constant 752 : index
        %get3A_605 = tpu.vector_load %arg6[%get3A_603, %get3A_604] {strides = array<i32>} : memref<32x768xf32, #tpu.memory_space<vmem>>, vector<1x16xf32>,
        %get3A_606 = vector.shape_cast %get3A_605 : vector<1x16xf32> to vector<16xf32>
        %swap3A_607 = arith.index_cast %scan3A_181 : i32 to index
        %swap3A_608 = arith.constant 752 : index
        %swap3A_609 = tpu.vector_load %arg10[%swap3A_607, %swap3A_608] {strides = array<i32>} : memref<32x768xf32, #tpu.memory_space<vmem>>, vector<1x16xf32>,
        %swap3A_610 = vector.shape_cast %swap3A_609 : vector<1x16xf32> to vector<16xf32>
        %swap3A_611 = vector.shape_cast %get3A_606 : vector<16xf32> to vector<1x16xf32>
        tpu.vector_store %arg10[%swap3A_607, %swap3A_608], %swap3A_611 {add = true, strides = array<i32>} : memref<32x768xf32, #tpu.memory_space<vmem>>, vector<1x16xf32>,
        %scan3A_612 = arith.constant 1 : i32
        %scan3A_613 = arith.addi %scan3A_181, %scan3A_612 : i32
        %get3A_614 = arith.index_cast %scan3A_613 : i32 to index
        %get3A_615 = arith.constant 0 : index
        %get3A_616 = tpu.vector_load %arg6[%get3A_614, %get3A_615] {strides = array<i32>} : memref<32x768xf32, #tpu.memory_space<vmem>>, vector<1x16xf32>,
        %get3A_617 = vector.shape_cast %get3A_616 : vector<1x16xf32> to vector<16xf32>
        %swap3A_618 = arith.index_cast %scan3A_613 : i32 to index
        %swap3A_619 = arith.constant 0 : index
        %swap3A_620 = tpu.vector_load %arg10[%swap3A_618, %swap3A_619] {strides = array<i32>} : memref<32x768xf32, #tpu.memory_space<vmem>>, vector<1x16xf32>,
        %swap3A_621 = vector.shape_cast %swap3A_620 : vector<1x16xf32> to vector<16xf32>
        %swap3A_622 = vector.shape_cast %get3A_617 : vector<16xf32> to vector<1x16xf32>
        tpu.vector_store %arg10[%swap3A_618, %swap3A_619], %swap3A_622 {add = true, strides = array<i32>} : memref<32x768xf32, #tpu.memory_space<vmem>>, vector<1x16xf32>,
        %get3A_623 = arith.index_cast %scan3A_613 : i32 to index
        %get3A_624 = arith.constant 16 : index
        %get3A_625 = tpu.vector_load %arg6[%get3A_623, %get3A_624] {strides = array<i32>} : memref<32x768xf32, #tpu.memory_space<vmem>>, vector<1x16xf32>,
        %get3A_626 = vector.shape_cast %get3A_625 : vector<1x16xf32> to vector<16xf32>
        %swap3A_627 = arith.index_cast %scan3A_613 : i32 to index
        %swap3A_628 = arith.constant 16 : index
        %swap3A_629 = tpu.vector_load %arg10[%swap3A_627, %swap3A_628] {strides = array<i32>} : memref<32x768xf32, #tpu.memory_space<vmem>>, vector<1x16xf32>,
        %swap3A_630 = vector.shape_cast %swap3A_629 : vector<1x16xf32> to vector<16xf32>
        %swap3A_631 = vector.shape_cast %get3A_626 : vector<16xf32> to vector<1x16xf32>
        tpu.vector_store %arg10[%swap3A_627, %swap3A_628], %swap3A_631 {add = true, strides = array<i32>} : memref<32x768xf32, #tpu.memory_space<vmem>>, vector<1x16xf32>,
        %get3A_632 = arith.index_cast %scan3A_613 : i32 to index
        %get3A_633 = arith.constant 32 : index
        %get3A_634 = tpu.vector_load %arg6[%get3A_632, %get3A_633] {strides = array<i32>} : memref<32x768xf32, #tpu.memory_space<vmem>>, vector<1x16xf32>,
        %get3A_635 = vector.shape_cast %get3A_634 : vector<1x16xf32> to vector<16xf32>
        %swap3A_636 = arith.index_cast %scan3A_613 : i32 to index
        %swap3A_637 = arith.constant 32 : index
        %swap3A_638 = tpu.vector_load %arg10[%swap3A_636, %swap3A_637] {strides = array<i32>} : memref<32x768xf32, #tpu.memory_space<vmem>>, vector<1x16xf32>,
        %swap3A_639 = vector.shape_cast %swap3A_638 : vector<1x16xf32> to vector<16xf32>
        %swap3A_640 = vector.shape_cast %get3A_635 : vector<16xf32> to vector<1x16xf32>
        tpu.vector_store %arg10[%swap3A_636, %swap3A_637], %swap3A_640 {add = true, strides = array<i32>} : memref<32x768xf32, #tpu.memory_space<vmem>>, vector<1x16xf32>,
        %get3A_641 = arith.index_cast %scan3A_613 : i32 to index
        %get3A_642 = arith.constant 48 : index
        %get3A_643 = tpu.vector_load %arg6[%get3A_641, %get3A_642] {strides = array<i32>} : memref<32x768xf32, #tpu.memory_space<vmem>>, vector<1x16xf32>,
        %get3A_644 = vector.shape_cast %get3A_643 : vector<1x16xf32> to vector<16xf32>
        %swap3A_645 = arith.index_cast %scan3A_613 : i32 to index
        %swap3A_646 = arith.constant 48 : index
        %swap3A_647 = tpu.vector_load %arg10[%swap3A_645, %swap3A_646] {strides = array<i32>} : memref<32x768xf32, #tpu.memory_space<vmem>>, vector<1x16xf32>,
        %swap3A_648 = vector.shape_cast %swap3A_647 : vector<1x16xf32> to vector<16xf32>
        %swap3A_649 = vector.shape_cast %get3A_644 : vector<16xf32> to vector<1x16xf32>
        tpu.vector_store %arg10[%swap3A_645, %swap3A_646], %swap3A_649 {add = true, strides = array<i32>} : memref<32x768xf32, #tpu.memory_space<vmem>>, vector<1x16xf32>,
        %get3A_650 = arith.index_cast %scan3A_613 : i32 to index
        %get3A_651 = arith.constant 64 : index
        %get3A_652 = tpu.vector_load %arg6[%get3A_650, %get3A_651] {strides = array<i32>} : memref<32x768xf32, #tpu.memory_space<vmem>>, vector<1x16xf32>,
        %get3A_653 = vector.shape_cast %get3A_652 : vector<1x16xf32> to vector<16xf32>
        %swap3A_654 = arith.index_cast %scan3A_613 : i32 to index
        %swap3A_655 = arith.constant 64 : index
        %swap3A_656 = tpu.vector_load %arg10[%swap3A_654, %swap3A_655] {strides = array<i32>} : memref<32x768xf32, #tpu.memory_space<vmem>>, vector<1x16xf32>,
        %swap3A_657 = vector.shape_cast %swap3A_656 : vector<1x16xf32> to vector<16xf32>
        %swap3A_658 = vector.shape_cast %get3A_653 : vector<16xf32> to vector<1x16xf32>
        tpu.vector_store %arg10[%swap3A_654, %swap3A_655], %swap3A_658 {add = true, strides = array<i32>} : memref<32x768xf32, #tpu.memory_space<vmem>>, vector<1x16xf32>,
        %get3A_659 = arith.index_cast %scan3A_613 : i32 to index
        %get3A_660 = arith.constant 80 : index
        %get3A_661 = tpu.vector_load %arg6[%get3A_659, %get3A_660] {strides = array<i32>} : memref<32x768xf32, #tpu.memory_space<vmem>>, vector<1x16xf32>,
        %get3A_662 = vector.shape_cast %get3A_661 : vector<1x16xf32> to vector<16xf32>
        %swap3A_663 = arith.index_cast %scan3A_613 : i32 to index
        %swap3A_664 = arith.constant 80 : index
        %swap3A_665 = tpu.vector_load %arg10[%swap3A_663, %swap3A_664] {strides = array<i32>} : memref<32x768xf32, #tpu.memory_space<vmem>>, vector<1x16xf32>,
        %swap3A_666 = vector.shape_cast %swap3A_665 : vector<1x16xf32> to vector<16xf32>
        %swap3A_667 = vector.shape_cast %get3A_662 : vector<16xf32> to vector<1x16xf32>
        tpu.vector_store %arg10[%swap3A_663, %swap3A_664], %swap3A_667 {add = true, strides = array<i32>} : memref<32x768xf32, #tpu.memory_space<vmem>>, vector<1x16xf32>,
        %get3A_668 = arith.index_cast %scan3A_613 : i32 to index
        %get3A_669 = arith.constant 96 : index
        %get3A_670 = tpu.vector_load %arg6[%get3A_668, %get3A_669] {strides = array<i32>} : memref<32x768xf32, #tpu.memory_space<vmem>>, vector<1x16xf32>,
        %get3A_671 = vector.shape_cast %get3A_670 : vector<1x16xf32> to vector<16xf32>
        %swap3A_672 = arith.index_cast %scan3A_613 : i32 to index
        %swap3A_673 = arith.constant 96 : index
        %swap3A_674 = tpu.vector_load %arg10[%swap3A_672, %swap3A_673] {strides = array<i32>} : memref<32x768xf32, #tpu.memory_space<vmem>>, vector<1x16xf32>,
        %swap3A_675 = vector.shape_cast %swap3A_674 : vector<1x16xf32> to vector<16xf32>
        %swap3A_676 = vector.shape_cast %get3A_671 : vector<16xf32> to vector<1x16xf32>
        tpu.vector_store %arg10[%swap3A_672, %swap3A_673], %swap3A_676 {add = true, strides = array<i32>} : memref<32x768xf32, #tpu.memory_space<vmem>>, vector<1x16xf32>,
        %get3A_677 = arith.index_cast %scan3A_613 : i32 to index
        %get3A_678 = arith.constant 112 : index
        %get3A_679 = tpu.vector_load %arg6[%get3A_677, %get3A_678] {strides = array<i32>} : memref<32x768xf32, #tpu.memory_space<vmem>>, vector<1x16xf32>,
        %get3A_680 = vector.shape_cast %get3A_679 : vector<1x16xf32> to vector<16xf32>
        %swap3A_681 = arith.index_cast %scan3A_613 : i32 to index
        %swap3A_682 = arith.constant 112 : index
        %swap3A_683 = tpu.vector_load %arg10[%swap3A_681, %swap3A_682] {strides = array<i32>} : memref<32x768xf32, #tpu.memory_space<vmem>>, vector<1x16xf32>,
        %swap3A_684 = vector.shape_cast %swap3A_683 : vector<1x16xf32> to vector<16xf32>
        %swap3A_685 = vector.shape_cast %get3A_680 : vector<16xf32> to vector<1x16xf32>
        tpu.vector_store %arg10[%swap3A_681, %swap3A_682], %swap3A_685 {add = true, strides = array<i32>} : memref<32x768xf32, #tpu.memory_space<vmem>>, vector<1x16xf32>,
        %get3A_686 = arith.index_cast %scan3A_613 : i32 to index
        %get3A_687 = arith.constant 128 : index
        %get3A_688 = tpu.vector_load %arg6[%get3A_686, %get3A_687] {strides = array<i32>} : memref<32x768xf32, #tpu.memory_space<vmem>>, vector<1x16xf32>,
        %get3A_689 = vector.shape_cast %get3A_688 : vector<1x16xf32> to vector<16xf32>
        %swap3A_690 = arith.index_cast %scan3A_613 : i32 to index
        %swap3A_691 = arith.constant 128 : index
        %swap3A_692 = tpu.vector_load %arg10[%swap3A_690, %swap3A_691] {strides = array<i32>} : memref<32x768xf32, #tpu.memory_space<vmem>>, vector<1x16xf32>,
        %swap3A_693 = vector.shape_cast %swap3A_692 : vector<1x16xf32> to vector<16xf32>
        %swap3A_694 = vector.shape_cast %get3A_689 : vector<16xf32> to vector<1x16xf32>
        tpu.vector_store %arg10[%swap3A_690, %swap3A_691], %swap3A_694 {add = true, strides = array<i32>} : memref<32x768xf32, #tpu.memory_space<vmem>>, vector<1x16xf32>,
        %get3A_695 = arith.index_cast %scan3A_613 : i32 to index
        %get3A_696 = arith.constant 144 : index
        %get3A_697 = tpu.vector_load %arg6[%get3A_695, %get3A_696] {strides = array<i32>} : memref<32x768xf32, #tpu.memory_space<vmem>>, vector<1x16xf32>,
        %get3A_698 = vector.shape_cast %get3A_697 : vector<1x16xf32> to vector<16xf32>
        %swap3A_699 = arith.index_cast %scan3A_613 : i32 to index
        %swap3A_700 = arith.constant 144 : index
        %swap3A_701 = tpu.vector_load %arg10[%swap3A_699, %swap3A_700] {strides = array<i32>} : memref<32x768xf32, #tpu.memory_space<vmem>>, vector<1x16xf32>,
        %swap3A_702 = vector.shape_cast %swap3A_701 : vector<1x16xf32> to vector<16xf32>
        %swap3A_703 = vector.shape_cast %get3A_698 : vector<16xf32> to vector<1x16xf32>
        tpu.vector_store %arg10[%swap3A_699, %swap3A_700], %swap3A_703 {add = true, strides = array<i32>} : memref<32x768xf32, #tpu.memory_space<vmem>>, vector<1x16xf32>,
        %get3A_704 = arith.index_cast %scan3A_613 : i32 to index
        %get3A_705 = arith.constant 160 : index
        %get3A_706 = tpu.vector_load %arg6[%get3A_704, %get3A_705] {strides = array<i32>} : memref<32x768xf32, #tpu.memory_space<vmem>>, vector<1x16xf32>,
        %get3A_707 = vector.shape_cast %get3A_706 : vector<1x16xf32> to vector<16xf32>
        %swap3A_708 = arith.index_cast %scan3A_613 : i32 to index
        %swap3A_709 = arith.constant 160 : index
        %swap3A_710 = tpu.vector_load %arg10[%swap3A_708, %swap3A_709] {strides = array<i32>} : memref<32x768xf32, #tpu.memory_space<vmem>>, vector<1x16xf32>,
        %swap3A_711 = vector.shape_cast %swap3A_710 : vector<1x16xf32> to vector<16xf32>
        %swap3A_712 = vector.shape_cast %get3A_707 : vector<16xf32> to vector<1x16xf32>
        tpu.vector_store %arg10[%swap3A_708, %swap3A_709], %swap3A_712 {add = true, strides = array<i32>} : memref<32x768xf32, #tpu.memory_space<vmem>>, vector<1x16xf32>,
        %get3A_713 = arith.index_cast %scan3A_613 : i32 to index
        %get3A_714 = arith.constant 176 : index
        %get3A_715 = tpu.vector_load %arg6[%get3A_713, %get3A_714] {strides = array<i32>} : memref<32x768xf32, #tpu.memory_space<vmem>>, vector<1x16xf32>,
        %get3A_716 = vector.shape_cast %get3A_715 : vector<1x16xf32> to vector<16xf32>
        %swap3A_717 = arith.index_cast %scan3A_613 : i32 to index
        %swap3A_718 = arith.constant 176 : index
        %swap3A_719 = tpu.vector_load %arg10[%swap3A_717, %swap3A_718] {strides = array<i32>} : memref<32x768xf32, #tpu.memory_space<vmem>>, vector<1x16xf32>,
        %swap3A_720 = vector.shape_cast %swap3A_719 : vector<1x16xf32> to vector<16xf32>
        %swap3A_721 = vector.shape_cast %get3A_716 : vector<16xf32> to vector<1x16xf32>
        tpu.vector_store %arg10[%swap3A_717, %swap3A_718], %swap3A_721 {add = true, strides = array<i32>} : memref<32x768xf32, #tpu.memory_space<vmem>>, vector<1x16xf32>,
        %get3A_722 = arith.index_cast %scan3A_613 : i32 to index
        %get3A_723 = arith.constant 192 : index
        %get3A_724 = tpu.vector_load %arg6[%get3A_722, %get3A_723] {strides = array<i32>} : memref<32x768xf32, #tpu.memory_space<vmem>>, vector<1x16xf32>,
        %get3A_725 = vector.shape_cast %get3A_724 : vector<1x16xf32> to vector<16xf32>
        %swap3A_726 = arith.index_cast %scan3A_613 : i32 to index
        %swap3A_727 = arith.constant 192 : index
        %swap3A_728 = tpu.vector_load %arg10[%swap3A_726, %swap3A_727] {strides = array<i32>} : memref<32x768xf32, #tpu.memory_space<vmem>>, vector<1x16xf32>,
        %swap3A_729 = vector.shape_cast %swap3A_728 : vector<1x16xf32> to vector<16xf32>
        %swap3A_730 = vector.shape_cast %get3A_725 : vector<16xf32> to vector<1x16xf32>
        tpu.vector_store %arg10[%swap3A_726, %swap3A_727], %swap3A_730 {add = true, strides = array<i32>} : memref<32x768xf32, #tpu.memory_space<vmem>>, vector<1x16xf32>,
        %get3A_731 = arith.index_cast %scan3A_613 : i32 to index
        %get3A_732 = arith.constant 208 : index
        %get3A_733 = tpu.vector_load %arg6[%get3A_731, %get3A_732] {strides = array<i32>} : memref<32x768xf32, #tpu.memory_space<vmem>>, vector<1x16xf32>,
        %get3A_734 = vector.shape_cast %get3A_733 : vector<1x16xf32> to vector<16xf32>
        %swap3A_735 = arith.index_cast %scan3A_613 : i32 to index
        %swap3A_736 = arith.constant 208 : index
        %swap3A_737 = tpu.vector_load %arg10[%swap3A_735, %swap3A_736] {strides = array<i32>} : memref<32x768xf32, #tpu.memory_space<vmem>>, vector<1x16xf32>,
        %swap3A_738 = vector.shape_cast %swap3A_737 : vector<1x16xf32> to vector<16xf32>
        %swap3A_739 = vector.shape_cast %get3A_734 : vector<16xf32> to vector<1x16xf32>
        tpu.vector_store %arg10[%swap3A_735, %swap3A_736], %swap3A_739 {add = true, strides = array<i32>} : memref<32x768xf32, #tpu.memory_space<vmem>>, vector<1x16xf32>,
        %get3A_740 = arith.index_cast %scan3A_613 : i32 to index
        %get3A_741 = arith.constant 224 : index
        %get3A_742 = tpu.vector_load %arg6[%get3A_740, %get3A_741] {strides = array<i32>} : memref<32x768xf32, #tpu.memory_space<vmem>>, vector<1x16xf32>,
        %get3A_743 = vector.shape_cast %get3A_742 : vector<1x16xf32> to vector<16xf32>
        %swap3A_744 = arith.index_cast %scan3A_613 : i32 to index
        %swap3A_745 = arith.constant 224 : index
        %swap3A_746 = tpu.vector_load %arg10[%swap3A_744, %swap3A_745] {strides = array<i32>} : memref<32x768xf32, #tpu.memory_space<vmem>>, vector<1x16xf32>,
        %swap3A_747 = vector.shape_cast %swap3A_746 : vector<1x16xf32> to vector<16xf32>
        %swap3A_748 = vector.shape_cast %get3A_743 : vector<16xf32> to vector<1x16xf32>
        tpu.vector_store %arg10[%swap3A_744, %swap3A_745], %swap3A_748 {add = true, strides = array<i32>} : memref<32x768xf32, #tpu.memory_space<vmem>>, vector<1x16xf32>,
        %get3A_749 = arith.index_cast %scan3A_613 : i32 to index
        %get3A_750 = arith.constant 240 : index
        %get3A_751 = tpu.vector_load %arg6[%get3A_749, %get3A_750] {strides = array<i32>} : memref<32x768xf32, #tpu.memory_space<vmem>>, vector<1x16xf32>,
        %get3A_752 = vector.shape_cast %get3A_751 : vector<1x16xf32> to vector<16xf32>
        %swap3A_753 = arith.index_cast %scan3A_613 : i32 to index
        %swap3A_754 = arith.constant 240 : index
        %swap3A_755 = tpu.vector_load %arg10[%swap3A_753, %swap3A_754] {strides = array<i32>} : memref<32x768xf32, #tpu.memory_space<vmem>>, vector<1x16xf32>,
        %swap3A_756 = vector.shape_cast %swap3A_755 : vector<1x16xf32> to vector<16xf32>
        %swap3A_757 = vector.shape_cast %get3A_752 : vector<16xf32> to vector<1x16xf32>
        tpu.vector_store %arg10[%swap3A_753, %swap3A_754], %swap3A_757 {add = true, strides = array<i32>} : memref<32x768xf32, #tpu.memory_space<vmem>>, vector<1x16xf32>,
        %get3A_758 = arith.index_cast %scan3A_613 : i32 to index
        %get3A_759 = arith.constant 256 : index
        %get3A_760 = tpu.vector_load %arg6[%get3A_758, %get3A_759] {strides = array<i32>} : memref<32x768xf32, #tpu.memory_space<vmem>>, vector<1x16xf32>,
        %get3A_761 = vector.shape_cast %get3A_760 : vector<1x16xf32> to vector<16xf32>
        %swap3A_762 = arith.index_cast %scan3A_613 : i32 to index
        %swap3A_763 = arith.constant 256 : index
        %swap3A_764 = tpu.vector_load %arg10[%swap3A_762, %swap3A_763] {strides = array<i32>} : memref<32x768xf32, #tpu.memory_space<vmem>>, vector<1x16xf32>,
        %swap3A_765 = vector.shape_cast %swap3A_764 : vector<1x16xf32> to vector<16xf32>
        %swap3A_766 = vector.shape_cast %get3A_761 : vector<16xf32> to vector<1x16xf32>
        tpu.vector_store %arg10[%swap3A_762, %swap3A_763], %swap3A_766 {add = true, strides = array<i32>} : memref<32x768xf32, #tpu.memory_space<vmem>>, vector<1x16xf32>,
        %get3A_767 = arith.index_cast %scan3A_613 : i32 to index
        %get3A_768 = arith.constant 272 : index
        %get3A_769 = tpu.vector_load %arg6[%get3A_767, %get3A_768] {strides = array<i32>} : memref<32x768xf32, #tpu.memory_space<vmem>>, vector<1x16xf32>,
        %get3A_770 = vector.shape_cast %get3A_769 : vector<1x16xf32> to vector<16xf32>
        %swap3A_771 = arith.index_cast %scan3A_613 : i32 to index
        %swap3A_772 = arith.constant 272 : index
        %swap3A_773 = tpu.vector_load %arg10[%swap3A_771, %swap3A_772] {strides = array<i32>} : memref<32x768xf32, #tpu.memory_space<vmem>>, vector<1x16xf32>,
        %swap3A_774 = vector.shape_cast %swap3A_773 : vector<1x16xf32> to vector<16xf32>
        %swap3A_775 = vector.shape_cast %get3A_770 : vector<16xf32> to vector<1x16xf32>
        tpu.vector_store %arg10[%swap3A_771, %swap3A_772], %swap3A_775 {add = true, strides = array<i32>} : memref<32x768xf32, #tpu.memory_space<vmem>>, vector<1x16xf32>,
        %get3A_776 = arith.index_cast %scan3A_613 : i32 to index
        %get3A_777 = arith.constant 288 : index
        %get3A_778 = tpu.vector_load %arg6[%get3A_776, %get3A_777] {strides = array<i32>} : memref<32x768xf32, #tpu.memory_space<vmem>>, vector<1x16xf32>,
        %get3A_779 = vector.shape_cast %get3A_778 : vector<1x16xf32> to vector<16xf32>
        %swap3A_780 = arith.index_cast %scan3A_613 : i32 to index
        %swap3A_781 = arith.constant 288 : index
        %swap3A_782 = tpu.vector_load %arg10[%swap3A_780, %swap3A_781] {strides = array<i32>} : memref<32x768xf32, #tpu.memory_space<vmem>>, vector<1x16xf32>,
        %swap3A_783 = vector.shape_cast %swap3A_782 : vector<1x16xf32> to vector<16xf32>
        %swap3A_784 = vector.shape_cast %get3A_779 : vector<16xf32> to vector<1x16xf32>
        tpu.vector_store %arg10[%swap3A_780, %swap3A_781], %swap3A_784 {add = true, strides = array<i32>} : memref<32x768xf32, #tpu.memory_space<vmem>>, vector<1x16xf32>,
        %get3A_785 = arith.index_cast %scan3A_613 : i32 to index
        %get3A_786 = arith.constant 304 : index
        %get3A_787 = tpu.vector_load %arg6[%get3A_785, %get3A_786] {strides = array<i32>} : memref<32x768xf32, #tpu.memory_space<vmem>>, vector<1x16xf32>,
        %get3A_788 = vector.shape_cast %get3A_787 : vector<1x16xf32> to vector<16xf32>
        %swap3A_789 = arith.index_cast %scan3A_613 : i32 to index
        %swap3A_790 = arith.constant 304 : index
        %swap3A_791 = tpu.vector_load %arg10[%swap3A_789, %swap3A_790] {strides = array<i32>} : memref<32x768xf32, #tpu.memory_space<vmem>>, vector<1x16xf32>,
        %swap3A_792 = vector.shape_cast %swap3A_791 : vector<1x16xf32> to vector<16xf32>
        %swap3A_793 = vector.shape_cast %get3A_788 : vector<16xf32> to vector<1x16xf32>
        tpu.vector_store %arg10[%swap3A_789, %swap3A_790], %swap3A_793 {add = true, strides = array<i32>} : memref<32x768xf32, #tpu.memory_space<vmem>>, vector<1x16xf32>,
        %get3A_794 = arith.index_cast %scan3A_613 : i32 to index
        %get3A_795 = arith.constant 320 : index
        %get3A_796 = tpu.vector_load %arg6[%get3A_794, %get3A_795] {strides = array<i32>} : memref<32x768xf32, #tpu.memory_space<vmem>>, vector<1x16xf32>,
        %get3A_797 = vector.shape_cast %get3A_796 : vector<1x16xf32> to vector<16xf32>
        %swap3A_798 = arith.index_cast %scan3A_613 : i32 to index
        %swap3A_799 = arith.constant 320 : index
        %swap3A_800 = tpu.vector_load %arg10[%swap3A_798, %swap3A_799] {strides = array<i32>} : memref<32x768xf32, #tpu.memory_space<vmem>>, vector<1x16xf32>,
        %swap3A_801 = vector.shape_cast %swap3A_800 : vector<1x16xf32> to vector<16xf32>
        %swap3A_802 = vector.shape_cast %get3A_797 : vector<16xf32> to vector<1x16xf32>
        tpu.vector_store %arg10[%swap3A_798, %swap3A_799], %swap3A_802 {add = true, strides = array<i32>} : memref<32x768xf32, #tpu.memory_space<vmem>>, vector<1x16xf32>,
        %get3A_803 = arith.index_cast %scan3A_613 : i32 to index
        %get3A_804 = arith.constant 336 : index
        %get3A_805 = tpu.vector_load %arg6[%get3A_803, %get3A_804] {strides = array<i32>} : memref<32x768xf32, #tpu.memory_space<vmem>>, vector<1x16xf32>,
        %get3A_806 = vector.shape_cast %get3A_805 : vector<1x16xf32> to vector<16xf32>
        %swap3A_807 = arith.index_cast %scan3A_613 : i32 to index
        %swap3A_808 = arith.constant 336 : index
        %swap3A_809 = tpu.vector_load %arg10[%swap3A_807, %swap3A_808] {strides = array<i32>} : memref<32x768xf32, #tpu.memory_space<vmem>>, vector<1x16xf32>,
        %swap3A_810 = vector.shape_cast %swap3A_809 : vector<1x16xf32> to vector<16xf32>
        %swap3A_811 = vector.shape_cast %get3A_806 : vector<16xf32> to vector<1x16xf32>
        tpu.vector_store %arg10[%swap3A_807, %swap3A_808], %swap3A_811 {add = true, strides = array<i32>} : memref<32x768xf32, #tpu.memory_space<vmem>>, vector<1x16xf32>,
        %get3A_812 = arith.index_cast %scan3A_613 : i32 to index
        %get3A_813 = arith.constant 352 : index
        %get3A_814 = tpu.vector_load %arg6[%get3A_812, %get3A_813] {strides = array<i32>} : memref<32x768xf32, #tpu.memory_space<vmem>>, vector<1x16xf32>,
        %get3A_815 = vector.shape_cast %get3A_814 : vector<1x16xf32> to vector<16xf32>
        %swap3A_816 = arith.index_cast %scan3A_613 : i32 to index
        %swap3A_817 = arith.constant 352 : index
        %swap3A_818 = tpu.vector_load %arg10[%swap3A_816, %swap3A_817] {strides = array<i32>} : memref<32x768xf32, #tpu.memory_space<vmem>>, vector<1x16xf32>,
        %swap3A_819 = vector.shape_cast %swap3A_818 : vector<1x16xf32> to vector<16xf32>
        %swap3A_820 = vector.shape_cast %get3A_815 : vector<16xf32> to vector<1x16xf32>
        tpu.vector_store %arg10[%swap3A_816, %swap3A_817], %swap3A_820 {add = true, strides = array<i32>} : memref<32x768xf32, #tpu.memory_space<vmem>>, vector<1x16xf32>,
        %get3A_821 = arith.index_cast %scan3A_613 : i32 to index
        %get3A_822 = arith.constant 368 : index
        %get3A_823 = tpu.vector_load %arg6[%get3A_821, %get3A_822] {strides = array<i32>} : memref<32x768xf32, #tpu.memory_space<vmem>>, vector<1x16xf32>,
        %get3A_824 = vector.shape_cast %get3A_823 : vector<1x16xf32> to vector<16xf32>
        %swap3A_825 = arith.index_cast %scan3A_613 : i32 to index
        %swap3A_826 = arith.constant 368 : index
        %swap3A_827 = tpu.vector_load %arg10[%swap3A_825, %swap3A_826] {strides = array<i32>} : memref<32x768xf32, #tpu.memory_space<vmem>>, vector<1x16xf32>,
        %swap3A_828 = vector.shape_cast %swap3A_827 : vector<1x16xf32> to vector<16xf32>
        %swap3A_829 = vector.shape_cast %get3A_824 : vector<16xf32> to vector<1x16xf32>
        tpu.vector_store %arg10[%swap3A_825, %swap3A_826], %swap3A_829 {add = true, strides = array<i32>} : memref<32x768xf32, #tpu.memory_space<vmem>>, vector<1x16xf32>,
        %get3A_830 = arith.index_cast %scan3A_613 : i32 to index
        %get3A_831 = arith.constant 384 : index
        %get3A_832 = tpu.vector_load %arg6[%get3A_830, %get3A_831] {strides = array<i32>} : memref<32x768xf32, #tpu.memory_space<vmem>>, vector<1x16xf32>,
        %get3A_833 = vector.shape_cast %get3A_832 : vector<1x16xf32> to vector<16xf32>
        %swap3A_834 = arith.index_cast %scan3A_613 : i32 to index
        %swap3A_835 = arith.constant 384 : index
        %swap3A_836 = tpu.vector_load %arg10[%swap3A_834, %swap3A_835] {strides = array<i32>} : memref<32x768xf32, #tpu.memory_space<vmem>>, vector<1x16xf32>,
        %swap3A_837 = vector.shape_cast %swap3A_836 : vector<1x16xf32> to vector<16xf32>
        %swap3A_838 = vector.shape_cast %get3A_833 : vector<16xf32> to vector<1x16xf32>
        tpu.vector_store %arg10[%swap3A_834, %swap3A_835], %swap3A_838 {add = true, strides = array<i32>} : memref<32x768xf32, #tpu.memory_space<vmem>>, vector<1x16xf32>,
        %get3A_839 = arith.index_cast %scan3A_613 : i32 to index
        %get3A_840 = arith.constant 400 : index
        %get3A_841 = tpu.vector_load %arg6[%get3A_839, %get3A_840] {strides = array<i32>} : memref<32x768xf32, #tpu.memory_space<vmem>>, vector<1x16xf32>,
        %get3A_842 = vector.shape_cast %get3A_841 : vector<1x16xf32> to vector<16xf32>
        %swap3A_843 = arith.index_cast %scan3A_613 : i32 to index
        %swap3A_844 = arith.constant 400 : index
        %swap3A_845 = tpu.vector_load %arg10[%swap3A_843, %swap3A_844] {strides = array<i32>} : memref<32x768xf32, #tpu.memory_space<vmem>>, vector<1x16xf32>,
        %swap3A_846 = vector.shape_cast %swap3A_845 : vector<1x16xf32> to vector<16xf32>
        %swap3A_847 = vector.shape_cast %get3A_842 : vector<16xf32> to vector<1x16xf32>
        tpu.vector_store %arg10[%swap3A_843, %swap3A_844], %swap3A_847 {add = true, strides = array<i32>} : memref<32x768xf32, #tpu.memory_space<vmem>>, vector<1x16xf32>,
        %get3A_848 = arith.index_cast %scan3A_613 : i32 to index
        %get3A_849 = arith.constant 416 : index
        %get3A_850 = tpu.vector_load %arg6[%get3A_848, %get3A_849] {strides = array<i32>} : memref<32x768xf32, #tpu.memory_space<vmem>>, vector<1x16xf32>,
        %get3A_851 = vector.shape_cast %get3A_850 : vector<1x16xf32> to vector<16xf32>
        %swap3A_852 = arith.index_cast %scan3A_613 : i32 to index
        %swap3A_853 = arith.constant 416 : index
        %swap3A_854 = tpu.vector_load %arg10[%swap3A_852, %swap3A_853] {strides = array<i32>} : memref<32x768xf32, #tpu.memory_space<vmem>>, vector<1x16xf32>,
        %swap3A_855 = vector.shape_cast %swap3A_854 : vector<1x16xf32> to vector<16xf32>
        %swap3A_856 = vector.shape_cast %get3A_851 : vector<16xf32> to vector<1x16xf32>
        tpu.vector_store %arg10[%swap3A_852, %swap3A_853], %swap3A_856 {add = true, strides = array<i32>} : memref<32x768xf32, #tpu.memory_space<vmem>>, vector<1x16xf32>,
        %get3A_857 = arith.index_cast %scan3A_613 : i32 to index
        %get3A_858 = arith.constant 432 : index
        %get3A_859 = tpu.vector_load %arg6[%get3A_857, %get3A_858] {strides = array<i32>} : memref<32x768xf32, #tpu.memory_space<vmem>>, vector<1x16xf32>,
        %get3A_860 = vector.shape_cast %get3A_859 : vector<1x16xf32> to vector<16xf32>
        %swap3A_861 = arith.index_cast %scan3A_613 : i32 to index
        %swap3A_862 = arith.constant 432 : index
        %swap3A_863 = tpu.vector_load %arg10[%swap3A_861, %swap3A_862] {strides = array<i32>} : memref<32x768xf32, #tpu.memory_space<vmem>>, vector<1x16xf32>,
        %swap3A_864 = vector.shape_cast %swap3A_863 : vector<1x16xf32> to vector<16xf32>
        %swap3A_865 = vector.shape_cast %get3A_860 : vector<16xf32> to vector<1x16xf32>
        tpu.vector_store %arg10[%swap3A_861, %swap3A_862], %swap3A_865 {add = true, strides = array<i32>} : memref<32x768xf32, #tpu.memory_space<vmem>>, vector<1x16xf32>,
        %get3A_866 = arith.index_cast %scan3A_613 : i32 to index
        %get3A_867 = arith.constant 448 : index
        %get3A_868 = tpu.vector_load %arg6[%get3A_866, %get3A_867] {strides = array<i32>} : memref<32x768xf32, #tpu.memory_space<vmem>>, vector<1x16xf32>,
        %get3A_869 = vector.shape_cast %get3A_868 : vector<1x16xf32> to vector<16xf32>
        %swap3A_870 = arith.index_cast %scan3A_613 : i32 to index
        %swap3A_871 = arith.constant 448 : index
        %swap3A_872 = tpu.vector_load %arg10[%swap3A_870, %swap3A_871] {strides = array<i32>} : memref<32x768xf32, #tpu.memory_space<vmem>>, vector<1x16xf32>,
        %swap3A_873 = vector.shape_cast %swap3A_872 : vector<1x16xf32> to vector<16xf32>
        %swap3A_874 = vector.shape_cast %get3A_869 : vector<16xf32> to vector<1x16xf32>
        tpu.vector_store %arg10[%swap3A_870, %swap3A_871], %swap3A_874 {add = true, strides = array<i32>} : memref<32x768xf32, #tpu.memory_space<vmem>>, vector<1x16xf32>,
        %get3A_875 = arith.index_cast %scan3A_613 : i32 to index
        %get3A_876 = arith.constant 464 : index
        %get3A_877 = tpu.vector_load %arg6[%get3A_875, %get3A_876] {strides = array<i32>} : memref<32x768xf32, #tpu.memory_space<vmem>>, vector<1x16xf32>,
        %get3A_878 = vector.shape_cast %get3A_877 : vector<1x16xf32> to vector<16xf32>
        %swap3A_879 = arith.index_cast %scan3A_613 : i32 to index
        %swap3A_880 = arith.constant 464 : index
        %swap3A_881 = tpu.vector_load %arg10[%swap3A_879, %swap3A_880] {strides = array<i32>} : memref<32x768xf32, #tpu.memory_space<vmem>>, vector<1x16xf32>,
        %swap3A_882 = vector.shape_cast %swap3A_881 : vector<1x16xf32> to vector<16xf32>
        %swap3A_883 = vector.shape_cast %get3A_878 : vector<16xf32> to vector<1x16xf32>
        tpu.vector_store %arg10[%swap3A_879, %swap3A_880], %swap3A_883 {add = true, strides = array<i32>} : memref<32x768xf32, #tpu.memory_space<vmem>>, vector<1x16xf32>,
        %get3A_884 = arith.index_cast %scan3A_613 : i32 to index
        %get3A_885 = arith.constant 480 : index
        %get3A_886 = tpu.vector_load %arg6[%get3A_884, %get3A_885] {strides = array<i32>} : memref<32x768xf32, #tpu.memory_space<vmem>>, vector<1x16xf32>,
        %get3A_887 = vector.shape_cast %get3A_886 : vector<1x16xf32> to vector<16xf32>
        %swap3A_888 = arith.index_cast %scan3A_613 : i32 to index
        %swap3A_889 = arith.constant 480 : index
        %swap3A_890 = tpu.vector_load %arg10[%swap3A_888, %swap3A_889] {strides = array<i32>} : memref<32x768xf32, #tpu.memory_space<vmem>>, vector<1x16xf32>,
        %swap3A_891 = vector.shape_cast %swap3A_890 : vector<1x16xf32> to vector<16xf32>
        %swap3A_892 = vector.shape_cast %get3A_887 : vector<16xf32> to vector<1x16xf32>
        tpu.vector_store %arg10[%swap3A_888, %swap3A_889], %swap3A_892 {add = true, strides = array<i32>} : memref<32x768xf32, #tpu.memory_space<vmem>>, vector<1x16xf32>,
        %get3A_893 = arith.index_cast %scan3A_613 : i32 to index
        %get3A_894 = arith.constant 496 : index
        %get3A_895 = tpu.vector_load %arg6[%get3A_893, %get3A_894] {strides = array<i32>} : memref<32x768xf32, #tpu.memory_space<vmem>>, vector<1x16xf32>,
        %get3A_896 = vector.shape_cast %get3A_895 : vector<1x16xf32> to vector<16xf32>
        %swap3A_897 = arith.index_cast %scan3A_613 : i32 to index
        %swap3A_898 = arith.constant 496 : index
        %swap3A_899 = tpu.vector_load %arg10[%swap3A_897, %swap3A_898] {strides = array<i32>} : memref<32x768xf32, #tpu.memory_space<vmem>>, vector<1x16xf32>,
        %swap3A_900 = vector.shape_cast %swap3A_899 : vector<1x16xf32> to vector<16xf32>
        %swap3A_901 = vector.shape_cast %get3A_896 : vector<16xf32> to vector<1x16xf32>
        tpu.vector_store %arg10[%swap3A_897, %swap3A_898], %swap3A_901 {add = true, strides = array<i32>} : memref<32x768xf32, #tpu.memory_space<vmem>>, vector<1x16xf32>,
        %get3A_902 = arith.index_cast %scan3A_613 : i32 to index
        %get3A_903 = arith.constant 512 : index
        %get3A_904 = tpu.vector_load %arg6[%get3A_902, %get3A_903] {strides = array<i32>} : memref<32x768xf32, #tpu.memory_space<vmem>>, vector<1x16xf32>,
        %get3A_905 = vector.shape_cast %get3A_904 : vector<1x16xf32> to vector<16xf32>
        %swap3A_906 = arith.index_cast %scan3A_613 : i32 to index
        %swap3A_907 = arith.constant 512 : index
        %swap3A_908 = tpu.vector_load %arg10[%swap3A_906, %swap3A_907] {strides = array<i32>} : memref<32x768xf32, #tpu.memory_space<vmem>>, vector<1x16xf32>,
        %swap3A_909 = vector.shape_cast %swap3A_908 : vector<1x16xf32> to vector<16xf32>
        %swap3A_910 = vector.shape_cast %get3A_905 : vector<16xf32> to vector<1x16xf32>
        tpu.vector_store %arg10[%swap3A_906, %swap3A_907], %swap3A_910 {add = true, strides = array<i32>} : memref<32x768xf32, #tpu.memory_space<vmem>>, vector<1x16xf32>,
        %get3A_911 = arith.index_cast %scan3A_613 : i32 to index
        %get3A_912 = arith.constant 528 : index
        %get3A_913 = tpu.vector_load %arg6[%get3A_911, %get3A_912] {strides = array<i32>} : memref<32x768xf32, #tpu.memory_space<vmem>>, vector<1x16xf32>,
        %get3A_914 = vector.shape_cast %get3A_913 : vector<1x16xf32> to vector<16xf32>
        %swap3A_915 = arith.index_cast %scan3A_613 : i32 to index
        %swap3A_916 = arith.constant 528 : index
        %swap3A_917 = tpu.vector_load %arg10[%swap3A_915, %swap3A_916] {strides = array<i32>} : memref<32x768xf32, #tpu.memory_space<vmem>>, vector<1x16xf32>,
        %swap3A_918 = vector.shape_cast %swap3A_917 : vector<1x16xf32> to vector<16xf32>
        %swap3A_919 = vector.shape_cast %get3A_914 : vector<16xf32> to vector<1x16xf32>
        tpu.vector_store %arg10[%swap3A_915, %swap3A_916], %swap3A_919 {add = true, strides = array<i32>} : memref<32x768xf32, #tpu.memory_space<vmem>>, vector<1x16xf32>,
        %get3A_920 = arith.index_cast %scan3A_613 : i32 to index
        %get3A_921 = arith.constant 544 : index
        %get3A_922 = tpu.vector_load %arg6[%get3A_920, %get3A_921] {strides = array<i32>} : memref<32x768xf32, #tpu.memory_space<vmem>>, vector<1x16xf32>,
        %get3A_923 = vector.shape_cast %get3A_922 : vector<1x16xf32> to vector<16xf32>
        %swap3A_924 = arith.index_cast %scan3A_613 : i32 to index
        %swap3A_925 = arith.constant 544 : index
        %swap3A_926 = tpu.vector_load %arg10[%swap3A_924, %swap3A_925] {strides = array<i32>} : memref<32x768xf32, #tpu.memory_space<vmem>>, vector<1x16xf32>,
        %swap3A_927 = vector.shape_cast %swap3A_926 : vector<1x16xf32> to vector<16xf32>
        %swap3A_928 = vector.shape_cast %get3A_923 : vector<16xf32> to vector<1x16xf32>
        tpu.vector_store %arg10[%swap3A_924, %swap3A_925], %swap3A_928 {add = true, strides = array<i32>} : memref<32x768xf32, #tpu.memory_space<vmem>>, vector<1x16xf32>,
        %get3A_929 = arith.index_cast %scan3A_613 : i32 to index
        %get3A_930 = arith.constant 560 : index
        %get3A_931 = tpu.vector_load %arg6[%get3A_929, %get3A_930] {strides = array<i32>} : memref<32x768xf32, #tpu.memory_space<vmem>>, vector<1x16xf32>,
        %get3A_932 = vector.shape_cast %get3A_931 : vector<1x16xf32> to vector<16xf32>
        %swap3A_933 = arith.index_cast %scan3A_613 : i32 to index
        %swap3A_934 = arith.constant 560 : index
        %swap3A_935 = tpu.vector_load %arg10[%swap3A_933, %swap3A_934] {strides = array<i32>} : memref<32x768xf32, #tpu.memory_space<vmem>>, vector<1x16xf32>,
        %swap3A_936 = vector.shape_cast %swap3A_935 : vector<1x16xf32> to vector<16xf32>
        %swap3A_937 = vector.shape_cast %get3A_932 : vector<16xf32> to vector<1x16xf32>
        tpu.vector_store %arg10[%swap3A_933, %swap3A_934], %swap3A_937 {add = true, strides = array<i32>} : memref<32x768xf32, #tpu.memory_space<vmem>>, vector<1x16xf32>,
        %get3A_938 = arith.index_cast %scan3A_613 : i32 to index
        %get3A_939 = arith.constant 576 : index
        %get3A_940 = tpu.vector_load %arg6[%get3A_938, %get3A_939] {strides = array<i32>} : memref<32x768xf32, #tpu.memory_space<vmem>>, vector<1x16xf32>,
        %get3A_941 = vector.shape_cast %get3A_940 : vector<1x16xf32> to vector<16xf32>
        %swap3A_942 = arith.index_cast %scan3A_613 : i32 to index
        %swap3A_943 = arith.constant 576 : index
        %swap3A_944 = tpu.vector_load %arg10[%swap3A_942, %swap3A_943] {strides = array<i32>} : memref<32x768xf32, #tpu.memory_space<vmem>>, vector<1x16xf32>,
        %swap3A_945 = vector.shape_cast %swap3A_944 : vector<1x16xf32> to vector<16xf32>
        %swap3A_946 = vector.shape_cast %get3A_941 : vector<16xf32> to vector<1x16xf32>
        tpu.vector_store %arg10[%swap3A_942, %swap3A_943], %swap3A_946 {add = true, strides = array<i32>} : memref<32x768xf32, #tpu.memory_space<vmem>>, vector<1x16xf32>,
        %get3A_947 = arith.index_cast %scan3A_613 : i32 to index
        %get3A_948 = arith.constant 592 : index
        %get3A_949 = tpu.vector_load %arg6[%get3A_947, %get3A_948] {strides = array<i32>} : memref<32x768xf32, #tpu.memory_space<vmem>>, vector<1x16xf32>,
        %get3A_950 = vector.shape_cast %get3A_949 : vector<1x16xf32> to vector<16xf32>
        %swap3A_951 = arith.index_cast %scan3A_613 : i32 to index
        %swap3A_952 = arith.constant 592 : index
        %swap3A_953 = tpu.vector_load %arg10[%swap3A_951, %swap3A_952] {strides = array<i32>} : memref<32x768xf32, #tpu.memory_space<vmem>>, vector<1x16xf32>,
        %swap3A_954 = vector.shape_cast %swap3A_953 : vector<1x16xf32> to vector<16xf32>
        %swap3A_955 = vector.shape_cast %get3A_950 : vector<16xf32> to vector<1x16xf32>
        tpu.vector_store %arg10[%swap3A_951, %swap3A_952], %swap3A_955 {add = true, strides = array<i32>} : memref<32x768xf32, #tpu.memory_space<vmem>>, vector<1x16xf32>,
        %get3A_956 = arith.index_cast %scan3A_613 : i32 to index
        %get3A_957 = arith.constant 608 : index
        %get3A_958 = tpu.vector_load %arg6[%get3A_956, %get3A_957] {strides = array<i32>} : memref<32x768xf32, #tpu.memory_space<vmem>>, vector<1x16xf32>,
        %get3A_959 = vector.shape_cast %get3A_958 : vector<1x16xf32> to vector<16xf32>
        %swap3A_960 = arith.index_cast %scan3A_613 : i32 to index
        %swap3A_961 = arith.constant 608 : index
        %swap3A_962 = tpu.vector_load %arg10[%swap3A_960, %swap3A_961] {strides = array<i32>} : memref<32x768xf32, #tpu.memory_space<vmem>>, vector<1x16xf32>,
        %swap3A_963 = vector.shape_cast %swap3A_962 : vector<1x16xf32> to vector<16xf32>
        %swap3A_964 = vector.shape_cast %get3A_959 : vector<16xf32> to vector<1x16xf32>
        tpu.vector_store %arg10[%swap3A_960, %swap3A_961], %swap3A_964 {add = true, strides = array<i32>} : memref<32x768xf32, #tpu.memory_space<vmem>>, vector<1x16xf32>,
        %get3A_965 = arith.index_cast %scan3A_613 : i32 to index
        %get3A_966 = arith.constant 624 : index
        %get3A_967 = tpu.vector_load %arg6[%get3A_965, %get3A_966] {strides = array<i32>} : memref<32x768xf32, #tpu.memory_space<vmem>>, vector<1x16xf32>,
        %get3A_968 = vector.shape_cast %get3A_967 : vector<1x16xf32> to vector<16xf32>
        %swap3A_969 = arith.index_cast %scan3A_613 : i32 to index
        %swap3A_970 = arith.constant 624 : index
        %swap3A_971 = tpu.vector_load %arg10[%swap3A_969, %swap3A_970] {strides = array<i32>} : memref<32x768xf32, #tpu.memory_space<vmem>>, vector<1x16xf32>,
        %swap3A_972 = vector.shape_cast %swap3A_971 : vector<1x16xf32> to vector<16xf32>
        %swap3A_973 = vector.shape_cast %get3A_968 : vector<16xf32> to vector<1x16xf32>
        tpu.vector_store %arg10[%swap3A_969, %swap3A_970], %swap3A_973 {add = true, strides = array<i32>} : memref<32x768xf32, #tpu.memory_space<vmem>>, vector<1x16xf32>,
        %get3A_974 = arith.index_cast %scan3A_613 : i32 to index
        %get3A_975 = arith.constant 640 : index
        %get3A_976 = tpu.vector_load %arg6[%get3A_974, %get3A_975] {strides = array<i32>} : memref<32x768xf32, #tpu.memory_space<vmem>>, vector<1x16xf32>,
        %get3A_977 = vector.shape_cast %get3A_976 : vector<1x16xf32> to vector<16xf32>
        %swap3A_978 = arith.index_cast %scan3A_613 : i32 to index
        %swap3A_979 = arith.constant 640 : index
        %swap3A_980 = tpu.vector_load %arg10[%swap3A_978, %swap3A_979] {strides = array<i32>} : memref<32x768xf32, #tpu.memory_space<vmem>>, vector<1x16xf32>,
        %swap3A_981 = vector.shape_cast %swap3A_980 : vector<1x16xf32> to vector<16xf32>
        %swap3A_982 = vector.shape_cast %get3A_977 : vector<16xf32> to vector<1x16xf32>
        tpu.vector_store %arg10[%swap3A_978, %swap3A_979], %swap3A_982 {add = true, strides = array<i32>} : memref<32x768xf32, #tpu.memory_space<vmem>>, vector<1x16xf32>,
        %get3A_983 = arith.index_cast %scan3A_613 : i32 to index
        %get3A_984 = arith.constant 656 : index
        %get3A_985 = tpu.vector_load %arg6[%get3A_983, %get3A_984] {strides = array<i32>} : memref<32x768xf32, #tpu.memory_space<vmem>>, vector<1x16xf32>,
        %get3A_986 = vector.shape_cast %get3A_985 : vector<1x16xf32> to vector<16xf32>
        %swap3A_987 = arith.index_cast %scan3A_613 : i32 to index
        %swap3A_988 = arith.constant 656 : index
        %swap3A_989 = tpu.vector_load %arg10[%swap3A_987, %swap3A_988] {strides = array<i32>} : memref<32x768xf32, #tpu.memory_space<vmem>>, vector<1x16xf32>,
        %swap3A_990 = vector.shape_cast %swap3A_989 : vector<1x16xf32> to vector<16xf32>
        %swap3A_991 = vector.shape_cast %get3A_986 : vector<16xf32> to vector<1x16xf32>
        tpu.vector_store %arg10[%swap3A_987, %swap3A_988], %swap3A_991 {add = true, strides = array<i32>} : memref<32x768xf32, #tpu.memory_space<vmem>>, vector<1x16xf32>,
        %get3A_992 = arith.index_cast %scan3A_613 : i32 to index
        %get3A_993 = arith.constant 672 : index
        %get3A_994 = tpu.vector_load %arg6[%get3A_992, %get3A_993] {strides = array<i32>} : memref<32x768xf32, #tpu.memory_space<vmem>>, vector<1x16xf32>,
        %get3A_995 = vector.shape_cast %get3A_994 : vector<1x16xf32> to vector<16xf32>
        %swap3A_996 = arith.index_cast %scan3A_613 : i32 to index
        %swap3A_997 = arith.constant 672 : index
        %swap3A_998 = tpu.vector_load %arg10[%swap3A_996, %swap3A_997] {strides = array<i32>} : memref<32x768xf32, #tpu.memory_space<vmem>>, vector<1x16xf32>,
        %swap3A_999 = vector.shape_cast %swap3A_998 : vector<1x16xf32> to vector<16xf32>
        %swap3A_1000 = vector.shape_cast %get3A_995 : vector<16xf32> to vector<1x16xf32>
        tpu.vector_store %arg10[%swap3A_996, %swap3A_997], %swap3A_1000 {add = true, strides = array<i32>} : memref<32x768xf32, #tpu.memory_space<vmem>>, vector<1x16xf32>,
        %get3A_1001 = arith.index_cast %scan3A_613 : i32 to index
        %get3A_1002 = arith.constant 688 : index
        %get3A_1003 = tpu.vector_load %arg6[%get3A_1001, %get3A_1002] {strides = array<i32>} : memref<32x768xf32, #tpu.memory_space<vmem>>, vector<1x16xf32>,
        %get3A_1004 = vector.shape_cast %get3A_1003 : vector<1x16xf32> to vector<16xf32>
        %swap3A_1005 = arith.index_cast %scan3A_613 : i32 to index
        %swap3A_1006 = arith.constant 688 : index
        %swap3A_1007 = tpu.vector_load %arg10[%swap3A_1005, %swap3A_1006] {strides = array<i32>} : memref<32x768xf32, #tpu.memory_space<vmem>>, vector<1x16xf32>,
        %swap3A_1008 = vector.shape_cast %swap3A_1007 : vector<1x16xf32> to vector<16xf32>
        %swap3A_1009 = vector.shape_cast %get3A_1004 : vector<16xf32> to vector<1x16xf32>
        tpu.vector_store %arg10[%swap3A_1005, %swap3A_1006], %swap3A_1009 {add = true, strides = array<i32>} : memref<32x768xf32, #tpu.memory_space<vmem>>, vector<1x16xf32>,
        %get3A_1010 = arith.index_cast %scan3A_613 : i32 to index
        %get3A_1011 = arith.constant 704 : index
        %get3A_1012 = tpu.vector_load %arg6[%get3A_1010, %get3A_1011] {strides = array<i32>} : memref<32x768xf32, #tpu.memory_space<vmem>>, vector<1x16xf32>,
        %get3A_1013 = vector.shape_cast %get3A_1012 : vector<1x16xf32> to vector<16xf32>
        %swap3A_1014 = arith.index_cast %scan3A_613 : i32 to index
        %swap3A_1015 = arith.constant 704 : index
        %swap3A_1016 = tpu.vector_load %arg10[%swap3A_1014, %swap3A_1015] {strides = array<i32>} : memref<32x768xf32, #tpu.memory_space<vmem>>, vector<1x16xf32>,
        %swap3A_1017 = vector.shape_cast %swap3A_1016 : vector<1x16xf32> to vector<16xf32>
        %swap3A_1018 = vector.shape_cast %get3A_1013 : vector<16xf32> to vector<1x16xf32>
        tpu.vector_store %arg10[%swap3A_1014, %swap3A_1015], %swap3A_1018 {add = true, strides = array<i32>} : memref<32x768xf32, #tpu.memory_space<vmem>>, vector<1x16xf32>,
        %get3A_1019 = arith.index_cast %scan3A_613 : i32 to index
        %get3A_1020 = arith.constant 720 : index
        %get3A_1021 = tpu.vector_load %arg6[%get3A_1019, %get3A_1020] {strides = array<i32>} : memref<32x768xf32, #tpu.memory_space<vmem>>, vector<1x16xf32>,
        %get3A_1022 = vector.shape_cast %get3A_1021 : vector<1x16xf32> to vector<16xf32>
        %swap3A_1023 = arith.index_cast %scan3A_613 : i32 to index
        %swap3A_1024 = arith.constant 720 : index
        %swap3A_1025 = tpu.vector_load %arg10[%swap3A_1023, %swap3A_1024] {strides = array<i32>} : memref<32x768xf32, #tpu.memory_space<vmem>>, vector<1x16xf32>,
        %swap3A_1026 = vector.shape_cast %swap3A_1025 : vector<1x16xf32> to vector<16xf32>
        %swap3A_1027 = vector.shape_cast %get3A_1022 : vector<16xf32> to vector<1x16xf32>
        tpu.vector_store %arg10[%swap3A_1023, %swap3A_1024], %swap3A_1027 {add = true, strides = array<i32>} : memref<32x768xf32, #tpu.memory_space<vmem>>, vector<1x16xf32>,
        %get3A_1028 = arith.index_cast %scan3A_613 : i32 to index
        %get3A_1029 = arith.constant 736 : index
        %get3A_1030 = tpu.vector_load %arg6[%get3A_1028, %get3A_1029] {strides = array<i32>} : memref<32x768xf32, #tpu.memory_space<vmem>>, vector<1x16xf32>,
        %get3A_1031 = vector.shape_cast %get3A_1030 : vector<1x16xf32> to vector<16xf32>
        %swap3A_1032 = arith.index_cast %scan3A_613 : i32 to index
        %swap3A_1033 = arith.constant 736 : index
        %swap3A_1034 = tpu.vector_load %arg10[%swap3A_1032, %swap3A_1033] {strides = array<i32>} : memref<32x768xf32, #tpu.memory_space<vmem>>, vector<1x16xf32>,
        %swap3A_1035 = vector.shape_cast %swap3A_1034 : vector<1x16xf32> to vector<16xf32>
        %swap3A_1036 = vector.shape_cast %get3A_1031 : vector<16xf32> to vector<1x16xf32>
        tpu.vector_store %arg10[%swap3A_1032, %swap3A_1033], %swap3A_1036 {add = true, strides = array<i32>} : memref<32x768xf32, #tpu.memory_space<vmem>>, vector<1x16xf32>,
        %get3A_1037 = arith.index_cast %scan3A_613 : i32 to index
        %get3A_1038 = arith.constant 752 : index
        %get3A_1039 = tpu.vector_load %arg6[%get3A_1037, %get3A_1038] {strides = array<i32>} : memref<32x768xf32, #tpu.memory_space<vmem>>, vector<1x16xf32>,
        %get3A_1040 = vector.shape_cast %get3A_1039 : vector<1x16xf32> to vector<16xf32>
        %swap3A_1041 = arith.index_cast %scan3A_613 : i32 to index
        %swap3A_1042 = arith.constant 752 : index
        %swap3A_1043 = tpu.vector_load %arg10[%swap3A_1041, %swap3A_1042] {strides = array<i32>} : memref<32x768xf32, #tpu.memory_space<vmem>>, vector<1x16xf32>,
        %swap3A_1044 = vector.shape_cast %swap3A_1043 : vector<1x16xf32> to vector<16xf32>
        %swap3A_1045 = vector.shape_cast %get3A_1040 : vector<16xf32> to vector<1x16xf32>
        tpu.vector_store %arg10[%swap3A_1041, %swap3A_1042], %swap3A_1045 {add = true, strides = array<i32>} : memref<32x768xf32, #tpu.memory_space<vmem>>, vector<1x16xf32>,
      }
      %scan3A_145 = arith.constant 32 : i32
      %mul3A_146 = arith.constant 1024 : i32
      %mul3A_147 = arith.muli %add3A_129, %mul3A_146 : i32
      %add3A_148 = arith.addi %mul3A_147, %mul3A_2 : i32
      %dma_start3A_149 = arith.constant 0 : i32
      %dma_start3A_150 = tpu.memref_slice %arg5[%add3A_148, %dma_start3A_149] : memref<65536x768xf32, #tpu.memory_space<hbm>> -> memref<32x768xf32, #tpu.memory_space<hbm>>
      %dma_start3A_151 = arith.constant 0 : i32
      %dma_start3A_152 = tpu.memref_slice %arg5[%add3A_148, %dma_start3A_151] : memref<65536x768xf32, #tpu.memory_space<hbm>> -> memref<32x768xf32, #tpu.memory_space<hbm>>
      tpu.enqueue_dma source(%arg10 : memref<32x768xf32, #tpu.memory_space<vmem>>) target(%dma_start3A_152 : memref<32x768xf32, #tpu.memory_space<hbm>>) target_semaphore(%arg20 : memref<!tpu.dma_semaphore, #tpu.memory_space<semaphore_mem>>)
      %mul3A_153 = arith.constant 4 : i32
      %mul3A_154 = arith.muli %mul3A_153, %scan3A_56 : i32
      %add3A_155 = arith.constant 3 : i32
      %add3A_156 = arith.addi %mul3A_154, %add3A_155 : i32
      %lt3A_157 = arith.constant 15 : i32
      %lt3A_158 = arith.cmpi slt, %scan3A_56, %lt3A_157 : i32
      %convert_element_type3A_159 = arith.extui %lt3A_158 : i1 to i32
      %cond3A_160 = arith.constant 0 : i32
      %cond3A_161 = arith.cmpi ne, %convert_element_type3A_159, %cond3A_160 : i32
      scf.if %cond3A_161 {
        %sub3A = arith.constant 2 : i32
        %sub3A_181 = arith.subi %add3A_156, %sub3A : i32
        %mul3A_182 = arith.constant 1024 : i32
        %mul3A_183 = arith.muli %sub3A_181, %mul3A_182 : i32
        %add3A_184 = arith.addi %mul3A_183, %mul3A_2 : i32
        %dma_wait3A_185 = arith.constant 0 : i32
        %dma_wait3A_186 = tpu.memref_slice %arg5[%add3A_184, %dma_wait3A_185] : memref<65536x768xf32, #tpu.memory_space<hbm>> -> memref<32x768xf32, #tpu.memory_space<hbm>>
        %dma_wait3A_187 = arith.constant 0 : i32
        %dma_wait3A_188 = tpu.memref_slice %arg5[%add3A_184, %dma_wait3A_187] : memref<65536x768xf32, #tpu.memory_space<hbm>> -> memref<32x768xf32, #tpu.memory_space<hbm>>
        tpu.wait_dma2 semaphore(%arg19 : memref<!tpu.dma_semaphore, #tpu.memory_space<semaphore_mem>>) src(%arg9 : memref<32x768xf32, #tpu.memory_space<vmem>>) dst(%dma_wait3A_188 : memref<32x768xf32, #tpu.memory_space<hbm>>)
        %add3A_189 = arith.constant 2 : i32
        %add3A_190 = arith.addi %add3A_156, %add3A_189 : i32
        %mul3A_191 = arith.constant 32 : i32
        %mul3A_192 = arith.muli %add3A_190, %mul3A_191 : i32
        %dma_start3A_193 = tpu.memref_slice %arg7[%mul3A_192] : memref<2048xi32, #tpu.memory_space<vmem>> -> memref<32xi32, #tpu.memory_space<vmem>>
        %dma_start3A_194 = arith.constant 0 : i32
        %dma_start3A_195 = arith.constant 0 : i32
        %dma_start3A_196 = tpu.memref_slice %arg3[%dma_start3A_194, %dma_start3A_195] : memref<50257x768xf32, #tpu.memory_space<hbm>> -> memref<50257x768xf32, #tpu.memory_space<hbm>>
        tpu.enqueue_indirect_dma source(%dma_start3A_196 : memref<50257x768xf32, #tpu.memory_space<hbm>>) target(%arg9 : memref<32x768xf32, #tpu.memory_space<vmem>>) offsets(%dma_start3A_193 : memref<32xi32, #tpu.memory_space<vmem>>) semaphore(%arg15 : memref<!tpu.dma_semaphore, #tpu.memory_space<semaphore_mem>>)
      } else {
      }
      %mul3A_162 = arith.constant 32 : i32
      %mul3A_163 = arith.muli %add3A_156, %mul3A_162 : i32
      %dma_wait3A_164 = tpu.memref_slice %arg7[%mul3A_163] : memref<2048xi32, #tpu.memory_space<vmem>> -> memref<32xi32, #tpu.memory_space<vmem>>
      %dma_wait3A_165 = arith.constant 0 : i32
      %dma_wait3A_166 = arith.constant 0 : i32
      %dma_wait3A_167 = tpu.memref_slice %arg3[%dma_wait3A_165, %dma_wait3A_166] : memref<50257x768xf32, #tpu.memory_space<hbm>> -> memref<50257x768xf32, #tpu.memory_space<hbm>>
      tpu.wait_indirect_dma semaphore(%arg17 : memref<!tpu.dma_semaphore, #tpu.memory_space<semaphore_mem>>) src(%dma_wait3A_167 : memref<50257x768xf32, #tpu.memory_space<hbm>>) dst(%arg11 : memref<32x768xf32, #tpu.memory_space<vmem>>)
      %scan3A_168 = arith.constant 0 : i32
      %scan3A_169 = arith.constant 0 : i32
      %scan3A_170 = arith.constant 32 : i32
      %scan3A_171 = arith.addi %scan3A_169, %scan3A_170 : i32
      %scan3A_172 = arith.constant 2 : i32
      scf.for %scan3A_181 = %scan3A_169 to %scan3A_171 step %scan3A_172  : i32 {
        %get3A = arith.index_cast %scan3A_181 : i32 to index
        %get3A_182 = arith.constant 0 : index
        %get3A_183 = tpu.vector_load %arg6[%get3A, %get3A_182] {strides = array<i32>} : memref<32x768xf32, #tpu.memory_space<vmem>>, vector<1x16xf32>,
        %get3A_184 = vector.shape_cast %get3A_183 : vector<1x16xf32> to vector<16xf32>
        %swap3A = arith.index_cast %scan3A_181 : i32 to index
        %swap3A_185 = arith.constant 0 : index
        %swap3A_186 = tpu.vector_load %arg11[%swap3A, %swap3A_185] {strides = array<i32>} : memref<32x768xf32, #tpu.memory_space<vmem>>, vector<1x16xf32>,
        %swap3A_187 = vector.shape_cast %swap3A_186 : vector<1x16xf32> to vector<16xf32>
        %swap3A_188 = vector.shape_cast %get3A_184 : vector<16xf32> to vector<1x16xf32>
        tpu.vector_store %arg11[%swap3A, %swap3A_185], %swap3A_188 {add = true, strides = array<i32>} : memref<32x768xf32, #tpu.memory_space<vmem>>, vector<1x16xf32>,
        %get3A_189 = arith.index_cast %scan3A_181 : i32 to index
        %get3A_190 = arith.constant 16 : index
        %get3A_191 = tpu.vector_load %arg6[%get3A_189, %get3A_190] {strides = array<i32>} : memref<32x768xf32, #tpu.memory_space<vmem>>, vector<1x16xf32>,
        %get3A_192 = vector.shape_cast %get3A_191 : vector<1x16xf32> to vector<16xf32>
        %swap3A_193 = arith.index_cast %scan3A_181 : i32 to index
        %swap3A_194 = arith.constant 16 : index
        %swap3A_195 = tpu.vector_load %arg11[%swap3A_193, %swap3A_194] {strides = array<i32>} : memref<32x768xf32, #tpu.memory_space<vmem>>, vector<1x16xf32>,
        %swap3A_196 = vector.shape_cast %swap3A_195 : vector<1x16xf32> to vector<16xf32>
        %swap3A_197 = vector.shape_cast %get3A_192 : vector<16xf32> to vector<1x16xf32>
        tpu.vector_store %arg11[%swap3A_193, %swap3A_194], %swap3A_197 {add = true, strides = array<i32>} : memref<32x768xf32, #tpu.memory_space<vmem>>, vector<1x16xf32>,
        %get3A_198 = arith.index_cast %scan3A_181 : i32 to index
        %get3A_199 = arith.constant 32 : index
        %get3A_200 = tpu.vector_load %arg6[%get3A_198, %get3A_199] {strides = array<i32>} : memref<32x768xf32, #tpu.memory_space<vmem>>, vector<1x16xf32>,
        %get3A_201 = vector.shape_cast %get3A_200 : vector<1x16xf32> to vector<16xf32>
        %swap3A_202 = arith.index_cast %scan3A_181 : i32 to index
        %swap3A_203 = arith.constant 32 : index
        %swap3A_204 = tpu.vector_load %arg11[%swap3A_202, %swap3A_203] {strides = array<i32>} : memref<32x768xf32, #tpu.memory_space<vmem>>, vector<1x16xf32>,
        %swap3A_205 = vector.shape_cast %swap3A_204 : vector<1x16xf32> to vector<16xf32>
        %swap3A_206 = vector.shape_cast %get3A_201 : vector<16xf32> to vector<1x16xf32>
        tpu.vector_store %arg11[%swap3A_202, %swap3A_203], %swap3A_206 {add = true, strides = array<i32>} : memref<32x768xf32, #tpu.memory_space<vmem>>, vector<1x16xf32>,
        %get3A_207 = arith.index_cast %scan3A_181 : i32 to index
        %get3A_208 = arith.constant 48 : index
        %get3A_209 = tpu.vector_load %arg6[%get3A_207, %get3A_208] {strides = array<i32>} : memref<32x768xf32, #tpu.memory_space<vmem>>, vector<1x16xf32>,
        %get3A_210 = vector.shape_cast %get3A_209 : vector<1x16xf32> to vector<16xf32>
        %swap3A_211 = arith.index_cast %scan3A_181 : i32 to index
        %swap3A_212 = arith.constant 48 : index
        %swap3A_213 = tpu.vector_load %arg11[%swap3A_211, %swap3A_212] {strides = array<i32>} : memref<32x768xf32, #tpu.memory_space<vmem>>, vector<1x16xf32>,
        %swap3A_214 = vector.shape_cast %swap3A_213 : vector<1x16xf32> to vector<16xf32>
        %swap3A_215 = vector.shape_cast %get3A_210 : vector<16xf32> to vector<1x16xf32>
        tpu.vector_store %arg11[%swap3A_211, %swap3A_212], %swap3A_215 {add = true, strides = array<i32>} : memref<32x768xf32, #tpu.memory_space<vmem>>, vector<1x16xf32>,
        %get3A_216 = arith.index_cast %scan3A_181 : i32 to index
        %get3A_217 = arith.constant 64 : index
        %get3A_218 = tpu.vector_load %arg6[%get3A_216, %get3A_217] {strides = array<i32>} : memref<32x768xf32, #tpu.memory_space<vmem>>, vector<1x16xf32>,
        %get3A_219 = vector.shape_cast %get3A_218 : vector<1x16xf32> to vector<16xf32>
        %swap3A_220 = arith.index_cast %scan3A_181 : i32 to index
        %swap3A_221 = arith.constant 64 : index
        %swap3A_222 = tpu.vector_load %arg11[%swap3A_220, %swap3A_221] {strides = array<i32>} : memref<32x768xf32, #tpu.memory_space<vmem>>, vector<1x16xf32>,
        %swap3A_223 = vector.shape_cast %swap3A_222 : vector<1x16xf32> to vector<16xf32>
        %swap3A_224 = vector.shape_cast %get3A_219 : vector<16xf32> to vector<1x16xf32>
        tpu.vector_store %arg11[%swap3A_220, %swap3A_221], %swap3A_224 {add = true, strides = array<i32>} : memref<32x768xf32, #tpu.memory_space<vmem>>, vector<1x16xf32>,
        %get3A_225 = arith.index_cast %scan3A_181 : i32 to index
        %get3A_226 = arith.constant 80 : index
        %get3A_227 = tpu.vector_load %arg6[%get3A_225, %get3A_226] {strides = array<i32>} : memref<32x768xf32, #tpu.memory_space<vmem>>, vector<1x16xf32>,
        %get3A_228 = vector.shape_cast %get3A_227 : vector<1x16xf32> to vector<16xf32>
        %swap3A_229 = arith.index_cast %scan3A_181 : i32 to index
        %swap3A_230 = arith.constant 80 : index
        %swap3A_231 = tpu.vector_load %arg11[%swap3A_229, %swap3A_230] {strides = array<i32>} : memref<32x768xf32, #tpu.memory_space<vmem>>, vector<1x16xf32>,
        %swap3A_232 = vector.shape_cast %swap3A_231 : vector<1x16xf32> to vector<16xf32>
        %swap3A_233 = vector.shape_cast %get3A_228 : vector<16xf32> to vector<1x16xf32>
        tpu.vector_store %arg11[%swap3A_229, %swap3A_230], %swap3A_233 {add = true, strides = array<i32>} : memref<32x768xf32, #tpu.memory_space<vmem>>, vector<1x16xf32>,
        %get3A_234 = arith.index_cast %scan3A_181 : i32 to index
        %get3A_235 = arith.constant 96 : index
        %get3A_236 = tpu.vector_load %arg6[%get3A_234, %get3A_235] {strides = array<i32>} : memref<32x768xf32, #tpu.memory_space<vmem>>, vector<1x16xf32>,
        %get3A_237 = vector.shape_cast %get3A_236 : vector<1x16xf32> to vector<16xf32>
        %swap3A_238 = arith.index_cast %scan3A_181 : i32 to index
        %swap3A_239 = arith.constant 96 : index
        %swap3A_240 = tpu.vector_load %arg11[%swap3A_238, %swap3A_239] {strides = array<i32>} : memref<32x768xf32, #tpu.memory_space<vmem>>, vector<1x16xf32>,
        %swap3A_241 = vector.shape_cast %swap3A_240 : vector<1x16xf32> to vector<16xf32>
        %swap3A_242 = vector.shape_cast %get3A_237 : vector<16xf32> to vector<1x16xf32>
        tpu.vector_store %arg11[%swap3A_238, %swap3A_239], %swap3A_242 {add = true, strides = array<i32>} : memref<32x768xf32, #tpu.memory_space<vmem>>, vector<1x16xf32>,
        %get3A_243 = arith.index_cast %scan3A_181 : i32 to index
        %get3A_244 = arith.constant 112 : index
        %get3A_245 = tpu.vector_load %arg6[%get3A_243, %get3A_244] {strides = array<i32>} : memref<32x768xf32, #tpu.memory_space<vmem>>, vector<1x16xf32>,
        %get3A_246 = vector.shape_cast %get3A_245 : vector<1x16xf32> to vector<16xf32>
        %swap3A_247 = arith.index_cast %scan3A_181 : i32 to index
        %swap3A_248 = arith.constant 112 : index
        %swap3A_249 = tpu.vector_load %arg11[%swap3A_247, %swap3A_248] {strides = array<i32>} : memref<32x768xf32, #tpu.memory_space<vmem>>, vector<1x16xf32>,
        %swap3A_250 = vector.shape_cast %swap3A_249 : vector<1x16xf32> to vector<16xf32>
        %swap3A_251 = vector.shape_cast %get3A_246 : vector<16xf32> to vector<1x16xf32>
        tpu.vector_store %arg11[%swap3A_247, %swap3A_248], %swap3A_251 {add = true, strides = array<i32>} : memref<32x768xf32, #tpu.memory_space<vmem>>, vector<1x16xf32>,
        %get3A_252 = arith.index_cast %scan3A_181 : i32 to index
        %get3A_253 = arith.constant 128 : index
        %get3A_254 = tpu.vector_load %arg6[%get3A_252, %get3A_253] {strides = array<i32>} : memref<32x768xf32, #tpu.memory_space<vmem>>, vector<1x16xf32>,
        %get3A_255 = vector.shape_cast %get3A_254 : vector<1x16xf32> to vector<16xf32>
        %swap3A_256 = arith.index_cast %scan3A_181 : i32 to index
        %swap3A_257 = arith.constant 128 : index
        %swap3A_258 = tpu.vector_load %arg11[%swap3A_256, %swap3A_257] {strides = array<i32>} : memref<32x768xf32, #tpu.memory_space<vmem>>, vector<1x16xf32>,
        %swap3A_259 = vector.shape_cast %swap3A_258 : vector<1x16xf32> to vector<16xf32>
        %swap3A_260 = vector.shape_cast %get3A_255 : vector<16xf32> to vector<1x16xf32>
        tpu.vector_store %arg11[%swap3A_256, %swap3A_257], %swap3A_260 {add = true, strides = array<i32>} : memref<32x768xf32, #tpu.memory_space<vmem>>, vector<1x16xf32>,
        %get3A_261 = arith.index_cast %scan3A_181 : i32 to index
        %get3A_262 = arith.constant 144 : index
        %get3A_263 = tpu.vector_load %arg6[%get3A_261, %get3A_262] {strides = array<i32>} : memref<32x768xf32, #tpu.memory_space<vmem>>, vector<1x16xf32>,
        %get3A_264 = vector.shape_cast %get3A_263 : vector<1x16xf32> to vector<16xf32>
        %swap3A_265 = arith.index_cast %scan3A_181 : i32 to index
        %swap3A_266 = arith.constant 144 : index
        %swap3A_267 = tpu.vector_load %arg11[%swap3A_265, %swap3A_266] {strides = array<i32>} : memref<32x768xf32, #tpu.memory_space<vmem>>, vector<1x16xf32>,
        %swap3A_268 = vector.shape_cast %swap3A_267 : vector<1x16xf32> to vector<16xf32>
        %swap3A_269 = vector.shape_cast %get3A_264 : vector<16xf32> to vector<1x16xf32>
        tpu.vector_store %arg11[%swap3A_265, %swap3A_266], %swap3A_269 {add = true, strides = array<i32>} : memref<32x768xf32, #tpu.memory_space<vmem>>, vector<1x16xf32>,
        %get3A_270 = arith.index_cast %scan3A_181 : i32 to index
        %get3A_271 = arith.constant 160 : index
        %get3A_272 = tpu.vector_load %arg6[%get3A_270, %get3A_271] {strides = array<i32>} : memref<32x768xf32, #tpu.memory_space<vmem>>, vector<1x16xf32>,
        %get3A_273 = vector.shape_cast %get3A_272 : vector<1x16xf32> to vector<16xf32>
        %swap3A_274 = arith.index_cast %scan3A_181 : i32 to index
        %swap3A_275 = arith.constant 160 : index
        %swap3A_276 = tpu.vector_load %arg11[%swap3A_274, %swap3A_275] {strides = array<i32>} : memref<32x768xf32, #tpu.memory_space<vmem>>, vector<1x16xf32>,
        %swap3A_277 = vector.shape_cast %swap3A_276 : vector<1x16xf32> to vector<16xf32>
        %swap3A_278 = vector.shape_cast %get3A_273 : vector<16xf32> to vector<1x16xf32>
        tpu.vector_store %arg11[%swap3A_274, %swap3A_275], %swap3A_278 {add = true, strides = array<i32>} : memref<32x768xf32, #tpu.memory_space<vmem>>, vector<1x16xf32>,
        %get3A_279 = arith.index_cast %scan3A_181 : i32 to index
        %get3A_280 = arith.constant 176 : index
        %get3A_281 = tpu.vector_load %arg6[%get3A_279, %get3A_280] {strides = array<i32>} : memref<32x768xf32, #tpu.memory_space<vmem>>, vector<1x16xf32>,
        %get3A_282 = vector.shape_cast %get3A_281 : vector<1x16xf32> to vector<16xf32>
        %swap3A_283 = arith.index_cast %scan3A_181 : i32 to index
        %swap3A_284 = arith.constant 176 : index
        %swap3A_285 = tpu.vector_load %arg11[%swap3A_283, %swap3A_284] {strides = array<i32>} : memref<32x768xf32, #tpu.memory_space<vmem>>, vector<1x16xf32>,
        %swap3A_286 = vector.shape_cast %swap3A_285 : vector<1x16xf32> to vector<16xf32>
        %swap3A_287 = vector.shape_cast %get3A_282 : vector<16xf32> to vector<1x16xf32>
        tpu.vector_store %arg11[%swap3A_283, %swap3A_284], %swap3A_287 {add = true, strides = array<i32>} : memref<32x768xf32, #tpu.memory_space<vmem>>, vector<1x16xf32>,
        %get3A_288 = arith.index_cast %scan3A_181 : i32 to index
        %get3A_289 = arith.constant 192 : index
        %get3A_290 = tpu.vector_load %arg6[%get3A_288, %get3A_289] {strides = array<i32>} : memref<32x768xf32, #tpu.memory_space<vmem>>, vector<1x16xf32>,
        %get3A_291 = vector.shape_cast %get3A_290 : vector<1x16xf32> to vector<16xf32>
        %swap3A_292 = arith.index_cast %scan3A_181 : i32 to index
        %swap3A_293 = arith.constant 192 : index
        %swap3A_294 = tpu.vector_load %arg11[%swap3A_292, %swap3A_293] {strides = array<i32>} : memref<32x768xf32, #tpu.memory_space<vmem>>, vector<1x16xf32>,
        %swap3A_295 = vector.shape_cast %swap3A_294 : vector<1x16xf32> to vector<16xf32>
        %swap3A_296 = vector.shape_cast %get3A_291 : vector<16xf32> to vector<1x16xf32>
        tpu.vector_store %arg11[%swap3A_292, %swap3A_293], %swap3A_296 {add = true, strides = array<i32>} : memref<32x768xf32, #tpu.memory_space<vmem>>, vector<1x16xf32>,
        %get3A_297 = arith.index_cast %scan3A_181 : i32 to index
        %get3A_298 = arith.constant 208 : index
        %get3A_299 = tpu.vector_load %arg6[%get3A_297, %get3A_298] {strides = array<i32>} : memref<32x768xf32, #tpu.memory_space<vmem>>, vector<1x16xf32>,
        %get3A_300 = vector.shape_cast %get3A_299 : vector<1x16xf32> to vector<16xf32>
        %swap3A_301 = arith.index_cast %scan3A_181 : i32 to index
        %swap3A_302 = arith.constant 208 : index
        %swap3A_303 = tpu.vector_load %arg11[%swap3A_301, %swap3A_302] {strides = array<i32>} : memref<32x768xf32, #tpu.memory_space<vmem>>, vector<1x16xf32>,
        %swap3A_304 = vector.shape_cast %swap3A_303 : vector<1x16xf32> to vector<16xf32>
        %swap3A_305 = vector.shape_cast %get3A_300 : vector<16xf32> to vector<1x16xf32>
        tpu.vector_store %arg11[%swap3A_301, %swap3A_302], %swap3A_305 {add = true, strides = array<i32>} : memref<32x768xf32, #tpu.memory_space<vmem>>, vector<1x16xf32>,
        %get3A_306 = arith.index_cast %scan3A_181 : i32 to index
        %get3A_307 = arith.constant 224 : index
        %get3A_308 = tpu.vector_load %arg6[%get3A_306, %get3A_307] {strides = array<i32>} : memref<32x768xf32, #tpu.memory_space<vmem>>, vector<1x16xf32>,
        %get3A_309 = vector.shape_cast %get3A_308 : vector<1x16xf32> to vector<16xf32>
        %swap3A_310 = arith.index_cast %scan3A_181 : i32 to index
        %swap3A_311 = arith.constant 224 : index
        %swap3A_312 = tpu.vector_load %arg11[%swap3A_310, %swap3A_311] {strides = array<i32>} : memref<32x768xf32, #tpu.memory_space<vmem>>, vector<1x16xf32>,
        %swap3A_313 = vector.shape_cast %swap3A_312 : vector<1x16xf32> to vector<16xf32>
        %swap3A_314 = vector.shape_cast %get3A_309 : vector<16xf32> to vector<1x16xf32>
        tpu.vector_store %arg11[%swap3A_310, %swap3A_311], %swap3A_314 {add = true, strides = array<i32>} : memref<32x768xf32, #tpu.memory_space<vmem>>, vector<1x16xf32>,
        %get3A_315 = arith.index_cast %scan3A_181 : i32 to index
        %get3A_316 = arith.constant 240 : index
        %get3A_317 = tpu.vector_load %arg6[%get3A_315, %get3A_316] {strides = array<i32>} : memref<32x768xf32, #tpu.memory_space<vmem>>, vector<1x16xf32>,
        %get3A_318 = vector.shape_cast %get3A_317 : vector<1x16xf32> to vector<16xf32>
        %swap3A_319 = arith.index_cast %scan3A_181 : i32 to index
        %swap3A_320 = arith.constant 240 : index
        %swap3A_321 = tpu.vector_load %arg11[%swap3A_319, %swap3A_320] {strides = array<i32>} : memref<32x768xf32, #tpu.memory_space<vmem>>, vector<1x16xf32>,
        %swap3A_322 = vector.shape_cast %swap3A_321 : vector<1x16xf32> to vector<16xf32>
        %swap3A_323 = vector.shape_cast %get3A_318 : vector<16xf32> to vector<1x16xf32>
        tpu.vector_store %arg11[%swap3A_319, %swap3A_320], %swap3A_323 {add = true, strides = array<i32>} : memref<32x768xf32, #tpu.memory_space<vmem>>, vector<1x16xf32>,
        %get3A_324 = arith.index_cast %scan3A_181 : i32 to index
        %get3A_325 = arith.constant 256 : index
        %get3A_326 = tpu.vector_load %arg6[%get3A_324, %get3A_325] {strides = array<i32>} : memref<32x768xf32, #tpu.memory_space<vmem>>, vector<1x16xf32>,
        %get3A_327 = vector.shape_cast %get3A_326 : vector<1x16xf32> to vector<16xf32>
        %swap3A_328 = arith.index_cast %scan3A_181 : i32 to index
        %swap3A_329 = arith.constant 256 : index
        %swap3A_330 = tpu.vector_load %arg11[%swap3A_328, %swap3A_329] {strides = array<i32>} : memref<32x768xf32, #tpu.memory_space<vmem>>, vector<1x16xf32>,
        %swap3A_331 = vector.shape_cast %swap3A_330 : vector<1x16xf32> to vector<16xf32>
        %swap3A_332 = vector.shape_cast %get3A_327 : vector<16xf32> to vector<1x16xf32>
        tpu.vector_store %arg11[%swap3A_328, %swap3A_329], %swap3A_332 {add = true, strides = array<i32>} : memref<32x768xf32, #tpu.memory_space<vmem>>, vector<1x16xf32>,
        %get3A_333 = arith.index_cast %scan3A_181 : i32 to index
        %get3A_334 = arith.constant 272 : index
        %get3A_335 = tpu.vector_load %arg6[%get3A_333, %get3A_334] {strides = array<i32>} : memref<32x768xf32, #tpu.memory_space<vmem>>, vector<1x16xf32>,
        %get3A_336 = vector.shape_cast %get3A_335 : vector<1x16xf32> to vector<16xf32>
        %swap3A_337 = arith.index_cast %scan3A_181 : i32 to index
        %swap3A_338 = arith.constant 272 : index
        %swap3A_339 = tpu.vector_load %arg11[%swap3A_337, %swap3A_338] {strides = array<i32>} : memref<32x768xf32, #tpu.memory_space<vmem>>, vector<1x16xf32>,
        %swap3A_340 = vector.shape_cast %swap3A_339 : vector<1x16xf32> to vector<16xf32>
        %swap3A_341 = vector.shape_cast %get3A_336 : vector<16xf32> to vector<1x16xf32>
        tpu.vector_store %arg11[%swap3A_337, %swap3A_338], %swap3A_341 {add = true, strides = array<i32>} : memref<32x768xf32, #tpu.memory_space<vmem>>, vector<1x16xf32>,
        %get3A_342 = arith.index_cast %scan3A_181 : i32 to index
        %get3A_343 = arith.constant 288 : index
        %get3A_344 = tpu.vector_load %arg6[%get3A_342, %get3A_343] {strides = array<i32>} : memref<32x768xf32, #tpu.memory_space<vmem>>, vector<1x16xf32>,
        %get3A_345 = vector.shape_cast %get3A_344 : vector<1x16xf32> to vector<16xf32>
        %swap3A_346 = arith.index_cast %scan3A_181 : i32 to index
        %swap3A_347 = arith.constant 288 : index
        %swap3A_348 = tpu.vector_load %arg11[%swap3A_346, %swap3A_347] {strides = array<i32>} : memref<32x768xf32, #tpu.memory_space<vmem>>, vector<1x16xf32>,
        %swap3A_349 = vector.shape_cast %swap3A_348 : vector<1x16xf32> to vector<16xf32>
        %swap3A_350 = vector.shape_cast %get3A_345 : vector<16xf32> to vector<1x16xf32>
        tpu.vector_store %arg11[%swap3A_346, %swap3A_347], %swap3A_350 {add = true, strides = array<i32>} : memref<32x768xf32, #tpu.memory_space<vmem>>, vector<1x16xf32>,
        %get3A_351 = arith.index_cast %scan3A_181 : i32 to index
        %get3A_352 = arith.constant 304 : index
        %get3A_353 = tpu.vector_load %arg6[%get3A_351, %get3A_352] {strides = array<i32>} : memref<32x768xf32, #tpu.memory_space<vmem>>, vector<1x16xf32>,
        %get3A_354 = vector.shape_cast %get3A_353 : vector<1x16xf32> to vector<16xf32>
        %swap3A_355 = arith.index_cast %scan3A_181 : i32 to index
        %swap3A_356 = arith.constant 304 : index
        %swap3A_357 = tpu.vector_load %arg11[%swap3A_355, %swap3A_356] {strides = array<i32>} : memref<32x768xf32, #tpu.memory_space<vmem>>, vector<1x16xf32>,
        %swap3A_358 = vector.shape_cast %swap3A_357 : vector<1x16xf32> to vector<16xf32>
        %swap3A_359 = vector.shape_cast %get3A_354 : vector<16xf32> to vector<1x16xf32>
        tpu.vector_store %arg11[%swap3A_355, %swap3A_356], %swap3A_359 {add = true, strides = array<i32>} : memref<32x768xf32, #tpu.memory_space<vmem>>, vector<1x16xf32>,
        %get3A_360 = arith.index_cast %scan3A_181 : i32 to index
        %get3A_361 = arith.constant 320 : index
        %get3A_362 = tpu.vector_load %arg6[%get3A_360, %get3A_361] {strides = array<i32>} : memref<32x768xf32, #tpu.memory_space<vmem>>, vector<1x16xf32>,
        %get3A_363 = vector.shape_cast %get3A_362 : vector<1x16xf32> to vector<16xf32>
        %swap3A_364 = arith.index_cast %scan3A_181 : i32 to index
        %swap3A_365 = arith.constant 320 : index
        %swap3A_366 = tpu.vector_load %arg11[%swap3A_364, %swap3A_365] {strides = array<i32>} : memref<32x768xf32, #tpu.memory_space<vmem>>, vector<1x16xf32>,
        %swap3A_367 = vector.shape_cast %swap3A_366 : vector<1x16xf32> to vector<16xf32>
        %swap3A_368 = vector.shape_cast %get3A_363 : vector<16xf32> to vector<1x16xf32>
        tpu.vector_store %arg11[%swap3A_364, %swap3A_365], %swap3A_368 {add = true, strides = array<i32>} : memref<32x768xf32, #tpu.memory_space<vmem>>, vector<1x16xf32>,
        %get3A_369 = arith.index_cast %scan3A_181 : i32 to index
        %get3A_370 = arith.constant 336 : index
        %get3A_371 = tpu.vector_load %arg6[%get3A_369, %get3A_370] {strides = array<i32>} : memref<32x768xf32, #tpu.memory_space<vmem>>, vector<1x16xf32>,
        %get3A_372 = vector.shape_cast %get3A_371 : vector<1x16xf32> to vector<16xf32>
        %swap3A_373 = arith.index_cast %scan3A_181 : i32 to index
        %swap3A_374 = arith.constant 336 : index
        %swap3A_375 = tpu.vector_load %arg11[%swap3A_373, %swap3A_374] {strides = array<i32>} : memref<32x768xf32, #tpu.memory_space<vmem>>, vector<1x16xf32>,
        %swap3A_376 = vector.shape_cast %swap3A_375 : vector<1x16xf32> to vector<16xf32>
        %swap3A_377 = vector.shape_cast %get3A_372 : vector<16xf32> to vector<1x16xf32>
        tpu.vector_store %arg11[%swap3A_373, %swap3A_374], %swap3A_377 {add = true, strides = array<i32>} : memref<32x768xf32, #tpu.memory_space<vmem>>, vector<1x16xf32>,
        %get3A_378 = arith.index_cast %scan3A_181 : i32 to index
        %get3A_379 = arith.constant 352 : index
        %get3A_380 = tpu.vector_load %arg6[%get3A_378, %get3A_379] {strides = array<i32>} : memref<32x768xf32, #tpu.memory_space<vmem>>, vector<1x16xf32>,
        %get3A_381 = vector.shape_cast %get3A_380 : vector<1x16xf32> to vector<16xf32>
        %swap3A_382 = arith.index_cast %scan3A_181 : i32 to index
        %swap3A_383 = arith.constant 352 : index
        %swap3A_384 = tpu.vector_load %arg11[%swap3A_382, %swap3A_383] {strides = array<i32>} : memref<32x768xf32, #tpu.memory_space<vmem>>, vector<1x16xf32>,
        %swap3A_385 = vector.shape_cast %swap3A_384 : vector<1x16xf32> to vector<16xf32>
        %swap3A_386 = vector.shape_cast %get3A_381 : vector<16xf32> to vector<1x16xf32>
        tpu.vector_store %arg11[%swap3A_382, %swap3A_383], %swap3A_386 {add = true, strides = array<i32>} : memref<32x768xf32, #tpu.memory_space<vmem>>, vector<1x16xf32>,
        %get3A_387 = arith.index_cast %scan3A_181 : i32 to index
        %get3A_388 = arith.constant 368 : index
        %get3A_389 = tpu.vector_load %arg6[%get3A_387, %get3A_388] {strides = array<i32>} : memref<32x768xf32, #tpu.memory_space<vmem>>, vector<1x16xf32>,
        %get3A_390 = vector.shape_cast %get3A_389 : vector<1x16xf32> to vector<16xf32>
        %swap3A_391 = arith.index_cast %scan3A_181 : i32 to index
        %swap3A_392 = arith.constant 368 : index
        %swap3A_393 = tpu.vector_load %arg11[%swap3A_391, %swap3A_392] {strides = array<i32>} : memref<32x768xf32, #tpu.memory_space<vmem>>, vector<1x16xf32>,
        %swap3A_394 = vector.shape_cast %swap3A_393 : vector<1x16xf32> to vector<16xf32>
        %swap3A_395 = vector.shape_cast %get3A_390 : vector<16xf32> to vector<1x16xf32>
        tpu.vector_store %arg11[%swap3A_391, %swap3A_392], %swap3A_395 {add = true, strides = array<i32>} : memref<32x768xf32, #tpu.memory_space<vmem>>, vector<1x16xf32>,
        %get3A_396 = arith.index_cast %scan3A_181 : i32 to index
        %get3A_397 = arith.constant 384 : index
        %get3A_398 = tpu.vector_load %arg6[%get3A_396, %get3A_397] {strides = array<i32>} : memref<32x768xf32, #tpu.memory_space<vmem>>, vector<1x16xf32>,
        %get3A_399 = vector.shape_cast %get3A_398 : vector<1x16xf32> to vector<16xf32>
        %swap3A_400 = arith.index_cast %scan3A_181 : i32 to index
        %swap3A_401 = arith.constant 384 : index
        %swap3A_402 = tpu.vector_load %arg11[%swap3A_400, %swap3A_401] {strides = array<i32>} : memref<32x768xf32, #tpu.memory_space<vmem>>, vector<1x16xf32>,
        %swap3A_403 = vector.shape_cast %swap3A_402 : vector<1x16xf32> to vector<16xf32>
        %swap3A_404 = vector.shape_cast %get3A_399 : vector<16xf32> to vector<1x16xf32>
        tpu.vector_store %arg11[%swap3A_400, %swap3A_401], %swap3A_404 {add = true, strides = array<i32>} : memref<32x768xf32, #tpu.memory_space<vmem>>, vector<1x16xf32>,
        %get3A_405 = arith.index_cast %scan3A_181 : i32 to index
        %get3A_406 = arith.constant 400 : index
        %get3A_407 = tpu.vector_load %arg6[%get3A_405, %get3A_406] {strides = array<i32>} : memref<32x768xf32, #tpu.memory_space<vmem>>, vector<1x16xf32>,
        %get3A_408 = vector.shape_cast %get3A_407 : vector<1x16xf32> to vector<16xf32>
        %swap3A_409 = arith.index_cast %scan3A_181 : i32 to index
        %swap3A_410 = arith.constant 400 : index
        %swap3A_411 = tpu.vector_load %arg11[%swap3A_409, %swap3A_410] {strides = array<i32>} : memref<32x768xf32, #tpu.memory_space<vmem>>, vector<1x16xf32>,
        %swap3A_412 = vector.shape_cast %swap3A_411 : vector<1x16xf32> to vector<16xf32>
        %swap3A_413 = vector.shape_cast %get3A_408 : vector<16xf32> to vector<1x16xf32>
        tpu.vector_store %arg11[%swap3A_409, %swap3A_410], %swap3A_413 {add = true, strides = array<i32>} : memref<32x768xf32, #tpu.memory_space<vmem>>, vector<1x16xf32>,
        %get3A_414 = arith.index_cast %scan3A_181 : i32 to index
        %get3A_415 = arith.constant 416 : index
        %get3A_416 = tpu.vector_load %arg6[%get3A_414, %get3A_415] {strides = array<i32>} : memref<32x768xf32, #tpu.memory_space<vmem>>, vector<1x16xf32>,
        %get3A_417 = vector.shape_cast %get3A_416 : vector<1x16xf32> to vector<16xf32>
        %swap3A_418 = arith.index_cast %scan3A_181 : i32 to index
        %swap3A_419 = arith.constant 416 : index
        %swap3A_420 = tpu.vector_load %arg11[%swap3A_418, %swap3A_419] {strides = array<i32>} : memref<32x768xf32, #tpu.memory_space<vmem>>, vector<1x16xf32>,
        %swap3A_421 = vector.shape_cast %swap3A_420 : vector<1x16xf32> to vector<16xf32>
        %swap3A_422 = vector.shape_cast %get3A_417 : vector<16xf32> to vector<1x16xf32>
        tpu.vector_store %arg11[%swap3A_418, %swap3A_419], %swap3A_422 {add = true, strides = array<i32>} : memref<32x768xf32, #tpu.memory_space<vmem>>, vector<1x16xf32>,
        %get3A_423 = arith.index_cast %scan3A_181 : i32 to index
        %get3A_424 = arith.constant 432 : index
        %get3A_425 = tpu.vector_load %arg6[%get3A_423, %get3A_424] {strides = array<i32>} : memref<32x768xf32, #tpu.memory_space<vmem>>, vector<1x16xf32>,
        %get3A_426 = vector.shape_cast %get3A_425 : vector<1x16xf32> to vector<16xf32>
        %swap3A_427 = arith.index_cast %scan3A_181 : i32 to index
        %swap3A_428 = arith.constant 432 : index
        %swap3A_429 = tpu.vector_load %arg11[%swap3A_427, %swap3A_428] {strides = array<i32>} : memref<32x768xf32, #tpu.memory_space<vmem>>, vector<1x16xf32>,
        %swap3A_430 = vector.shape_cast %swap3A_429 : vector<1x16xf32> to vector<16xf32>
        %swap3A_431 = vector.shape_cast %get3A_426 : vector<16xf32> to vector<1x16xf32>
        tpu.vector_store %arg11[%swap3A_427, %swap3A_428], %swap3A_431 {add = true, strides = array<i32>} : memref<32x768xf32, #tpu.memory_space<vmem>>, vector<1x16xf32>,
        %get3A_432 = arith.index_cast %scan3A_181 : i32 to index
        %get3A_433 = arith.constant 448 : index
        %get3A_434 = tpu.vector_load %arg6[%get3A_432, %get3A_433] {strides = array<i32>} : memref<32x768xf32, #tpu.memory_space<vmem>>, vector<1x16xf32>,
        %get3A_435 = vector.shape_cast %get3A_434 : vector<1x16xf32> to vector<16xf32>
        %swap3A_436 = arith.index_cast %scan3A_181 : i32 to index
        %swap3A_437 = arith.constant 448 : index
        %swap3A_438 = tpu.vector_load %arg11[%swap3A_436, %swap3A_437] {strides = array<i32>} : memref<32x768xf32, #tpu.memory_space<vmem>>, vector<1x16xf32>,
        %swap3A_439 = vector.shape_cast %swap3A_438 : vector<1x16xf32> to vector<16xf32>
        %swap3A_440 = vector.shape_cast %get3A_435 : vector<16xf32> to vector<1x16xf32>
        tpu.vector_store %arg11[%swap3A_436, %swap3A_437], %swap3A_440 {add = true, strides = array<i32>} : memref<32x768xf32, #tpu.memory_space<vmem>>, vector<1x16xf32>,
        %get3A_441 = arith.index_cast %scan3A_181 : i32 to index
        %get3A_442 = arith.constant 464 : index
        %get3A_443 = tpu.vector_load %arg6[%get3A_441, %get3A_442] {strides = array<i32>} : memref<32x768xf32, #tpu.memory_space<vmem>>, vector<1x16xf32>,
        %get3A_444 = vector.shape_cast %get3A_443 : vector<1x16xf32> to vector<16xf32>
        %swap3A_445 = arith.index_cast %scan3A_181 : i32 to index
        %swap3A_446 = arith.constant 464 : index
        %swap3A_447 = tpu.vector_load %arg11[%swap3A_445, %swap3A_446] {strides = array<i32>} : memref<32x768xf32, #tpu.memory_space<vmem>>, vector<1x16xf32>,
        %swap3A_448 = vector.shape_cast %swap3A_447 : vector<1x16xf32> to vector<16xf32>
        %swap3A_449 = vector.shape_cast %get3A_444 : vector<16xf32> to vector<1x16xf32>
        tpu.vector_store %arg11[%swap3A_445, %swap3A_446], %swap3A_449 {add = true, strides = array<i32>} : memref<32x768xf32, #tpu.memory_space<vmem>>, vector<1x16xf32>,
        %get3A_450 = arith.index_cast %scan3A_181 : i32 to index
        %get3A_451 = arith.constant 480 : index
        %get3A_452 = tpu.vector_load %arg6[%get3A_450, %get3A_451] {strides = array<i32>} : memref<32x768xf32, #tpu.memory_space<vmem>>, vector<1x16xf32>,
        %get3A_453 = vector.shape_cast %get3A_452 : vector<1x16xf32> to vector<16xf32>
        %swap3A_454 = arith.index_cast %scan3A_181 : i32 to index
        %swap3A_455 = arith.constant 480 : index
        %swap3A_456 = tpu.vector_load %arg11[%swap3A_454, %swap3A_455] {strides = array<i32>} : memref<32x768xf32, #tpu.memory_space<vmem>>, vector<1x16xf32>,
        %swap3A_457 = vector.shape_cast %swap3A_456 : vector<1x16xf32> to vector<16xf32>
        %swap3A_458 = vector.shape_cast %get3A_453 : vector<16xf32> to vector<1x16xf32>
        tpu.vector_store %arg11[%swap3A_454, %swap3A_455], %swap3A_458 {add = true, strides = array<i32>} : memref<32x768xf32, #tpu.memory_space<vmem>>, vector<1x16xf32>,
        %get3A_459 = arith.index_cast %scan3A_181 : i32 to index
        %get3A_460 = arith.constant 496 : index
        %get3A_461 = tpu.vector_load %arg6[%get3A_459, %get3A_460] {strides = array<i32>} : memref<32x768xf32, #tpu.memory_space<vmem>>, vector<1x16xf32>,
        %get3A_462 = vector.shape_cast %get3A_461 : vector<1x16xf32> to vector<16xf32>
        %swap3A_463 = arith.index_cast %scan3A_181 : i32 to index
        %swap3A_464 = arith.constant 496 : index
        %swap3A_465 = tpu.vector_load %arg11[%swap3A_463, %swap3A_464] {strides = array<i32>} : memref<32x768xf32, #tpu.memory_space<vmem>>, vector<1x16xf32>,
        %swap3A_466 = vector.shape_cast %swap3A_465 : vector<1x16xf32> to vector<16xf32>
        %swap3A_467 = vector.shape_cast %get3A_462 : vector<16xf32> to vector<1x16xf32>
        tpu.vector_store %arg11[%swap3A_463, %swap3A_464], %swap3A_467 {add = true, strides = array<i32>} : memref<32x768xf32, #tpu.memory_space<vmem>>, vector<1x16xf32>,
        %get3A_468 = arith.index_cast %scan3A_181 : i32 to index
        %get3A_469 = arith.constant 512 : index
        %get3A_470 = tpu.vector_load %arg6[%get3A_468, %get3A_469] {strides = array<i32>} : memref<32x768xf32, #tpu.memory_space<vmem>>, vector<1x16xf32>,
        %get3A_471 = vector.shape_cast %get3A_470 : vector<1x16xf32> to vector<16xf32>
        %swap3A_472 = arith.index_cast %scan3A_181 : i32 to index
        %swap3A_473 = arith.constant 512 : index
        %swap3A_474 = tpu.vector_load %arg11[%swap3A_472, %swap3A_473] {strides = array<i32>} : memref<32x768xf32, #tpu.memory_space<vmem>>, vector<1x16xf32>,
        %swap3A_475 = vector.shape_cast %swap3A_474 : vector<1x16xf32> to vector<16xf32>
        %swap3A_476 = vector.shape_cast %get3A_471 : vector<16xf32> to vector<1x16xf32>
        tpu.vector_store %arg11[%swap3A_472, %swap3A_473], %swap3A_476 {add = true, strides = array<i32>} : memref<32x768xf32, #tpu.memory_space<vmem>>, vector<1x16xf32>,
        %get3A_477 = arith.index_cast %scan3A_181 : i32 to index
        %get3A_478 = arith.constant 528 : index
        %get3A_479 = tpu.vector_load %arg6[%get3A_477, %get3A_478] {strides = array<i32>} : memref<32x768xf32, #tpu.memory_space<vmem>>, vector<1x16xf32>,
        %get3A_480 = vector.shape_cast %get3A_479 : vector<1x16xf32> to vector<16xf32>
        %swap3A_481 = arith.index_cast %scan3A_181 : i32 to index
        %swap3A_482 = arith.constant 528 : index
        %swap3A_483 = tpu.vector_load %arg11[%swap3A_481, %swap3A_482] {strides = array<i32>} : memref<32x768xf32, #tpu.memory_space<vmem>>, vector<1x16xf32>,
        %swap3A_484 = vector.shape_cast %swap3A_483 : vector<1x16xf32> to vector<16xf32>
        %swap3A_485 = vector.shape_cast %get3A_480 : vector<16xf32> to vector<1x16xf32>
        tpu.vector_store %arg11[%swap3A_481, %swap3A_482], %swap3A_485 {add = true, strides = array<i32>} : memref<32x768xf32, #tpu.memory_space<vmem>>, vector<1x16xf32>,
        %get3A_486 = arith.index_cast %scan3A_181 : i32 to index
        %get3A_487 = arith.constant 544 : index
        %get3A_488 = tpu.vector_load %arg6[%get3A_486, %get3A_487] {strides = array<i32>} : memref<32x768xf32, #tpu.memory_space<vmem>>, vector<1x16xf32>,
        %get3A_489 = vector.shape_cast %get3A_488 : vector<1x16xf32> to vector<16xf32>
        %swap3A_490 = arith.index_cast %scan3A_181 : i32 to index
        %swap3A_491 = arith.constant 544 : index
        %swap3A_492 = tpu.vector_load %arg11[%swap3A_490, %swap3A_491] {strides = array<i32>} : memref<32x768xf32, #tpu.memory_space<vmem>>, vector<1x16xf32>,
        %swap3A_493 = vector.shape_cast %swap3A_492 : vector<1x16xf32> to vector<16xf32>
        %swap3A_494 = vector.shape_cast %get3A_489 : vector<16xf32> to vector<1x16xf32>
        tpu.vector_store %arg11[%swap3A_490, %swap3A_491], %swap3A_494 {add = true, strides = array<i32>} : memref<32x768xf32, #tpu.memory_space<vmem>>, vector<1x16xf32>,
        %get3A_495 = arith.index_cast %scan3A_181 : i32 to index
        %get3A_496 = arith.constant 560 : index
        %get3A_497 = tpu.vector_load %arg6[%get3A_495, %get3A_496] {strides = array<i32>} : memref<32x768xf32, #tpu.memory_space<vmem>>, vector<1x16xf32>,
        %get3A_498 = vector.shape_cast %get3A_497 : vector<1x16xf32> to vector<16xf32>
        %swap3A_499 = arith.index_cast %scan3A_181 : i32 to index
        %swap3A_500 = arith.constant 560 : index
        %swap3A_501 = tpu.vector_load %arg11[%swap3A_499, %swap3A_500] {strides = array<i32>} : memref<32x768xf32, #tpu.memory_space<vmem>>, vector<1x16xf32>,
        %swap3A_502 = vector.shape_cast %swap3A_501 : vector<1x16xf32> to vector<16xf32>
        %swap3A_503 = vector.shape_cast %get3A_498 : vector<16xf32> to vector<1x16xf32>
        tpu.vector_store %arg11[%swap3A_499, %swap3A_500], %swap3A_503 {add = true, strides = array<i32>} : memref<32x768xf32, #tpu.memory_space<vmem>>, vector<1x16xf32>,
        %get3A_504 = arith.index_cast %scan3A_181 : i32 to index
        %get3A_505 = arith.constant 576 : index
        %get3A_506 = tpu.vector_load %arg6[%get3A_504, %get3A_505] {strides = array<i32>} : memref<32x768xf32, #tpu.memory_space<vmem>>, vector<1x16xf32>,
        %get3A_507 = vector.shape_cast %get3A_506 : vector<1x16xf32> to vector<16xf32>
        %swap3A_508 = arith.index_cast %scan3A_181 : i32 to index
        %swap3A_509 = arith.constant 576 : index
        %swap3A_510 = tpu.vector_load %arg11[%swap3A_508, %swap3A_509] {strides = array<i32>} : memref<32x768xf32, #tpu.memory_space<vmem>>, vector<1x16xf32>,
        %swap3A_511 = vector.shape_cast %swap3A_510 : vector<1x16xf32> to vector<16xf32>
        %swap3A_512 = vector.shape_cast %get3A_507 : vector<16xf32> to vector<1x16xf32>
        tpu.vector_store %arg11[%swap3A_508, %swap3A_509], %swap3A_512 {add = true, strides = array<i32>} : memref<32x768xf32, #tpu.memory_space<vmem>>, vector<1x16xf32>,
        %get3A_513 = arith.index_cast %scan3A_181 : i32 to index
        %get3A_514 = arith.constant 592 : index
        %get3A_515 = tpu.vector_load %arg6[%get3A_513, %get3A_514] {strides = array<i32>} : memref<32x768xf32, #tpu.memory_space<vmem>>, vector<1x16xf32>,
        %get3A_516 = vector.shape_cast %get3A_515 : vector<1x16xf32> to vector<16xf32>
        %swap3A_517 = arith.index_cast %scan3A_181 : i32 to index
        %swap3A_518 = arith.constant 592 : index
        %swap3A_519 = tpu.vector_load %arg11[%swap3A_517, %swap3A_518] {strides = array<i32>} : memref<32x768xf32, #tpu.memory_space<vmem>>, vector<1x16xf32>,
        %swap3A_520 = vector.shape_cast %swap3A_519 : vector<1x16xf32> to vector<16xf32>
        %swap3A_521 = vector.shape_cast %get3A_516 : vector<16xf32> to vector<1x16xf32>
        tpu.vector_store %arg11[%swap3A_517, %swap3A_518], %swap3A_521 {add = true, strides = array<i32>} : memref<32x768xf32, #tpu.memory_space<vmem>>, vector<1x16xf32>,
        %get3A_522 = arith.index_cast %scan3A_181 : i32 to index
        %get3A_523 = arith.constant 608 : index
        %get3A_524 = tpu.vector_load %arg6[%get3A_522, %get3A_523] {strides = array<i32>} : memref<32x768xf32, #tpu.memory_space<vmem>>, vector<1x16xf32>,
        %get3A_525 = vector.shape_cast %get3A_524 : vector<1x16xf32> to vector<16xf32>
        %swap3A_526 = arith.index_cast %scan3A_181 : i32 to index
        %swap3A_527 = arith.constant 608 : index
        %swap3A_528 = tpu.vector_load %arg11[%swap3A_526, %swap3A_527] {strides = array<i32>} : memref<32x768xf32, #tpu.memory_space<vmem>>, vector<1x16xf32>,
        %swap3A_529 = vector.shape_cast %swap3A_528 : vector<1x16xf32> to vector<16xf32>
        %swap3A_530 = vector.shape_cast %get3A_525 : vector<16xf32> to vector<1x16xf32>
        tpu.vector_store %arg11[%swap3A_526, %swap3A_527], %swap3A_530 {add = true, strides = array<i32>} : memref<32x768xf32, #tpu.memory_space<vmem>>, vector<1x16xf32>,
        %get3A_531 = arith.index_cast %scan3A_181 : i32 to index
        %get3A_532 = arith.constant 624 : index
        %get3A_533 = tpu.vector_load %arg6[%get3A_531, %get3A_532] {strides = array<i32>} : memref<32x768xf32, #tpu.memory_space<vmem>>, vector<1x16xf32>,
        %get3A_534 = vector.shape_cast %get3A_533 : vector<1x16xf32> to vector<16xf32>
        %swap3A_535 = arith.index_cast %scan3A_181 : i32 to index
        %swap3A_536 = arith.constant 624 : index
        %swap3A_537 = tpu.vector_load %arg11[%swap3A_535, %swap3A_536] {strides = array<i32>} : memref<32x768xf32, #tpu.memory_space<vmem>>, vector<1x16xf32>,
        %swap3A_538 = vector.shape_cast %swap3A_537 : vector<1x16xf32> to vector<16xf32>
        %swap3A_539 = vector.shape_cast %get3A_534 : vector<16xf32> to vector<1x16xf32>
        tpu.vector_store %arg11[%swap3A_535, %swap3A_536], %swap3A_539 {add = true, strides = array<i32>} : memref<32x768xf32, #tpu.memory_space<vmem>>, vector<1x16xf32>,
        %get3A_540 = arith.index_cast %scan3A_181 : i32 to index
        %get3A_541 = arith.constant 640 : index
        %get3A_542 = tpu.vector_load %arg6[%get3A_540, %get3A_541] {strides = array<i32>} : memref<32x768xf32, #tpu.memory_space<vmem>>, vector<1x16xf32>,
        %get3A_543 = vector.shape_cast %get3A_542 : vector<1x16xf32> to vector<16xf32>
        %swap3A_544 = arith.index_cast %scan3A_181 : i32 to index
        %swap3A_545 = arith.constant 640 : index
        %swap3A_546 = tpu.vector_load %arg11[%swap3A_544, %swap3A_545] {strides = array<i32>} : memref<32x768xf32, #tpu.memory_space<vmem>>, vector<1x16xf32>,
        %swap3A_547 = vector.shape_cast %swap3A_546 : vector<1x16xf32> to vector<16xf32>
        %swap3A_548 = vector.shape_cast %get3A_543 : vector<16xf32> to vector<1x16xf32>
        tpu.vector_store %arg11[%swap3A_544, %swap3A_545], %swap3A_548 {add = true, strides = array<i32>} : memref<32x768xf32, #tpu.memory_space<vmem>>, vector<1x16xf32>,
        %get3A_549 = arith.index_cast %scan3A_181 : i32 to index
        %get3A_550 = arith.constant 656 : index
        %get3A_551 = tpu.vector_load %arg6[%get3A_549, %get3A_550] {strides = array<i32>} : memref<32x768xf32, #tpu.memory_space<vmem>>, vector<1x16xf32>,
        %get3A_552 = vector.shape_cast %get3A_551 : vector<1x16xf32> to vector<16xf32>
        %swap3A_553 = arith.index_cast %scan3A_181 : i32 to index
        %swap3A_554 = arith.constant 656 : index
        %swap3A_555 = tpu.vector_load %arg11[%swap3A_553, %swap3A_554] {strides = array<i32>} : memref<32x768xf32, #tpu.memory_space<vmem>>, vector<1x16xf32>,
        %swap3A_556 = vector.shape_cast %swap3A_555 : vector<1x16xf32> to vector<16xf32>
        %swap3A_557 = vector.shape_cast %get3A_552 : vector<16xf32> to vector<1x16xf32>
        tpu.vector_store %arg11[%swap3A_553, %swap3A_554], %swap3A_557 {add = true, strides = array<i32>} : memref<32x768xf32, #tpu.memory_space<vmem>>, vector<1x16xf32>,
        %get3A_558 = arith.index_cast %scan3A_181 : i32 to index
        %get3A_559 = arith.constant 672 : index
        %get3A_560 = tpu.vector_load %arg6[%get3A_558, %get3A_559] {strides = array<i32>} : memref<32x768xf32, #tpu.memory_space<vmem>>, vector<1x16xf32>,
        %get3A_561 = vector.shape_cast %get3A_560 : vector<1x16xf32> to vector<16xf32>
        %swap3A_562 = arith.index_cast %scan3A_181 : i32 to index
        %swap3A_563 = arith.constant 672 : index
        %swap3A_564 = tpu.vector_load %arg11[%swap3A_562, %swap3A_563] {strides = array<i32>} : memref<32x768xf32, #tpu.memory_space<vmem>>, vector<1x16xf32>,
        %swap3A_565 = vector.shape_cast %swap3A_564 : vector<1x16xf32> to vector<16xf32>
        %swap3A_566 = vector.shape_cast %get3A_561 : vector<16xf32> to vector<1x16xf32>
        tpu.vector_store %arg11[%swap3A_562, %swap3A_563], %swap3A_566 {add = true, strides = array<i32>} : memref<32x768xf32, #tpu.memory_space<vmem>>, vector<1x16xf32>,
        %get3A_567 = arith.index_cast %scan3A_181 : i32 to index
        %get3A_568 = arith.constant 688 : index
        %get3A_569 = tpu.vector_load %arg6[%get3A_567, %get3A_568] {strides = array<i32>} : memref<32x768xf32, #tpu.memory_space<vmem>>, vector<1x16xf32>,
        %get3A_570 = vector.shape_cast %get3A_569 : vector<1x16xf32> to vector<16xf32>
        %swap3A_571 = arith.index_cast %scan3A_181 : i32 to index
        %swap3A_572 = arith.constant 688 : index
        %swap3A_573 = tpu.vector_load %arg11[%swap3A_571, %swap3A_572] {strides = array<i32>} : memref<32x768xf32, #tpu.memory_space<vmem>>, vector<1x16xf32>,
        %swap3A_574 = vector.shape_cast %swap3A_573 : vector<1x16xf32> to vector<16xf32>
        %swap3A_575 = vector.shape_cast %get3A_570 : vector<16xf32> to vector<1x16xf32>
        tpu.vector_store %arg11[%swap3A_571, %swap3A_572], %swap3A_575 {add = true, strides = array<i32>} : memref<32x768xf32, #tpu.memory_space<vmem>>, vector<1x16xf32>,
        %get3A_576 = arith.index_cast %scan3A_181 : i32 to index
        %get3A_577 = arith.constant 704 : index
        %get3A_578 = tpu.vector_load %arg6[%get3A_576, %get3A_577] {strides = array<i32>} : memref<32x768xf32, #tpu.memory_space<vmem>>, vector<1x16xf32>,
        %get3A_579 = vector.shape_cast %get3A_578 : vector<1x16xf32> to vector<16xf32>
        %swap3A_580 = arith.index_cast %scan3A_181 : i32 to index
        %swap3A_581 = arith.constant 704 : index
        %swap3A_582 = tpu.vector_load %arg11[%swap3A_580, %swap3A_581] {strides = array<i32>} : memref<32x768xf32, #tpu.memory_space<vmem>>, vector<1x16xf32>,
        %swap3A_583 = vector.shape_cast %swap3A_582 : vector<1x16xf32> to vector<16xf32>
        %swap3A_584 = vector.shape_cast %get3A_579 : vector<16xf32> to vector<1x16xf32>
        tpu.vector_store %arg11[%swap3A_580, %swap3A_581], %swap3A_584 {add = true, strides = array<i32>} : memref<32x768xf32, #tpu.memory_space<vmem>>, vector<1x16xf32>,
        %get3A_585 = arith.index_cast %scan3A_181 : i32 to index
        %get3A_586 = arith.constant 720 : index
        %get3A_587 = tpu.vector_load %arg6[%get3A_585, %get3A_586] {strides = array<i32>} : memref<32x768xf32, #tpu.memory_space<vmem>>, vector<1x16xf32>,
        %get3A_588 = vector.shape_cast %get3A_587 : vector<1x16xf32> to vector<16xf32>
        %swap3A_589 = arith.index_cast %scan3A_181 : i32 to index
        %swap3A_590 = arith.constant 720 : index
        %swap3A_591 = tpu.vector_load %arg11[%swap3A_589, %swap3A_590] {strides = array<i32>} : memref<32x768xf32, #tpu.memory_space<vmem>>, vector<1x16xf32>,
        %swap3A_592 = vector.shape_cast %swap3A_591 : vector<1x16xf32> to vector<16xf32>
        %swap3A_593 = vector.shape_cast %get3A_588 : vector<16xf32> to vector<1x16xf32>
        tpu.vector_store %arg11[%swap3A_589, %swap3A_590], %swap3A_593 {add = true, strides = array<i32>} : memref<32x768xf32, #tpu.memory_space<vmem>>, vector<1x16xf32>,
        %get3A_594 = arith.index_cast %scan3A_181 : i32 to index
        %get3A_595 = arith.constant 736 : index
        %get3A_596 = tpu.vector_load %arg6[%get3A_594, %get3A_595] {strides = array<i32>} : memref<32x768xf32, #tpu.memory_space<vmem>>, vector<1x16xf32>,
        %get3A_597 = vector.shape_cast %get3A_596 : vector<1x16xf32> to vector<16xf32>
        %swap3A_598 = arith.index_cast %scan3A_181 : i32 to index
        %swap3A_599 = arith.constant 736 : index
        %swap3A_600 = tpu.vector_load %arg11[%swap3A_598, %swap3A_599] {strides = array<i32>} : memref<32x768xf32, #tpu.memory_space<vmem>>, vector<1x16xf32>,
        %swap3A_601 = vector.shape_cast %swap3A_600 : vector<1x16xf32> to vector<16xf32>
        %swap3A_602 = vector.shape_cast %get3A_597 : vector<16xf32> to vector<1x16xf32>
        tpu.vector_store %arg11[%swap3A_598, %swap3A_599], %swap3A_602 {add = true, strides = array<i32>} : memref<32x768xf32, #tpu.memory_space<vmem>>, vector<1x16xf32>,
        %get3A_603 = arith.index_cast %scan3A_181 : i32 to index
        %get3A_604 = arith.constant 752 : index
        %get3A_605 = tpu.vector_load %arg6[%get3A_603, %get3A_604] {strides = array<i32>} : memref<32x768xf32, #tpu.memory_space<vmem>>, vector<1x16xf32>,
        %get3A_606 = vector.shape_cast %get3A_605 : vector<1x16xf32> to vector<16xf32>
        %swap3A_607 = arith.index_cast %scan3A_181 : i32 to index
        %swap3A_608 = arith.constant 752 : index
        %swap3A_609 = tpu.vector_load %arg11[%swap3A_607, %swap3A_608] {strides = array<i32>} : memref<32x768xf32, #tpu.memory_space<vmem>>, vector<1x16xf32>,
        %swap3A_610 = vector.shape_cast %swap3A_609 : vector<1x16xf32> to vector<16xf32>
        %swap3A_611 = vector.shape_cast %get3A_606 : vector<16xf32> to vector<1x16xf32>
        tpu.vector_store %arg11[%swap3A_607, %swap3A_608], %swap3A_611 {add = true, strides = array<i32>} : memref<32x768xf32, #tpu.memory_space<vmem>>, vector<1x16xf32>,
        %scan3A_612 = arith.constant 1 : i32
        %scan3A_613 = arith.addi %scan3A_181, %scan3A_612 : i32
        %get3A_614 = arith.index_cast %scan3A_613 : i32 to index
        %get3A_615 = arith.constant 0 : index
        %get3A_616 = tpu.vector_load %arg6[%get3A_614, %get3A_615] {strides = array<i32>} : memref<32x768xf32, #tpu.memory_space<vmem>>, vector<1x16xf32>,
        %get3A_617 = vector.shape_cast %get3A_616 : vector<1x16xf32> to vector<16xf32>
        %swap3A_618 = arith.index_cast %scan3A_613 : i32 to index
        %swap3A_619 = arith.constant 0 : index
        %swap3A_620 = tpu.vector_load %arg11[%swap3A_618, %swap3A_619] {strides = array<i32>} : memref<32x768xf32, #tpu.memory_space<vmem>>, vector<1x16xf32>,
        %swap3A_621 = vector.shape_cast %swap3A_620 : vector<1x16xf32> to vector<16xf32>
        %swap3A_622 = vector.shape_cast %get3A_617 : vector<16xf32> to vector<1x16xf32>
        tpu.vector_store %arg11[%swap3A_618, %swap3A_619], %swap3A_622 {add = true, strides = array<i32>} : memref<32x768xf32, #tpu.memory_space<vmem>>, vector<1x16xf32>,
        %get3A_623 = arith.index_cast %scan3A_613 : i32 to index
        %get3A_624 = arith.constant 16 : index
        %get3A_625 = tpu.vector_load %arg6[%get3A_623, %get3A_624] {strides = array<i32>} : memref<32x768xf32, #tpu.memory_space<vmem>>, vector<1x16xf32>,
        %get3A_626 = vector.shape_cast %get3A_625 : vector<1x16xf32> to vector<16xf32>
        %swap3A_627 = arith.index_cast %scan3A_613 : i32 to index
        %swap3A_628 = arith.constant 16 : index
        %swap3A_629 = tpu.vector_load %arg11[%swap3A_627, %swap3A_628] {strides = array<i32>} : memref<32x768xf32, #tpu.memory_space<vmem>>, vector<1x16xf32>,
        %swap3A_630 = vector.shape_cast %swap3A_629 : vector<1x16xf32> to vector<16xf32>
        %swap3A_631 = vector.shape_cast %get3A_626 : vector<16xf32> to vector<1x16xf32>
        tpu.vector_store %arg11[%swap3A_627, %swap3A_628], %swap3A_631 {add = true, strides = array<i32>} : memref<32x768xf32, #tpu.memory_space<vmem>>, vector<1x16xf32>,
        %get3A_632 = arith.index_cast %scan3A_613 : i32 to index
        %get3A_633 = arith.constant 32 : index
        %get3A_634 = tpu.vector_load %arg6[%get3A_632, %get3A_633] {strides = array<i32>} : memref<32x768xf32, #tpu.memory_space<vmem>>, vector<1x16xf32>,
        %get3A_635 = vector.shape_cast %get3A_634 : vector<1x16xf32> to vector<16xf32>
        %swap3A_636 = arith.index_cast %scan3A_613 : i32 to index
        %swap3A_637 = arith.constant 32 : index
        %swap3A_638 = tpu.vector_load %arg11[%swap3A_636, %swap3A_637] {strides = array<i32>} : memref<32x768xf32, #tpu.memory_space<vmem>>, vector<1x16xf32>,
        %swap3A_639 = vector.shape_cast %swap3A_638 : vector<1x16xf32> to vector<16xf32>
        %swap3A_640 = vector.shape_cast %get3A_635 : vector<16xf32> to vector<1x16xf32>
        tpu.vector_store %arg11[%swap3A_636, %swap3A_637], %swap3A_640 {add = true, strides = array<i32>} : memref<32x768xf32, #tpu.memory_space<vmem>>, vector<1x16xf32>,
        %get3A_641 = arith.index_cast %scan3A_613 : i32 to index
        %get3A_642 = arith.constant 48 : index
        %get3A_643 = tpu.vector_load %arg6[%get3A_641, %get3A_642] {strides = array<i32>} : memref<32x768xf32, #tpu.memory_space<vmem>>, vector<1x16xf32>,
        %get3A_644 = vector.shape_cast %get3A_643 : vector<1x16xf32> to vector<16xf32>
        %swap3A_645 = arith.index_cast %scan3A_613 : i32 to index
        %swap3A_646 = arith.constant 48 : index
        %swap3A_647 = tpu.vector_load %arg11[%swap3A_645, %swap3A_646] {strides = array<i32>} : memref<32x768xf32, #tpu.memory_space<vmem>>, vector<1x16xf32>,
        %swap3A_648 = vector.shape_cast %swap3A_647 : vector<1x16xf32> to vector<16xf32>
        %swap3A_649 = vector.shape_cast %get3A_644 : vector<16xf32> to vector<1x16xf32>
        tpu.vector_store %arg11[%swap3A_645, %swap3A_646], %swap3A_649 {add = true, strides = array<i32>} : memref<32x768xf32, #tpu.memory_space<vmem>>, vector<1x16xf32>,
        %get3A_650 = arith.index_cast %scan3A_613 : i32 to index
        %get3A_651 = arith.constant 64 : index
        %get3A_652 = tpu.vector_load %arg6[%get3A_650, %get3A_651] {strides = array<i32>} : memref<32x768xf32, #tpu.memory_space<vmem>>, vector<1x16xf32>,
        %get3A_653 = vector.shape_cast %get3A_652 : vector<1x16xf32> to vector<16xf32>
        %swap3A_654 = arith.index_cast %scan3A_613 : i32 to index
        %swap3A_655 = arith.constant 64 : index
        %swap3A_656 = tpu.vector_load %arg11[%swap3A_654, %swap3A_655] {strides = array<i32>} : memref<32x768xf32, #tpu.memory_space<vmem>>, vector<1x16xf32>,
        %swap3A_657 = vector.shape_cast %swap3A_656 : vector<1x16xf32> to vector<16xf32>
        %swap3A_658 = vector.shape_cast %get3A_653 : vector<16xf32> to vector<1x16xf32>
        tpu.vector_store %arg11[%swap3A_654, %swap3A_655], %swap3A_658 {add = true, strides = array<i32>} : memref<32x768xf32, #tpu.memory_space<vmem>>, vector<1x16xf32>,
        %get3A_659 = arith.index_cast %scan3A_613 : i32 to index
        %get3A_660 = arith.constant 80 : index
        %get3A_661 = tpu.vector_load %arg6[%get3A_659, %get3A_660] {strides = array<i32>} : memref<32x768xf32, #tpu.memory_space<vmem>>, vector<1x16xf32>,
        %get3A_662 = vector.shape_cast %get3A_661 : vector<1x16xf32> to vector<16xf32>
        %swap3A_663 = arith.index_cast %scan3A_613 : i32 to index
        %swap3A_664 = arith.constant 80 : index
        %swap3A_665 = tpu.vector_load %arg11[%swap3A_663, %swap3A_664] {strides = array<i32>} : memref<32x768xf32, #tpu.memory_space<vmem>>, vector<1x16xf32>,
        %swap3A_666 = vector.shape_cast %swap3A_665 : vector<1x16xf32> to vector<16xf32>
        %swap3A_667 = vector.shape_cast %get3A_662 : vector<16xf32> to vector<1x16xf32>
        tpu.vector_store %arg11[%swap3A_663, %swap3A_664], %swap3A_667 {add = true, strides = array<i32>} : memref<32x768xf32, #tpu.memory_space<vmem>>, vector<1x16xf32>,
        %get3A_668 = arith.index_cast %scan3A_613 : i32 to index
        %get3A_669 = arith.constant 96 : index
        %get3A_670 = tpu.vector_load %arg6[%get3A_668, %get3A_669] {strides = array<i32>} : memref<32x768xf32, #tpu.memory_space<vmem>>, vector<1x16xf32>,
        %get3A_671 = vector.shape_cast %get3A_670 : vector<1x16xf32> to vector<16xf32>
        %swap3A_672 = arith.index_cast %scan3A_613 : i32 to index
        %swap3A_673 = arith.constant 96 : index
        %swap3A_674 = tpu.vector_load %arg11[%swap3A_672, %swap3A_673] {strides = array<i32>} : memref<32x768xf32, #tpu.memory_space<vmem>>, vector<1x16xf32>,
        %swap3A_675 = vector.shape_cast %swap3A_674 : vector<1x16xf32> to vector<16xf32>
        %swap3A_676 = vector.shape_cast %get3A_671 : vector<16xf32> to vector<1x16xf32>
        tpu.vector_store %arg11[%swap3A_672, %swap3A_673], %swap3A_676 {add = true, strides = array<i32>} : memref<32x768xf32, #tpu.memory_space<vmem>>, vector<1x16xf32>,
        %get3A_677 = arith.index_cast %scan3A_613 : i32 to index
        %get3A_678 = arith.constant 112 : index
        %get3A_679 = tpu.vector_load %arg6[%get3A_677, %get3A_678] {strides = array<i32>} : memref<32x768xf32, #tpu.memory_space<vmem>>, vector<1x16xf32>,
        %get3A_680 = vector.shape_cast %get3A_679 : vector<1x16xf32> to vector<16xf32>
        %swap3A_681 = arith.index_cast %scan3A_613 : i32 to index
        %swap3A_682 = arith.constant 112 : index
        %swap3A_683 = tpu.vector_load %arg11[%swap3A_681, %swap3A_682] {strides = array<i32>} : memref<32x768xf32, #tpu.memory_space<vmem>>, vector<1x16xf32>,
        %swap3A_684 = vector.shape_cast %swap3A_683 : vector<1x16xf32> to vector<16xf32>
        %swap3A_685 = vector.shape_cast %get3A_680 : vector<16xf32> to vector<1x16xf32>
        tpu.vector_store %arg11[%swap3A_681, %swap3A_682], %swap3A_685 {add = true, strides = array<i32>} : memref<32x768xf32, #tpu.memory_space<vmem>>, vector<1x16xf32>,
        %get3A_686 = arith.index_cast %scan3A_613 : i32 to index
        %get3A_687 = arith.constant 128 : index
        %get3A_688 = tpu.vector_load %arg6[%get3A_686, %get3A_687] {strides = array<i32>} : memref<32x768xf32, #tpu.memory_space<vmem>>, vector<1x16xf32>,
        %get3A_689 = vector.shape_cast %get3A_688 : vector<1x16xf32> to vector<16xf32>
        %swap3A_690 = arith.index_cast %scan3A_613 : i32 to index
        %swap3A_691 = arith.constant 128 : index
        %swap3A_692 = tpu.vector_load %arg11[%swap3A_690, %swap3A_691] {strides = array<i32>} : memref<32x768xf32, #tpu.memory_space<vmem>>, vector<1x16xf32>,
        %swap3A_693 = vector.shape_cast %swap3A_692 : vector<1x16xf32> to vector<16xf32>
        %swap3A_694 = vector.shape_cast %get3A_689 : vector<16xf32> to vector<1x16xf32>
        tpu.vector_store %arg11[%swap3A_690, %swap3A_691], %swap3A_694 {add = true, strides = array<i32>} : memref<32x768xf32, #tpu.memory_space<vmem>>, vector<1x16xf32>,
        %get3A_695 = arith.index_cast %scan3A_613 : i32 to index
        %get3A_696 = arith.constant 144 : index
        %get3A_697 = tpu.vector_load %arg6[%get3A_695, %get3A_696] {strides = array<i32>} : memref<32x768xf32, #tpu.memory_space<vmem>>, vector<1x16xf32>,
        %get3A_698 = vector.shape_cast %get3A_697 : vector<1x16xf32> to vector<16xf32>
        %swap3A_699 = arith.index_cast %scan3A_613 : i32 to index
        %swap3A_700 = arith.constant 144 : index
        %swap3A_701 = tpu.vector_load %arg11[%swap3A_699, %swap3A_700] {strides = array<i32>} : memref<32x768xf32, #tpu.memory_space<vmem>>, vector<1x16xf32>,
        %swap3A_702 = vector.shape_cast %swap3A_701 : vector<1x16xf32> to vector<16xf32>
        %swap3A_703 = vector.shape_cast %get3A_698 : vector<16xf32> to vector<1x16xf32>
        tpu.vector_store %arg11[%swap3A_699, %swap3A_700], %swap3A_703 {add = true, strides = array<i32>} : memref<32x768xf32, #tpu.memory_space<vmem>>, vector<1x16xf32>,
        %get3A_704 = arith.index_cast %scan3A_613 : i32 to index
        %get3A_705 = arith.constant 160 : index
        %get3A_706 = tpu.vector_load %arg6[%get3A_704, %get3A_705] {strides = array<i32>} : memref<32x768xf32, #tpu.memory_space<vmem>>, vector<1x16xf32>,
        %get3A_707 = vector.shape_cast %get3A_706 : vector<1x16xf32> to vector<16xf32>
        %swap3A_708 = arith.index_cast %scan3A_613 : i32 to index
        %swap3A_709 = arith.constant 160 : index
        %swap3A_710 = tpu.vector_load %arg11[%swap3A_708, %swap3A_709] {strides = array<i32>} : memref<32x768xf32, #tpu.memory_space<vmem>>, vector<1x16xf32>,
        %swap3A_711 = vector.shape_cast %swap3A_710 : vector<1x16xf32> to vector<16xf32>
        %swap3A_712 = vector.shape_cast %get3A_707 : vector<16xf32> to vector<1x16xf32>
        tpu.vector_store %arg11[%swap3A_708, %swap3A_709], %swap3A_712 {add = true, strides = array<i32>} : memref<32x768xf32, #tpu.memory_space<vmem>>, vector<1x16xf32>,
        %get3A_713 = arith.index_cast %scan3A_613 : i32 to index
        %get3A_714 = arith.constant 176 : index
        %get3A_715 = tpu.vector_load %arg6[%get3A_713, %get3A_714] {strides = array<i32>} : memref<32x768xf32, #tpu.memory_space<vmem>>, vector<1x16xf32>,
        %get3A_716 = vector.shape_cast %get3A_715 : vector<1x16xf32> to vector<16xf32>
        %swap3A_717 = arith.index_cast %scan3A_613 : i32 to index
        %swap3A_718 = arith.constant 176 : index
        %swap3A_719 = tpu.vector_load %arg11[%swap3A_717, %swap3A_718] {strides = array<i32>} : memref<32x768xf32, #tpu.memory_space<vmem>>, vector<1x16xf32>,
        %swap3A_720 = vector.shape_cast %swap3A_719 : vector<1x16xf32> to vector<16xf32>
        %swap3A_721 = vector.shape_cast %get3A_716 : vector<16xf32> to vector<1x16xf32>
        tpu.vector_store %arg11[%swap3A_717, %swap3A_718], %swap3A_721 {add = true, strides = array<i32>} : memref<32x768xf32, #tpu.memory_space<vmem>>, vector<1x16xf32>,
        %get3A_722 = arith.index_cast %scan3A_613 : i32 to index
        %get3A_723 = arith.constant 192 : index
        %get3A_724 = tpu.vector_load %arg6[%get3A_722, %get3A_723] {strides = array<i32>} : memref<32x768xf32, #tpu.memory_space<vmem>>, vector<1x16xf32>,
        %get3A_725 = vector.shape_cast %get3A_724 : vector<1x16xf32> to vector<16xf32>
        %swap3A_726 = arith.index_cast %scan3A_613 : i32 to index
        %swap3A_727 = arith.constant 192 : index
        %swap3A_728 = tpu.vector_load %arg11[%swap3A_726, %swap3A_727] {strides = array<i32>} : memref<32x768xf32, #tpu.memory_space<vmem>>, vector<1x16xf32>,
        %swap3A_729 = vector.shape_cast %swap3A_728 : vector<1x16xf32> to vector<16xf32>
        %swap3A_730 = vector.shape_cast %get3A_725 : vector<16xf32> to vector<1x16xf32>
        tpu.vector_store %arg11[%swap3A_726, %swap3A_727], %swap3A_730 {add = true, strides = array<i32>} : memref<32x768xf32, #tpu.memory_space<vmem>>, vector<1x16xf32>,
        %get3A_731 = arith.index_cast %scan3A_613 : i32 to index
        %get3A_732 = arith.constant 208 : index
        %get3A_733 = tpu.vector_load %arg6[%get3A_731, %get3A_732] {strides = array<i32>} : memref<32x768xf32, #tpu.memory_space<vmem>>, vector<1x16xf32>,
        %get3A_734 = vector.shape_cast %get3A_733 : vector<1x16xf32> to vector<16xf32>
        %swap3A_735 = arith.index_cast %scan3A_613 : i32 to index
        %swap3A_736 = arith.constant 208 : index
        %swap3A_737 = tpu.vector_load %arg11[%swap3A_735, %swap3A_736] {strides = array<i32>} : memref<32x768xf32, #tpu.memory_space<vmem>>, vector<1x16xf32>,
        %swap3A_738 = vector.shape_cast %swap3A_737 : vector<1x16xf32> to vector<16xf32>
        %swap3A_739 = vector.shape_cast %get3A_734 : vector<16xf32> to vector<1x16xf32>
        tpu.vector_store %arg11[%swap3A_735, %swap3A_736], %swap3A_739 {add = true, strides = array<i32>} : memref<32x768xf32, #tpu.memory_space<vmem>>, vector<1x16xf32>,
        %get3A_740 = arith.index_cast %scan3A_613 : i32 to index
        %get3A_741 = arith.constant 224 : index
        %get3A_742 = tpu.vector_load %arg6[%get3A_740, %get3A_741] {strides = array<i32>} : memref<32x768xf32, #tpu.memory_space<vmem>>, vector<1x16xf32>,
        %get3A_743 = vector.shape_cast %get3A_742 : vector<1x16xf32> to vector<16xf32>
        %swap3A_744 = arith.index_cast %scan3A_613 : i32 to index
        %swap3A_745 = arith.constant 224 : index
        %swap3A_746 = tpu.vector_load %arg11[%swap3A_744, %swap3A_745] {strides = array<i32>} : memref<32x768xf32, #tpu.memory_space<vmem>>, vector<1x16xf32>,
        %swap3A_747 = vector.shape_cast %swap3A_746 : vector<1x16xf32> to vector<16xf32>
        %swap3A_748 = vector.shape_cast %get3A_743 : vector<16xf32> to vector<1x16xf32>
        tpu.vector_store %arg11[%swap3A_744, %swap3A_745], %swap3A_748 {add = true, strides = array<i32>} : memref<32x768xf32, #tpu.memory_space<vmem>>, vector<1x16xf32>,
        %get3A_749 = arith.index_cast %scan3A_613 : i32 to index
        %get3A_750 = arith.constant 240 : index
        %get3A_751 = tpu.vector_load %arg6[%get3A_749, %get3A_750] {strides = array<i32>} : memref<32x768xf32, #tpu.memory_space<vmem>>, vector<1x16xf32>,
        %get3A_752 = vector.shape_cast %get3A_751 : vector<1x16xf32> to vector<16xf32>
        %swap3A_753 = arith.index_cast %scan3A_613 : i32 to index
        %swap3A_754 = arith.constant 240 : index
        %swap3A_755 = tpu.vector_load %arg11[%swap3A_753, %swap3A_754] {strides = array<i32>} : memref<32x768xf32, #tpu.memory_space<vmem>>, vector<1x16xf32>,
        %swap3A_756 = vector.shape_cast %swap3A_755 : vector<1x16xf32> to vector<16xf32>
        %swap3A_757 = vector.shape_cast %get3A_752 : vector<16xf32> to vector<1x16xf32>
        tpu.vector_store %arg11[%swap3A_753, %swap3A_754], %swap3A_757 {add = true, strides = array<i32>} : memref<32x768xf32, #tpu.memory_space<vmem>>, vector<1x16xf32>,
        %get3A_758 = arith.index_cast %scan3A_613 : i32 to index
        %get3A_759 = arith.constant 256 : index
        %get3A_760 = tpu.vector_load %arg6[%get3A_758, %get3A_759] {strides = array<i32>} : memref<32x768xf32, #tpu.memory_space<vmem>>, vector<1x16xf32>,
        %get3A_761 = vector.shape_cast %get3A_760 : vector<1x16xf32> to vector<16xf32>
        %swap3A_762 = arith.index_cast %scan3A_613 : i32 to index
        %swap3A_763 = arith.constant 256 : index
        %swap3A_764 = tpu.vector_load %arg11[%swap3A_762, %swap3A_763] {strides = array<i32>} : memref<32x768xf32, #tpu.memory_space<vmem>>, vector<1x16xf32>,
        %swap3A_765 = vector.shape_cast %swap3A_764 : vector<1x16xf32> to vector<16xf32>
        %swap3A_766 = vector.shape_cast %get3A_761 : vector<16xf32> to vector<1x16xf32>
        tpu.vector_store %arg11[%swap3A_762, %swap3A_763], %swap3A_766 {add = true, strides = array<i32>} : memref<32x768xf32, #tpu.memory_space<vmem>>, vector<1x16xf32>,
        %get3A_767 = arith.index_cast %scan3A_613 : i32 to index
        %get3A_768 = arith.constant 272 : index
        %get3A_769 = tpu.vector_load %arg6[%get3A_767, %get3A_768] {strides = array<i32>} : memref<32x768xf32, #tpu.memory_space<vmem>>, vector<1x16xf32>,
        %get3A_770 = vector.shape_cast %get3A_769 : vector<1x16xf32> to vector<16xf32>
        %swap3A_771 = arith.index_cast %scan3A_613 : i32 to index
        %swap3A_772 = arith.constant 272 : index
        %swap3A_773 = tpu.vector_load %arg11[%swap3A_771, %swap3A_772] {strides = array<i32>} : memref<32x768xf32, #tpu.memory_space<vmem>>, vector<1x16xf32>,
        %swap3A_774 = vector.shape_cast %swap3A_773 : vector<1x16xf32> to vector<16xf32>
        %swap3A_775 = vector.shape_cast %get3A_770 : vector<16xf32> to vector<1x16xf32>
        tpu.vector_store %arg11[%swap3A_771, %swap3A_772], %swap3A_775 {add = true, strides = array<i32>} : memref<32x768xf32, #tpu.memory_space<vmem>>, vector<1x16xf32>,
        %get3A_776 = arith.index_cast %scan3A_613 : i32 to index
        %get3A_777 = arith.constant 288 : index
        %get3A_778 = tpu.vector_load %arg6[%get3A_776, %get3A_777] {strides = array<i32>} : memref<32x768xf32, #tpu.memory_space<vmem>>, vector<1x16xf32>,
        %get3A_779 = vector.shape_cast %get3A_778 : vector<1x16xf32> to vector<16xf32>
        %swap3A_780 = arith.index_cast %scan3A_613 : i32 to index
        %swap3A_781 = arith.constant 288 : index
        %swap3A_782 = tpu.vector_load %arg11[%swap3A_780, %swap3A_781] {strides = array<i32>} : memref<32x768xf32, #tpu.memory_space<vmem>>, vector<1x16xf32>,
        %swap3A_783 = vector.shape_cast %swap3A_782 : vector<1x16xf32> to vector<16xf32>
        %swap3A_784 = vector.shape_cast %get3A_779 : vector<16xf32> to vector<1x16xf32>
        tpu.vector_store %arg11[%swap3A_780, %swap3A_781], %swap3A_784 {add = true, strides = array<i32>} : memref<32x768xf32, #tpu.memory_space<vmem>>, vector<1x16xf32>,
        %get3A_785 = arith.index_cast %scan3A_613 : i32 to index
        %get3A_786 = arith.constant 304 : index
        %get3A_787 = tpu.vector_load %arg6[%get3A_785, %get3A_786] {strides = array<i32>} : memref<32x768xf32, #tpu.memory_space<vmem>>, vector<1x16xf32>,
        %get3A_788 = vector.shape_cast %get3A_787 : vector<1x16xf32> to vector<16xf32>
        %swap3A_789 = arith.index_cast %scan3A_613 : i32 to index
        %swap3A_790 = arith.constant 304 : index
        %swap3A_791 = tpu.vector_load %arg11[%swap3A_789, %swap3A_790] {strides = array<i32>} : memref<32x768xf32, #tpu.memory_space<vmem>>, vector<1x16xf32>,
        %swap3A_792 = vector.shape_cast %swap3A_791 : vector<1x16xf32> to vector<16xf32>
        %swap3A_793 = vector.shape_cast %get3A_788 : vector<16xf32> to vector<1x16xf32>
        tpu.vector_store %arg11[%swap3A_789, %swap3A_790], %swap3A_793 {add = true, strides = array<i32>} : memref<32x768xf32, #tpu.memory_space<vmem>>, vector<1x16xf32>,
        %get3A_794 = arith.index_cast %scan3A_613 : i32 to index
        %get3A_795 = arith.constant 320 : index
        %get3A_796 = tpu.vector_load %arg6[%get3A_794, %get3A_795] {strides = array<i32>} : memref<32x768xf32, #tpu.memory_space<vmem>>, vector<1x16xf32>,
        %get3A_797 = vector.shape_cast %get3A_796 : vector<1x16xf32> to vector<16xf32>
        %swap3A_798 = arith.index_cast %scan3A_613 : i32 to index
        %swap3A_799 = arith.constant 320 : index
        %swap3A_800 = tpu.vector_load %arg11[%swap3A_798, %swap3A_799] {strides = array<i32>} : memref<32x768xf32, #tpu.memory_space<vmem>>, vector<1x16xf32>,
        %swap3A_801 = vector.shape_cast %swap3A_800 : vector<1x16xf32> to vector<16xf32>
        %swap3A_802 = vector.shape_cast %get3A_797 : vector<16xf32> to vector<1x16xf32>
        tpu.vector_store %arg11[%swap3A_798, %swap3A_799], %swap3A_802 {add = true, strides = array<i32>} : memref<32x768xf32, #tpu.memory_space<vmem>>, vector<1x16xf32>,
        %get3A_803 = arith.index_cast %scan3A_613 : i32 to index
        %get3A_804 = arith.constant 336 : index
        %get3A_805 = tpu.vector_load %arg6[%get3A_803, %get3A_804] {strides = array<i32>} : memref<32x768xf32, #tpu.memory_space<vmem>>, vector<1x16xf32>,
        %get3A_806 = vector.shape_cast %get3A_805 : vector<1x16xf32> to vector<16xf32>
        %swap3A_807 = arith.index_cast %scan3A_613 : i32 to index
        %swap3A_808 = arith.constant 336 : index
        %swap3A_809 = tpu.vector_load %arg11[%swap3A_807, %swap3A_808] {strides = array<i32>} : memref<32x768xf32, #tpu.memory_space<vmem>>, vector<1x16xf32>,
        %swap3A_810 = vector.shape_cast %swap3A_809 : vector<1x16xf32> to vector<16xf32>
        %swap3A_811 = vector.shape_cast %get3A_806 : vector<16xf32> to vector<1x16xf32>
        tpu.vector_store %arg11[%swap3A_807, %swap3A_808], %swap3A_811 {add = true, strides = array<i32>} : memref<32x768xf32, #tpu.memory_space<vmem>>, vector<1x16xf32>,
        %get3A_812 = arith.index_cast %scan3A_613 : i32 to index
        %get3A_813 = arith.constant 352 : index
        %get3A_814 = tpu.vector_load %arg6[%get3A_812, %get3A_813] {strides = array<i32>} : memref<32x768xf32, #tpu.memory_space<vmem>>, vector<1x16xf32>,
        %get3A_815 = vector.shape_cast %get3A_814 : vector<1x16xf32> to vector<16xf32>
        %swap3A_816 = arith.index_cast %scan3A_613 : i32 to index
        %swap3A_817 = arith.constant 352 : index
        %swap3A_818 = tpu.vector_load %arg11[%swap3A_816, %swap3A_817] {strides = array<i32>} : memref<32x768xf32, #tpu.memory_space<vmem>>, vector<1x16xf32>,
        %swap3A_819 = vector.shape_cast %swap3A_818 : vector<1x16xf32> to vector<16xf32>
        %swap3A_820 = vector.shape_cast %get3A_815 : vector<16xf32> to vector<1x16xf32>
        tpu.vector_store %arg11[%swap3A_816, %swap3A_817], %swap3A_820 {add = true, strides = array<i32>} : memref<32x768xf32, #tpu.memory_space<vmem>>, vector<1x16xf32>,
        %get3A_821 = arith.index_cast %scan3A_613 : i32 to index
        %get3A_822 = arith.constant 368 : index
        %get3A_823 = tpu.vector_load %arg6[%get3A_821, %get3A_822] {strides = array<i32>} : memref<32x768xf32, #tpu.memory_space<vmem>>, vector<1x16xf32>,
        %get3A_824 = vector.shape_cast %get3A_823 : vector<1x16xf32> to vector<16xf32>
        %swap3A_825 = arith.index_cast %scan3A_613 : i32 to index
        %swap3A_826 = arith.constant 368 : index
        %swap3A_827 = tpu.vector_load %arg11[%swap3A_825, %swap3A_826] {strides = array<i32>} : memref<32x768xf32, #tpu.memory_space<vmem>>, vector<1x16xf32>,
        %swap3A_828 = vector.shape_cast %swap3A_827 : vector<1x16xf32> to vector<16xf32>
        %swap3A_829 = vector.shape_cast %get3A_824 : vector<16xf32> to vector<1x16xf32>
        tpu.vector_store %arg11[%swap3A_825, %swap3A_826], %swap3A_829 {add = true, strides = array<i32>} : memref<32x768xf32, #tpu.memory_space<vmem>>, vector<1x16xf32>,
        %get3A_830 = arith.index_cast %scan3A_613 : i32 to index
        %get3A_831 = arith.constant 384 : index
        %get3A_832 = tpu.vector_load %arg6[%get3A_830, %get3A_831] {strides = array<i32>} : memref<32x768xf32, #tpu.memory_space<vmem>>, vector<1x16xf32>,
        %get3A_833 = vector.shape_cast %get3A_832 : vector<1x16xf32> to vector<16xf32>
        %swap3A_834 = arith.index_cast %scan3A_613 : i32 to index
        %swap3A_835 = arith.constant 384 : index
        %swap3A_836 = tpu.vector_load %arg11[%swap3A_834, %swap3A_835] {strides = array<i32>} : memref<32x768xf32, #tpu.memory_space<vmem>>, vector<1x16xf32>,
        %swap3A_837 = vector.shape_cast %swap3A_836 : vector<1x16xf32> to vector<16xf32>
        %swap3A_838 = vector.shape_cast %get3A_833 : vector<16xf32> to vector<1x16xf32>
        tpu.vector_store %arg11[%swap3A_834, %swap3A_835], %swap3A_838 {add = true, strides = array<i32>} : memref<32x768xf32, #tpu.memory_space<vmem>>, vector<1x16xf32>,
        %get3A_839 = arith.index_cast %scan3A_613 : i32 to index
        %get3A_840 = arith.constant 400 : index
        %get3A_841 = tpu.vector_load %arg6[%get3A_839, %get3A_840] {strides = array<i32>} : memref<32x768xf32, #tpu.memory_space<vmem>>, vector<1x16xf32>,
        %get3A_842 = vector.shape_cast %get3A_841 : vector<1x16xf32> to vector<16xf32>
        %swap3A_843 = arith.index_cast %scan3A_613 : i32 to index
        %swap3A_844 = arith.constant 400 : index
        %swap3A_845 = tpu.vector_load %arg11[%swap3A_843, %swap3A_844] {strides = array<i32>} : memref<32x768xf32, #tpu.memory_space<vmem>>, vector<1x16xf32>,
        %swap3A_846 = vector.shape_cast %swap3A_845 : vector<1x16xf32> to vector<16xf32>
        %swap3A_847 = vector.shape_cast %get3A_842 : vector<16xf32> to vector<1x16xf32>
        tpu.vector_store %arg11[%swap3A_843, %swap3A_844], %swap3A_847 {add = true, strides = array<i32>} : memref<32x768xf32, #tpu.memory_space<vmem>>, vector<1x16xf32>,
        %get3A_848 = arith.index_cast %scan3A_613 : i32 to index
        %get3A_849 = arith.constant 416 : index
        %get3A_850 = tpu.vector_load %arg6[%get3A_848, %get3A_849] {strides = array<i32>} : memref<32x768xf32, #tpu.memory_space<vmem>>, vector<1x16xf32>,
        %get3A_851 = vector.shape_cast %get3A_850 : vector<1x16xf32> to vector<16xf32>
        %swap3A_852 = arith.index_cast %scan3A_613 : i32 to index
        %swap3A_853 = arith.constant 416 : index
        %swap3A_854 = tpu.vector_load %arg11[%swap3A_852, %swap3A_853] {strides = array<i32>} : memref<32x768xf32, #tpu.memory_space<vmem>>, vector<1x16xf32>,
        %swap3A_855 = vector.shape_cast %swap3A_854 : vector<1x16xf32> to vector<16xf32>
        %swap3A_856 = vector.shape_cast %get3A_851 : vector<16xf32> to vector<1x16xf32>
        tpu.vector_store %arg11[%swap3A_852, %swap3A_853], %swap3A_856 {add = true, strides = array<i32>} : memref<32x768xf32, #tpu.memory_space<vmem>>, vector<1x16xf32>,
        %get3A_857 = arith.index_cast %scan3A_613 : i32 to index
        %get3A_858 = arith.constant 432 : index
        %get3A_859 = tpu.vector_load %arg6[%get3A_857, %get3A_858] {strides = array<i32>} : memref<32x768xf32, #tpu.memory_space<vmem>>, vector<1x16xf32>,
        %get3A_860 = vector.shape_cast %get3A_859 : vector<1x16xf32> to vector<16xf32>
        %swap3A_861 = arith.index_cast %scan3A_613 : i32 to index
        %swap3A_862 = arith.constant 432 : index
        %swap3A_863 = tpu.vector_load %arg11[%swap3A_861, %swap3A_862] {strides = array<i32>} : memref<32x768xf32, #tpu.memory_space<vmem>>, vector<1x16xf32>,
        %swap3A_864 = vector.shape_cast %swap3A_863 : vector<1x16xf32> to vector<16xf32>
        %swap3A_865 = vector.shape_cast %get3A_860 : vector<16xf32> to vector<1x16xf32>
        tpu.vector_store %arg11[%swap3A_861, %swap3A_862], %swap3A_865 {add = true, strides = array<i32>} : memref<32x768xf32, #tpu.memory_space<vmem>>, vector<1x16xf32>,
        %get3A_866 = arith.index_cast %scan3A_613 : i32 to index
        %get3A_867 = arith.constant 448 : index
        %get3A_868 = tpu.vector_load %arg6[%get3A_866, %get3A_867] {strides = array<i32>} : memref<32x768xf32, #tpu.memory_space<vmem>>, vector<1x16xf32>,
        %get3A_869 = vector.shape_cast %get3A_868 : vector<1x16xf32> to vector<16xf32>
        %swap3A_870 = arith.index_cast %scan3A_613 : i32 to index
        %swap3A_871 = arith.constant 448 : index
        %swap3A_872 = tpu.vector_load %arg11[%swap3A_870, %swap3A_871] {strides = array<i32>} : memref<32x768xf32, #tpu.memory_space<vmem>>, vector<1x16xf32>,
        %swap3A_873 = vector.shape_cast %swap3A_872 : vector<1x16xf32> to vector<16xf32>
        %swap3A_874 = vector.shape_cast %get3A_869 : vector<16xf32> to vector<1x16xf32>
        tpu.vector_store %arg11[%swap3A_870, %swap3A_871], %swap3A_874 {add = true, strides = array<i32>} : memref<32x768xf32, #tpu.memory_space<vmem>>, vector<1x16xf32>,
        %get3A_875 = arith.index_cast %scan3A_613 : i32 to index
        %get3A_876 = arith.constant 464 : index
        %get3A_877 = tpu.vector_load %arg6[%get3A_875, %get3A_876] {strides = array<i32>} : memref<32x768xf32, #tpu.memory_space<vmem>>, vector<1x16xf32>,
        %get3A_878 = vector.shape_cast %get3A_877 : vector<1x16xf32> to vector<16xf32>
        %swap3A_879 = arith.index_cast %scan3A_613 : i32 to index
        %swap3A_880 = arith.constant 464 : index
        %swap3A_881 = tpu.vector_load %arg11[%swap3A_879, %swap3A_880] {strides = array<i32>} : memref<32x768xf32, #tpu.memory_space<vmem>>, vector<1x16xf32>,
        %swap3A_882 = vector.shape_cast %swap3A_881 : vector<1x16xf32> to vector<16xf32>
        %swap3A_883 = vector.shape_cast %get3A_878 : vector<16xf32> to vector<1x16xf32>
        tpu.vector_store %arg11[%swap3A_879, %swap3A_880], %swap3A_883 {add = true, strides = array<i32>} : memref<32x768xf32, #tpu.memory_space<vmem>>, vector<1x16xf32>,
        %get3A_884 = arith.index_cast %scan3A_613 : i32 to index
        %get3A_885 = arith.constant 480 : index
        %get3A_886 = tpu.vector_load %arg6[%get3A_884, %get3A_885] {strides = array<i32>} : memref<32x768xf32, #tpu.memory_space<vmem>>, vector<1x16xf32>,
        %get3A_887 = vector.shape_cast %get3A_886 : vector<1x16xf32> to vector<16xf32>
        %swap3A_888 = arith.index_cast %scan3A_613 : i32 to index
        %swap3A_889 = arith.constant 480 : index
        %swap3A_890 = tpu.vector_load %arg11[%swap3A_888, %swap3A_889] {strides = array<i32>} : memref<32x768xf32, #tpu.memory_space<vmem>>, vector<1x16xf32>,
        %swap3A_891 = vector.shape_cast %swap3A_890 : vector<1x16xf32> to vector<16xf32>
        %swap3A_892 = vector.shape_cast %get3A_887 : vector<16xf32> to vector<1x16xf32>
        tpu.vector_store %arg11[%swap3A_888, %swap3A_889], %swap3A_892 {add = true, strides = array<i32>} : memref<32x768xf32, #tpu.memory_space<vmem>>, vector<1x16xf32>,
        %get3A_893 = arith.index_cast %scan3A_613 : i32 to index
        %get3A_894 = arith.constant 496 : index
        %get3A_895 = tpu.vector_load %arg6[%get3A_893, %get3A_894] {strides = array<i32>} : memref<32x768xf32, #tpu.memory_space<vmem>>, vector<1x16xf32>,
        %get3A_896 = vector.shape_cast %get3A_895 : vector<1x16xf32> to vector<16xf32>
        %swap3A_897 = arith.index_cast %scan3A_613 : i32 to index
        %swap3A_898 = arith.constant 496 : index
        %swap3A_899 = tpu.vector_load %arg11[%swap3A_897, %swap3A_898] {strides = array<i32>} : memref<32x768xf32, #tpu.memory_space<vmem>>, vector<1x16xf32>,
        %swap3A_900 = vector.shape_cast %swap3A_899 : vector<1x16xf32> to vector<16xf32>
        %swap3A_901 = vector.shape_cast %get3A_896 : vector<16xf32> to vector<1x16xf32>
        tpu.vector_store %arg11[%swap3A_897, %swap3A_898], %swap3A_901 {add = true, strides = array<i32>} : memref<32x768xf32, #tpu.memory_space<vmem>>, vector<1x16xf32>,
        %get3A_902 = arith.index_cast %scan3A_613 : i32 to index
        %get3A_903 = arith.constant 512 : index
        %get3A_904 = tpu.vector_load %arg6[%get3A_902, %get3A_903] {strides = array<i32>} : memref<32x768xf32, #tpu.memory_space<vmem>>, vector<1x16xf32>,
        %get3A_905 = vector.shape_cast %get3A_904 : vector<1x16xf32> to vector<16xf32>
        %swap3A_906 = arith.index_cast %scan3A_613 : i32 to index
        %swap3A_907 = arith.constant 512 : index
        %swap3A_908 = tpu.vector_load %arg11[%swap3A_906, %swap3A_907] {strides = array<i32>} : memref<32x768xf32, #tpu.memory_space<vmem>>, vector<1x16xf32>,
        %swap3A_909 = vector.shape_cast %swap3A_908 : vector<1x16xf32> to vector<16xf32>
        %swap3A_910 = vector.shape_cast %get3A_905 : vector<16xf32> to vector<1x16xf32>
        tpu.vector_store %arg11[%swap3A_906, %swap3A_907], %swap3A_910 {add = true, strides = array<i32>} : memref<32x768xf32, #tpu.memory_space<vmem>>, vector<1x16xf32>,
        %get3A_911 = arith.index_cast %scan3A_613 : i32 to index
        %get3A_912 = arith.constant 528 : index
        %get3A_913 = tpu.vector_load %arg6[%get3A_911, %get3A_912] {strides = array<i32>} : memref<32x768xf32, #tpu.memory_space<vmem>>, vector<1x16xf32>,
        %get3A_914 = vector.shape_cast %get3A_913 : vector<1x16xf32> to vector<16xf32>
        %swap3A_915 = arith.index_cast %scan3A_613 : i32 to index
        %swap3A_916 = arith.constant 528 : index
        %swap3A_917 = tpu.vector_load %arg11[%swap3A_915, %swap3A_916] {strides = array<i32>} : memref<32x768xf32, #tpu.memory_space<vmem>>, vector<1x16xf32>,
        %swap3A_918 = vector.shape_cast %swap3A_917 : vector<1x16xf32> to vector<16xf32>
        %swap3A_919 = vector.shape_cast %get3A_914 : vector<16xf32> to vector<1x16xf32>
        tpu.vector_store %arg11[%swap3A_915, %swap3A_916], %swap3A_919 {add = true, strides = array<i32>} : memref<32x768xf32, #tpu.memory_space<vmem>>, vector<1x16xf32>,
        %get3A_920 = arith.index_cast %scan3A_613 : i32 to index
        %get3A_921 = arith.constant 544 : index
        %get3A_922 = tpu.vector_load %arg6[%get3A_920, %get3A_921] {strides = array<i32>} : memref<32x768xf32, #tpu.memory_space<vmem>>, vector<1x16xf32>,
        %get3A_923 = vector.shape_cast %get3A_922 : vector<1x16xf32> to vector<16xf32>
        %swap3A_924 = arith.index_cast %scan3A_613 : i32 to index
        %swap3A_925 = arith.constant 544 : index
        %swap3A_926 = tpu.vector_load %arg11[%swap3A_924, %swap3A_925] {strides = array<i32>} : memref<32x768xf32, #tpu.memory_space<vmem>>, vector<1x16xf32>,
        %swap3A_927 = vector.shape_cast %swap3A_926 : vector<1x16xf32> to vector<16xf32>
        %swap3A_928 = vector.shape_cast %get3A_923 : vector<16xf32> to vector<1x16xf32>
        tpu.vector_store %arg11[%swap3A_924, %swap3A_925], %swap3A_928 {add = true, strides = array<i32>} : memref<32x768xf32, #tpu.memory_space<vmem>>, vector<1x16xf32>,
        %get3A_929 = arith.index_cast %scan3A_613 : i32 to index
        %get3A_930 = arith.constant 560 : index
        %get3A_931 = tpu.vector_load %arg6[%get3A_929, %get3A_930] {strides = array<i32>} : memref<32x768xf32, #tpu.memory_space<vmem>>, vector<1x16xf32>,
        %get3A_932 = vector.shape_cast %get3A_931 : vector<1x16xf32> to vector<16xf32>
        %swap3A_933 = arith.index_cast %scan3A_613 : i32 to index
        %swap3A_934 = arith.constant 560 : index
        %swap3A_935 = tpu.vector_load %arg11[%swap3A_933, %swap3A_934] {strides = array<i32>} : memref<32x768xf32, #tpu.memory_space<vmem>>, vector<1x16xf32>,
        %swap3A_936 = vector.shape_cast %swap3A_935 : vector<1x16xf32> to vector<16xf32>
        %swap3A_937 = vector.shape_cast %get3A_932 : vector<16xf32> to vector<1x16xf32>
        tpu.vector_store %arg11[%swap3A_933, %swap3A_934], %swap3A_937 {add = true, strides = array<i32>} : memref<32x768xf32, #tpu.memory_space<vmem>>, vector<1x16xf32>,
        %get3A_938 = arith.index_cast %scan3A_613 : i32 to index
        %get3A_939 = arith.constant 576 : index
        %get3A_940 = tpu.vector_load %arg6[%get3A_938, %get3A_939] {strides = array<i32>} : memref<32x768xf32, #tpu.memory_space<vmem>>, vector<1x16xf32>,
        %get3A_941 = vector.shape_cast %get3A_940 : vector<1x16xf32> to vector<16xf32>
        %swap3A_942 = arith.index_cast %scan3A_613 : i32 to index
        %swap3A_943 = arith.constant 576 : index
        %swap3A_944 = tpu.vector_load %arg11[%swap3A_942, %swap3A_943] {strides = array<i32>} : memref<32x768xf32, #tpu.memory_space<vmem>>, vector<1x16xf32>,
        %swap3A_945 = vector.shape_cast %swap3A_944 : vector<1x16xf32> to vector<16xf32>
        %swap3A_946 = vector.shape_cast %get3A_941 : vector<16xf32> to vector<1x16xf32>
        tpu.vector_store %arg11[%swap3A_942, %swap3A_943], %swap3A_946 {add = true, strides = array<i32>} : memref<32x768xf32, #tpu.memory_space<vmem>>, vector<1x16xf32>,
        %get3A_947 = arith.index_cast %scan3A_613 : i32 to index
        %get3A_948 = arith.constant 592 : index
        %get3A_949 = tpu.vector_load %arg6[%get3A_947, %get3A_948] {strides = array<i32>} : memref<32x768xf32, #tpu.memory_space<vmem>>, vector<1x16xf32>,
        %get3A_950 = vector.shape_cast %get3A_949 : vector<1x16xf32> to vector<16xf32>
        %swap3A_951 = arith.index_cast %scan3A_613 : i32 to index
        %swap3A_952 = arith.constant 592 : index
        %swap3A_953 = tpu.vector_load %arg11[%swap3A_951, %swap3A_952] {strides = array<i32>} : memref<32x768xf32, #tpu.memory_space<vmem>>, vector<1x16xf32>,
        %swap3A_954 = vector.shape_cast %swap3A_953 : vector<1x16xf32> to vector<16xf32>
        %swap3A_955 = vector.shape_cast %get3A_950 : vector<16xf32> to vector<1x16xf32>
        tpu.vector_store %arg11[%swap3A_951, %swap3A_952], %swap3A_955 {add = true, strides = array<i32>} : memref<32x768xf32, #tpu.memory_space<vmem>>, vector<1x16xf32>,
        %get3A_956 = arith.index_cast %scan3A_613 : i32 to index
        %get3A_957 = arith.constant 608 : index
        %get3A_958 = tpu.vector_load %arg6[%get3A_956, %get3A_957] {strides = array<i32>} : memref<32x768xf32, #tpu.memory_space<vmem>>, vector<1x16xf32>,
        %get3A_959 = vector.shape_cast %get3A_958 : vector<1x16xf32> to vector<16xf32>
        %swap3A_960 = arith.index_cast %scan3A_613 : i32 to index
        %swap3A_961 = arith.constant 608 : index
        %swap3A_962 = tpu.vector_load %arg11[%swap3A_960, %swap3A_961] {strides = array<i32>} : memref<32x768xf32, #tpu.memory_space<vmem>>, vector<1x16xf32>,
        %swap3A_963 = vector.shape_cast %swap3A_962 : vector<1x16xf32> to vector<16xf32>
        %swap3A_964 = vector.shape_cast %get3A_959 : vector<16xf32> to vector<1x16xf32>
        tpu.vector_store %arg11[%swap3A_960, %swap3A_961], %swap3A_964 {add = true, strides = array<i32>} : memref<32x768xf32, #tpu.memory_space<vmem>>, vector<1x16xf32>,
        %get3A_965 = arith.index_cast %scan3A_613 : i32 to index
        %get3A_966 = arith.constant 624 : index
        %get3A_967 = tpu.vector_load %arg6[%get3A_965, %get3A_966] {strides = array<i32>} : memref<32x768xf32, #tpu.memory_space<vmem>>, vector<1x16xf32>,
        %get3A_968 = vector.shape_cast %get3A_967 : vector<1x16xf32> to vector<16xf32>
        %swap3A_969 = arith.index_cast %scan3A_613 : i32 to index
        %swap3A_970 = arith.constant 624 : index
        %swap3A_971 = tpu.vector_load %arg11[%swap3A_969, %swap3A_970] {strides = array<i32>} : memref<32x768xf32, #tpu.memory_space<vmem>>, vector<1x16xf32>,
        %swap3A_972 = vector.shape_cast %swap3A_971 : vector<1x16xf32> to vector<16xf32>
        %swap3A_973 = vector.shape_cast %get3A_968 : vector<16xf32> to vector<1x16xf32>
        tpu.vector_store %arg11[%swap3A_969, %swap3A_970], %swap3A_973 {add = true, strides = array<i32>} : memref<32x768xf32, #tpu.memory_space<vmem>>, vector<1x16xf32>,
        %get3A_974 = arith.index_cast %scan3A_613 : i32 to index
        %get3A_975 = arith.constant 640 : index
        %get3A_976 = tpu.vector_load %arg6[%get3A_974, %get3A_975] {strides = array<i32>} : memref<32x768xf32, #tpu.memory_space<vmem>>, vector<1x16xf32>,
        %get3A_977 = vector.shape_cast %get3A_976 : vector<1x16xf32> to vector<16xf32>
        %swap3A_978 = arith.index_cast %scan3A_613 : i32 to index
        %swap3A_979 = arith.constant 640 : index
        %swap3A_980 = tpu.vector_load %arg11[%swap3A_978, %swap3A_979] {strides = array<i32>} : memref<32x768xf32, #tpu.memory_space<vmem>>, vector<1x16xf32>,
        %swap3A_981 = vector.shape_cast %swap3A_980 : vector<1x16xf32> to vector<16xf32>
        %swap3A_982 = vector.shape_cast %get3A_977 : vector<16xf32> to vector<1x16xf32>
        tpu.vector_store %arg11[%swap3A_978, %swap3A_979], %swap3A_982 {add = true, strides = array<i32>} : memref<32x768xf32, #tpu.memory_space<vmem>>, vector<1x16xf32>,
        %get3A_983 = arith.index_cast %scan3A_613 : i32 to index
        %get3A_984 = arith.constant 656 : index
        %get3A_985 = tpu.vector_load %arg6[%get3A_983, %get3A_984] {strides = array<i32>} : memref<32x768xf32, #tpu.memory_space<vmem>>, vector<1x16xf32>,
        %get3A_986 = vector.shape_cast %get3A_985 : vector<1x16xf32> to vector<16xf32>
        %swap3A_987 = arith.index_cast %scan3A_613 : i32 to index
        %swap3A_988 = arith.constant 656 : index
        %swap3A_989 = tpu.vector_load %arg11[%swap3A_987, %swap3A_988] {strides = array<i32>} : memref<32x768xf32, #tpu.memory_space<vmem>>, vector<1x16xf32>,
        %swap3A_990 = vector.shape_cast %swap3A_989 : vector<1x16xf32> to vector<16xf32>
        %swap3A_991 = vector.shape_cast %get3A_986 : vector<16xf32> to vector<1x16xf32>
        tpu.vector_store %arg11[%swap3A_987, %swap3A_988], %swap3A_991 {add = true, strides = array<i32>} : memref<32x768xf32, #tpu.memory_space<vmem>>, vector<1x16xf32>,
        %get3A_992 = arith.index_cast %scan3A_613 : i32 to index
        %get3A_993 = arith.constant 672 : index
        %get3A_994 = tpu.vector_load %arg6[%get3A_992, %get3A_993] {strides = array<i32>} : memref<32x768xf32, #tpu.memory_space<vmem>>, vector<1x16xf32>,
        %get3A_995 = vector.shape_cast %get3A_994 : vector<1x16xf32> to vector<16xf32>
        %swap3A_996 = arith.index_cast %scan3A_613 : i32 to index
        %swap3A_997 = arith.constant 672 : index
        %swap3A_998 = tpu.vector_load %arg11[%swap3A_996, %swap3A_997] {strides = array<i32>} : memref<32x768xf32, #tpu.memory_space<vmem>>, vector<1x16xf32>,
        %swap3A_999 = vector.shape_cast %swap3A_998 : vector<1x16xf32> to vector<16xf32>
        %swap3A_1000 = vector.shape_cast %get3A_995 : vector<16xf32> to vector<1x16xf32>
        tpu.vector_store %arg11[%swap3A_996, %swap3A_997], %swap3A_1000 {add = true, strides = array<i32>} : memref<32x768xf32, #tpu.memory_space<vmem>>, vector<1x16xf32>,
        %get3A_1001 = arith.index_cast %scan3A_613 : i32 to index
        %get3A_1002 = arith.constant 688 : index
        %get3A_1003 = tpu.vector_load %arg6[%get3A_1001, %get3A_1002] {strides = array<i32>} : memref<32x768xf32, #tpu.memory_space<vmem>>, vector<1x16xf32>,
        %get3A_1004 = vector.shape_cast %get3A_1003 : vector<1x16xf32> to vector<16xf32>
        %swap3A_1005 = arith.index_cast %scan3A_613 : i32 to index
        %swap3A_1006 = arith.constant 688 : index
        %swap3A_1007 = tpu.vector_load %arg11[%swap3A_1005, %swap3A_1006] {strides = array<i32>} : memref<32x768xf32, #tpu.memory_space<vmem>>, vector<1x16xf32>,
        %swap3A_1008 = vector.shape_cast %swap3A_1007 : vector<1x16xf32> to vector<16xf32>
        %swap3A_1009 = vector.shape_cast %get3A_1004 : vector<16xf32> to vector<1x16xf32>
        tpu.vector_store %arg11[%swap3A_1005, %swap3A_1006], %swap3A_1009 {add = true, strides = array<i32>} : memref<32x768xf32, #tpu.memory_space<vmem>>, vector<1x16xf32>,
        %get3A_1010 = arith.index_cast %scan3A_613 : i32 to index
        %get3A_1011 = arith.constant 704 : index
        %get3A_1012 = tpu.vector_load %arg6[%get3A_1010, %get3A_1011] {strides = array<i32>} : memref<32x768xf32, #tpu.memory_space<vmem>>, vector<1x16xf32>,
        %get3A_1013 = vector.shape_cast %get3A_1012 : vector<1x16xf32> to vector<16xf32>
        %swap3A_1014 = arith.index_cast %scan3A_613 : i32 to index
        %swap3A_1015 = arith.constant 704 : index
        %swap3A_1016 = tpu.vector_load %arg11[%swap3A_1014, %swap3A_1015] {strides = array<i32>} : memref<32x768xf32, #tpu.memory_space<vmem>>, vector<1x16xf32>,
        %swap3A_1017 = vector.shape_cast %swap3A_1016 : vector<1x16xf32> to vector<16xf32>
        %swap3A_1018 = vector.shape_cast %get3A_1013 : vector<16xf32> to vector<1x16xf32>
        tpu.vector_store %arg11[%swap3A_1014, %swap3A_1015], %swap3A_1018 {add = true, strides = array<i32>} : memref<32x768xf32, #tpu.memory_space<vmem>>, vector<1x16xf32>,
        %get3A_1019 = arith.index_cast %scan3A_613 : i32 to index
        %get3A_1020 = arith.constant 720 : index
        %get3A_1021 = tpu.vector_load %arg6[%get3A_1019, %get3A_1020] {strides = array<i32>} : memref<32x768xf32, #tpu.memory_space<vmem>>, vector<1x16xf32>,
        %get3A_1022 = vector.shape_cast %get3A_1021 : vector<1x16xf32> to vector<16xf32>
        %swap3A_1023 = arith.index_cast %scan3A_613 : i32 to index
        %swap3A_1024 = arith.constant 720 : index
        %swap3A_1025 = tpu.vector_load %arg11[%swap3A_1023, %swap3A_1024] {strides = array<i32>} : memref<32x768xf32, #tpu.memory_space<vmem>>, vector<1x16xf32>,
        %swap3A_1026 = vector.shape_cast %swap3A_1025 : vector<1x16xf32> to vector<16xf32>
        %swap3A_1027 = vector.shape_cast %get3A_1022 : vector<16xf32> to vector<1x16xf32>
        tpu.vector_store %arg11[%swap3A_1023, %swap3A_1024], %swap3A_1027 {add = true, strides = array<i32>} : memref<32x768xf32, #tpu.memory_space<vmem>>, vector<1x16xf32>,
        %get3A_1028 = arith.index_cast %scan3A_613 : i32 to index
        %get3A_1029 = arith.constant 736 : index
        %get3A_1030 = tpu.vector_load %arg6[%get3A_1028, %get3A_1029] {strides = array<i32>} : memref<32x768xf32, #tpu.memory_space<vmem>>, vector<1x16xf32>,
        %get3A_1031 = vector.shape_cast %get3A_1030 : vector<1x16xf32> to vector<16xf32>
        %swap3A_1032 = arith.index_cast %scan3A_613 : i32 to index
        %swap3A_1033 = arith.constant 736 : index
        %swap3A_1034 = tpu.vector_load %arg11[%swap3A_1032, %swap3A_1033] {strides = array<i32>} : memref<32x768xf32, #tpu.memory_space<vmem>>, vector<1x16xf32>,
        %swap3A_1035 = vector.shape_cast %swap3A_1034 : vector<1x16xf32> to vector<16xf32>
        %swap3A_1036 = vector.shape_cast %get3A_1031 : vector<16xf32> to vector<1x16xf32>
        tpu.vector_store %arg11[%swap3A_1032, %swap3A_1033], %swap3A_1036 {add = true, strides = array<i32>} : memref<32x768xf32, #tpu.memory_space<vmem>>, vector<1x16xf32>,
        %get3A_1037 = arith.index_cast %scan3A_613 : i32 to index
        %get3A_1038 = arith.constant 752 : index
        %get3A_1039 = tpu.vector_load %arg6[%get3A_1037, %get3A_1038] {strides = array<i32>} : memref<32x768xf32, #tpu.memory_space<vmem>>, vector<1x16xf32>,
        %get3A_1040 = vector.shape_cast %get3A_1039 : vector<1x16xf32> to vector<16xf32>
        %swap3A_1041 = arith.index_cast %scan3A_613 : i32 to index
        %swap3A_1042 = arith.constant 752 : index
        %swap3A_1043 = tpu.vector_load %arg11[%swap3A_1041, %swap3A_1042] {strides = array<i32>} : memref<32x768xf32, #tpu.memory_space<vmem>>, vector<1x16xf32>,
        %swap3A_1044 = vector.shape_cast %swap3A_1043 : vector<1x16xf32> to vector<16xf32>
        %swap3A_1045 = vector.shape_cast %get3A_1040 : vector<16xf32> to vector<1x16xf32>
        tpu.vector_store %arg11[%swap3A_1041, %swap3A_1042], %swap3A_1045 {add = true, strides = array<i32>} : memref<32x768xf32, #tpu.memory_space<vmem>>, vector<1x16xf32>,
      }
      %scan3A_173 = arith.constant 32 : i32
      %mul3A_174 = arith.constant 1024 : i32
      %mul3A_175 = arith.muli %add3A_156, %mul3A_174 : i32
      %add3A_176 = arith.addi %mul3A_175, %mul3A_2 : i32
      %dma_start3A_177 = arith.constant 0 : i32
      %dma_start3A_178 = tpu.memref_slice %arg5[%add3A_176, %dma_start3A_177] : memref<65536x768xf32, #tpu.memory_space<hbm>> -> memref<32x768xf32, #tpu.memory_space<hbm>>
      %dma_start3A_179 = arith.constant 0 : i32
      %dma_start3A_180 = tpu.memref_slice %arg5[%add3A_176, %dma_start3A_179] : memref<65536x768xf32, #tpu.memory_space<hbm>> -> memref<32x768xf32, #tpu.memory_space<hbm>>
      tpu.enqueue_dma source(%arg11 : memref<32x768xf32, #tpu.memory_space<vmem>>) target(%dma_start3A_180 : memref<32x768xf32, #tpu.memory_space<hbm>>) target_semaphore(%arg21 : memref<!tpu.dma_semaphore, #tpu.memory_space<semaphore_mem>>)
    }
    %scan3A_31 = arith.constant 16 : i32
    %add3A_32 = arith.constant 61440 : i32
    %add3A_33 = arith.addi %add3A_32, %mul3A_2 : i32
    %dma_wait3A_34 = arith.constant 0 : i32
    %dma_wait3A_35 = tpu.memref_slice %arg5[%add3A_33, %dma_wait3A_34] : memref<65536x768xf32, #tpu.memory_space<hbm>> -> memref<32x768xf32, #tpu.memory_space<hbm>>
    %dma_wait3A_36 = arith.constant 0 : i32
    %dma_wait3A_37 = tpu.memref_slice %arg5[%add3A_33, %dma_wait3A_36] : memref<65536x768xf32, #tpu.memory_space<hbm>> -> memref<32x768xf32, #tpu.memory_space<hbm>>
    tpu.wait_dma2 semaphore(%arg18 : memref<!tpu.dma_semaphore, #tpu.memory_space<semaphore_mem>>) src(%arg8 : memref<32x768xf32, #tpu.memory_space<vmem>>) dst(%dma_wait3A_37 : memref<32x768xf32, #tpu.memory_space<hbm>>)
    %add3A_38 = arith.constant 62464 : i32
    %add3A_39 = arith.addi %add3A_38, %mul3A_2 : i32
    %dma_wait3A_40 = arith.constant 0 : i32
    %dma_wait3A_41 = tpu.memref_slice %arg5[%add3A_39, %dma_wait3A_40] : memref<65536x768xf32, #tpu.memory_space<hbm>> -> memref<32x768xf32, #tpu.memory_space<hbm>>
    %dma_wait3A_42 = arith.constant 0 : i32
    %dma_wait3A_43 = tpu.memref_slice %arg5[%add3A_39, %dma_wait3A_42] : memref<65536x768xf32, #tpu.memory_space<hbm>> -> memref<32x768xf32, #tpu.memory_space<hbm>>
    tpu.wait_dma2 semaphore(%arg19 : memref<!tpu.dma_semaphore, #tpu.memory_space<semaphore_mem>>) src(%arg9 : memref<32x768xf32, #tpu.memory_space<vmem>>) dst(%dma_wait3A_43 : memref<32x768xf32, #tpu.memory_space<hbm>>)
    %add3A_44 = arith.constant 63488 : i32
    %add3A_45 = arith.addi %add3A_44, %mul3A_2 : i32
    %dma_wait3A_46 = arith.constant 0 : i32
    %dma_wait3A_47 = tpu.memref_slice %arg5[%add3A_45, %dma_wait3A_46] : memref<65536x768xf32, #tpu.memory_space<hbm>> -> memref<32x768xf32, #tpu.memory_space<hbm>>
    %dma_wait3A_48 = arith.constant 0 : i32
    %dma_wait3A_49 = tpu.memref_slice %arg5[%add3A_45, %dma_wait3A_48] : memref<65536x768xf32, #tpu.memory_space<hbm>> -> memref<32x768xf32, #tpu.memory_space<hbm>>
    tpu.wait_dma2 semaphore(%arg20 : memref<!tpu.dma_semaphore, #tpu.memory_space<semaphore_mem>>) src(%arg10 : memref<32x768xf32, #tpu.memory_space<vmem>>) dst(%dma_wait3A_49 : memref<32x768xf32, #tpu.memory_space<hbm>>)
    %add3A_50 = arith.constant 64512 : i32
    %add3A_51 = arith.addi %add3A_50, %mul3A_2 : i32
    %dma_wait3A_52 = arith.constant 0 : i32
    %dma_wait3A_53 = tpu.memref_slice %arg5[%add3A_51, %dma_wait3A_52] : memref<65536x768xf32, #tpu.memory_space<hbm>> -> memref<32x768xf32, #tpu.memory_space<hbm>>
    %dma_wait3A_54 = arith.constant 0 : i32
    %dma_wait3A_55 = tpu.memref_slice %arg5[%add3A_51, %dma_wait3A_54] : memref<65536x768xf32, #tpu.memory_space<hbm>> -> memref<32x768xf32, #tpu.memory_space<hbm>>
    tpu.wait_dma2 semaphore(%arg21 : memref<!tpu.dma_semaphore, #tpu.memory_space<semaphore_mem>>) src(%arg11 : memref<32x768xf32, #tpu.memory_space<vmem>>) dst(%dma_wait3A_55 : memref<32x768xf32, #tpu.memory_space<hbm>>)
    return
  }
}

</mosaic_0001>

<sc_bundles>
// kernel: kernel.3.cloned.1.call-start
scs
__scs_entry_jumppad:
0x0: {  	(pc) =	sbr.rel $0x88, $3  }
0x1: {  	(tag) =	ssettag $0x0;
	lr =	simm.s32 $0x1  }
0x2: {  	[smem:$0x3F9E] =	sst lr;
	_ =	strace $0xD0000000  }
0x3: {  	_ = 	snop  }
0x4: {  	_ = 	snop  }
0x5: {  	_ = 	snop  }
0x6: {  	_ = 	snop  }
0x7: {  	_ = 	snop  }
__scs_overlays_trampoline_lowered:
0x8: {  	[smem:$0x3FAD] =	sst s0  }
0x9: {  	[smem:$0x3FAE] =	sst s1  }
0xa: {  	[smem:$0x3FAF] =	sst s2  }
0xb: {  	[smem:$0x3FB0] =	sst s3  }
0xc: {  	[smem:$0x3FB1] =	sst s4  }
0xd: {  	[smem:$0x3FB2] =	sst s5  }
0xe: {  	[smem:$0x3FB3] =	sst s6  }
0xf: {  	[smem:$0x3FB4] =	sst s7  }
0x10: {  	[smem:$0x3FB5] =	sst s8  }
0x11: {  	[smem:$0x3FB6] =	sst s9;
	s0 =	simm.s32 @!p0 $0x0  }
0x12: {  	s1 =	sld [smem:$0x3F9C];
	s0 =	simm.s32 @p0 $0x1  }
0x13: {  	[smem:$0x3FB7] =	sst s0;
	s0 =	simm.s32 @!p1 $0x0  }
0x14: {  	s2 =	sld [smem:$0x3F9B];
	s0 =	simm.s32 @p1 $0x1  }
0x15: {  	[smem:$0x3FB8] =	sst s0;
	s0 =	simm.s32 @!p2 $0x0  }
0x16: {  	s3 =	sld [smem:$0x3FDB];
	s0 =	simm.s32 @p2 $0x1  }
0x17: {  	s4 =	simm.s32 $0x1BF5;
	[smem:$0x3FBA] =	sst s0  }
0x18: {  	s0 =	sld [smem:$0x3F9D];
	_ =	swait.ge [sflag:s4], $0x0  }
0x19: {  	s7 =	sld [smem:$0x3F9E]  }
0x1a: {  	s8 =	sadd.s32 $0xFFFFE003, lr  }
0x1b: {  	s9 =	sadd.s32 $0xFFFFFEF7, lr;
	s5 =	simm.s32 $0xFFFFFFFF;
	p2 =	slt.u32 s8, $0xFFFFF086  }
0x1c: {  	p1 =	slt.u32 s9, $0xF7A;
	s5 =	simm.s32 @!p2 $0x0  }
0x1d: {  	s5 =	simm.s32 @p1 $0x1;
	p0 =	seq.s32 s7, s2  }
0x1e: {  	s7 =	smul.u32 @!p0 $0xF7A, s2;
	p2 =	seq.s32 @!p0 s5, $0x0  }
0x1f: {  	s9 =	smul.u32 $0xF7A, s1;
	s8 =	simm.s32 @!p0 $0x1BF5;
	p2 =	por !p2, p0  }
0x20: {  	[sflag:s8] =	ssyncset.s32 @!p0 $0xFFFFF086;
	s6 =	sadd.s32 @!p0 s3, s7;
	s7 =	simm.s32 @!p0 $0x108  }
0x21: {  	s3 =	sadd.s32 s3, s9;
	s6 =	sadd.s32 @!p0 $0x88, s6;
	s7 =	simm.s32 @p2 $0x1082  }
0x22: {  	[simem:s7], [sflag:s8] =	dma.local @!p0 [hbm:s6], $0xF7A  }
0x23: {  	s9 =	sor.u32 $0xD0000000, s2;
	s6 =	simm.s32 $0x108;
	_ =	swait.ge @!p0 [sflag:s8], $0x0  }
0x24: {  	s3 =	sadd.s32 $0x88, s3;
	s6 =	simm.s32 @!p1 $0x1082;
	[sflag:s4] =	ssyncset.s32 $0xFFFFF086  }
0x25: {  	[simem:s6], [sflag:s4] =	dma.local [hbm:s3], $0xF7A  }
0x26: {  	[smem:$0x3F9E] =	sst s1;
	(tag) =	ssettag s2;
	_ =	strace s9  }
0x27: {  	s1 =	sld [smem:$0x3FAE]  }
0x28: {  	s2 =	sld [smem:$0x3FAF]  }
0x29: {  	s4 =	sld [smem:$0x3FB1]  }
0x2a: {  	p0 =	seq.s32 s5, $0x0;
	s5 =	sld [smem:$0x3FB2]  }
0x2b: {  	s6 =	sld [smem:$0x3FB3]  }
0x2c: {  	s7 =	sld [smem:$0x3FB4]  }
0x2d: {  	s3 =	simm.s32 $0x108;
	s8 =	sld [smem:$0x3FB5]  }
0x2e: {  	s3 =	simm.s32 @!p0 $0x1082;
	s9 =	sld [smem:$0x3FB6]  }
0x2f: {  	lr =	sadd.s32 s0, s3;
	s0 =	sld [smem:$0x3FAD]  }
0x30: {  	s3 =	sld [smem:$0x3FB0]  }
0x31: {  	[smem:$0x3FB9] =	sst s10  }
0x32: {  	s10 =	sld [smem:$0x3FB7];
	_ =	sdelay $0x3  }
0x33: {  	p0 =	seq.s32 s10, $0x1;
	s10 =	sld [smem:$0x3FB9];
	_ =	sdelay $0x3  }
0x34: {  	[smem:$0x3FB9] =	sst s10  }
0x35: {  	s10 =	sld [smem:$0x3FB8];
	_ =	sdelay $0x3  }
0x36: {  	p1 =	seq.s32 s10, $0x1;
	s10 =	sld [smem:$0x3FB9];
	_ =	sdelay $0x3  }
0x37: {  	[smem:$0x3FB9] =	sst s10  }
0x38: {  	s10 =	sld [smem:$0x3FBA]  }
0x39: {  	_ = 	snop;
	(pc) =	sbr.ind lr, $3  }
0x3a: {  	_ = 	snop  }
0x3b: {  	_ = 	snop  }
0x3c: {  	p2 =	seq.s32 s10, $0x1;
	s10 =	sld [smem:$0x3FB9]  }
0x3d: {  	_ =	shalt  }
0x3e: {  	_ =	shalt  }
0x3f: {  	_ =	shalt  }
0x40: {  	_ =	shalt  }
0x41: {  	_ =	shalt  }
0x42: {  	_ =	shalt  }
0x43: {  	_ =	shalt  }
0x44: {  	_ =	shalt  }
0x45: {  	_ =	shalt  }
0x46: {  	_ =	shalt  }
0x47: {  	_ =	shalt  }
0x48: {  	_ =	shalt  }
0x49: {  	_ =	shalt  }
0x4a: {  	_ =	shalt  }
0x4b: {  	_ =	shalt  }
0x4c: {  	_ =	shalt  }
0x4d: {  	_ =	shalt  }
0x4e: {  	_ =	shalt  }
0x4f: {  	_ =	shalt  }
0x50: {  	_ =	shalt  }
0x51: {  	_ =	shalt  }
0x52: {  	_ =	shalt  }
0x53: {  	_ =	shalt  }
0x54: {  	_ =	shalt  }
0x55: {  	_ =	shalt  }
0x56: {  	_ =	shalt  }
0x57: {  	_ =	shalt  }
0x58: {  	_ =	shalt  }
0x59: {  	_ =	shalt  }
0x5a: {  	_ =	shalt  }
0x5b: {  	_ =	shalt  }
0x5c: {  	_ =	shalt  }
0x5d: {  	_ =	shalt  }
0x5e: {  	_ =	shalt  }
0x5f: {  	_ =	shalt  }
0x60: {  	_ =	shalt  }
0x61: {  	_ =	shalt  }
0x62: {  	_ =	shalt  }
0x63: {  	_ =	shalt  }
0x64: {  	_ =	shalt  }
0x65: {  	_ =	shalt  }
0x66: {  	_ =	shalt  }
0x67: {  	_ =	shalt  }
0x68: {  	_ =	shalt  }
0x69: {  	_ =	shalt  }
0x6a: {  	_ =	shalt  }
0x6b: {  	_ =	shalt  }
0x6c: {  	_ =	shalt  }
0x6d: {  	_ =	shalt  }
0x6e: {  	_ =	shalt  }
0x6f: {  	_ =	shalt  }
0x70: {  	_ =	shalt  }
0x71: {  	_ =	shalt  }
0x72: {  	_ =	shalt  }
0x73: {  	_ =	shalt  }
0x74: {  	_ =	shalt  }
0x75: {  	_ =	shalt  }
0x76: {  	_ =	shalt  }
0x77: {  	_ =	shalt  }
0x78: {  	_ =	shalt  }
0x79: {  	_ =	shalt  }
0x7a: {  	_ =	shalt  }
0x7b: {  	_ =	shalt  }
0x7c: {  	_ =	shalt  }
0x7d: {  	_ =	shalt  }
0x7e: {  	_ =	shalt  }
0x7f: {  	_ =	shalt  }
0x80: {  	_ =	shalt  }
0x81: {  	_ =	shalt  }
0x82: {  	_ =	shalt  }
0x83: {  	_ =	shalt  }
0x84: {  	_ =	shalt  }
0x85: {  	_ =	shalt  }
0x86: {  	_ =	shalt  }
0x87: {  	_ =	shalt  }
.Lfunc_end0:
.L_simem_size_0:
called_computation_lowered:
.L_overlay_start_0:
0x88: {  	s2 =	sld [smem:$0x3FD9]  }
0x89: {  	s3 =	sld [smem:$0x3FFE];
	_ =	sdelay $0x1  }
0x8a: {  	s1 =	srdreg.scid  }
0x8b: {  	s0 =	sand.u32 $0x1, s1  }
0x8c: {  	s17 =	sshll.u32 s0, $0xA;
	s2 =	sadd.s32 s3, s2  }
0x8d: {  	s2 =	sadd.s32 s2, s17  }
0x8e: {  	[smem:$0x3FC5] =	sst s2  }
0x8f: {  	_ = 	snop  }
0x90: {  	s2 =	sld [smem:$0x3FC8]  }
0x91: {  	s18 =	sld [smem:$0x3FC7]  }
0x92: {  	s4 =	sld [smem:$0x3FD0];
	(tm) =	ssettm $0x1  }
0x93: {  	s5 =	sld [smem:$0x3FFB];
	_ =	sdelay $0x3  }
0x94: {  	_ =	strace s5  }
0x95: {  	s5 =	sld [smem:$0x3FFC];
	_ =	sdelay $0x3  }
0x96: {  	_ =	strace s5  }
0x97: {  	s5 =	sld [smem:$0x3FFD];
	_ =	sdelay $0x3  }
0x98: {  	_ =	strace s5  }
0x99: {  	_ =	strace $0x8FFFFFFF  }
0x9a: {  	s19 =	sld [smem:$0x3FDB];
	_ =	sdelay $0x1  }
0x9b: {  	s6 =	simm.s32 $_scs_section_size  }
0x9c: {  	s7 =	simm.s32 $_size__tile_overlayer_lowered;
	s8 =	simm.s32 $_tile_overlayer_lowered  }
0x9d: {  	s22 =	simm.s32 $0x1BFF;
	s21 =	sshll.u32 s8, $0x1;
	s5 =	sadd.s32 s6, s19  }
0x9e: {  	s9 =	simm.s32 $0x0;
	s20 =	sshll.u32 s7, $0x1;
	s7 =	sadd.s32 s21, s5  }
0x9f: {  	[timem:s9], [sflag:s22] =	dma.local [hbm:s7], s20  }
0xa0: {  	_ =	swait.ge [sflag:s22], s20  }
0xa1: {  	s6 =	ssub.s32 $0x0, s20;
	[sflag:s22] =	ssyncset.done $0x0  }
0xa2: {  	[sflag:s22] =	ssyncadd.s32 s6;
	_ =	sdelay $0x1  }
0xa3: {  	s23 =	simm.s32 $0x1B8B  }
0xa4: {  	_ =	swait.ge [sflag:s23], $0x1  }
0xa5: {  	[sflag:s23] =	ssyncset.done $0x0  }
0xa6: {  	s25 =	simm.s32 $0x1B8E;
	s24 =	sld [smem:$0x3FFE];
	[sflag:s23] =	ssyncadd.s32 $0xFFFFFFFF  }
0xa7: {  	s26 =	simm.s32 $execute0_lowered;
	[smem:$0x3FD2] =	sst s25  }
0xa8: {  	s7 =	sshll.u32 s26, $0x1;
	_ =	strace $0x80000046;
	[dreg:$0x1] =	wrdreg $0xFFFFFFFF  }
0xa9: {  	s28 =	simm.s32 $_size_execute0_lowered;
	s5 =	sadd.s32 s5, s7;
	[dreg:$0x0] =	wrdreg $0x0  }
0xaa: {  	s7 =	sshll.u32 s28, $0x1;
	[dreg:$0x2] =	wrdreg s5  }
0xab: {  	[dreg:$0x3] =	wrdreg s7  }
0xac: {  	[dreg:$0x4] =	wrdreg $0xC0  }
0xad: {  	_ =	task [dreg:s9], $0x5FFFF  }
0xae: {  	[dreg:$0x1] =	wrdreg $0xFFFFFFFF  }
0xaf: {  	[dreg:$0x0] =	wrdreg $0x60  }
0xb0: {  	[dreg:$0x2] =	wrdreg s24  }
0xb1: {  	[dreg:$0x3] =	wrdreg s2  }
0xb2: {  	[dreg:$0x4] =	wrdreg s18  }
0xb3: {  	[dreg:$0x5] =	wrdreg s4  }
0xb4: {  	[dreg:$0x6] =	wrdreg $0x9  }
0xb5: {  	_ =	task.clear_ibuf [dreg:s9], $0x7FFFF;
	_ =	strace $0x90000046  }
0xb6: {  	s29 =	simm.s32 $0x9;
	_ =	strace $0x80000048  }
0xb7: {  	_ =	swait.ge [sflag:s29], $0x1  }
0xb8: {  	[sflag:s29] =	ssyncadd.s32 $0xFFFFFFFF  }
0xb9: {  	_ =	strace $0x90000048  }
0xba: {  	_ =	sfence  }
0xbb: {  	s30 =	sld [smem:$0x0];
	_ =	sdelay $0x2  }
0xbc: {  	s31 =	sshll.u32 s1, $0xD;
	s1 =	sshrl.u32 s1, $0x2  }
0xbd: {  	s3 =	sand.u32 $0x4000, s31;
	s1 =	sadd.s32 s1, s30  }
0xbe: {  	s0 =	sor.u32 s3, s0;
	s1 =	sshll.u32 s1, $0x11  }
0xbf: {  	s0 =	sor.u32 s1, s0  }
0xc0: {  	s0 =	sadd.s32 $0x8F2B, s0  }
0xc1: {  	[sflag:s0] =	ssyncadd.remote.s32 $0x1  }
0xc2: {  	_ =	sfence.sel $0xFFFF  }
0xc3: {  	[dreg:$0x0] =	wrdreg $0xFFFFFFFF;
	(pc) =	sbr.abs _section_cstart, $3  }
0xc4: {  	[dreg:$0x1] =	wrdreg $0xFFFFFFFF  }
0xc5: {  	_ =	task.clear_ibuf [dreg:s9], $0x2FFFF;
	_ =	strace $0x9FFFFFFF  }
0xc6: {  	(tm) =	ssettm $0x7FFFFFFF  }
0xc7: {  	_ =	shalt  }
tec
execute0_lowered:
.L_overlay_start_1:
0x0: {  	(tag) =	ssettag $0x1  }
0x1: {  	s0 =	rddreg [dreg:$0x0]  }
0x2: {  	s1 =	rddreg [dreg:$0x1]  }
0x3: {  	s2 =	rddreg [dreg:$0x2];
	s4 =	srdreg.scid  }
0x4: {  	s6 =	stileid.u32;
	s3 =	rddreg [dreg:$0x3];
	s26 =	simm.s32 $0xC800  }
0x5: {  	s20 =	simm.s32 $0x12800;
	s12 =	simm.s32 $0x3;
	s15 =	simm.s32 $0x18800  }
0x6: {  	s19 =	simm.s32 $0x1C800;
	s21 =	simm.s32 $0x1D000;
	s22 =	simm.s32 $0x1D800  }
0x7: {  	s23 =	simm.s32 $0x1E000;
	s24 =	simm.s32 $0x4;
	s25 =	simm.s32 $0x5  }
0x8: {  	s28 =	simm.s32 $0x6;
	s5 =	sand.u32 $0x1, s4;
	s6 =	sshll.u32 s6, $0x1  }
0x9: {  	s4 =	simm.s32 $0x0;
	s6 =	sor.u32 s5, s6;
	s5 =	ssub.s32 $0x2, s5  }
0xa: {  	s8 =	sadd.s32 $0x200, s1;
	s7 =	sshll.u32 s6, $0x8;
	s29 =	sshrl.u32 s5, $0x1  }
0xb: {  	[smem:$0x7FF] =	sst s4;
	s0 =	sadd.s32 s7, s0;
	s9 =	ssub.s32 s5, s29  }
0xc: {  	s5 =	sshll.u32 s6, $0x5;
	s6 =	smul.u32 $0xC00, s6;
	s0 =	sadd.s32 $0x400, s0  }
0xd: {  	v2 =	vlaneseq.u32;
	_ =	strace $0x80000047;
	s31 =	smax.u32 s9, $0x1;
	[dreg:$0x5] =	wrdreg s0  }
0xe: {  	vm0 =	vmmov $0xffff;
	s11 =	sadd.s32 $0x18000, s3;
	v1 =	vshrl.u32 v2, $0x3;
	s30 =	sadd.s32 s2, s6;
	[dreg:$0x7] =	wrdreg s31  }
0xf: {  	v0 =	vand.u32 $0x7, v2;
	v2 =	vor.u32 $0x8, v2;
	v1 =	vmul.u32 $0x8, v1;
	s7 =	sadd.s32 $0x100, s1;
	s6 =	simm.s32 $0x0;
	[dreg:$0x6] =	wrdreg s30  }
.LBB2_1:
0x10: {  	[dreg:$0x8] =	wrdreg s6  }
0x11: {  	s0 =	rddreg [dreg:$0x5];
	s2 =	simm.s32 $0x6000;
	s17 =	simm.s32 $0x1  }
0x12: {  	[tilespmem:s2], [sflag:$0x1] =	stream.linear.gather [hbm4b:s0+s4], $0x800, $0x38;
	[tilespmem:$0x1E800] =	vst v63  }
0x13: {  	_ =	swait.ge [sflag:s17], $0x800  }
0x14: {  	[sflag:s17] =	ssyncset.done $0x0  }
0x15: {  	[sflag:s17] =	ssyncadd.s32 $0xFFFFF800  }
0x16: {  	v3 =	vld [tilespmem:$0x6000];
	_ =	sdelay $0x4  }
0x17: {  	v4 =	vshrl.u32 v3, $0x3  }
0x18: {  	v4 =	vmul.u32 $0x30, v4  }
0x19: {  	v3 =	vand.u32 $0x7, v3  }
0x1a: {  	v3 =	vor.u32 v3, v4  }
0x1b: {  	v4 =	vperm.xlane v3, v0;
	_ =	sdelay $0x1  }
0x1c: {  	v4 =	vadd.s32 v1, v4;
	_ =	sdelay $0x3  }
0x1d: {  	s18 =	simm.s32 $0x6800;
	v3 =	vperm.xlane v3, v2  }
0x1e: {  	[tilespmem:s18], [sflag:$0x3] =	stream.indirect_vreg.gather [hbm4b:s1+s4], $0x80, v4, vm0, $0xb8;
	[tilespmem:$0x1E800] =	vst v63  }
0x1f: {  	s30 =	simm.s32 $0x7000;
	v3 =	vadd.s32 v1, v3  }
0x20: {  	[tilespmem:s30], [sflag:$0x3] =	stream.indirect_vreg.gather [hbm4b:s7+s4], $0x80, v4, vm0, $0xb8;
	[tilespmem:$0x1E800] =	vst v63  }
0x21: {  	s31 =	simm.s32 $0x7800  }
0x22: {  	[tilespmem:s31], [sflag:$0x3] =	stream.indirect_vreg.gather [hbm4b:s8+s4], $0x80, v4, vm0, $0xb8;
	[tilespmem:$0x1E800] =	vst v63  }
0x23: {  	s2 =	simm.s32 $0x8000  }
0x24: {  	[tilespmem:s2], [sflag:$0x3] =	stream.indirect_vreg.gather [hbm4b:s1+s4], $0x80, v3, vm0, $0xb8;
	[tilespmem:$0x1E800] =	vst v63  }
0x25: {  	s6 =	simm.s32 $0x8800  }
0x26: {  	[tilespmem:s6], [sflag:$0x3] =	stream.indirect_vreg.gather [hbm4b:s7+s4], $0x80, v3, vm0, $0xb8;
	[tilespmem:$0x1E800] =	vst v63  }
0x27: {  	s9 =	simm.s32 $0x9000  }
0x28: {  	[tilespmem:s9], [sflag:$0x3] =	stream.indirect_vreg.gather [hbm4b:s8+s4], $0x80, v3, vm0, $0xb8;
	[tilespmem:$0x1E800] =	vst v63  }
0x29: {  	v3 =	vld [tilespmem:$0x6010];
	_ =	sdelay $0x4  }
0x2a: {  	v61 =	vshrl.u32 v3, $0x3  }
0x2b: {  	v4 =	vmul.u32 $0x30, v61  }
0x2c: {  	v3 =	vand.u32 $0x7, v3  }
0x2d: {  	v3 =	vor.u32 v3, v4  }
0x2e: {  	v4 =	vperm.xlane v3, v0;
	_ =	sdelay $0x1  }
0x2f: {  	v4 =	vadd.s32 v1, v4;
	_ =	sdelay $0x3  }
0x30: {  	s10 =	simm.s32 $0x9800;
	v3 =	vperm.xlane v3, v2  }
0x31: {  	[tilespmem:s10], [sflag:$0x3] =	stream.indirect_vreg.gather [hbm4b:s1+s4], $0x80, v4, vm0, $0xb8;
	[tilespmem:$0x1E800] =	vst v63  }
0x32: {  	s13 =	simm.s32 $0xA000;
	v3 =	vadd.s32 v1, v3  }
0x33: {  	[tilespmem:s13], [sflag:$0x3] =	stream.indirect_vreg.gather [hbm4b:s7+s4], $0x80, v4, vm0, $0xb8;
	[tilespmem:$0x1E800] =	vst v63  }
0x34: {  	s14 =	simm.s32 $0xA800  }
0x35: {  	[tilespmem:s14], [sflag:$0x3] =	stream.indirect_vreg.gather [hbm4b:s8+s4], $0x80, v4, vm0, $0xb8;
	[tilespmem:$0x1E800] =	vst v63  }
0x36: {  	s16 =	simm.s32 $0xB000  }
0x37: {  	[tilespmem:s16], [sflag:$0x3] =	stream.indirect_vreg.gather [hbm4b:s1+s4], $0x80, v3, vm0, $0xb8;
	[tilespmem:$0x1E800] =	vst v63  }
0x38: {  	s17 =	simm.s32 $0xB800  }
0x39: {  	[tilespmem:s17], [sflag:$0x3] =	stream.indirect_vreg.gather [hbm4b:s7+s4], $0x80, v3, vm0, $0xb8;
	[tilespmem:$0x1E800] =	vst v63  }
0x3a: {  	s18 =	simm.s32 $0xC000  }
0x3b: {  	[tilespmem:s18], [sflag:$0x3] =	stream.indirect_vreg.gather [hbm4b:s8+s4], $0x80, v3, vm0, $0xb8;
	[tilespmem:$0x1E800] =	vst v63  }
0x3c: {  	v3 =	vld [tilespmem:$0x6020];
	_ =	sdelay $0x4  }
0x3d: {  	v62 =	vshrl.u32 v3, $0x3  }
0x3e: {  	v4 =	vmul.u32 $0x30, v62  }
0x3f: {  	v3 =	vand.u32 $0x7, v3  }
0x40: {  	v3 =	vor.u32 v3, v4  }
0x41: {  	v4 =	vperm.xlane v3, v0;
	_ =	sdelay $0x1  }
0x42: {  	v4 =	vadd.s32 v1, v4;
	_ =	sdelay $0x3  }
0x43: {  	v3 =	vperm.xlane v3, v2  }
0x44: {  	[tilespmem:s26], [sflag:$0x4] =	stream.indirect_vreg.gather [hbm4b:s1+s4], $0x80, v4, vm0, $0xb8;
	[tilespmem:$0x1E800] =	vst v63  }
0x45: {  	s30 =	simm.s32 $0xD000;
	v3 =	vadd.s32 v1, v3  }
0x46: {  	[tilespmem:s30], [sflag:$0x4] =	stream.indirect_vreg.gather [hbm4b:s7+s4], $0x80, v4, vm0, $0xb8;
	[tilespmem:$0x1E800] =	vst v63  }
0x47: {  	s31 =	simm.s32 $0xD800  }
0x48: {  	[tilespmem:s31], [sflag:$0x4] =	stream.indirect_vreg.gather [hbm4b:s8+s4], $0x80, v4, vm0, $0xb8;
	[tilespmem:$0x1E800] =	vst v63  }
0x49: {  	s2 =	simm.s32 $0xE000  }
0x4a: {  	[tilespmem:s2], [sflag:$0x4] =	stream.indirect_vreg.gather [hbm4b:s1+s4], $0x80, v3, vm0, $0xb8;
	[tilespmem:$0x1E800] =	vst v63  }
0x4b: {  	s6 =	simm.s32 $0xE800  }
0x4c: {  	[tilespmem:s6], [sflag:$0x4] =	stream.indirect_vreg.gather [hbm4b:s7+s4], $0x80, v3, vm0, $0xb8;
	[tilespmem:$0x1E800] =	vst v63  }
0x4d: {  	s9 =	simm.s32 $0xF000  }
0x4e: {  	[tilespmem:s9], [sflag:$0x4] =	stream.indirect_vreg.gather [hbm4b:s8+s4], $0x80, v3, vm0, $0xb8;
	[tilespmem:$0x1E800] =	vst v63  }
0x4f: {  	v3 =	vld [tilespmem:$0x6030];
	_ =	sdelay $0x4  }
0x50: {  	v63 =	vshrl.u32 v3, $0x3  }
0x51: {  	v4 =	vmul.u32 $0x30, v63  }
0x52: {  	v3 =	vand.u32 $0x7, v3  }
0x53: {  	v3 =	vor.u32 v3, v4  }
0x54: {  	v4 =	vperm.xlane v3, v0;
	_ =	sdelay $0x1  }
0x55: {  	v4 =	vadd.s32 v1, v4;
	_ =	sdelay $0x3  }
0x56: {  	s10 =	simm.s32 $0xF800;
	v3 =	vperm.xlane v3, v2  }
0x57: {  	[tilespmem:s10], [sflag:$0x4] =	stream.indirect_vreg.gather [hbm4b:s1+s4], $0x80, v4, vm0, $0xb8;
	[tilespmem:$0x1E800] =	vst v63  }
0x58: {  	s13 =	simm.s32 $0x10000;
	v3 =	vadd.s32 v1, v3  }
0x59: {  	[tilespmem:s13], [sflag:$0x4] =	stream.indirect_vreg.gather [hbm4b:s7+s4], $0x80, v4, vm0, $0xb8;
	[tilespmem:$0x1E800] =	vst v63  }
0x5a: {  	s14 =	simm.s32 $0x10800  }
0x5b: {  	[tilespmem:s14], [sflag:$0x4] =	stream.indirect_vreg.gather [hbm4b:s8+s4], $0x80, v4, vm0, $0xb8;
	[tilespmem:$0x1E800] =	vst v63  }
0x5c: {  	s16 =	simm.s32 $0x11000  }
0x5d: {  	[tilespmem:s16], [sflag:$0x4] =	stream.indirect_vreg.gather [hbm4b:s1+s4], $0x80, v3, vm0, $0xb8;
	[tilespmem:$0x1E800] =	vst v63  }
0x5e: {  	s17 =	simm.s32 $0x11800  }
0x5f: {  	[tilespmem:s17], [sflag:$0x4] =	stream.indirect_vreg.gather [hbm4b:s7+s4], $0x80, v3, vm0, $0xb8;
	[tilespmem:$0x1E800] =	vst v63  }
0x60: {  	s18 =	simm.s32 $0x12000  }
0x61: {  	[tilespmem:s18], [sflag:$0x4] =	stream.indirect_vreg.gather [hbm4b:s8+s4], $0x80, v3, vm0, $0xb8;
	[tilespmem:$0x1E800] =	vst v63  }
0x62: {  	s30 =	rddreg [dreg:$0x6];
	s31 =	simm.s32 $0x2  }
0x63: {  	[tilespmem:s4], [sflag:$0x2] =	stream.linear.gather [hbm4b:s30+s4], $0x6000, $0x38;
	[tilespmem:$0x1E800] =	vst v63  }
0x64: {  	_ =	swait.ge [sflag:s31], $0x6000  }
0x65: {  	[sflag:s31] =	ssyncset.done $0x0  }
0x66: {  	s29 =	simm.s32 $0x0;
	[sflag:s31] =	ssyncadd.s32 $0xFFFFA000  }
.LBB2_2:
0x67: {  	p0 =	seq.s32 s29, $0x0  }
0x68: {  	s2 =	sshll.u32 s29, $0x2;
	s0 =	simm.s32 @!p0 $0x9  }
0x69: {  	s31 =	sor.u32 $0x2, s2;
	_ =	swait.ge @!p0 [sflag:s0], $0x6000  }
0x6a: {  	s6 =	sshll.u32 s31, $0x5;
	[sflag:s0] =	ssyncset.done @!p0 $0x0  }
0x6b: {  	s6 =	sand.u32 $0x3FFFFFE0, s6;
	[sflag:s0] =	ssyncadd.s32 @!p0 $0xFFFFA000  }
0x6c: {  	v3 =	vld [tilespmem:s6+$0x6000];
	_ =	sdelay $0x4  }
0x6d: {  	v4 =	vshrl.u32 v3, $0x3  }
0x6e: {  	v4 =	vmul.u32 $0x30, v4  }
0x6f: {  	v3 =	vand.u32 $0x7, v3  }
0x70: {  	v3 =	vor.u32 v3, v4  }
0x71: {  	v4 =	vperm.xlane v3, v0;
	_ =	sdelay $0x1  }
0x72: {  	v4 =	vadd.s32 v1, v4;
	_ =	sdelay $0x3  }
0x73: {  	s0 =	simm.s32 $0x0;
	v3 =	vperm.xlane v3, v2  }
0x74: {  	[tilespmem:s20], [sflag:$0x5] =	stream.indirect_vreg.gather [hbm4b:s1+s0], $0x80, v4, vm0, $0xb8;
	[tilespmem:$0x1E800] =	vst v63  }
0x75: {  	s9 =	simm.s32 $0x13000;
	v3 =	vadd.s32 v1, v3  }
0x76: {  	[tilespmem:s9], [sflag:$0x5] =	stream.indirect_vreg.gather [hbm4b:s7+s0], $0x80, v4, vm0, $0xb8;
	[tilespmem:$0x1E800] =	vst v63  }
0x77: {  	s14 =	simm.s32 $0x13800  }
0x78: {  	[tilespmem:s14], [sflag:$0x5] =	stream.indirect_vreg.gather [hbm4b:s8+s0], $0x80, v4, vm0, $0xb8;
	[tilespmem:$0x1E800] =	vst v63  }
0x79: {  	s16 =	simm.s32 $0x14000  }
0x7a: {  	[tilespmem:s16], [sflag:$0x5] =	stream.indirect_vreg.gather [hbm4b:s1+s0], $0x80, v3, vm0, $0xb8;
	[tilespmem:$0x1E800] =	vst v63  }
0x7b: {  	s17 =	simm.s32 $0x14800  }
0x7c: {  	[tilespmem:s17], [sflag:$0x5] =	stream.indirect_vreg.gather [hbm4b:s7+s0], $0x80, v3, vm0, $0xb8;
	[tilespmem:$0x1E800] =	vst v63  }
0x7d: {  	s18 =	simm.s32 $0x15000  }
0x7e: {  	[tilespmem:s18], [sflag:$0x5] =	stream.indirect_vreg.gather [hbm4b:s8+s0], $0x80, v3, vm0, $0xb8;
	[tilespmem:$0x1E800] =	vst v63  }
0x7f: {  	v3 =	vld [tilespmem:s6+$0x6010];
	_ =	sdelay $0x4  }
0x80: {  	v63 =	vshrl.u32 v3, $0x3  }
0x81: {  	v4 =	vmul.u32 $0x30, v63  }
0x82: {  	v3 =	vand.u32 $0x7, v3  }
0x83: {  	v3 =	vor.u32 v3, v4  }
0x84: {  	v4 =	vperm.xlane v3, v0;
	_ =	sdelay $0x1  }
0x85: {  	v4 =	vadd.s32 v1, v4;
	_ =	sdelay $0x3  }
0x86: {  	s10 =	simm.s32 $0x15800;
	v3 =	vperm.xlane v3, v2  }
0x87: {  	[tilespmem:s10], [sflag:$0x5] =	stream.indirect_vreg.gather [hbm4b:s1+s0], $0x80, v4, vm0, $0xb8;
	[tilespmem:$0x1E800] =	vst v63  }
0x88: {  	s13 =	simm.s32 $0x16000;
	v3 =	vadd.s32 v1, v3  }
0x89: {  	[tilespmem:s13], [sflag:$0x5] =	stream.indirect_vreg.gather [hbm4b:s7+s0], $0x80, v4, vm0, $0xb8;
	[tilespmem:$0x1E800] =	vst v63  }
0x8a: {  	s14 =	simm.s32 $0x16800  }
0x8b: {  	[tilespmem:s14], [sflag:$0x5] =	stream.indirect_vreg.gather [hbm4b:s8+s0], $0x80, v4, vm0, $0xb8;
	[tilespmem:$0x1E800] =	vst v63  }
0x8c: {  	s16 =	simm.s32 $0x17000  }
0x8d: {  	[tilespmem:s16], [sflag:$0x5] =	stream.indirect_vreg.gather [hbm4b:s1+s0], $0x80, v3, vm0, $0xb8;
	[tilespmem:$0x1E800] =	vst v63  }
0x8e: {  	s17 =	simm.s32 $0x17800  }
0x8f: {  	[tilespmem:s17], [sflag:$0x5] =	stream.indirect_vreg.gather [hbm4b:s7+s0], $0x80, v3, vm0, $0xb8;
	[tilespmem:$0x1E800] =	vst v63  }
0x90: {  	s18 =	simm.s32 $0x18000  }
0x91: {  	[tilespmem:s18], [sflag:$0x5] =	stream.indirect_vreg.gather [hbm4b:s8+s0], $0x80, v3, vm0, $0xb8;
	[tilespmem:$0x1E800] =	vst v63  }
0x92: {  	_ =	swait.ge [sflag:s12], $0x6000  }
0x93: {  	[sflag:s12] =	ssyncset.done $0x0  }
0x94: {  	s30 =	simm.s32 $0xFFFFFFFE;
	[sflag:s12] =	ssyncadd.s32 $0xFFFFA000  }
.LBB2_3:
0x95: {  	s30 =	sadd.s32 $0x2, s30  }
0x96: {  	s6 =	sshrl.u32 s30, $0x3  }
0x97: {  	s14 =	smul.u32 $0x1800, s6  }
0x98: {  	s18 =	sand.u32 $0x300, s0  }
0x99: {  	s6 =	sor.u32 s18, s14  }
0x9a: {  	v3 =	vld [tilespmem:s6+$0x0]  }
0x9b: {  	v4 =	vld [tilespmem:s6+$0x20]  }
0x9c: {  	v5 =	vld [tilespmem:s6+$0x30]  }
0x9d: {  	v6 =	vld [tilespmem:s6+$0x40]  }
0x9e: {  	v7 =	vld [tilespmem:s6+$0x50]  }
0x9f: {  	v32 =	vld [tilespmem:s6+$0x70]  }
0xa0: {  	v33 =	vld [tilespmem:s6+$0x400]  }
0xa1: {  	v34 =	vld [tilespmem:s6+$0x410]  }
0xa2: {  	v35 =	vld [tilespmem:s6+$0x420]  }
0xa3: {  	v36 =	vld [tilespmem:s6+$0x440]  }
0xa4: {  	v37 =	vld [tilespmem:s6+$0x450]  }
0xa5: {  	v38 =	vld [tilespmem:s6+$0x460]  }
0xa6: {  	v39 =	vld [tilespmem:s6+$0x470]  }
0xa7: {  	[tilespmem:s6+$0x6800] =	vst.add.f32.msk $0xffff, v3  }
0xa8: {  	v3 =	vld [tilespmem:s6+$0x10]  }
0xa9: {  	[tilespmem:s6+$0x6820] =	vst.add.f32.msk $0xffff, v4  }
0xaa: {  	[tilespmem:s6+$0x6830] =	vst.add.f32.msk $0xffff, v5  }
0xab: {  	[tilespmem:s6+$0x6840] =	vst.add.f32.msk $0xffff, v6  }
0xac: {  	[tilespmem:s6+$0x6850] =	vst.add.f32.msk $0xffff, v7  }
0xad: {  	[tilespmem:s6+$0x6810] =	vst.add.f32.msk $0xffff, v3  }
0xae: {  	v3 =	vld [tilespmem:s6+$0x60]  }
0xaf: {  	[tilespmem:s6+$0x6870] =	vst.add.f32.msk $0xffff, v32  }
0xb0: {  	[tilespmem:s6+$0x6C00] =	vst.add.f32.msk $0xffff, v33  }
0xb1: {  	[tilespmem:s6+$0x6C10] =	vst.add.f32.msk $0xffff, v34  }
0xb2: {  	[tilespmem:s6+$0x6C20] =	vst.add.f32.msk $0xffff, v35  }
0xb3: {  	[tilespmem:s6+$0x6860] =	vst.add.f32.msk $0xffff, v3  }
0xb4: {  	v3 =	vld [tilespmem:s6+$0x430]  }
0xb5: {  	[tilespmem:s6+$0x6C40] =	vst.add.f32.msk $0xffff, v36  }
0xb6: {  	[tilespmem:s6+$0x6C50] =	vst.add.f32.msk $0xffff, v37  }
0xb7: {  	[tilespmem:s6+$0x6C60] =	vst.add.f32.msk $0xffff, v38  }
0xb8: {  	s16 =	sadd.s32 $0x800, s14;
	[tilespmem:s6+$0x6C70] =	vst.add.f32.msk $0xffff, v39  }
0xb9: {  	s13 =	sor.u32 s18, s16;
	[tilespmem:s6+$0x6C30] =	vst.add.f32.msk $0xffff, v3  }
0xba: {  	v3 =	vld [tilespmem:s13+$0x0]  }
0xbb: {  	v4 =	vld [tilespmem:s13+$0x10]  }
0xbc: {  	v5 =	vld [tilespmem:s13+$0x20]  }
0xbd: {  	v40 =	vld [tilespmem:s13+$0x40]  }
0xbe: {  	v41 =	vld [tilespmem:s13+$0x50]  }
0xbf: {  	v6 =	vld [tilespmem:s13+$0x60]  }
0xc0: {  	v7 =	vld [tilespmem:s13+$0x70]  }
0xc1: {  	[tilespmem:s13+$0x6800] =	vst.add.f32.msk $0xffff, v3  }
0xc2: {  	[tilespmem:s13+$0x6810] =	vst.add.f32.msk $0xffff, v4  }
0xc3: {  	[tilespmem:s13+$0x6820] =	vst.add.f32.msk $0xffff, v5  }
0xc4: {  	v3 =	vld [tilespmem:s13+$0x30]  }
0xc5: {  	[tilespmem:s13+$0x6840] =	vst.add.f32.msk $0xffff, v40  }
0xc6: {  	[tilespmem:s13+$0x6850] =	vst.add.f32.msk $0xffff, v41  }
0xc7: {  	[tilespmem:s13+$0x6860] =	vst.add.f32.msk $0xffff, v6  }
0xc8: {  	s17 =	sadd.s32 $0xC00, s14;
	[tilespmem:s13+$0x6870] =	vst.add.f32.msk $0xffff, v7  }
0xc9: {  	s9 =	sor.u32 s18, s17;
	[tilespmem:s13+$0x6830] =	vst.add.f32.msk $0xffff, v3  }
0xca: {  	v3 =	vld [tilespmem:s9+$0x0]  }
0xcb: {  	v4 =	vld [tilespmem:s9+$0x10]  }
0xcc: {  	v5 =	vld [tilespmem:s9+$0x20]  }
0xcd: {  	v42 =	vld [tilespmem:s9+$0x40]  }
0xce: {  	v43 =	vld [tilespmem:s9+$0x50]  }
0xcf: {  	v6 =	vld [tilespmem:s9+$0x60]  }
0xd0: {  	v7 =	vld [tilespmem:s9+$0x70]  }
0xd1: {  	[tilespmem:s9+$0x6800] =	vst.add.f32.msk $0xffff, v3  }
0xd2: {  	[tilespmem:s9+$0x6810] =	vst.add.f32.msk $0xffff, v4  }
0xd3: {  	[tilespmem:s9+$0x6820] =	vst.add.f32.msk $0xffff, v5  }
0xd4: {  	v3 =	vld [tilespmem:s9+$0x30]  }
0xd5: {  	[tilespmem:s9+$0x6840] =	vst.add.f32.msk $0xffff, v42  }
0xd6: {  	[tilespmem:s9+$0x6850] =	vst.add.f32.msk $0xffff, v43  }
0xd7: {  	[tilespmem:s9+$0x6860] =	vst.add.f32.msk $0xffff, v6  }
0xd8: {  	s6 =	sadd.s32 $0x1000, s14;
	[tilespmem:s9+$0x6870] =	vst.add.f32.msk $0xffff, v7  }
0xd9: {  	s10 =	sor.u32 s18, s6;
	[tilespmem:s9+$0x6830] =	vst.add.f32.msk $0xffff, v3  }
0xda: {  	v3 =	vld [tilespmem:s10+$0x0]  }
0xdb: {  	v4 =	vld [tilespmem:s10+$0x10]  }
0xdc: {  	v5 =	vld [tilespmem:s10+$0x20]  }
0xdd: {  	v44 =	vld [tilespmem:s10+$0x40]  }
0xde: {  	v45 =	vld [tilespmem:s10+$0x50]  }
0xdf: {  	v6 =	vld [tilespmem:s10+$0x60]  }
0xe0: {  	v7 =	vld [tilespmem:s10+$0x70]  }
0xe1: {  	[tilespmem:s10+$0x6800] =	vst.add.f32.msk $0xffff, v3  }
0xe2: {  	[tilespmem:s10+$0x6810] =	vst.add.f32.msk $0xffff, v4  }
0xe3: {  	[tilespmem:s10+$0x6820] =	vst.add.f32.msk $0xffff, v5  }
0xe4: {  	v3 =	vld [tilespmem:s10+$0x30]  }
0xe5: {  	[tilespmem:s10+$0x6840] =	vst.add.f32.msk $0xffff, v44  }
0xe6: {  	[tilespmem:s10+$0x6850] =	vst.add.f32.msk $0xffff, v45  }
0xe7: {  	[tilespmem:s10+$0x6860] =	vst.add.f32.msk $0xffff, v6  }
0xe8: {  	s9 =	sadd.s32 $0x1400, s14;
	[tilespmem:s10+$0x6870] =	vst.add.f32.msk $0xffff, v7  }
0xe9: {  	s13 =	sor.u32 s18, s9;
	[tilespmem:s10+$0x6830] =	vst.add.f32.msk $0xffff, v3  }
0xea: {  	v3 =	vld [tilespmem:s13+$0x0]  }
0xeb: {  	v4 =	vld [tilespmem:s13+$0x10]  }
0xec: {  	v5 =	vld [tilespmem:s13+$0x20]  }
0xed: {  	v46 =	vld [tilespmem:s13+$0x40]  }
0xee: {  	v47 =	vld [tilespmem:s13+$0x50]  }
0xef: {  	v6 =	vld [tilespmem:s13+$0x60]  }
0xf0: {  	v7 =	vld [tilespmem:s13+$0x70]  }
0xf1: {  	[tilespmem:s13+$0x6800] =	vst.add.f32.msk $0xffff, v3  }
0xf2: {  	[tilespmem:s13+$0x6810] =	vst.add.f32.msk $0xffff, v4  }
0xf3: {  	[tilespmem:s13+$0x6820] =	vst.add.f32.msk $0xffff, v5  }
0xf4: {  	v3 =	vld [tilespmem:s13+$0x30]  }
0xf5: {  	[tilespmem:s13+$0x6840] =	vst.add.f32.msk $0xffff, v46  }
0xf6: {  	[tilespmem:s13+$0x6850] =	vst.add.f32.msk $0xffff, v47  }
0xf7: {  	[tilespmem:s13+$0x6860] =	vst.add.f32.msk $0xffff, v6  }
0xf8: {  	s18 =	sor.u32 $0x80, s18;
	[tilespmem:s13+$0x6870] =	vst.add.f32.msk $0xffff, v7  }
0xf9: {  	s14 =	sor.u32 s14, s18;
	[tilespmem:s13+$0x6830] =	vst.add.f32.msk $0xffff, v3  }
0xfa: {  	v3 =	vld [tilespmem:s14+$0x0]  }
0xfb: {  	v4 =	vld [tilespmem:s14+$0x20]  }
0xfc: {  	v5 =	vld [tilespmem:s14+$0x30]  }
0xfd: {  	v6 =	vld [tilespmem:s14+$0x40]  }
0xfe: {  	v7 =	vld [tilespmem:s14+$0x50]  }
0xff: {  	v48 =	vld [tilespmem:s14+$0x70]  }
0x100: {  	v49 =	vld [tilespmem:s14+$0x400]  }
0x101: {  	v50 =	vld [tilespmem:s14+$0x410]  }
0x102: {  	v51 =	vld [tilespmem:s14+$0x420]  }
0x103: {  	v52 =	vld [tilespmem:s14+$0x440]  }
0x104: {  	v53 =	vld [tilespmem:s14+$0x450]  }
0x105: {  	v54 =	vld [tilespmem:s14+$0x460]  }
0x106: {  	v55 =	vld [tilespmem:s14+$0x470]  }
0x107: {  	[tilespmem:s14+$0x6800] =	vst.add.f32.msk $0xffff, v3  }
0x108: {  	v3 =	vld [tilespmem:s14+$0x10]  }
0x109: {  	[tilespmem:s14+$0x6820] =	vst.add.f32.msk $0xffff, v4  }
0x10a: {  	[tilespmem:s14+$0x6830] =	vst.add.f32.msk $0xffff, v5  }
0x10b: {  	[tilespmem:s14+$0x6840] =	vst.add.f32.msk $0xffff, v6  }
0x10c: {  	[tilespmem:s14+$0x6850] =	vst.add.f32.msk $0xffff, v7  }
0x10d: {  	[tilespmem:s14+$0x6810] =	vst.add.f32.msk $0xffff, v3  }
0x10e: {  	v3 =	vld [tilespmem:s14+$0x60]  }
0x10f: {  	[tilespmem:s14+$0x6870] =	vst.add.f32.msk $0xffff, v48  }
0x110: {  	[tilespmem:s14+$0x6C00] =	vst.add.f32.msk $0xffff, v49  }
0x111: {  	[tilespmem:s14+$0x6C10] =	vst.add.f32.msk $0xffff, v50  }
0x112: {  	[tilespmem:s14+$0x6C20] =	vst.add.f32.msk $0xffff, v51  }
0x113: {  	[tilespmem:s14+$0x6860] =	vst.add.f32.msk $0xffff, v3  }
0x114: {  	v3 =	vld [tilespmem:s14+$0x430]  }
0x115: {  	[tilespmem:s14+$0x6C40] =	vst.add.f32.msk $0xffff, v52  }
0x116: {  	[tilespmem:s14+$0x6C50] =	vst.add.f32.msk $0xffff, v53  }
0x117: {  	[tilespmem:s14+$0x6C60] =	vst.add.f32.msk $0xffff, v54  }
0x118: {  	[tilespmem:s14+$0x6C70] =	vst.add.f32.msk $0xffff, v55  }
0x119: {  	s16 =	sor.u32 s18, s16;
	[tilespmem:s14+$0x6C30] =	vst.add.f32.msk $0xffff, v3  }
0x11a: {  	v3 =	vld [tilespmem:s16+$0x0]  }
0x11b: {  	v4 =	vld [tilespmem:s16+$0x10]  }
0x11c: {  	v5 =	vld [tilespmem:s16+$0x20]  }
0x11d: {  	v56 =	vld [tilespmem:s16+$0x40]  }
0x11e: {  	v57 =	vld [tilespmem:s16+$0x50]  }
0x11f: {  	v6 =	vld [tilespmem:s16+$0x60]  }
0x120: {  	v7 =	vld [tilespmem:s16+$0x70]  }
0x121: {  	[tilespmem:s16+$0x6800] =	vst.add.f32.msk $0xffff, v3  }
0x122: {  	[tilespmem:s16+$0x6810] =	vst.add.f32.msk $0xffff, v4  }
0x123: {  	[tilespmem:s16+$0x6820] =	vst.add.f32.msk $0xffff, v5  }
0x124: {  	v3 =	vld [tilespmem:s16+$0x30]  }
0x125: {  	[tilespmem:s16+$0x6840] =	vst.add.f32.msk $0xffff, v56  }
0x126: {  	[tilespmem:s16+$0x6850] =	vst.add.f32.msk $0xffff, v57  }
0x127: {  	[tilespmem:s16+$0x6860] =	vst.add.f32.msk $0xffff, v6  }
0x128: {  	[tilespmem:s16+$0x6870] =	vst.add.f32.msk $0xffff, v7  }
0x129: {  	s17 =	sor.u32 s18, s17;
	[tilespmem:s16+$0x6830] =	vst.add.f32.msk $0xffff, v3  }
0x12a: {  	v3 =	vld [tilespmem:s17+$0x0]  }
0x12b: {  	v4 =	vld [tilespmem:s17+$0x10]  }
0x12c: {  	v5 =	vld [tilespmem:s17+$0x20]  }
0x12d: {  	v58 =	vld [tilespmem:s17+$0x40]  }
0x12e: {  	v59 =	vld [tilespmem:s17+$0x50]  }
0x12f: {  	v6 =	vld [tilespmem:s17+$0x60]  }
0x130: {  	v7 =	vld [tilespmem:s17+$0x70]  }
0x131: {  	[tilespmem:s17+$0x6800] =	vst.add.f32.msk $0xffff, v3  }
0x132: {  	[tilespmem:s17+$0x6810] =	vst.add.f32.msk $0xffff, v4  }
0x133: {  	[tilespmem:s17+$0x6820] =	vst.add.f32.msk $0xffff, v5  }
0x134: {  	v3 =	vld [tilespmem:s17+$0x30]  }
0x135: {  	[tilespmem:s17+$0x6840] =	vst.add.f32.msk $0xffff, v58  }
0x136: {  	[tilespmem:s17+$0x6850] =	vst.add.f32.msk $0xffff, v59  }
0x137: {  	[tilespmem:s17+$0x6860] =	vst.add.f32.msk $0xffff, v6  }
0x138: {  	[tilespmem:s17+$0x6870] =	vst.add.f32.msk $0xffff, v7  }
0x139: {  	s6 =	sor.u32 s18, s6;
	[tilespmem:s17+$0x6830] =	vst.add.f32.msk $0xffff, v3  }
0x13a: {  	v3 =	vld [tilespmem:s6+$0x0]  }
0x13b: {  	v4 =	vld [tilespmem:s6+$0x10]  }
0x13c: {  	v5 =	vld [tilespmem:s6+$0x20]  }
0x13d: {  	v60 =	vld [tilespmem:s6+$0x40]  }
0x13e: {  	v61 =	vld [tilespmem:s6+$0x50]  }
0x13f: {  	v6 =	vld [tilespmem:s6+$0x60]  }
0x140: {  	v7 =	vld [tilespmem:s6+$0x70]  }
0x141: {  	[tilespmem:s6+$0x6800] =	vst.add.f32.msk $0xffff, v3  }
0x142: {  	[tilespmem:s6+$0x6810] =	vst.add.f32.msk $0xffff, v4  }
0x143: {  	[tilespmem:s6+$0x6820] =	vst.add.f32.msk $0xffff, v5  }
0x144: {  	v3 =	vld [tilespmem:s6+$0x30]  }
0x145: {  	[tilespmem:s6+$0x6840] =	vst.add.f32.msk $0xffff, v60  }
0x146: {  	[tilespmem:s6+$0x6850] =	vst.add.f32.msk $0xffff, v61  }
0x147: {  	[tilespmem:s6+$0x6860] =	vst.add.f32.msk $0xffff, v6  }
0x148: {  	[tilespmem:s6+$0x6870] =	vst.add.f32.msk $0xffff, v7  }
0x149: {  	s18 =	sor.u32 s18, s9;
	[tilespmem:s6+$0x6830] =	vst.add.f32.msk $0xffff, v3  }
0x14a: {  	v3 =	vld [tilespmem:s18+$0x0]  }
0x14b: {  	v4 =	vld [tilespmem:s18+$0x10]  }
0x14c: {  	v5 =	vld [tilespmem:s18+$0x20]  }
0x14d: {  	v62 =	vld [tilespmem:s18+$0x40]  }
0x14e: {  	v63 =	vld [tilespmem:s18+$0x50]  }
0x14f: {  	v6 =	vld [tilespmem:s18+$0x60]  }
0x150: {  	v7 =	vld [tilespmem:s18+$0x70]  }
0x151: {  	[tilespmem:s18+$0x6800] =	vst.add.f32.msk $0xffff, v3  }
0x152: {  	[tilespmem:s18+$0x6810] =	vst.add.f32.msk $0xffff, v4  }
0x153: {  	[tilespmem:s18+$0x6820] =	vst.add.f32.msk $0xffff, v5  }
0x154: {  	p1 =	slt.u32 s30, $0x1E;
	v3 =	vld [tilespmem:s18+$0x30]  }
.Ltmp0:
0x155: {  	[tilespmem:s18+$0x6840] =	vst.add.f32.msk $0xffff, v62;
	(pc) =	sbr.rel @p1 .LBB2_3-.Ltmp0, $4  }
0x156: {  	[tilespmem:s18+$0x6850] =	vst.add.f32.msk $0xffff, v63  }
0x157: {  	[tilespmem:s18+$0x6860] =	vst.add.f32.msk $0xffff, v6  }
0x158: {  	[tilespmem:s18+$0x6870] =	vst.add.f32.msk $0xffff, v7  }
0x159: {  	s0 =	sadd.s32 $0x100, s0;
	[tilespmem:s18+$0x6830] =	vst.add.f32.msk $0xffff, v3  }
0x15a: {  	s0 =	sshll.u32 s29, $0xC  }
0x15b: {  	s0 =	sor.u32 s5, s0  }
0x15c: {  	s0 =	sshrl.u32 s0, $0x3  }
0x15d: {  	s0 =	smul.u32 $0x300, s0;
	_ =	sdelay $0x1  }
0x15e: {  	s9 =	simm.s32 $0x6800;
	s6 =	sadd.s32 s3, s0  }
0x15f: {  	[hbm4b:s6+s4] =	stream.linear.scatter [tilespmem:s9], [sflag:$0x7], $0x6000, $0x38;
	[tilespmem:$0x1E800] =	vst v63  }
0x160: {  	s6 =	simm.s32 @!p0 $0xA  }
0x161: {  	s30 =	sor.u32 $0x3, s2;
	_ =	swait.ge @!p0 [sflag:s6], $0x6000  }
0x162: {  	s2 =	sshll.u32 s30, $0x5;
	[sflag:s6] =	ssyncset.done @!p0 $0x0  }
0x163: {  	s17 =	sand.u32 $0x3FFFFFE0, s2;
	[sflag:s6] =	ssyncadd.s32 @!p0 $0xFFFFA000  }
0x164: {  	v3 =	vld [tilespmem:s17+$0x6000];
	_ =	sdelay $0x4  }
0x165: {  	v4 =	vshrl.u32 v3, $0x3  }
0x166: {  	v4 =	vmul.u32 $0x30, v4  }
0x167: {  	v3 =	vand.u32 $0x7, v3  }
0x168: {  	v3 =	vor.u32 v3, v4  }
0x169: {  	v4 =	vperm.xlane v3, v0;
	_ =	sdelay $0x1  }
0x16a: {  	v4 =	vadd.s32 v1, v4;
	_ =	sdelay $0x3  }
0x16b: {  	s2 =	simm.s32 $0x0;
	v3 =	vperm.xlane v3, v2  }
0x16c: {  	[tilespmem:s15], [sflag:$0x6] =	stream.indirect_vreg.gather [hbm4b:s1+s2], $0x80, v4, vm0, $0xb8;
	[tilespmem:$0x1E800] =	vst v63  }
0x16d: {  	s18 =	simm.s32 $0x19000;
	v3 =	vadd.s32 v1, v3  }
0x16e: {  	[tilespmem:s18], [sflag:$0x6] =	stream.indirect_vreg.gather [hbm4b:s7+s2], $0x80, v4, vm0, $0xb8;
	[tilespmem:$0x1E800] =	vst v63  }
0x16f: {  	s10 =	simm.s32 $0x19800  }
0x170: {  	[tilespmem:s10], [sflag:$0x6] =	stream.indirect_vreg.gather [hbm4b:s8+s2], $0x80, v4, vm0, $0xb8;
	[tilespmem:$0x1E800] =	vst v63  }
0x171: {  	s13 =	simm.s32 $0x1A000  }
0x172: {  	[tilespmem:s13], [sflag:$0x6] =	stream.indirect_vreg.gather [hbm4b:s1+s2], $0x80, v3, vm0, $0xb8;
	[tilespmem:$0x1E800] =	vst v63  }
0x173: {  	s14 =	simm.s32 $0x1A800  }
0x174: {  	[tilespmem:s14], [sflag:$0x6] =	stream.indirect_vreg.gather [hbm4b:s7+s2], $0x80, v3, vm0, $0xb8;
	[tilespmem:$0x1E800] =	vst v63  }
0x175: {  	s16 =	simm.s32 $0x1B000  }
0x176: {  	[tilespmem:s16], [sflag:$0x6] =	stream.indirect_vreg.gather [hbm4b:s8+s2], $0x80, v3, vm0, $0xb8;
	[tilespmem:$0x1E800] =	vst v63  }
0x177: {  	v3 =	vld [tilespmem:s17+$0x6010];
	_ =	sdelay $0x4  }
0x178: {  	v63 =	vshrl.u32 v3, $0x3  }
0x179: {  	v4 =	vmul.u32 $0x30, v63  }
0x17a: {  	v3 =	vand.u32 $0x7, v3  }
0x17b: {  	v3 =	vor.u32 v3, v4  }
0x17c: {  	v4 =	vperm.xlane v3, v0;
	_ =	sdelay $0x1  }
0x17d: {  	v4 =	vadd.s32 v1, v4;
	_ =	sdelay $0x3  }
0x17e: {  	s17 =	simm.s32 $0x1B800;
	v3 =	vperm.xlane v3, v2  }
0x17f: {  	[tilespmem:s17], [sflag:$0x6] =	stream.indirect_vreg.gather [hbm4b:s1+s2], $0x80, v4, vm0, $0xb8;
	[tilespmem:$0x1E800] =	vst v63  }
0x180: {  	s18 =	simm.s32 $0x1C000;
	v3 =	vadd.s32 v1, v3  }
0x181: {  	[tilespmem:s18], [sflag:$0x6] =	stream.indirect_vreg.gather [hbm4b:s7+s2], $0x80, v4, vm0, $0xb8;
	[tilespmem:$0x1E800] =	vst v63  }
0x182: {  	_ = 	snop  }
0x183: {  	[tilespmem:s19], [sflag:$0x6] =	stream.indirect_vreg.gather [hbm4b:s8+s2], $0x80, v4, vm0, $0xb8;
	[tilespmem:$0x1E800] =	vst v63  }
0x184: {  	_ = 	snop  }
0x185: {  	[tilespmem:s21], [sflag:$0x6] =	stream.indirect_vreg.gather [hbm4b:s1+s2], $0x80, v3, vm0, $0xb8;
	[tilespmem:$0x1E800] =	vst v63  }
0x186: {  	_ = 	snop  }
0x187: {  	[tilespmem:s22], [sflag:$0x6] =	stream.indirect_vreg.gather [hbm4b:s7+s2], $0x80, v3, vm0, $0xb8;
	[tilespmem:$0x1E800] =	vst v63  }
0x188: {  	_ = 	snop  }
0x189: {  	[tilespmem:s23], [sflag:$0x6] =	stream.indirect_vreg.gather [hbm4b:s8+s2], $0x80, v3, vm0, $0xb8;
	[tilespmem:$0x1E800] =	vst v63  }
0x18a: {  	_ =	swait.ge [sflag:s24], $0x6000  }
0x18b: {  	[sflag:s24] =	ssyncset.done $0x0  }
0x18c: {  	s14 =	simm.s32 $0xFFFFFFFE;
	[sflag:s24] =	ssyncadd.s32 $0xFFFFA000  }
.LBB2_5:
0x18d: {  	s14 =	sadd.s32 $0x2, s14  }
0x18e: {  	s6 =	sshrl.u32 s14, $0x3  }
0x18f: {  	s16 =	smul.u32 $0x1800, s6  }
0x190: {  	s6 =	sand.u32 $0x300, s2  }
0x191: {  	s9 =	sor.u32 s6, s16  }
0x192: {  	v3 =	vld [tilespmem:s9+$0x0]  }
0x193: {  	v4 =	vld [tilespmem:s9+$0x20]  }
0x194: {  	v5 =	vld [tilespmem:s9+$0x30]  }
0x195: {  	v6 =	vld [tilespmem:s9+$0x40]  }
0x196: {  	v7 =	vld [tilespmem:s9+$0x50]  }
0x197: {  	v32 =	vld [tilespmem:s9+$0x70]  }
0x198: {  	v33 =	vld [tilespmem:s9+$0x400]  }
0x199: {  	v34 =	vld [tilespmem:s9+$0x410]  }
0x19a: {  	v35 =	vld [tilespmem:s9+$0x420]  }
0x19b: {  	v36 =	vld [tilespmem:s9+$0x440]  }
0x19c: {  	v37 =	vld [tilespmem:s9+$0x450]  }
0x19d: {  	v38 =	vld [tilespmem:s9+$0x460]  }
0x19e: {  	v39 =	vld [tilespmem:s9+$0x470]  }
0x19f: {  	[tilespmem:s9+$0xC800] =	vst.add.f32.msk $0xffff, v3  }
0x1a0: {  	v3 =	vld [tilespmem:s9+$0x10]  }
0x1a1: {  	[tilespmem:s9+$0xC820] =	vst.add.f32.msk $0xffff, v4  }
0x1a2: {  	[tilespmem:s9+$0xC830] =	vst.add.f32.msk $0xffff, v5  }
0x1a3: {  	[tilespmem:s9+$0xC840] =	vst.add.f32.msk $0xffff, v6  }
0x1a4: {  	[tilespmem:s9+$0xC850] =	vst.add.f32.msk $0xffff, v7  }
0x1a5: {  	[tilespmem:s9+$0xC810] =	vst.add.f32.msk $0xffff, v3  }
0x1a6: {  	v3 =	vld [tilespmem:s9+$0x60]  }
0x1a7: {  	[tilespmem:s9+$0xC870] =	vst.add.f32.msk $0xffff, v32  }
0x1a8: {  	[tilespmem:s9+$0xCC00] =	vst.add.f32.msk $0xffff, v33  }
0x1a9: {  	[tilespmem:s9+$0xCC10] =	vst.add.f32.msk $0xffff, v34  }
0x1aa: {  	[tilespmem:s9+$0xCC20] =	vst.add.f32.msk $0xffff, v35  }
0x1ab: {  	[tilespmem:s9+$0xC860] =	vst.add.f32.msk $0xffff, v3  }
0x1ac: {  	v3 =	vld [tilespmem:s9+$0x430]  }
0x1ad: {  	[tilespmem:s9+$0xCC40] =	vst.add.f32.msk $0xffff, v36  }
0x1ae: {  	[tilespmem:s9+$0xCC50] =	vst.add.f32.msk $0xffff, v37  }
0x1af: {  	[tilespmem:s9+$0xCC60] =	vst.add.f32.msk $0xffff, v38  }
0x1b0: {  	s17 =	sadd.s32 $0x800, s16;
	[tilespmem:s9+$0xCC70] =	vst.add.f32.msk $0xffff, v39  }
0x1b1: {  	s13 =	sor.u32 s6, s17;
	[tilespmem:s9+$0xCC30] =	vst.add.f32.msk $0xffff, v3  }
0x1b2: {  	v3 =	vld [tilespmem:s13+$0x0]  }
0x1b3: {  	v4 =	vld [tilespmem:s13+$0x10]  }
0x1b4: {  	v5 =	vld [tilespmem:s13+$0x20]  }
0x1b5: {  	v40 =	vld [tilespmem:s13+$0x40]  }
0x1b6: {  	v41 =	vld [tilespmem:s13+$0x50]  }
0x1b7: {  	v6 =	vld [tilespmem:s13+$0x60]  }
0x1b8: {  	v7 =	vld [tilespmem:s13+$0x70]  }
0x1b9: {  	[tilespmem:s13+$0xC800] =	vst.add.f32.msk $0xffff, v3  }
0x1ba: {  	[tilespmem:s13+$0xC810] =	vst.add.f32.msk $0xffff, v4  }
0x1bb: {  	[tilespmem:s13+$0xC820] =	vst.add.f32.msk $0xffff, v5  }
0x1bc: {  	v3 =	vld [tilespmem:s13+$0x30]  }
0x1bd: {  	[tilespmem:s13+$0xC840] =	vst.add.f32.msk $0xffff, v40  }
0x1be: {  	[tilespmem:s13+$0xC850] =	vst.add.f32.msk $0xffff, v41  }
0x1bf: {  	[tilespmem:s13+$0xC860] =	vst.add.f32.msk $0xffff, v6  }
0x1c0: {  	s18 =	sadd.s32 $0xC00, s16;
	[tilespmem:s13+$0xC870] =	vst.add.f32.msk $0xffff, v7  }
0x1c1: {  	s10 =	sor.u32 s6, s18;
	[tilespmem:s13+$0xC830] =	vst.add.f32.msk $0xffff, v3  }
0x1c2: {  	v3 =	vld [tilespmem:s10+$0x0]  }
0x1c3: {  	v4 =	vld [tilespmem:s10+$0x10]  }
0x1c4: {  	v5 =	vld [tilespmem:s10+$0x20]  }
0x1c5: {  	v42 =	vld [tilespmem:s10+$0x40]  }
0x1c6: {  	v43 =	vld [tilespmem:s10+$0x50]  }
0x1c7: {  	v6 =	vld [tilespmem:s10+$0x60]  }
0x1c8: {  	v7 =	vld [tilespmem:s10+$0x70]  }
0x1c9: {  	[tilespmem:s10+$0xC800] =	vst.add.f32.msk $0xffff, v3  }
0x1ca: {  	[tilespmem:s10+$0xC810] =	vst.add.f32.msk $0xffff, v4  }
0x1cb: {  	[tilespmem:s10+$0xC820] =	vst.add.f32.msk $0xffff, v5  }
0x1cc: {  	v3 =	vld [tilespmem:s10+$0x30]  }
0x1cd: {  	[tilespmem:s10+$0xC840] =	vst.add.f32.msk $0xffff, v42  }
0x1ce: {  	[tilespmem:s10+$0xC850] =	vst.add.f32.msk $0xffff, v43  }
0x1cf: {  	[tilespmem:s10+$0xC860] =	vst.add.f32.msk $0xffff, v6  }
0x1d0: {  	s9 =	sadd.s32 $0x1000, s16;
	[tilespmem:s10+$0xC870] =	vst.add.f32.msk $0xffff, v7  }
0x1d1: {  	s13 =	sor.u32 s6, s9;
	[tilespmem:s10+$0xC830] =	vst.add.f32.msk $0xffff, v3  }
0x1d2: {  	v3 =	vld [tilespmem:s13+$0x0]  }
0x1d3: {  	v4 =	vld [tilespmem:s13+$0x10]  }
0x1d4: {  	v5 =	vld [tilespmem:s13+$0x20]  }
0x1d5: {  	v44 =	vld [tilespmem:s13+$0x40]  }
0x1d6: {  	v45 =	vld [tilespmem:s13+$0x50]  }
0x1d7: {  	v6 =	vld [tilespmem:s13+$0x60]  }
0x1d8: {  	v7 =	vld [tilespmem:s13+$0x70]  }
0x1d9: {  	[tilespmem:s13+$0xC800] =	vst.add.f32.msk $0xffff, v3  }
0x1da: {  	[tilespmem:s13+$0xC810] =	vst.add.f32.msk $0xffff, v4  }
0x1db: {  	[tilespmem:s13+$0xC820] =	vst.add.f32.msk $0xffff, v5  }
0x1dc: {  	v3 =	vld [tilespmem:s13+$0x30]  }
0x1dd: {  	[tilespmem:s13+$0xC840] =	vst.add.f32.msk $0xffff, v44  }
0x1de: {  	[tilespmem:s13+$0xC850] =	vst.add.f32.msk $0xffff, v45  }
0x1df: {  	[tilespmem:s13+$0xC860] =	vst.add.f32.msk $0xffff, v6  }
0x1e0: {  	s10 =	sadd.s32 $0x1400, s16;
	[tilespmem:s13+$0xC870] =	vst.add.f32.msk $0xffff, v7  }
0x1e1: {  	[tilespmem:s13+$0xC830] =	vst.add.f32.msk $0xffff, v3;
	s13 =	sor.u32 s6, s10  }
0x1e2: {  	v3 =	vld [tilespmem:s13+$0x0]  }
0x1e3: {  	v4 =	vld [tilespmem:s13+$0x10]  }
0x1e4: {  	v5 =	vld [tilespmem:s13+$0x20]  }
0x1e5: {  	v46 =	vld [tilespmem:s13+$0x40]  }
0x1e6: {  	v47 =	vld [tilespmem:s13+$0x50]  }
0x1e7: {  	v6 =	vld [tilespmem:s13+$0x60]  }
0x1e8: {  	v7 =	vld [tilespmem:s13+$0x70]  }
0x1e9: {  	[tilespmem:s13+$0xC800] =	vst.add.f32.msk $0xffff, v3  }
0x1ea: {  	[tilespmem:s13+$0xC810] =	vst.add.f32.msk $0xffff, v4  }
0x1eb: {  	[tilespmem:s13+$0xC820] =	vst.add.f32.msk $0xffff, v5  }
0x1ec: {  	v3 =	vld [tilespmem:s13+$0x30]  }
0x1ed: {  	[tilespmem:s13+$0xC840] =	vst.add.f32.msk $0xffff, v46  }
0x1ee: {  	[tilespmem:s13+$0xC850] =	vst.add.f32.msk $0xffff, v47  }
0x1ef: {  	[tilespmem:s13+$0xC860] =	vst.add.f32.msk $0xffff, v6  }
0x1f0: {  	s6 =	sor.u32 $0x80, s6;
	[tilespmem:s13+$0xC870] =	vst.add.f32.msk $0xffff, v7  }
0x1f1: {  	s16 =	sor.u32 s16, s6;
	[tilespmem:s13+$0xC830] =	vst.add.f32.msk $0xffff, v3  }
0x1f2: {  	v3 =	vld [tilespmem:s16+$0x0]  }
0x1f3: {  	v4 =	vld [tilespmem:s16+$0x20]  }
0x1f4: {  	v5 =	vld [tilespmem:s16+$0x30]  }
0x1f5: {  	v6 =	vld [tilespmem:s16+$0x40]  }
0x1f6: {  	v7 =	vld [tilespmem:s16+$0x50]  }
0x1f7: {  	v48 =	vld [tilespmem:s16+$0x70]  }
0x1f8: {  	v49 =	vld [tilespmem:s16+$0x400]  }
0x1f9: {  	v50 =	vld [tilespmem:s16+$0x410]  }
0x1fa: {  	v51 =	vld [tilespmem:s16+$0x420]  }
0x1fb: {  	v52 =	vld [tilespmem:s16+$0x440]  }
0x1fc: {  	v53 =	vld [tilespmem:s16+$0x450]  }
0x1fd: {  	v54 =	vld [tilespmem:s16+$0x460]  }
0x1fe: {  	v55 =	vld [tilespmem:s16+$0x470]  }
0x1ff: {  	[tilespmem:s16+$0xC800] =	vst.add.f32.msk $0xffff, v3  }
0x200: {  	v3 =	vld [tilespmem:s16+$0x10]  }
0x201: {  	[tilespmem:s16+$0xC820] =	vst.add.f32.msk $0xffff, v4  }
0x202: {  	[tilespmem:s16+$0xC830] =	vst.add.f32.msk $0xffff, v5  }
0x203: {  	[tilespmem:s16+$0xC840] =	vst.add.f32.msk $0xffff, v6  }
0x204: {  	[tilespmem:s16+$0xC850] =	vst.add.f32.msk $0xffff, v7  }
0x205: {  	[tilespmem:s16+$0xC810] =	vst.add.f32.msk $0xffff, v3  }
0x206: {  	v3 =	vld [tilespmem:s16+$0x60]  }
0x207: {  	[tilespmem:s16+$0xC870] =	vst.add.f32.msk $0xffff, v48  }
0x208: {  	[tilespmem:s16+$0xCC00] =	vst.add.f32.msk $0xffff, v49  }
0x209: {  	[tilespmem:s16+$0xCC10] =	vst.add.f32.msk $0xffff, v50  }
0x20a: {  	[tilespmem:s16+$0xCC20] =	vst.add.f32.msk $0xffff, v51  }
0x20b: {  	[tilespmem:s16+$0xC860] =	vst.add.f32.msk $0xffff, v3  }
0x20c: {  	v3 =	vld [tilespmem:s16+$0x430]  }
0x20d: {  	[tilespmem:s16+$0xCC40] =	vst.add.f32.msk $0xffff, v52  }
0x20e: {  	[tilespmem:s16+$0xCC50] =	vst.add.f32.msk $0xffff, v53  }
0x20f: {  	[tilespmem:s16+$0xCC60] =	vst.add.f32.msk $0xffff, v54  }
0x210: {  	[tilespmem:s16+$0xCC70] =	vst.add.f32.msk $0xffff, v55  }
0x211: {  	s17 =	sor.u32 s6, s17;
	[tilespmem:s16+$0xCC30] =	vst.add.f32.msk $0xffff, v3  }
0x212: {  	v3 =	vld [tilespmem:s17+$0x0]  }
0x213: {  	v4 =	vld [tilespmem:s17+$0x10]  }
0x214: {  	v5 =	vld [tilespmem:s17+$0x20]  }
0x215: {  	v56 =	vld [tilespmem:s17+$0x40]  }
0x216: {  	v57 =	vld [tilespmem:s17+$0x50]  }
0x217: {  	v6 =	vld [tilespmem:s17+$0x60]  }
0x218: {  	v7 =	vld [tilespmem:s17+$0x70]  }
0x219: {  	[tilespmem:s17+$0xC800] =	vst.add.f32.msk $0xffff, v3  }
0x21a: {  	[tilespmem:s17+$0xC810] =	vst.add.f32.msk $0xffff, v4  }
0x21b: {  	[tilespmem:s17+$0xC820] =	vst.add.f32.msk $0xffff, v5  }
0x21c: {  	v3 =	vld [tilespmem:s17+$0x30]  }
0x21d: {  	[tilespmem:s17+$0xC840] =	vst.add.f32.msk $0xffff, v56  }
0x21e: {  	[tilespmem:s17+$0xC850] =	vst.add.f32.msk $0xffff, v57  }
0x21f: {  	[tilespmem:s17+$0xC860] =	vst.add.f32.msk $0xffff, v6  }
0x220: {  	[tilespmem:s17+$0xC870] =	vst.add.f32.msk $0xffff, v7  }
0x221: {  	s18 =	sor.u32 s6, s18;
	[tilespmem:s17+$0xC830] =	vst.add.f32.msk $0xffff, v3  }
0x222: {  	v3 =	vld [tilespmem:s18+$0x0]  }
0x223: {  	v4 =	vld [tilespmem:s18+$0x10]  }
0x224: {  	v5 =	vld [tilespmem:s18+$0x20]  }
0x225: {  	v58 =	vld [tilespmem:s18+$0x40]  }
0x226: {  	v59 =	vld [tilespmem:s18+$0x50]  }
0x227: {  	v6 =	vld [tilespmem:s18+$0x60]  }
0x228: {  	v7 =	vld [tilespmem:s18+$0x70]  }
0x229: {  	[tilespmem:s18+$0xC800] =	vst.add.f32.msk $0xffff, v3  }
0x22a: {  	[tilespmem:s18+$0xC810] =	vst.add.f32.msk $0xffff, v4  }
0x22b: {  	[tilespmem:s18+$0xC820] =	vst.add.f32.msk $0xffff, v5  }
0x22c: {  	v3 =	vld [tilespmem:s18+$0x30]  }
0x22d: {  	[tilespmem:s18+$0xC840] =	vst.add.f32.msk $0xffff, v58  }
0x22e: {  	[tilespmem:s18+$0xC850] =	vst.add.f32.msk $0xffff, v59  }
0x22f: {  	[tilespmem:s18+$0xC860] =	vst.add.f32.msk $0xffff, v6  }
0x230: {  	[tilespmem:s18+$0xC870] =	vst.add.f32.msk $0xffff, v7  }
0x231: {  	s9 =	sor.u32 s6, s9;
	[tilespmem:s18+$0xC830] =	vst.add.f32.msk $0xffff, v3  }
0x232: {  	v3 =	vld [tilespmem:s9+$0x0]  }
0x233: {  	v4 =	vld [tilespmem:s9+$0x10]  }
0x234: {  	v5 =	vld [tilespmem:s9+$0x20]  }
0x235: {  	v60 =	vld [tilespmem:s9+$0x40]  }
0x236: {  	v61 =	vld [tilespmem:s9+$0x50]  }
0x237: {  	v6 =	vld [tilespmem:s9+$0x60]  }
0x238: {  	v7 =	vld [tilespmem:s9+$0x70]  }
0x239: {  	[tilespmem:s9+$0xC800] =	vst.add.f32.msk $0xffff, v3  }
0x23a: {  	[tilespmem:s9+$0xC810] =	vst.add.f32.msk $0xffff, v4  }
0x23b: {  	[tilespmem:s9+$0xC820] =	vst.add.f32.msk $0xffff, v5  }
0x23c: {  	v3 =	vld [tilespmem:s9+$0x30]  }
0x23d: {  	[tilespmem:s9+$0xC840] =	vst.add.f32.msk $0xffff, v60  }
0x23e: {  	[tilespmem:s9+$0xC850] =	vst.add.f32.msk $0xffff, v61  }
0x23f: {  	[tilespmem:s9+$0xC860] =	vst.add.f32.msk $0xffff, v6  }
0x240: {  	[tilespmem:s9+$0xC870] =	vst.add.f32.msk $0xffff, v7  }
0x241: {  	s6 =	sor.u32 s6, s10;
	[tilespmem:s9+$0xC830] =	vst.add.f32.msk $0xffff, v3  }
0x242: {  	v3 =	vld [tilespmem:s6+$0x0]  }
0x243: {  	v4 =	vld [tilespmem:s6+$0x10]  }
0x244: {  	v5 =	vld [tilespmem:s6+$0x20]  }
0x245: {  	v62 =	vld [tilespmem:s6+$0x40]  }
0x246: {  	v63 =	vld [tilespmem:s6+$0x50]  }
0x247: {  	v6 =	vld [tilespmem:s6+$0x60]  }
0x248: {  	v7 =	vld [tilespmem:s6+$0x70]  }
0x249: {  	[tilespmem:s6+$0xC800] =	vst.add.f32.msk $0xffff, v3  }
0x24a: {  	[tilespmem:s6+$0xC810] =	vst.add.f32.msk $0xffff, v4  }
0x24b: {  	[tilespmem:s6+$0xC820] =	vst.add.f32.msk $0xffff, v5  }
0x24c: {  	p0 =	slt.u32 s14, $0x1E;
	v3 =	vld [tilespmem:s6+$0x30]  }
.Ltmp1:
0x24d: {  	[tilespmem:s6+$0xC840] =	vst.add.f32.msk $0xffff, v62;
	(pc) =	sbr.rel @p0 .LBB2_5-.Ltmp1, $4  }
0x24e: {  	[tilespmem:s6+$0xC850] =	vst.add.f32.msk $0xffff, v63  }
0x24f: {  	[tilespmem:s6+$0xC860] =	vst.add.f32.msk $0xffff, v6  }
0x250: {  	[tilespmem:s6+$0xC870] =	vst.add.f32.msk $0xffff, v7  }
0x251: {  	s2 =	sadd.s32 $0x100, s2;
	[tilespmem:s6+$0xC830] =	vst.add.f32.msk $0xffff, v3  }
0x252: {  	s0 =	sadd.s32 s11, s0;
	p0 =	seq.s32 s29, $0xF  }
0x253: {  	[hbm4b:s0+s4] =	stream.linear.scatter [tilespmem:s26], [sflag:$0x8], $0x6000, $0x38;
	[tilespmem:$0x1E800] =	vst v63  }
0x254: {  	s0 =	simm.s32 @!p0 $0x7  }
0x255: {  	_ =	swait.ge @!p0 [sflag:s0], $0x6000  }
0x256: {  	s2 =	sshll.u32 @!p0 s29, $0x7;
	[sflag:s0] =	ssyncset.done @!p0 $0x0  }
0x257: {  	s2 =	sand.u32 @!p0 $0x3FFFFF80, s2;
	[sflag:s0] =	ssyncadd.s32 @!p0 $0xFFFFA000  }
0x258: {  	v3 =	vld @!p0 [tilespmem:s2+$0x6080];
	_ =	sdelay $0x4  }
0x259: {  	v4 =	vshrl.u32 @!p0 v3, $0x3  }
0x25a: {  	v4 =	vmul.u32 @!p0 $0x30, v4  }
0x25b: {  	v5 =	vlaneseq.u32 @!p0;
	v3 =	vand.u32 @!p0 $0x7, v3  }
0x25c: {  	v6 =	vshrl.u32 @!p0 v5, $0x3;
	v3 =	vor.u32 @!p0 v3, v4;
	v4 =	vand.u32 @!p0 $0x7, v5  }
0x25d: {  	v6 =	vmul.u32 @!p0 $0x8, v6;
	v7 =	vperm.xlane @!p0 v3, v4;
	_ =	sdelay $0x1  }
0x25e: {  	v7 =	vadd.s32 @!p0 v6, v7;
	_ =	sdelay $0x2  }
0x25f: {  	v5 =	vor.u32 @!p0 $0x8, v5  }
0x260: {  	vm1 =	vmmov @!p0 $0xffff;
	s6 =	simm.s32 @!p0 $0x6800;
	s0 =	simm.s32 @!p0 $0x0;
	v3 =	vperm.xlane @!p0 v3, v5  }
0x261: {  	[tilespmem:s6], [sflag:$0x3] =	stream.indirect_vreg.gather @!p0 [hbm4b:s1+s0], $0x80, v7, vm1, $0xb8;
	[tilespmem:$0x1E800] =	vst v63  }
0x262: {  	v3 =	vadd.s32 @!p0 v6, v3;
	s6 =	simm.s32 @!p0 $0x7000  }
0x263: {  	[tilespmem:s6], [sflag:$0x3] =	stream.indirect_vreg.gather @!p0 [hbm4b:s7+s0], $0x80, v7, vm1, $0xb8;
	[tilespmem:$0x1E800] =	vst v63  }
0x264: {  	s6 =	simm.s32 @!p0 $0x7800  }
0x265: {  	[tilespmem:s6], [sflag:$0x3] =	stream.indirect_vreg.gather @!p0 [hbm4b:s8+s0], $0x80, v7, vm1, $0xb8;
	[tilespmem:$0x1E800] =	vst v63  }
0x266: {  	s6 =	simm.s32 @!p0 $0x8000  }
0x267: {  	[tilespmem:s6], [sflag:$0x3] =	stream.indirect_vreg.gather @!p0 [hbm4b:s1+s0], $0x80, v3, vm1, $0xb8;
	[tilespmem:$0x1E800] =	vst v63  }
0x268: {  	s6 =	simm.s32 @!p0 $0x8800  }
0x269: {  	[tilespmem:s6], [sflag:$0x3] =	stream.indirect_vreg.gather @!p0 [hbm4b:s7+s0], $0x80, v3, vm1, $0xb8;
	[tilespmem:$0x1E800] =	vst v63  }
0x26a: {  	s6 =	simm.s32 @!p0 $0x9000  }
0x26b: {  	[tilespmem:s6], [sflag:$0x3] =	stream.indirect_vreg.gather @!p0 [hbm4b:s8+s0], $0x80, v3, vm1, $0xb8;
	[tilespmem:$0x1E800] =	vst v63  }
0x26c: {  	v3 =	vld @!p0 [tilespmem:s2+$0x6090];
	_ =	sdelay $0x4  }
0x26d: {  	v7 =	vshrl.u32 @!p0 v3, $0x3  }
0x26e: {  	v7 =	vmul.u32 @!p0 $0x30, v7  }
0x26f: {  	v3 =	vand.u32 @!p0 $0x7, v3  }
0x270: {  	v3 =	vor.u32 @!p0 v3, v7  }
0x271: {  	v4 =	vperm.xlane @!p0 v3, v4;
	_ =	sdelay $0x1  }
0x272: {  	v4 =	vadd.s32 @!p0 v6, v4;
	_ =	sdelay $0x3  }
0x273: {  	s6 =	simm.s32 @!p0 $0x9800;
	v3 =	vperm.xlane @!p0 v3, v5  }
0x274: {  	[tilespmem:s6], [sflag:$0x3] =	stream.indirect_vreg.gather @!p0 [hbm4b:s1+s0], $0x80, v4, vm1, $0xb8;
	[tilespmem:$0x1E800] =	vst v63  }
0x275: {  	v3 =	vadd.s32 @!p0 v6, v3;
	s6 =	simm.s32 @!p0 $0xA000  }
0x276: {  	[tilespmem:s6], [sflag:$0x3] =	stream.indirect_vreg.gather @!p0 [hbm4b:s7+s0], $0x80, v4, vm1, $0xb8;
	[tilespmem:$0x1E800] =	vst v63  }
0x277: {  	s6 =	simm.s32 @!p0 $0xA800  }
0x278: {  	[tilespmem:s6], [sflag:$0x3] =	stream.indirect_vreg.gather @!p0 [hbm4b:s8+s0], $0x80, v4, vm1, $0xb8;
	[tilespmem:$0x1E800] =	vst v63  }
0x279: {  	s6 =	simm.s32 @!p0 $0xB000  }
0x27a: {  	[tilespmem:s6], [sflag:$0x3] =	stream.indirect_vreg.gather @!p0 [hbm4b:s1+s0], $0x80, v3, vm1, $0xb8;
	[tilespmem:$0x1E800] =	vst v63  }
0x27b: {  	s6 =	simm.s32 @!p0 $0xB800  }
0x27c: {  	[tilespmem:s6], [sflag:$0x3] =	stream.indirect_vreg.gather @!p0 [hbm4b:s7+s0], $0x80, v3, vm1, $0xb8;
	[tilespmem:$0x1E800] =	vst v63  }
0x27d: {  	s6 =	simm.s32 @!p0 $0xC000  }
0x27e: {  	[tilespmem:s6], [sflag:$0x3] =	stream.indirect_vreg.gather @!p0 [hbm4b:s8+s0], $0x80, v3, vm1, $0xb8;
	[tilespmem:$0x1E800] =	vst v63  }
0x27f: {  	_ =	swait.ge [sflag:s25], $0x6000  }
0x280: {  	[sflag:s25] =	ssyncset.done $0x0  }
0x281: {  	s14 =	simm.s32 $0x0;
	s0 =	simm.s32 $0xFFFFFFFE;
	[sflag:s25] =	ssyncadd.s32 $0xFFFFA000  }
.LBB2_7:
0x282: {  	s0 =	sadd.s32 $0x2, s0  }
0x283: {  	s6 =	sshrl.u32 s0, $0x3  }
0x284: {  	s16 =	smul.u32 $0x1800, s6  }
0x285: {  	s6 =	sand.u32 $0x300, s14  }
0x286: {  	s9 =	sor.u32 s6, s16  }
0x287: {  	v3 =	vld [tilespmem:s9+$0x0]  }
0x288: {  	v4 =	vld [tilespmem:s9+$0x20]  }
0x289: {  	v5 =	vld [tilespmem:s9+$0x30]  }
0x28a: {  	v6 =	vld [tilespmem:s9+$0x40]  }
0x28b: {  	v7 =	vld [tilespmem:s9+$0x50]  }
0x28c: {  	v32 =	vld [tilespmem:s9+$0x70]  }
0x28d: {  	v33 =	vld [tilespmem:s9+$0x400]  }
0x28e: {  	v34 =	vld [tilespmem:s9+$0x410]  }
0x28f: {  	v35 =	vld [tilespmem:s9+$0x420]  }
0x290: {  	v36 =	vld [tilespmem:s9+$0x440]  }
0x291: {  	v37 =	vld [tilespmem:s9+$0x450]  }
0x292: {  	v38 =	vld [tilespmem:s9+$0x460]  }
0x293: {  	v39 =	vld [tilespmem:s9+$0x470]  }
0x294: {  	[tilespmem:s9+$0x12800] =	vst.add.f32.msk $0xffff, v3  }
0x295: {  	v3 =	vld [tilespmem:s9+$0x10]  }
0x296: {  	[tilespmem:s9+$0x12820] =	vst.add.f32.msk $0xffff, v4  }
0x297: {  	[tilespmem:s9+$0x12830] =	vst.add.f32.msk $0xffff, v5  }
0x298: {  	[tilespmem:s9+$0x12840] =	vst.add.f32.msk $0xffff, v6  }
0x299: {  	[tilespmem:s9+$0x12850] =	vst.add.f32.msk $0xffff, v7  }
0x29a: {  	[tilespmem:s9+$0x12810] =	vst.add.f32.msk $0xffff, v3  }
0x29b: {  	v3 =	vld [tilespmem:s9+$0x60]  }
0x29c: {  	[tilespmem:s9+$0x12870] =	vst.add.f32.msk $0xffff, v32  }
0x29d: {  	[tilespmem:s9+$0x12C00] =	vst.add.f32.msk $0xffff, v33  }
0x29e: {  	[tilespmem:s9+$0x12C10] =	vst.add.f32.msk $0xffff, v34  }
0x29f: {  	[tilespmem:s9+$0x12C20] =	vst.add.f32.msk $0xffff, v35  }
0x2a0: {  	[tilespmem:s9+$0x12860] =	vst.add.f32.msk $0xffff, v3  }
0x2a1: {  	v3 =	vld [tilespmem:s9+$0x430]  }
0x2a2: {  	[tilespmem:s9+$0x12C40] =	vst.add.f32.msk $0xffff, v36  }
0x2a3: {  	[tilespmem:s9+$0x12C50] =	vst.add.f32.msk $0xffff, v37  }
0x2a4: {  	[tilespmem:s9+$0x12C60] =	vst.add.f32.msk $0xffff, v38  }
0x2a5: {  	s17 =	sadd.s32 $0x800, s16;
	[tilespmem:s9+$0x12C70] =	vst.add.f32.msk $0xffff, v39  }
0x2a6: {  	s13 =	sor.u32 s6, s17;
	[tilespmem:s9+$0x12C30] =	vst.add.f32.msk $0xffff, v3  }
0x2a7: {  	v3 =	vld [tilespmem:s13+$0x0]  }
0x2a8: {  	v4 =	vld [tilespmem:s13+$0x10]  }
0x2a9: {  	v5 =	vld [tilespmem:s13+$0x20]  }
0x2aa: {  	v40 =	vld [tilespmem:s13+$0x40]  }
0x2ab: {  	v41 =	vld [tilespmem:s13+$0x50]  }
0x2ac: {  	v6 =	vld [tilespmem:s13+$0x60]  }
0x2ad: {  	v7 =	vld [tilespmem:s13+$0x70]  }
0x2ae: {  	[tilespmem:s13+$0x12800] =	vst.add.f32.msk $0xffff, v3  }
0x2af: {  	[tilespmem:s13+$0x12810] =	vst.add.f32.msk $0xffff, v4  }
0x2b0: {  	[tilespmem:s13+$0x12820] =	vst.add.f32.msk $0xffff, v5  }
0x2b1: {  	v3 =	vld [tilespmem:s13+$0x30]  }
0x2b2: {  	[tilespmem:s13+$0x12840] =	vst.add.f32.msk $0xffff, v40  }
0x2b3: {  	[tilespmem:s13+$0x12850] =	vst.add.f32.msk $0xffff, v41  }
0x2b4: {  	[tilespmem:s13+$0x12860] =	vst.add.f32.msk $0xffff, v6  }
0x2b5: {  	s18 =	sadd.s32 $0xC00, s16;
	[tilespmem:s13+$0x12870] =	vst.add.f32.msk $0xffff, v7  }
0x2b6: {  	s10 =	sor.u32 s6, s18;
	[tilespmem:s13+$0x12830] =	vst.add.f32.msk $0xffff, v3  }
0x2b7: {  	v3 =	vld [tilespmem:s10+$0x0]  }
0x2b8: {  	v4 =	vld [tilespmem:s10+$0x10]  }
0x2b9: {  	v5 =	vld [tilespmem:s10+$0x20]  }
0x2ba: {  	v42 =	vld [tilespmem:s10+$0x40]  }
0x2bb: {  	v43 =	vld [tilespmem:s10+$0x50]  }
0x2bc: {  	v6 =	vld [tilespmem:s10+$0x60]  }
0x2bd: {  	v7 =	vld [tilespmem:s10+$0x70]  }
0x2be: {  	[tilespmem:s10+$0x12800] =	vst.add.f32.msk $0xffff, v3  }
0x2bf: {  	[tilespmem:s10+$0x12810] =	vst.add.f32.msk $0xffff, v4  }
0x2c0: {  	[tilespmem:s10+$0x12820] =	vst.add.f32.msk $0xffff, v5  }
0x2c1: {  	v3 =	vld [tilespmem:s10+$0x30]  }
0x2c2: {  	[tilespmem:s10+$0x12840] =	vst.add.f32.msk $0xffff, v42  }
0x2c3: {  	[tilespmem:s10+$0x12850] =	vst.add.f32.msk $0xffff, v43  }
0x2c4: {  	[tilespmem:s10+$0x12860] =	vst.add.f32.msk $0xffff, v6  }
0x2c5: {  	s9 =	sadd.s32 $0x1000, s16;
	[tilespmem:s10+$0x12870] =	vst.add.f32.msk $0xffff, v7  }
0x2c6: {  	s13 =	sor.u32 s6, s9;
	[tilespmem:s10+$0x12830] =	vst.add.f32.msk $0xffff, v3  }
0x2c7: {  	v3 =	vld [tilespmem:s13+$0x0]  }
0x2c8: {  	v4 =	vld [tilespmem:s13+$0x10]  }
0x2c9: {  	v5 =	vld [tilespmem:s13+$0x20]  }
0x2ca: {  	v44 =	vld [tilespmem:s13+$0x40]  }
0x2cb: {  	v45 =	vld [tilespmem:s13+$0x50]  }
0x2cc: {  	v6 =	vld [tilespmem:s13+$0x60]  }
0x2cd: {  	v7 =	vld [tilespmem:s13+$0x70]  }
0x2ce: {  	[tilespmem:s13+$0x12800] =	vst.add.f32.msk $0xffff, v3  }
0x2cf: {  	[tilespmem:s13+$0x12810] =	vst.add.f32.msk $0xffff, v4  }
0x2d0: {  	[tilespmem:s13+$0x12820] =	vst.add.f32.msk $0xffff, v5  }
0x2d1: {  	v3 =	vld [tilespmem:s13+$0x30]  }
0x2d2: {  	[tilespmem:s13+$0x12840] =	vst.add.f32.msk $0xffff, v44  }
0x2d3: {  	[tilespmem:s13+$0x12850] =	vst.add.f32.msk $0xffff, v45  }
0x2d4: {  	[tilespmem:s13+$0x12860] =	vst.add.f32.msk $0xffff, v6  }
0x2d5: {  	s10 =	sadd.s32 $0x1400, s16;
	[tilespmem:s13+$0x12870] =	vst.add.f32.msk $0xffff, v7  }
0x2d6: {  	[tilespmem:s13+$0x12830] =	vst.add.f32.msk $0xffff, v3;
	s13 =	sor.u32 s6, s10  }
0x2d7: {  	v3 =	vld [tilespmem:s13+$0x0]  }
0x2d8: {  	v4 =	vld [tilespmem:s13+$0x10]  }
0x2d9: {  	v5 =	vld [tilespmem:s13+$0x20]  }
0x2da: {  	v46 =	vld [tilespmem:s13+$0x40]  }
0x2db: {  	v47 =	vld [tilespmem:s13+$0x50]  }
0x2dc: {  	v6 =	vld [tilespmem:s13+$0x60]  }
0x2dd: {  	v7 =	vld [tilespmem:s13+$0x70]  }
0x2de: {  	[tilespmem:s13+$0x12800] =	vst.add.f32.msk $0xffff, v3  }
0x2df: {  	[tilespmem:s13+$0x12810] =	vst.add.f32.msk $0xffff, v4  }
0x2e0: {  	[tilespmem:s13+$0x12820] =	vst.add.f32.msk $0xffff, v5  }
0x2e1: {  	v3 =	vld [tilespmem:s13+$0x30]  }
0x2e2: {  	[tilespmem:s13+$0x12840] =	vst.add.f32.msk $0xffff, v46  }
0x2e3: {  	[tilespmem:s13+$0x12850] =	vst.add.f32.msk $0xffff, v47  }
0x2e4: {  	[tilespmem:s13+$0x12860] =	vst.add.f32.msk $0xffff, v6  }
0x2e5: {  	s6 =	sor.u32 $0x80, s6;
	[tilespmem:s13+$0x12870] =	vst.add.f32.msk $0xffff, v7  }
0x2e6: {  	s16 =	sor.u32 s16, s6;
	[tilespmem:s13+$0x12830] =	vst.add.f32.msk $0xffff, v3  }
0x2e7: {  	v3 =	vld [tilespmem:s16+$0x0]  }
0x2e8: {  	v4 =	vld [tilespmem:s16+$0x20]  }
0x2e9: {  	v5 =	vld [tilespmem:s16+$0x30]  }
0x2ea: {  	v6 =	vld [tilespmem:s16+$0x40]  }
0x2eb: {  	v7 =	vld [tilespmem:s16+$0x50]  }
0x2ec: {  	v48 =	vld [tilespmem:s16+$0x70]  }
0x2ed: {  	v49 =	vld [tilespmem:s16+$0x400]  }
0x2ee: {  	v50 =	vld [tilespmem:s16+$0x410]  }
0x2ef: {  	v51 =	vld [tilespmem:s16+$0x420]  }
0x2f0: {  	v52 =	vld [tilespmem:s16+$0x440]  }
0x2f1: {  	v53 =	vld [tilespmem:s16+$0x450]  }
0x2f2: {  	v54 =	vld [tilespmem:s16+$0x460]  }
0x2f3: {  	v55 =	vld [tilespmem:s16+$0x470]  }
0x2f4: {  	[tilespmem:s16+$0x12800] =	vst.add.f32.msk $0xffff, v3  }
0x2f5: {  	v3 =	vld [tilespmem:s16+$0x10]  }
0x2f6: {  	[tilespmem:s16+$0x12820] =	vst.add.f32.msk $0xffff, v4  }
0x2f7: {  	[tilespmem:s16+$0x12830] =	vst.add.f32.msk $0xffff, v5  }
0x2f8: {  	[tilespmem:s16+$0x12840] =	vst.add.f32.msk $0xffff, v6  }
0x2f9: {  	[tilespmem:s16+$0x12850] =	vst.add.f32.msk $0xffff, v7  }
0x2fa: {  	[tilespmem:s16+$0x12810] =	vst.add.f32.msk $0xffff, v3  }
0x2fb: {  	v3 =	vld [tilespmem:s16+$0x60]  }
0x2fc: {  	[tilespmem:s16+$0x12870] =	vst.add.f32.msk $0xffff, v48  }
0x2fd: {  	[tilespmem:s16+$0x12C00] =	vst.add.f32.msk $0xffff, v49  }
0x2fe: {  	[tilespmem:s16+$0x12C10] =	vst.add.f32.msk $0xffff, v50  }
0x2ff: {  	[tilespmem:s16+$0x12C20] =	vst.add.f32.msk $0xffff, v51  }
0x300: {  	[tilespmem:s16+$0x12860] =	vst.add.f32.msk $0xffff, v3  }
0x301: {  	v3 =	vld [tilespmem:s16+$0x430]  }
0x302: {  	[tilespmem:s16+$0x12C40] =	vst.add.f32.msk $0xffff, v52  }
0x303: {  	[tilespmem:s16+$0x12C50] =	vst.add.f32.msk $0xffff, v53  }
0x304: {  	[tilespmem:s16+$0x12C60] =	vst.add.f32.msk $0xffff, v54  }
0x305: {  	[tilespmem:s16+$0x12C70] =	vst.add.f32.msk $0xffff, v55  }
0x306: {  	s17 =	sor.u32 s6, s17;
	[tilespmem:s16+$0x12C30] =	vst.add.f32.msk $0xffff, v3  }
0x307: {  	v3 =	vld [tilespmem:s17+$0x0]  }
0x308: {  	v4 =	vld [tilespmem:s17+$0x10]  }
0x309: {  	v5 =	vld [tilespmem:s17+$0x20]  }
0x30a: {  	v56 =	vld [tilespmem:s17+$0x40]  }
0x30b: {  	v57 =	vld [tilespmem:s17+$0x50]  }
0x30c: {  	v6 =	vld [tilespmem:s17+$0x60]  }
0x30d: {  	v7 =	vld [tilespmem:s17+$0x70]  }
0x30e: {  	[tilespmem:s17+$0x12800] =	vst.add.f32.msk $0xffff, v3  }
0x30f: {  	[tilespmem:s17+$0x12810] =	vst.add.f32.msk $0xffff, v4  }
0x310: {  	[tilespmem:s17+$0x12820] =	vst.add.f32.msk $0xffff, v5  }
0x311: {  	v3 =	vld [tilespmem:s17+$0x30]  }
0x312: {  	[tilespmem:s17+$0x12840] =	vst.add.f32.msk $0xffff, v56  }
0x313: {  	[tilespmem:s17+$0x12850] =	vst.add.f32.msk $0xffff, v57  }
0x314: {  	[tilespmem:s17+$0x12860] =	vst.add.f32.msk $0xffff, v6  }
0x315: {  	[tilespmem:s17+$0x12870] =	vst.add.f32.msk $0xffff, v7  }
0x316: {  	s18 =	sor.u32 s6, s18;
	[tilespmem:s17+$0x12830] =	vst.add.f32.msk $0xffff, v3  }
0x317: {  	v3 =	vld [tilespmem:s18+$0x0]  }
0x318: {  	v4 =	vld [tilespmem:s18+$0x10]  }
0x319: {  	v5 =	vld [tilespmem:s18+$0x20]  }
0x31a: {  	v58 =	vld [tilespmem:s18+$0x40]  }
0x31b: {  	v59 =	vld [tilespmem:s18+$0x50]  }
0x31c: {  	v6 =	vld [tilespmem:s18+$0x60]  }
0x31d: {  	v7 =	vld [tilespmem:s18+$0x70]  }
0x31e: {  	[tilespmem:s18+$0x12800] =	vst.add.f32.msk $0xffff, v3  }
0x31f: {  	[tilespmem:s18+$0x12810] =	vst.add.f32.msk $0xffff, v4  }
0x320: {  	[tilespmem:s18+$0x12820] =	vst.add.f32.msk $0xffff, v5  }
0x321: {  	v3 =	vld [tilespmem:s18+$0x30]  }
0x322: {  	[tilespmem:s18+$0x12840] =	vst.add.f32.msk $0xffff, v58  }
0x323: {  	[tilespmem:s18+$0x12850] =	vst.add.f32.msk $0xffff, v59  }
0x324: {  	[tilespmem:s18+$0x12860] =	vst.add.f32.msk $0xffff, v6  }
0x325: {  	[tilespmem:s18+$0x12870] =	vst.add.f32.msk $0xffff, v7  }
0x326: {  	s9 =	sor.u32 s6, s9;
	[tilespmem:s18+$0x12830] =	vst.add.f32.msk $0xffff, v3  }
0x327: {  	v3 =	vld [tilespmem:s9+$0x0]  }
0x328: {  	v4 =	vld [tilespmem:s9+$0x10]  }
0x329: {  	v5 =	vld [tilespmem:s9+$0x20]  }
0x32a: {  	v60 =	vld [tilespmem:s9+$0x40]  }
0x32b: {  	v61 =	vld [tilespmem:s9+$0x50]  }
0x32c: {  	v6 =	vld [tilespmem:s9+$0x60]  }
0x32d: {  	v7 =	vld [tilespmem:s9+$0x70]  }
0x32e: {  	[tilespmem:s9+$0x12800] =	vst.add.f32.msk $0xffff, v3  }
0x32f: {  	[tilespmem:s9+$0x12810] =	vst.add.f32.msk $0xffff, v4  }
0x330: {  	[tilespmem:s9+$0x12820] =	vst.add.f32.msk $0xffff, v5  }
0x331: {  	v3 =	vld [tilespmem:s9+$0x30]  }
0x332: {  	[tilespmem:s9+$0x12840] =	vst.add.f32.msk $0xffff, v60  }
0x333: {  	[tilespmem:s9+$0x12850] =	vst.add.f32.msk $0xffff, v61  }
0x334: {  	[tilespmem:s9+$0x12860] =	vst.add.f32.msk $0xffff, v6  }
0x335: {  	[tilespmem:s9+$0x12870] =	vst.add.f32.msk $0xffff, v7  }
0x336: {  	s6 =	sor.u32 s6, s10;
	[tilespmem:s9+$0x12830] =	vst.add.f32.msk $0xffff, v3  }
0x337: {  	v3 =	vld [tilespmem:s6+$0x0]  }
0x338: {  	v4 =	vld [tilespmem:s6+$0x10]  }
0x339: {  	v5 =	vld [tilespmem:s6+$0x20]  }
0x33a: {  	v62 =	vld [tilespmem:s6+$0x40]  }
0x33b: {  	v63 =	vld [tilespmem:s6+$0x50]  }
0x33c: {  	v6 =	vld [tilespmem:s6+$0x60]  }
0x33d: {  	v7 =	vld [tilespmem:s6+$0x70]  }
0x33e: {  	[tilespmem:s6+$0x12800] =	vst.add.f32.msk $0xffff, v3  }
0x33f: {  	[tilespmem:s6+$0x12810] =	vst.add.f32.msk $0xffff, v4  }
0x340: {  	[tilespmem:s6+$0x12820] =	vst.add.f32.msk $0xffff, v5  }
0x341: {  	p1 =	slt.u32 s0, $0x1E;
	v3 =	vld [tilespmem:s6+$0x30]  }
.Ltmp2:
0x342: {  	[tilespmem:s6+$0x12840] =	vst.add.f32.msk $0xffff, v62;
	(pc) =	sbr.rel @p1 .LBB2_7-.Ltmp2, $4  }
0x343: {  	[tilespmem:s6+$0x12850] =	vst.add.f32.msk $0xffff, v63  }
0x344: {  	[tilespmem:s6+$0x12860] =	vst.add.f32.msk $0xffff, v6  }
0x345: {  	[tilespmem:s6+$0x12870] =	vst.add.f32.msk $0xffff, v7  }
0x346: {  	s14 =	sadd.s32 $0x100, s14;
	[tilespmem:s6+$0x12830] =	vst.add.f32.msk $0xffff, v3  }
0x347: {  	s0 =	sshll.u32 s31, $0xA  }
0x348: {  	s0 =	sor.u32 s5, s0  }
0x349: {  	s0 =	sshrl.u32 s0, $0x3  }
0x34a: {  	s0 =	smul.u32 $0x300, s0;
	_ =	sdelay $0x1  }
0x34b: {  	s0 =	sadd.s32 s3, s0  }
0x34c: {  	[hbm4b:s0+s4] =	stream.linear.scatter [tilespmem:s20], [sflag:$0x9], $0x6000, $0x38;
	[tilespmem:$0x1E800] =	vst v63  }
0x34d: {  	s0 =	simm.s32 @!p0 $0x8  }
0x34e: {  	_ =	swait.ge @!p0 [sflag:s0], $0x6000  }
0x34f: {  	[sflag:s0] =	ssyncset.done @!p0 $0x0  }
0x350: {  	[sflag:s0] =	ssyncadd.s32 @!p0 $0xFFFFA000  }
0x351: {  	v3 =	vld @!p0 [tilespmem:s2+$0x60A0];
	_ =	sdelay $0x4  }
0x352: {  	v4 =	vshrl.u32 @!p0 v3, $0x3  }
0x353: {  	v4 =	vmul.u32 @!p0 $0x30, v4  }
0x354: {  	v5 =	vlaneseq.u32 @!p0;
	v3 =	vand.u32 @!p0 $0x7, v3  }
0x355: {  	v6 =	vshrl.u32 @!p0 v5, $0x3;
	v3 =	vor.u32 @!p0 v3, v4;
	v4 =	vand.u32 @!p0 $0x7, v5  }
0x356: {  	v6 =	vmul.u32 @!p0 $0x8, v6;
	v7 =	vperm.xlane @!p0 v3, v4;
	_ =	sdelay $0x1  }
0x357: {  	v7 =	vadd.s32 @!p0 v6, v7;
	_ =	sdelay $0x2  }
0x358: {  	v5 =	vor.u32 @!p0 $0x8, v5  }
0x359: {  	s6 =	simm.s32 @!p0 $0xC800;
	s0 =	simm.s32 @!p0 $0x0;
	v3 =	vperm.xlane @!p0 v3, v5  }
0x35a: {  	[tilespmem:s6], [sflag:$0x4] =	stream.indirect_vreg.gather @!p0 [hbm4b:s1+s0], $0x80, v7, vm1, $0xb8;
	[tilespmem:$0x1E800] =	vst v63  }
0x35b: {  	v3 =	vadd.s32 @!p0 v6, v3;
	s6 =	simm.s32 @!p0 $0xD000  }
0x35c: {  	[tilespmem:s6], [sflag:$0x4] =	stream.indirect_vreg.gather @!p0 [hbm4b:s7+s0], $0x80, v7, vm1, $0xb8;
	[tilespmem:$0x1E800] =	vst v63  }
0x35d: {  	s6 =	simm.s32 @!p0 $0xD800  }
0x35e: {  	[tilespmem:s6], [sflag:$0x4] =	stream.indirect_vreg.gather @!p0 [hbm4b:s8+s0], $0x80, v7, vm1, $0xb8;
	[tilespmem:$0x1E800] =	vst v63  }
0x35f: {  	s6 =	simm.s32 @!p0 $0xE000  }
0x360: {  	[tilespmem:s6], [sflag:$0x4] =	stream.indirect_vreg.gather @!p0 [hbm4b:s1+s0], $0x80, v3, vm1, $0xb8;
	[tilespmem:$0x1E800] =	vst v63  }
0x361: {  	s6 =	simm.s32 @!p0 $0xE800  }
0x362: {  	[tilespmem:s6], [sflag:$0x4] =	stream.indirect_vreg.gather @!p0 [hbm4b:s7+s0], $0x80, v3, vm1, $0xb8;
	[tilespmem:$0x1E800] =	vst v63  }
0x363: {  	s6 =	simm.s32 @!p0 $0xF000  }
0x364: {  	[tilespmem:s6], [sflag:$0x4] =	stream.indirect_vreg.gather @!p0 [hbm4b:s8+s0], $0x80, v3, vm1, $0xb8;
	[tilespmem:$0x1E800] =	vst v63  }
0x365: {  	v3 =	vld @!p0 [tilespmem:s2+$0x60B0];
	_ =	sdelay $0x4  }
0x366: {  	v7 =	vshrl.u32 @!p0 v3, $0x3  }
0x367: {  	v7 =	vmul.u32 @!p0 $0x30, v7  }
0x368: {  	v3 =	vand.u32 @!p0 $0x7, v3  }
0x369: {  	v3 =	vor.u32 @!p0 v3, v7  }
0x36a: {  	v4 =	vperm.xlane @!p0 v3, v4;
	_ =	sdelay $0x1  }
0x36b: {  	v4 =	vadd.s32 @!p0 v6, v4;
	_ =	sdelay $0x3  }
0x36c: {  	s2 =	simm.s32 @!p0 $0xF800;
	v3 =	vperm.xlane @!p0 v3, v5  }
0x36d: {  	[tilespmem:s2], [sflag:$0x4] =	stream.indirect_vreg.gather @!p0 [hbm4b:s1+s0], $0x80, v4, vm1, $0xb8;
	[tilespmem:$0x1E800] =	vst v63  }
0x36e: {  	v3 =	vadd.s32 @!p0 v6, v3;
	s2 =	simm.s32 @!p0 $0x10000  }
0x36f: {  	[tilespmem:s2], [sflag:$0x4] =	stream.indirect_vreg.gather @!p0 [hbm4b:s7+s0], $0x80, v4, vm1, $0xb8;
	[tilespmem:$0x1E800] =	vst v63  }
0x370: {  	s2 =	simm.s32 @!p0 $0x10800  }
0x371: {  	[tilespmem:s2], [sflag:$0x4] =	stream.indirect_vreg.gather @!p0 [hbm4b:s8+s0], $0x80, v4, vm1, $0xb8;
	[tilespmem:$0x1E800] =	vst v63  }
0x372: {  	s2 =	simm.s32 @!p0 $0x11000  }
0x373: {  	[tilespmem:s2], [sflag:$0x4] =	stream.indirect_vreg.gather @!p0 [hbm4b:s1+s0], $0x80, v3, vm1, $0xb8;
	[tilespmem:$0x1E800] =	vst v63  }
0x374: {  	s2 =	simm.s32 @!p0 $0x11800  }
0x375: {  	[tilespmem:s2], [sflag:$0x4] =	stream.indirect_vreg.gather @!p0 [hbm4b:s7+s0], $0x80, v3, vm1, $0xb8;
	[tilespmem:$0x1E800] =	vst v63  }
0x376: {  	s2 =	simm.s32 @!p0 $0x12000  }
0x377: {  	[tilespmem:s2], [sflag:$0x4] =	stream.indirect_vreg.gather @!p0 [hbm4b:s8+s0], $0x80, v3, vm1, $0xb8;
	[tilespmem:$0x1E800] =	vst v63  }
0x378: {  	_ =	swait.ge [sflag:s28], $0x6000  }
0x379: {  	[sflag:s28] =	ssyncset.done $0x0  }
0x37a: {  	s0 =	simm.s32 $0xFFFFFFFE;
	s2 =	simm.s32 $0x0;
	[sflag:s28] =	ssyncadd.s32 $0xFFFFA000  }
.LBB2_9:
0x37b: {  	s0 =	sadd.s32 $0x2, s0  }
0x37c: {  	s6 =	sshrl.u32 s0, $0x3  }
0x37d: {  	s14 =	smul.u32 $0x1800, s6  }
0x37e: {  	s6 =	sand.u32 $0x300, s2  }
0x37f: {  	s9 =	sor.u32 s6, s14  }
0x380: {  	v3 =	vld [tilespmem:s9+$0x0]  }
0x381: {  	v4 =	vld [tilespmem:s9+$0x20]  }
0x382: {  	v5 =	vld [tilespmem:s9+$0x30]  }
0x383: {  	v6 =	vld [tilespmem:s9+$0x40]  }
0x384: {  	v7 =	vld [tilespmem:s9+$0x50]  }
0x385: {  	v32 =	vld [tilespmem:s9+$0x70]  }
0x386: {  	v33 =	vld [tilespmem:s9+$0x400]  }
0x387: {  	v34 =	vld [tilespmem:s9+$0x410]  }
0x388: {  	v35 =	vld [tilespmem:s9+$0x420]  }
0x389: {  	v36 =	vld [tilespmem:s9+$0x440]  }
0x38a: {  	v37 =	vld [tilespmem:s9+$0x450]  }
0x38b: {  	v38 =	vld [tilespmem:s9+$0x460]  }
0x38c: {  	v39 =	vld [tilespmem:s9+$0x470]  }
0x38d: {  	[tilespmem:s9+$0x18800] =	vst.add.f32.msk $0xffff, v3  }
0x38e: {  	v3 =	vld [tilespmem:s9+$0x10]  }
0x38f: {  	[tilespmem:s9+$0x18820] =	vst.add.f32.msk $0xffff, v4  }
0x390: {  	[tilespmem:s9+$0x18830] =	vst.add.f32.msk $0xffff, v5  }
0x391: {  	[tilespmem:s9+$0x18840] =	vst.add.f32.msk $0xffff, v6  }
0x392: {  	[tilespmem:s9+$0x18850] =	vst.add.f32.msk $0xffff, v7  }
0x393: {  	[tilespmem:s9+$0x18810] =	vst.add.f32.msk $0xffff, v3  }
0x394: {  	v3 =	vld [tilespmem:s9+$0x60]  }
0x395: {  	[tilespmem:s9+$0x18870] =	vst.add.f32.msk $0xffff, v32  }
0x396: {  	[tilespmem:s9+$0x18C00] =	vst.add.f32.msk $0xffff, v33  }
0x397: {  	[tilespmem:s9+$0x18C10] =	vst.add.f32.msk $0xffff, v34  }
0x398: {  	[tilespmem:s9+$0x18C20] =	vst.add.f32.msk $0xffff, v35  }
0x399: {  	[tilespmem:s9+$0x18860] =	vst.add.f32.msk $0xffff, v3  }
0x39a: {  	v3 =	vld [tilespmem:s9+$0x430]  }
0x39b: {  	[tilespmem:s9+$0x18C40] =	vst.add.f32.msk $0xffff, v36  }
0x39c: {  	[tilespmem:s9+$0x18C50] =	vst.add.f32.msk $0xffff, v37  }
0x39d: {  	[tilespmem:s9+$0x18C60] =	vst.add.f32.msk $0xffff, v38  }
0x39e: {  	s16 =	sadd.s32 $0x800, s14;
	[tilespmem:s9+$0x18C70] =	vst.add.f32.msk $0xffff, v39  }
0x39f: {  	s18 =	sor.u32 s6, s16;
	[tilespmem:s9+$0x18C30] =	vst.add.f32.msk $0xffff, v3  }
0x3a0: {  	v3 =	vld [tilespmem:s18+$0x0]  }
0x3a1: {  	v4 =	vld [tilespmem:s18+$0x10]  }
0x3a2: {  	v5 =	vld [tilespmem:s18+$0x20]  }
0x3a3: {  	v40 =	vld [tilespmem:s18+$0x40]  }
0x3a4: {  	v41 =	vld [tilespmem:s18+$0x50]  }
0x3a5: {  	v6 =	vld [tilespmem:s18+$0x60]  }
0x3a6: {  	v7 =	vld [tilespmem:s18+$0x70]  }
0x3a7: {  	[tilespmem:s18+$0x18800] =	vst.add.f32.msk $0xffff, v3  }
0x3a8: {  	[tilespmem:s18+$0x18810] =	vst.add.f32.msk $0xffff, v4  }
0x3a9: {  	[tilespmem:s18+$0x18820] =	vst.add.f32.msk $0xffff, v5  }
0x3aa: {  	v3 =	vld [tilespmem:s18+$0x30]  }
0x3ab: {  	[tilespmem:s18+$0x18840] =	vst.add.f32.msk $0xffff, v40  }
0x3ac: {  	[tilespmem:s18+$0x18850] =	vst.add.f32.msk $0xffff, v41  }
0x3ad: {  	[tilespmem:s18+$0x18860] =	vst.add.f32.msk $0xffff, v6  }
0x3ae: {  	s17 =	sadd.s32 $0xC00, s14;
	[tilespmem:s18+$0x18870] =	vst.add.f32.msk $0xffff, v7  }
0x3af: {  	s10 =	sor.u32 s6, s17;
	[tilespmem:s18+$0x18830] =	vst.add.f32.msk $0xffff, v3  }
0x3b0: {  	v3 =	vld [tilespmem:s10+$0x0]  }
0x3b1: {  	v4 =	vld [tilespmem:s10+$0x10]  }
0x3b2: {  	v5 =	vld [tilespmem:s10+$0x20]  }
0x3b3: {  	v42 =	vld [tilespmem:s10+$0x40]  }
0x3b4: {  	v43 =	vld [tilespmem:s10+$0x50]  }
0x3b5: {  	v6 =	vld [tilespmem:s10+$0x60]  }
0x3b6: {  	v7 =	vld [tilespmem:s10+$0x70]  }
0x3b7: {  	[tilespmem:s10+$0x18800] =	vst.add.f32.msk $0xffff, v3  }
0x3b8: {  	[tilespmem:s10+$0x18810] =	vst.add.f32.msk $0xffff, v4  }
0x3b9: {  	[tilespmem:s10+$0x18820] =	vst.add.f32.msk $0xffff, v5  }
0x3ba: {  	v3 =	vld [tilespmem:s10+$0x30]  }
0x3bb: {  	[tilespmem:s10+$0x18840] =	vst.add.f32.msk $0xffff, v42  }
0x3bc: {  	[tilespmem:s10+$0x18850] =	vst.add.f32.msk $0xffff, v43  }
0x3bd: {  	[tilespmem:s10+$0x18860] =	vst.add.f32.msk $0xffff, v6  }
0x3be: {  	s9 =	sadd.s32 $0x1000, s14;
	[tilespmem:s10+$0x18870] =	vst.add.f32.msk $0xffff, v7  }
0x3bf: {  	s13 =	sor.u32 s6, s9;
	[tilespmem:s10+$0x18830] =	vst.add.f32.msk $0xffff, v3  }
0x3c0: {  	v3 =	vld [tilespmem:s13+$0x0]  }
0x3c1: {  	v4 =	vld [tilespmem:s13+$0x10]  }
0x3c2: {  	v5 =	vld [tilespmem:s13+$0x20]  }
0x3c3: {  	v44 =	vld [tilespmem:s13+$0x40]  }
0x3c4: {  	v45 =	vld [tilespmem:s13+$0x50]  }
0x3c5: {  	v6 =	vld [tilespmem:s13+$0x60]  }
0x3c6: {  	v7 =	vld [tilespmem:s13+$0x70]  }
0x3c7: {  	[tilespmem:s13+$0x18800] =	vst.add.f32.msk $0xffff, v3  }
0x3c8: {  	[tilespmem:s13+$0x18810] =	vst.add.f32.msk $0xffff, v4  }
0x3c9: {  	[tilespmem:s13+$0x18820] =	vst.add.f32.msk $0xffff, v5  }
0x3ca: {  	v3 =	vld [tilespmem:s13+$0x30]  }
0x3cb: {  	[tilespmem:s13+$0x18840] =	vst.add.f32.msk $0xffff, v44  }
0x3cc: {  	[tilespmem:s13+$0x18850] =	vst.add.f32.msk $0xffff, v45  }
0x3cd: {  	[tilespmem:s13+$0x18860] =	vst.add.f32.msk $0xffff, v6  }
0x3ce: {  	s10 =	sadd.s32 $0x1400, s14;
	[tilespmem:s13+$0x18870] =	vst.add.f32.msk $0xffff, v7  }
0x3cf: {  	s31 =	sor.u32 s6, s10;
	[tilespmem:s13+$0x18830] =	vst.add.f32.msk $0xffff, v3  }
0x3d0: {  	v3 =	vld [tilespmem:s31+$0x0]  }
0x3d1: {  	v4 =	vld [tilespmem:s31+$0x10]  }
0x3d2: {  	v5 =	vld [tilespmem:s31+$0x20]  }
0x3d3: {  	v46 =	vld [tilespmem:s31+$0x40]  }
0x3d4: {  	v47 =	vld [tilespmem:s31+$0x50]  }
0x3d5: {  	v6 =	vld [tilespmem:s31+$0x60]  }
0x3d6: {  	v7 =	vld [tilespmem:s31+$0x70]  }
0x3d7: {  	[tilespmem:s31+$0x18800] =	vst.add.f32.msk $0xffff, v3  }
0x3d8: {  	[tilespmem:s31+$0x18810] =	vst.add.f32.msk $0xffff, v4  }
0x3d9: {  	[tilespmem:s31+$0x18820] =	vst.add.f32.msk $0xffff, v5  }
0x3da: {  	v3 =	vld [tilespmem:s31+$0x30]  }
0x3db: {  	[tilespmem:s31+$0x18840] =	vst.add.f32.msk $0xffff, v46  }
0x3dc: {  	[tilespmem:s31+$0x18850] =	vst.add.f32.msk $0xffff, v47  }
0x3dd: {  	[tilespmem:s31+$0x18860] =	vst.add.f32.msk $0xffff, v6  }
0x3de: {  	s6 =	sor.u32 $0x80, s6;
	[tilespmem:s31+$0x18870] =	vst.add.f32.msk $0xffff, v7  }
0x3df: {  	s14 =	sor.u32 s14, s6;
	[tilespmem:s31+$0x18830] =	vst.add.f32.msk $0xffff, v3  }
0x3e0: {  	v3 =	vld [tilespmem:s14+$0x0]  }
0x3e1: {  	v4 =	vld [tilespmem:s14+$0x20]  }
0x3e2: {  	v5 =	vld [tilespmem:s14+$0x30]  }
0x3e3: {  	v6 =	vld [tilespmem:s14+$0x40]  }
0x3e4: {  	v7 =	vld [tilespmem:s14+$0x50]  }
0x3e5: {  	v48 =	vld [tilespmem:s14+$0x70]  }
0x3e6: {  	v49 =	vld [tilespmem:s14+$0x400]  }
0x3e7: {  	v50 =	vld [tilespmem:s14+$0x410]  }
0x3e8: {  	v51 =	vld [tilespmem:s14+$0x420]  }
0x3e9: {  	v52 =	vld [tilespmem:s14+$0x440]  }
0x3ea: {  	v53 =	vld [tilespmem:s14+$0x450]  }
0x3eb: {  	v54 =	vld [tilespmem:s14+$0x460]  }
0x3ec: {  	v55 =	vld [tilespmem:s14+$0x470]  }
0x3ed: {  	[tilespmem:s14+$0x18800] =	vst.add.f32.msk $0xffff, v3  }
0x3ee: {  	v3 =	vld [tilespmem:s14+$0x10]  }
0x3ef: {  	[tilespmem:s14+$0x18820] =	vst.add.f32.msk $0xffff, v4  }
0x3f0: {  	[tilespmem:s14+$0x18830] =	vst.add.f32.msk $0xffff, v5  }
0x3f1: {  	[tilespmem:s14+$0x18840] =	vst.add.f32.msk $0xffff, v6  }
0x3f2: {  	[tilespmem:s14+$0x18850] =	vst.add.f32.msk $0xffff, v7  }
0x3f3: {  	[tilespmem:s14+$0x18810] =	vst.add.f32.msk $0xffff, v3  }
0x3f4: {  	v3 =	vld [tilespmem:s14+$0x60]  }
0x3f5: {  	[tilespmem:s14+$0x18870] =	vst.add.f32.msk $0xffff, v48  }
0x3f6: {  	[tilespmem:s14+$0x18C00] =	vst.add.f32.msk $0xffff, v49  }
0x3f7: {  	[tilespmem:s14+$0x18C10] =	vst.add.f32.msk $0xffff, v50  }
0x3f8: {  	[tilespmem:s14+$0x18C20] =	vst.add.f32.msk $0xffff, v51  }
0x3f9: {  	[tilespmem:s14+$0x18860] =	vst.add.f32.msk $0xffff, v3  }
0x3fa: {  	v3 =	vld [tilespmem:s14+$0x430]  }
0x3fb: {  	[tilespmem:s14+$0x18C40] =	vst.add.f32.msk $0xffff, v52  }
0x3fc: {  	[tilespmem:s14+$0x18C50] =	vst.add.f32.msk $0xffff, v53  }
0x3fd: {  	[tilespmem:s14+$0x18C60] =	vst.add.f32.msk $0xffff, v54  }
0x3fe: {  	[tilespmem:s14+$0x18C70] =	vst.add.f32.msk $0xffff, v55  }
0x3ff: {  	s18 =	sor.u32 s6, s16;
	[tilespmem:s14+$0x18C30] =	vst.add.f32.msk $0xffff, v3  }
0x400: {  	v3 =	vld [tilespmem:s18+$0x0]  }
0x401: {  	v4 =	vld [tilespmem:s18+$0x10]  }
0x402: {  	v5 =	vld [tilespmem:s18+$0x20]  }
0x403: {  	v56 =	vld [tilespmem:s18+$0x40]  }
0x404: {  	v57 =	vld [tilespmem:s18+$0x50]  }
0x405: {  	v6 =	vld [tilespmem:s18+$0x60]  }
0x406: {  	v7 =	vld [tilespmem:s18+$0x70]  }
0x407: {  	[tilespmem:s18+$0x18800] =	vst.add.f32.msk $0xffff, v3  }
0x408: {  	[tilespmem:s18+$0x18810] =	vst.add.f32.msk $0xffff, v4  }
0x409: {  	[tilespmem:s18+$0x18820] =	vst.add.f32.msk $0xffff, v5  }
0x40a: {  	v3 =	vld [tilespmem:s18+$0x30]  }
0x40b: {  	[tilespmem:s18+$0x18840] =	vst.add.f32.msk $0xffff, v56  }
0x40c: {  	[tilespmem:s18+$0x18850] =	vst.add.f32.msk $0xffff, v57  }
0x40d: {  	[tilespmem:s18+$0x18860] =	vst.add.f32.msk $0xffff, v6  }
0x40e: {  	[tilespmem:s18+$0x18870] =	vst.add.f32.msk $0xffff, v7  }
0x40f: {  	s31 =	sor.u32 s6, s17;
	[tilespmem:s18+$0x18830] =	vst.add.f32.msk $0xffff, v3  }
0x410: {  	v3 =	vld [tilespmem:s31+$0x0]  }
0x411: {  	v4 =	vld [tilespmem:s31+$0x10]  }
0x412: {  	v5 =	vld [tilespmem:s31+$0x20]  }
0x413: {  	v58 =	vld [tilespmem:s31+$0x40]  }
0x414: {  	v59 =	vld [tilespmem:s31+$0x50]  }
0x415: {  	v6 =	vld [tilespmem:s31+$0x60]  }
0x416: {  	v7 =	vld [tilespmem:s31+$0x70]  }
0x417: {  	[tilespmem:s31+$0x18800] =	vst.add.f32.msk $0xffff, v3  }
0x418: {  	[tilespmem:s31+$0x18810] =	vst.add.f32.msk $0xffff, v4  }
0x419: {  	[tilespmem:s31+$0x18820] =	vst.add.f32.msk $0xffff, v5  }
0x41a: {  	v3 =	vld [tilespmem:s31+$0x30]  }
0x41b: {  	[tilespmem:s31+$0x18840] =	vst.add.f32.msk $0xffff, v58  }
0x41c: {  	[tilespmem:s31+$0x18850] =	vst.add.f32.msk $0xffff, v59  }
0x41d: {  	[tilespmem:s31+$0x18860] =	vst.add.f32.msk $0xffff, v6  }
0x41e: {  	[tilespmem:s31+$0x18870] =	vst.add.f32.msk $0xffff, v7  }
0x41f: {  	s9 =	sor.u32 s6, s9;
	[tilespmem:s31+$0x18830] =	vst.add.f32.msk $0xffff, v3  }
0x420: {  	v3 =	vld [tilespmem:s9+$0x0]  }
0x421: {  	v4 =	vld [tilespmem:s9+$0x10]  }
0x422: {  	v5 =	vld [tilespmem:s9+$0x20]  }
0x423: {  	v60 =	vld [tilespmem:s9+$0x40]  }
0x424: {  	v61 =	vld [tilespmem:s9+$0x50]  }
0x425: {  	v6 =	vld [tilespmem:s9+$0x60]  }
0x426: {  	v7 =	vld [tilespmem:s9+$0x70]  }
0x427: {  	[tilespmem:s9+$0x18800] =	vst.add.f32.msk $0xffff, v3  }
0x428: {  	[tilespmem:s9+$0x18810] =	vst.add.f32.msk $0xffff, v4  }
0x429: {  	[tilespmem:s9+$0x18820] =	vst.add.f32.msk $0xffff, v5  }
0x42a: {  	v3 =	vld [tilespmem:s9+$0x30]  }
0x42b: {  	[tilespmem:s9+$0x18840] =	vst.add.f32.msk $0xffff, v60  }
0x42c: {  	[tilespmem:s9+$0x18850] =	vst.add.f32.msk $0xffff, v61  }
0x42d: {  	[tilespmem:s9+$0x18860] =	vst.add.f32.msk $0xffff, v6  }
0x42e: {  	[tilespmem:s9+$0x18870] =	vst.add.f32.msk $0xffff, v7  }
0x42f: {  	s6 =	sor.u32 s6, s10;
	[tilespmem:s9+$0x18830] =	vst.add.f32.msk $0xffff, v3  }
0x430: {  	v3 =	vld [tilespmem:s6+$0x0]  }
0x431: {  	v4 =	vld [tilespmem:s6+$0x10]  }
0x432: {  	v5 =	vld [tilespmem:s6+$0x20]  }
0x433: {  	v62 =	vld [tilespmem:s6+$0x40]  }
0x434: {  	v63 =	vld [tilespmem:s6+$0x50]  }
0x435: {  	v6 =	vld [tilespmem:s6+$0x60]  }
0x436: {  	v7 =	vld [tilespmem:s6+$0x70]  }
0x437: {  	[tilespmem:s6+$0x18800] =	vst.add.f32.msk $0xffff, v3  }
0x438: {  	[tilespmem:s6+$0x18810] =	vst.add.f32.msk $0xffff, v4  }
0x439: {  	[tilespmem:s6+$0x18820] =	vst.add.f32.msk $0xffff, v5  }
0x43a: {  	p0 =	slt.u32 s0, $0x1E;
	v3 =	vld [tilespmem:s6+$0x30]  }
.Ltmp3:
0x43b: {  	[tilespmem:s6+$0x18840] =	vst.add.f32.msk $0xffff, v62;
	(pc) =	sbr.rel @p0 .LBB2_9-.Ltmp3, $4  }
0x43c: {  	[tilespmem:s6+$0x18850] =	vst.add.f32.msk $0xffff, v63  }
0x43d: {  	[tilespmem:s6+$0x18860] =	vst.add.f32.msk $0xffff, v6  }
0x43e: {  	[tilespmem:s6+$0x18870] =	vst.add.f32.msk $0xffff, v7  }
0x43f: {  	s2 =	sadd.s32 $0x100, s2;
	[tilespmem:s6+$0x18830] =	vst.add.f32.msk $0xffff, v3  }
0x440: {  	s0 =	sshll.u32 s30, $0xA;
	s29 =	sadd.s32 $0x1, s29  }
0x441: {  	s0 =	sor.u32 s5, s0;
	p0 =	sne.s32 s29, $0x10  }
.Ltmp4:
0x442: {  	s0 =	sshrl.u32 s0, $0x3;
	(pc) =	sbr.rel @p0 .LBB2_2-.Ltmp4, $3  }
0x443: {  	s0 =	smul.u32 $0x300, s0;
	_ =	sdelay $0x1  }
0x444: {  	s0 =	sadd.s32 s3, s0  }
0x445: {  	[hbm4b:s0+s4] =	stream.linear.scatter [tilespmem:s15], [sflag:$0xA], $0x6000, $0x38;
	[tilespmem:$0x1E800] =	vst v63  }
0x446: {  	s0 =	simm.s32 $0x7  }
0x447: {  	_ =	swait.ge [sflag:s0], $0x6000  }
0x448: {  	[sflag:s0] =	ssyncset.done $0x0  }
0x449: {  	s29 =	simm.s32 $0x8;
	[sflag:s0] =	ssyncadd.s32 $0xFFFFA000  }
0x44a: {  	_ =	swait.ge [sflag:s29], $0x6000  }
0x44b: {  	[sflag:s29] =	ssyncset.done $0x0  }
0x44c: {  	s30 =	simm.s32 $0x9;
	[sflag:s29] =	ssyncadd.s32 $0xFFFFA000  }
0x44d: {  	_ =	swait.ge [sflag:s30], $0x6000  }
0x44e: {  	[sflag:s30] =	ssyncset.done $0x0  }
0x44f: {  	s2 =	simm.s32 $0xA;
	[sflag:s30] =	ssyncadd.s32 $0xFFFFA000  }
0x450: {  	_ =	swait.ge [sflag:s2], $0x6000  }
0x451: {  	s6 =	rddreg [dreg:$0x8]  }
0x452: {  	s31 =	rddreg [dreg:$0x7];
	s6 =	sadd.s32 $0x1, s6  }
0x453: {  	p0 =	sne.s32 s6, s31  }
.Ltmp5:
0x454: {  	_ = 	snop;
	(pc) =	sbr.rel @p0 .LBB2_1-.Ltmp5, $3  }
0x455: {  	_ =	sdelay $0x1  }
0x456: {  	[sflag:s2] =	ssyncset.done $0x0  }
0x457: {  	[sflag:s2] =	ssyncadd.s32 $0xFFFFA000  }
0x458: {  	_ =	sfence.sel $0x180000  }
0x459: {  	[bflag:$0x0] =	sbarrier.arrive $0xFFFF  }
0x45a: {  	_ =	strace $0x90000047  }
0x45b: {  	s0 =	stileid.u32;
	[bflag:$0x2] =	sbarrier.arrive $0xFFFF  }
0x45c: {  	p0 =	sne.s32 s0, $0x0;
	s0 =	rddreg [dreg:$0x4]  }
0x45d: {  	s0 =	sadd.s32 @!p0 $0x100000, s0  }
0x45e: {  	[sflag:s0] =	ssyncadd.tile.s32 @!p0 $0x1;
	_ =	shalt  }
.Lfunc_end2:
_tile_overlayer_lowered:
.L_overlay_start_2:
0x45f: {  	(tag) =	ssettag $0x2  }
0x460: {  	s0 =	rddreg [dreg:$0x0];
	s2 =	stileid.u32  }
0x461: {  	s1 =	rddreg [dreg:$0x1];
	p0 =	sne.s32 s2, $0x0  }
0x462: {  	s3 =	rddreg [dreg:$0x2];
	[bflag:$0x3] =	sbarrier.arrive $0xFFFF;
	s2 =	simm.s32 @!p0 $0x1C0B  }
0x463: {  	[timem:s3], [sflag:s2] =	dma.local @!p0 [hbm:s0], s1  }
0x464: {  	s0 =	simm.s32 @!p0 $0xB  }
0x465: {  	_ =	swait.ge @!p0 [sflag:s0], s1  }
0x466: {  	s1 =	ssub.s32 @!p0 $0x0, s1;
	[sflag:s0] =	ssyncset.done @!p0 $0x0  }
0x467: {  	[sflag:s0] =	ssyncadd.s32 @!p0 s1  }
0x468: {  	[bflag:$0x3] =	sbarrier.arrive $0xFFFF  }
0x469: {  	_ =	shalt  }

</sc_bundles>
